<compile_context>
chip_gen: v7x
topology: tpu7x:2x2x1
jax: 0.10.2.dev20260603
libtpu: 0.0.44.dev20260713+nightly
codegen_flags: <defaults>
</compile_context>

<pallas_src>
import jax
import jax.numpy as jnp
from jax.experimental import pallas as pl
from jax.experimental.pallas import tpu as pltpu
from jax.experimental.pallas import tpu_sc as plsc

D_MODEL = 768
WINDOW = 64
SEQ = 2048
BLK = 256
NB = SEQ // BLK
SLAB = BLK + WINDOW
INV_SQRT = 1.0 / (64.0 ** 0.5)

C_SC = 256
C_TC = D_MODEL - C_SC

NCORE, NSUB, LANES = 2, 16, 16
NWORK = NCORE * NSUB
ROWS_W = SEQ // NWORK
KROWS = ROWS_W + WINDOW
NCHUNK = C_SC // LANES



def _proj_kernel(x_ref, wq_ref, wk_ref, wv_ref, q_ref, k_ref, v_ref):
    x = x_ref[...]
    q_ref[...] = jnp.dot(x, wq_ref[...], preferred_element_type=jnp.float32)
    k_ref[...] = jnp.dot(x, wk_ref[...], preferred_element_type=jnp.float32)
    v_ref[...] = jnp.dot(x, wv_ref[...], preferred_element_type=jnp.float32)



def _win_sc_kernel(qsc_hbm, ksc_hbm, vsc_hbm, attn_hbm, q_t, k_t, v_t,
                   sem_q, sem_k, sem_v):
    cid = jax.lax.axis_index("c")
    sid = jax.lax.axis_index("s")
    wid = cid * NSUB + sid
    row0 = wid * ROWS_W

    cq = pltpu.make_async_copy(qsc_hbm.at[pl.ds(row0, ROWS_W)], q_t, sem_q)
    cq.start()

    @pl.when(wid == 0)
    def _stage_first():
        ck = pltpu.make_async_copy(ksc_hbm.at[pl.ds(0, ROWS_W)],
                                   k_t.at[pl.ds(WINDOW, ROWS_W)], sem_k)
        cv = pltpu.make_async_copy(vsc_hbm.at[pl.ds(0, ROWS_W)],
                                   v_t.at[pl.ds(WINDOW, ROWS_W)], sem_v)
        ck.start()
        cv.start()
        zero = jnp.zeros((LANES,), jnp.float32)

        def zbody(j, carry):
            for c in range(NCHUNK):
                k_t[j, pl.ds(c * LANES, LANES)] = zero
                v_t[j, pl.ds(c * LANES, LANES)] = zero
            return carry
        jax.lax.fori_loop(0, WINDOW, zbody, 0)
        ck.wait()
        cv.wait()

    @pl.when(wid > 0)
    def _stage_interior():
        ck = pltpu.make_async_copy(ksc_hbm.at[pl.ds(row0 - WINDOW, KROWS)],
                                   k_t, sem_k)
        cv = pltpu.make_async_copy(vsc_hbm.at[pl.ds(row0 - WINDOW, KROWS)],
                                   v_t, sem_v)
        ck.start()
        cv.start()
        ck.wait()
        cv.wait()

    cq.wait()

    GRP = 4

    def cbody(c, carry):
        col = c * LANES

        def mbody(j8, m):
            j = j8 * 8
            for u in range(8):
                m = jnp.maximum(m, jnp.abs(k_t[j + u, pl.ds(col, LANES)]))
            return m
        mcol = jax.lax.fori_loop(0, KROWS // 8, mbody,
                                 jnp.zeros((LANES,), jnp.float32))

        def gbody(g, carry2):
            s0 = g * GRP
            qs, ms, dens, accs = [], [], [], []
            for ds in range(GRP):
                q16 = q_t[s0 + ds, pl.ds(col, LANES)] * INV_SQRT
                m16 = jnp.abs(q16) * mcol
                ninv = jnp.maximum(WINDOW - 1 - (row0 + s0 + ds),
                                   0).astype(jnp.float32)
                qs.append(q16)
                ms.append(m16)
                dens.append(jnp.exp(-m16) * (-ninv))
                accs.append(jnp.zeros((LANES,), jnp.float32))
            for t in range(WINDOW + GRP - 1):
                kj = k_t[s0 + t + 1, pl.ds(col, LANES)]
                vj = v_t[s0 + t + 1, pl.ds(col, LANES)]
                for ds in range(max(0, t - WINDOW + 1), min(GRP - 1, t) + 1):
                    e = jnp.exp(qs[ds] * kj - ms[ds])
                    dens[ds] = dens[ds] + e
                    accs[ds] = accs[ds] + e * vj
            for ds in range(GRP):
                q_t[s0 + ds, pl.ds(col, LANES)] = accs[ds] / dens[ds]
            return carry2

        return jax.lax.fori_loop(0, ROWS_W // GRP, gbody, carry)

    jax.lax.fori_loop(0, NCHUNK, cbody, 0)

    pltpu.sync_copy(q_t, attn_hbm.at[pl.ds(row0, ROWS_W)])



def _win_tc_kernel(qt_ref, kt_ref, vt_ref, wo_ref, out_ref,
                   slab_k_ref, slab_v_ref, shk, shv, attn_ref):
    i = pl.program_id(0)
    base = pl.multiple_of(i * BLK, BLK)

    @pl.when(i == 0)
    def _first_block_slab():
        slab_k_ref[0:WINDOW, :] = jnp.zeros((WINDOW, C_TC), jnp.float32)
        slab_v_ref[0:WINDOW, :] = jnp.zeros((WINDOW, C_TC), jnp.float32)
        slab_k_ref[pl.ds(WINDOW, BLK), :] = kt_ref[pl.ds(0, BLK), :]
        slab_v_ref[pl.ds(WINDOW, BLK), :] = vt_ref[pl.ds(0, BLK), :]

    @pl.when(i > 0)
    def _interior_slab():
        slab_k_ref[0:SLAB, :] = kt_ref[pl.ds(base - WINDOW, SLAB), :]
        slab_v_ref[0:SLAB, :] = vt_ref[pl.ds(base - WINDOW, SLAB), :]

    slab_k = slab_k_ref[...]
    slab_v = slab_v_ref[...]
    for r in range(8):
        shk[r] = jax.lax.slice(slab_k, (r, 0), (r + SLAB, C_TC))
        shv[r] = jax.lax.slice(slab_v, (r, 0), (r + SLAB, C_TC))

    colmax = jnp.max(
        jnp.abs(jax.lax.slice(slab_k, (0, 0), (SLAB, C_TC))),
        axis=0, keepdims=True)

    TR = 16

    def tile_body(t, carry):
        t8 = pl.multiple_of(t * TR, TR)
        q_scaled = qt_ref[pl.ds(t8, TR), :] * INV_SQRT
        m = jnp.abs(q_scaled) * colmax
        rows = jax.lax.broadcasted_iota(jnp.int32, (TR, C_TC), 0) + base + t8
        n_invalid = jnp.maximum(WINDOW - 1 - rows, 0).astype(jnp.float32)
        den = -n_invalid * jnp.exp(-m)
        acc = jnp.zeros((TR, C_TC), jnp.float32)
        for w in range(WINDOW):
            s0 = w + 1
            r = s0 % 8
            a = pl.multiple_of(s0 - r + t8, TR)
            e = jnp.exp(q_scaled * shk[r, pl.ds(a, TR), :] - m)
            den = den + e
            acc = acc + e * shv[r, pl.ds(a, TR), :]
        attn_ref[pl.ds(t8, TR), :] = acc / den
        return carry

    jax.lax.fori_loop(0, BLK // TR, tile_body, 0)

    out_ref[...] = jnp.dot(attn_ref[...].astype(jnp.bfloat16), wo_ref[...],
                           preferred_element_type=jnp.float32)



def _combine_kernel(attnsc_ref, wosc_ref, part_ref, out_ref):
    out_ref[...] = part_ref[...] + jnp.dot(
        attnsc_ref[...].astype(jnp.bfloat16), wosc_ref[...],
        preferred_element_type=jnp.float32)


def kernel(x, Wq, Wk, Wv, Wo):
    xs = x.reshape(SEQ, D_MODEL).astype(jnp.bfloat16)
    bf = jnp.bfloat16
    wqt, wkt, wvt, wot = Wq.T.astype(bf), Wk.T.astype(bf), Wv.T.astype(bf), Wo.T.astype(bf)
    wot_sc = wot[:C_SC, :]
    wot_tc = wot[C_SC:, :]

    sc_spec = pl.BlockSpec((BLK, C_SC), lambda i: (i, 0))
    tc_spec = pl.BlockSpec((BLK, C_TC), lambda i: (i, 0))

    def proj(wq_cols, wk_cols, wv_cols, width, spec):
        return pl.pallas_call(
            _proj_kernel,
            grid=(NB,),
            in_specs=[
                pl.BlockSpec((BLK, D_MODEL), lambda i: (i, 0)),
                pl.BlockSpec((D_MODEL, width), lambda i: (0, 0)),
                pl.BlockSpec((D_MODEL, width), lambda i: (0, 0)),
                pl.BlockSpec((D_MODEL, width), lambda i: (0, 0)),
            ],
            out_specs=[spec, spec, spec],
            out_shape=[jax.ShapeDtypeStruct((SEQ, width), jnp.float32)] * 3,
        )(xs, wq_cols, wk_cols, wv_cols)

    qsc, ksc, vsc = proj(wqt[:, :C_SC], wkt[:, :C_SC], wvt[:, :C_SC],
                         C_SC, sc_spec)
    qtc, ktc, vtc = proj(wqt[:, C_SC:], wkt[:, C_SC:], wvt[:, C_SC:],
                         C_TC, tc_spec)

    attn_sc = pl.kernel(
        _win_sc_kernel,
        out_type=jax.ShapeDtypeStruct((SEQ, C_SC), jnp.float32),
        mesh=plsc.VectorSubcoreMesh(
            core_axis_name="c", subcore_axis_name="s",
            num_cores=NCORE, num_subcores=NSUB),
        scratch_types=[
            pltpu.VMEM((ROWS_W, C_SC), jnp.float32),
            pltpu.VMEM((KROWS, C_SC), jnp.float32),
            pltpu.VMEM((KROWS, C_SC), jnp.float32),
            pltpu.SemaphoreType.DMA,
            pltpu.SemaphoreType.DMA,
            pltpu.SemaphoreType.DMA,
        ],
    )(qsc, ksc, vsc)

    full_tc = pl.BlockSpec((SEQ, C_TC), lambda i: (0, 0))
    out_part = pl.pallas_call(
        _win_tc_kernel,
        grid=(NB,),
        in_specs=[
            tc_spec,
            full_tc,
            full_tc,
            pl.BlockSpec((C_TC, D_MODEL), lambda i: (0, 0)),
        ],
        out_specs=pl.BlockSpec((BLK, D_MODEL), lambda i: (i, 0)),
        out_shape=jax.ShapeDtypeStruct((SEQ, D_MODEL), jnp.float32),
        scratch_shapes=[
            pltpu.VMEM((SLAB + 8, C_TC), jnp.float32),
            pltpu.VMEM((SLAB + 8, C_TC), jnp.float32),
            pltpu.VMEM((8, SLAB, C_TC), jnp.float32),
            pltpu.VMEM((8, SLAB, C_TC), jnp.float32),
            pltpu.VMEM((BLK, C_TC), jnp.float32),
        ],
    )(qtc, ktc, vtc, wot_tc)

    out = pl.pallas_call(
        _combine_kernel,
        grid=(NB,),
        in_specs=[
            sc_spec,
            pl.BlockSpec((C_SC, D_MODEL), lambda i: (0, 0)),
            pl.BlockSpec((BLK, D_MODEL), lambda i: (i, 0)),
        ],
        out_specs=pl.BlockSpec((BLK, D_MODEL), lambda i: (i, 0)),
        out_shape=jax.ShapeDtypeStruct((SEQ, D_MODEL), jnp.float32),
    )(attn_sc, wot_sc, out_part)

    return out.reshape(1, SEQ, D_MODEL)

# --- scband reference (transcript-rebuilt; emitter-appended) ---
"""Pipeline reference for scband-true-vectorized-sliding-window-outer-loop-model-4002909520750 (READ-ONLY COPY).

The authoritative reference and input builder live on the scoring server;
editing this copy changes nothing except your own understanding.
"""

import jax, jax.numpy as jnp
import numpy as np

D_MODEL = 768
NHEAD = 12
WINDOW_SIZE = 64
SEQ_LEN = 2048
HEAD_DIM = D_MODEL // NHEAD


def setup_inputs(seed: int = 0) -> dict:
    key = jax.random.key(seed)
    k1, k2, k3, k4, k5 = jax.random.split(key, 5)
    x = jax.random.normal(k1, (1, SEQ_LEN, D_MODEL), dtype=jnp.float32)
    scale = 1.0 / np.sqrt(D_MODEL)
    Wq = jax.random.normal(k2, (D_MODEL, D_MODEL), dtype=jnp.float32) * scale
    Wk = jax.random.normal(k3, (D_MODEL, D_MODEL), dtype=jnp.float32) * scale
    Wv = jax.random.normal(k4, (D_MODEL, D_MODEL), dtype=jnp.float32) * scale
    Wo = jax.random.normal(k5, (D_MODEL, D_MODEL), dtype=jnp.float32) * scale
    return {"x": x, "Wq": Wq, "Wk": Wk, "Wv": Wv, "Wo": Wo}


def _sliding_window_indices():
    positions = jnp.arange(SEQ_LEN)
    window_offsets = jnp.arange(-WINDOW_SIZE + 1, 1)
    raw_idx = positions[:, None] + window_offsets[None, :]
    valid_mask = (raw_idx >= 0) & (raw_idx < SEQ_LEN)
    key_indices = jnp.clip(raw_idx, 0, SEQ_LEN - 1)
    return key_indices, valid_mask


def reference(x, Wq, Wk, Wv, Wo):
    B, S, D = x.shape
    q = x @ Wq.T
    k = x @ Wk.T
    v = x @ Wv.T
    q = q.reshape(B, S, NHEAD, HEAD_DIM).transpose(0, 2, 1, 3)
    k = k.reshape(B, S, NHEAD, HEAD_DIM).transpose(0, 2, 1, 3)
    v = v.reshape(B, S, NHEAD, HEAD_DIM).transpose(0, 2, 1, 3)

    key_indices, valid_mask = _sliding_window_indices()
    # gather windows: [B, H, S, W, head_dim]
    k_windows = k[:, :, key_indices, :]
    v_windows = v[:, :, key_indices, :]
    # per-dimension attention, exactly matching the torch inner loop over d:
    # scores[b,h,s,w,d] = q[b,h,s,d] * k_windows[b,h,s,w,d] / sqrt(head_dim)
    scores = q[:, :, :, None, :] * k_windows / (HEAD_DIM ** 0.5)
    neg_inf = jnp.array(-jnp.inf, dtype=scores.dtype)
    scores = jnp.where(valid_mask[None, None, :, :, None], scores, neg_inf)
    attn_weights = jax.nn.softmax(scores, axis=3)
    attn_output = (attn_weights * v_windows).sum(axis=3)  # [B, H, S, head_dim]

    attn_output = attn_output.transpose(0, 2, 1, 3).reshape(B, S, D)
    output = attn_output @ Wo.T
    return output

if __name__ == "__main__":
    import jax
    _d = setup_inputs()
    print(jax.jit(kernel)(*tuple(_d.values())))

</pallas_src>

<mosaic_0001>
#map = affine_map<(d0, d1) -> (0, 0)>
module attributes {stable_mosaic.version = 14 : i64} {
  func.func @_win_sc_kernel(%arg0: i32, %arg1: i32, %arg2: memref<2048x256xf32, #tpu.memory_space<hbm>>, %arg3: memref<2048x256xf32, #tpu.memory_space<hbm>>, %arg4: memref<2048x256xf32, #tpu.memory_space<hbm>>, %arg5: memref<2048x256xf32, #tpu.memory_space<hbm>>, %arg6: memref<64x256xf32, #tpu.memory_space<vmem>>, %arg7: memref<128x256xf32, #tpu.memory_space<vmem>>, %arg8: memref<128x256xf32, #tpu.memory_space<vmem>>, %arg9: memref<!tpu.dma_semaphore, #tpu.memory_space<semaphore_mem>>, %arg10: memref<!tpu.dma_semaphore, #tpu.memory_space<semaphore_mem>>, %arg11: memref<!tpu.dma_semaphore, #tpu.memory_space<semaphore_mem>>) attributes {dimension_semantics = [#tpu.dimension_semantics<core_parallel>, #tpu.dimension_semantics<subcore_parallel>], iteration_bounds = array<i64: 2, 16>, scalar_prefetch = 0 : i64, scratch_operands = 6 : i64, tpu.core_type = #tpu.core_type<sc_vector_subcore>, window_params = [{transform_indices = #map}, {transform_indices = #map}, {transform_indices = #map}, {transform_indices = #map}]} {
    %mul3A = arith.constant 16 : i32
    %mul3A_0 = arith.muli %arg0, %mul3A : i32
    %add3A = arith.addi %mul3A_0, %arg1 : i32
    %mul3A_1 = arith.constant 64 : i32
    %mul3A_2 = arith.muli %add3A, %mul3A_1 : i32
    %dma_start3A = arith.constant 0 : i32
    %dma_start3A_3 = tpu.memref_slice %arg2[%mul3A_2, %dma_start3A] : memref<2048x256xf32, #tpu.memory_space<hbm>> -> memref<64x256xf32, #tpu.memory_space<hbm>>
    %dma_start3A_4 = arith.constant 0 : i32
    %dma_start3A_5 = tpu.memref_slice %arg2[%mul3A_2, %dma_start3A_4] : memref<2048x256xf32, #tpu.memory_space<hbm>> -> memref<64x256xf32, #tpu.memory_space<hbm>>
    tpu.enqueue_dma source(%dma_start3A_5 : memref<64x256xf32, #tpu.memory_space<hbm>>) target(%arg6 : memref<64x256xf32, #tpu.memory_space<vmem>>) target_semaphore(%arg9 : memref<!tpu.dma_semaphore, #tpu.memory_space<semaphore_mem>>)
    %eq3A = arith.constant 0 : i32
    %eq3A_6 = arith.cmpi eq, %add3A, %eq3A : i32
    %convert_element_type3A = arith.extui %eq3A_6 : i1 to i32
    %cond3A = arith.constant 0 : i32
    %cond3A_7 = arith.cmpi ne, %convert_element_type3A, %cond3A : i32
    scf.if %cond3A_7 {
      %dma_start3A_20 = arith.constant 64 : i32
      %dma_start3A_21 = arith.constant 0 : i32
      %dma_start3A_22 = tpu.memref_slice %arg7[%dma_start3A_20, %dma_start3A_21] : memref<128x256xf32, #tpu.memory_space<vmem>> -> memref<64x256xf32, #tpu.memory_space<vmem>>
      %dma_start3A_23 = arith.constant 0 : i32
      %dma_start3A_24 = arith.constant 0 : i32
      %dma_start3A_25 = tpu.memref_slice %arg3[%dma_start3A_23, %dma_start3A_24] : memref<2048x256xf32, #tpu.memory_space<hbm>> -> memref<64x256xf32, #tpu.memory_space<hbm>>
      %dma_start3A_26 = arith.constant 64 : i32
      %dma_start3A_27 = arith.constant 0 : i32
      %dma_start3A_28 = tpu.memref_slice %arg7[%dma_start3A_26, %dma_start3A_27] : memref<128x256xf32, #tpu.memory_space<vmem>> -> memref<64x256xf32, #tpu.memory_space<vmem>>
      %dma_start3A_29 = arith.constant 0 : i32
      %dma_start3A_30 = arith.constant 0 : i32
      %dma_start3A_31 = tpu.memref_slice %arg3[%dma_start3A_29, %dma_start3A_30] : memref<2048x256xf32, #tpu.memory_space<hbm>> -> memref<64x256xf32, #tpu.memory_space<hbm>>
      tpu.enqueue_dma source(%dma_start3A_31 : memref<64x256xf32, #tpu.memory_space<hbm>>) target(%dma_start3A_28 : memref<64x256xf32, #tpu.memory_space<vmem>>) target_semaphore(%arg10 : memref<!tpu.dma_semaphore, #tpu.memory_space<semaphore_mem>>)
      %dma_start3A_32 = arith.constant 64 : i32
      %dma_start3A_33 = arith.constant 0 : i32
      %dma_start3A_34 = tpu.memref_slice %arg8[%dma_start3A_32, %dma_start3A_33] : memref<128x256xf32, #tpu.memory_space<vmem>> -> memref<64x256xf32, #tpu.memory_space<vmem>>
      %dma_start3A_35 = arith.constant 0 : i32
      %dma_start3A_36 = arith.constant 0 : i32
      %dma_start3A_37 = tpu.memref_slice %arg4[%dma_start3A_35, %dma_start3A_36] : memref<2048x256xf32, #tpu.memory_space<hbm>> -> memref<64x256xf32, #tpu.memory_space<hbm>>
      %dma_start3A_38 = arith.constant 64 : i32
      %dma_start3A_39 = arith.constant 0 : i32
      %dma_start3A_40 = tpu.memref_slice %arg8[%dma_start3A_38, %dma_start3A_39] : memref<128x256xf32, #tpu.memory_space<vmem>> -> memref<64x256xf32, #tpu.memory_space<vmem>>
      %dma_start3A_41 = arith.constant 0 : i32
      %dma_start3A_42 = arith.constant 0 : i32
      %dma_start3A_43 = tpu.memref_slice %arg4[%dma_start3A_41, %dma_start3A_42] : memref<2048x256xf32, #tpu.memory_space<hbm>> -> memref<64x256xf32, #tpu.memory_space<hbm>>
      tpu.enqueue_dma source(%dma_start3A_43 : memref<64x256xf32, #tpu.memory_space<hbm>>) target(%dma_start3A_40 : memref<64x256xf32, #tpu.memory_space<vmem>>) target_semaphore(%arg11 : memref<!tpu.dma_semaphore, #tpu.memory_space<semaphore_mem>>)
      %broadcast_in_dim3A = arith.constant 0.000000e+00 : f32
      %broadcast_in_dim3A_44 = vector.broadcast %broadcast_in_dim3A : f32 to vector<16xf32>
      %scan3A_45 = arith.constant 0 : i32
      %scan3A_46 = arith.constant 0 : i32
      %scan3A_47 = arith.constant 64 : i32
      %scan3A_48 = arith.addi %scan3A_46, %scan3A_47 : i32
      %scan3A_49 = arith.constant 1 : i32
      scf.for %scan3A_75 = %scan3A_46 to %scan3A_48 step %scan3A_49  : i32 {
        %swap3A = arith.index_cast %scan3A_75 : i32 to index
        %swap3A_76 = arith.constant 0 : index
        %swap3A_77 = tpu.vector_load %arg7[%swap3A, %swap3A_76] {strides = array<i32>} : memref<128x256xf32, #tpu.memory_space<vmem>>, vector<1x16xf32>,
        %swap3A_78 = vector.shape_cast %swap3A_77 : vector<1x16xf32> to vector<16xf32>
        %swap3A_79 = vector.shape_cast %broadcast_in_dim3A_44 : vector<16xf32> to vector<1x16xf32>
        tpu.vector_store %arg7[%swap3A, %swap3A_76], %swap3A_79 {strides = array<i32>} : memref<128x256xf32, #tpu.memory_space<vmem>>, vector<1x16xf32>,
        %swap3A_80 = arith.index_cast %scan3A_75 : i32 to index
        %swap3A_81 = arith.constant 0 : index
        %swap3A_82 = tpu.vector_load %arg8[%swap3A_80, %swap3A_81] {strides = array<i32>} : memref<128x256xf32, #tpu.memory_space<vmem>>, vector<1x16xf32>,
        %swap3A_83 = vector.shape_cast %swap3A_82 : vector<1x16xf32> to vector<16xf32>
        %swap3A_84 = vector.shape_cast %broadcast_in_dim3A_44 : vector<16xf32> to vector<1x16xf32>
        tpu.vector_store %arg8[%swap3A_80, %swap3A_81], %swap3A_84 {strides = array<i32>} : memref<128x256xf32, #tpu.memory_space<vmem>>, vector<1x16xf32>,
        %swap3A_85 = arith.index_cast %scan3A_75 : i32 to index
        %swap3A_86 = arith.constant 16 : index
        %swap3A_87 = tpu.vector_load %arg7[%swap3A_85, %swap3A_86] {strides = array<i32>} : memref<128x256xf32, #tpu.memory_space<vmem>>, vector<1x16xf32>,
        %swap3A_88 = vector.shape_cast %swap3A_87 : vector<1x16xf32> to vector<16xf32>
        %swap3A_89 = vector.shape_cast %broadcast_in_dim3A_44 : vector<16xf32> to vector<1x16xf32>
        tpu.vector_store %arg7[%swap3A_85, %swap3A_86], %swap3A_89 {strides = array<i32>} : memref<128x256xf32, #tpu.memory_space<vmem>>, vector<1x16xf32>,
        %swap3A_90 = arith.index_cast %scan3A_75 : i32 to index
        %swap3A_91 = arith.constant 16 : index
        %swap3A_92 = tpu.vector_load %arg8[%swap3A_90, %swap3A_91] {strides = array<i32>} : memref<128x256xf32, #tpu.memory_space<vmem>>, vector<1x16xf32>,
        %swap3A_93 = vector.shape_cast %swap3A_92 : vector<1x16xf32> to vector<16xf32>
        %swap3A_94 = vector.shape_cast %broadcast_in_dim3A_44 : vector<16xf32> to vector<1x16xf32>
        tpu.vector_store %arg8[%swap3A_90, %swap3A_91], %swap3A_94 {strides = array<i32>} : memref<128x256xf32, #tpu.memory_space<vmem>>, vector<1x16xf32>,
        %swap3A_95 = arith.index_cast %scan3A_75 : i32 to index
        %swap3A_96 = arith.constant 32 : index
        %swap3A_97 = tpu.vector_load %arg7[%swap3A_95, %swap3A_96] {strides = array<i32>} : memref<128x256xf32, #tpu.memory_space<vmem>>, vector<1x16xf32>,
        %swap3A_98 = vector.shape_cast %swap3A_97 : vector<1x16xf32> to vector<16xf32>
        %swap3A_99 = vector.shape_cast %broadcast_in_dim3A_44 : vector<16xf32> to vector<1x16xf32>
        tpu.vector_store %arg7[%swap3A_95, %swap3A_96], %swap3A_99 {strides = array<i32>} : memref<128x256xf32, #tpu.memory_space<vmem>>, vector<1x16xf32>,
        %swap3A_100 = arith.index_cast %scan3A_75 : i32 to index
        %swap3A_101 = arith.constant 32 : index
        %swap3A_102 = tpu.vector_load %arg8[%swap3A_100, %swap3A_101] {strides = array<i32>} : memref<128x256xf32, #tpu.memory_space<vmem>>, vector<1x16xf32>,
        %swap3A_103 = vector.shape_cast %swap3A_102 : vector<1x16xf32> to vector<16xf32>
        %swap3A_104 = vector.shape_cast %broadcast_in_dim3A_44 : vector<16xf32> to vector<1x16xf32>
        tpu.vector_store %arg8[%swap3A_100, %swap3A_101], %swap3A_104 {strides = array<i32>} : memref<128x256xf32, #tpu.memory_space<vmem>>, vector<1x16xf32>,
        %swap3A_105 = arith.index_cast %scan3A_75 : i32 to index
        %swap3A_106 = arith.constant 48 : index
        %swap3A_107 = tpu.vector_load %arg7[%swap3A_105, %swap3A_106] {strides = array<i32>} : memref<128x256xf32, #tpu.memory_space<vmem>>, vector<1x16xf32>,
        %swap3A_108 = vector.shape_cast %swap3A_107 : vector<1x16xf32> to vector<16xf32>
        %swap3A_109 = vector.shape_cast %broadcast_in_dim3A_44 : vector<16xf32> to vector<1x16xf32>
        tpu.vector_store %arg7[%swap3A_105, %swap3A_106], %swap3A_109 {strides = array<i32>} : memref<128x256xf32, #tpu.memory_space<vmem>>, vector<1x16xf32>,
        %swap3A_110 = arith.index_cast %scan3A_75 : i32 to index
        %swap3A_111 = arith.constant 48 : index
        %swap3A_112 = tpu.vector_load %arg8[%swap3A_110, %swap3A_111] {strides = array<i32>} : memref<128x256xf32, #tpu.memory_space<vmem>>, vector<1x16xf32>,
        %swap3A_113 = vector.shape_cast %swap3A_112 : vector<1x16xf32> to vector<16xf32>
        %swap3A_114 = vector.shape_cast %broadcast_in_dim3A_44 : vector<16xf32> to vector<1x16xf32>
        tpu.vector_store %arg8[%swap3A_110, %swap3A_111], %swap3A_114 {strides = array<i32>} : memref<128x256xf32, #tpu.memory_space<vmem>>, vector<1x16xf32>,
        %swap3A_115 = arith.index_cast %scan3A_75 : i32 to index
        %swap3A_116 = arith.constant 64 : index
        %swap3A_117 = tpu.vector_load %arg7[%swap3A_115, %swap3A_116] {strides = array<i32>} : memref<128x256xf32, #tpu.memory_space<vmem>>, vector<1x16xf32>,
        %swap3A_118 = vector.shape_cast %swap3A_117 : vector<1x16xf32> to vector<16xf32>
        %swap3A_119 = vector.shape_cast %broadcast_in_dim3A_44 : vector<16xf32> to vector<1x16xf32>
        tpu.vector_store %arg7[%swap3A_115, %swap3A_116], %swap3A_119 {strides = array<i32>} : memref<128x256xf32, #tpu.memory_space<vmem>>, vector<1x16xf32>,
        %swap3A_120 = arith.index_cast %scan3A_75 : i32 to index
        %swap3A_121 = arith.constant 64 : index
        %swap3A_122 = tpu.vector_load %arg8[%swap3A_120, %swap3A_121] {strides = array<i32>} : memref<128x256xf32, #tpu.memory_space<vmem>>, vector<1x16xf32>,
        %swap3A_123 = vector.shape_cast %swap3A_122 : vector<1x16xf32> to vector<16xf32>
        %swap3A_124 = vector.shape_cast %broadcast_in_dim3A_44 : vector<16xf32> to vector<1x16xf32>
        tpu.vector_store %arg8[%swap3A_120, %swap3A_121], %swap3A_124 {strides = array<i32>} : memref<128x256xf32, #tpu.memory_space<vmem>>, vector<1x16xf32>,
        %swap3A_125 = arith.index_cast %scan3A_75 : i32 to index
        %swap3A_126 = arith.constant 80 : index
        %swap3A_127 = tpu.vector_load %arg7[%swap3A_125, %swap3A_126] {strides = array<i32>} : memref<128x256xf32, #tpu.memory_space<vmem>>, vector<1x16xf32>,
        %swap3A_128 = vector.shape_cast %swap3A_127 : vector<1x16xf32> to vector<16xf32>
        %swap3A_129 = vector.shape_cast %broadcast_in_dim3A_44 : vector<16xf32> to vector<1x16xf32>
        tpu.vector_store %arg7[%swap3A_125, %swap3A_126], %swap3A_129 {strides = array<i32>} : memref<128x256xf32, #tpu.memory_space<vmem>>, vector<1x16xf32>,
        %swap3A_130 = arith.index_cast %scan3A_75 : i32 to index
        %swap3A_131 = arith.constant 80 : index
        %swap3A_132 = tpu.vector_load %arg8[%swap3A_130, %swap3A_131] {strides = array<i32>} : memref<128x256xf32, #tpu.memory_space<vmem>>, vector<1x16xf32>,
        %swap3A_133 = vector.shape_cast %swap3A_132 : vector<1x16xf32> to vector<16xf32>
        %swap3A_134 = vector.shape_cast %broadcast_in_dim3A_44 : vector<16xf32> to vector<1x16xf32>
        tpu.vector_store %arg8[%swap3A_130, %swap3A_131], %swap3A_134 {strides = array<i32>} : memref<128x256xf32, #tpu.memory_space<vmem>>, vector<1x16xf32>,
        %swap3A_135 = arith.index_cast %scan3A_75 : i32 to index
        %swap3A_136 = arith.constant 96 : index
        %swap3A_137 = tpu.vector_load %arg7[%swap3A_135, %swap3A_136] {strides = array<i32>} : memref<128x256xf32, #tpu.memory_space<vmem>>, vector<1x16xf32>,
        %swap3A_138 = vector.shape_cast %swap3A_137 : vector<1x16xf32> to vector<16xf32>
        %swap3A_139 = vector.shape_cast %broadcast_in_dim3A_44 : vector<16xf32> to vector<1x16xf32>
        tpu.vector_store %arg7[%swap3A_135, %swap3A_136], %swap3A_139 {strides = array<i32>} : memref<128x256xf32, #tpu.memory_space<vmem>>, vector<1x16xf32>,
        %swap3A_140 = arith.index_cast %scan3A_75 : i32 to index
        %swap3A_141 = arith.constant 96 : index
        %swap3A_142 = tpu.vector_load %arg8[%swap3A_140, %swap3A_141] {strides = array<i32>} : memref<128x256xf32, #tpu.memory_space<vmem>>, vector<1x16xf32>,
        %swap3A_143 = vector.shape_cast %swap3A_142 : vector<1x16xf32> to vector<16xf32>
        %swap3A_144 = vector.shape_cast %broadcast_in_dim3A_44 : vector<16xf32> to vector<1x16xf32>
        tpu.vector_store %arg8[%swap3A_140, %swap3A_141], %swap3A_144 {strides = array<i32>} : memref<128x256xf32, #tpu.memory_space<vmem>>, vector<1x16xf32>,
        %swap3A_145 = arith.index_cast %scan3A_75 : i32 to index
        %swap3A_146 = arith.constant 112 : index
        %swap3A_147 = tpu.vector_load %arg7[%swap3A_145, %swap3A_146] {strides = array<i32>} : memref<128x256xf32, #tpu.memory_space<vmem>>, vector<1x16xf32>,
        %swap3A_148 = vector.shape_cast %swap3A_147 : vector<1x16xf32> to vector<16xf32>
        %swap3A_149 = vector.shape_cast %broadcast_in_dim3A_44 : vector<16xf32> to vector<1x16xf32>
        tpu.vector_store %arg7[%swap3A_145, %swap3A_146], %swap3A_149 {strides = array<i32>} : memref<128x256xf32, #tpu.memory_space<vmem>>, vector<1x16xf32>,
        %swap3A_150 = arith.index_cast %scan3A_75 : i32 to index
        %swap3A_151 = arith.constant 112 : index
        %swap3A_152 = tpu.vector_load %arg8[%swap3A_150, %swap3A_151] {strides = array<i32>} : memref<128x256xf32, #tpu.memory_space<vmem>>, vector<1x16xf32>,
        %swap3A_153 = vector.shape_cast %swap3A_152 : vector<1x16xf32> to vector<16xf32>
        %swap3A_154 = vector.shape_cast %broadcast_in_dim3A_44 : vector<16xf32> to vector<1x16xf32>
        tpu.vector_store %arg8[%swap3A_150, %swap3A_151], %swap3A_154 {strides = array<i32>} : memref<128x256xf32, #tpu.memory_space<vmem>>, vector<1x16xf32>,
        %swap3A_155 = arith.index_cast %scan3A_75 : i32 to index
        %swap3A_156 = arith.constant 128 : index
        %swap3A_157 = tpu.vector_load %arg7[%swap3A_155, %swap3A_156] {strides = array<i32>} : memref<128x256xf32, #tpu.memory_space<vmem>>, vector<1x16xf32>,
        %swap3A_158 = vector.shape_cast %swap3A_157 : vector<1x16xf32> to vector<16xf32>
        %swap3A_159 = vector.shape_cast %broadcast_in_dim3A_44 : vector<16xf32> to vector<1x16xf32>
        tpu.vector_store %arg7[%swap3A_155, %swap3A_156], %swap3A_159 {strides = array<i32>} : memref<128x256xf32, #tpu.memory_space<vmem>>, vector<1x16xf32>,
        %swap3A_160 = arith.index_cast %scan3A_75 : i32 to index
        %swap3A_161 = arith.constant 128 : index
        %swap3A_162 = tpu.vector_load %arg8[%swap3A_160, %swap3A_161] {strides = array<i32>} : memref<128x256xf32, #tpu.memory_space<vmem>>, vector<1x16xf32>,
        %swap3A_163 = vector.shape_cast %swap3A_162 : vector<1x16xf32> to vector<16xf32>
        %swap3A_164 = vector.shape_cast %broadcast_in_dim3A_44 : vector<16xf32> to vector<1x16xf32>
        tpu.vector_store %arg8[%swap3A_160, %swap3A_161], %swap3A_164 {strides = array<i32>} : memref<128x256xf32, #tpu.memory_space<vmem>>, vector<1x16xf32>,
        %swap3A_165 = arith.index_cast %scan3A_75 : i32 to index
        %swap3A_166 = arith.constant 144 : index
        %swap3A_167 = tpu.vector_load %arg7[%swap3A_165, %swap3A_166] {strides = array<i32>} : memref<128x256xf32, #tpu.memory_space<vmem>>, vector<1x16xf32>,
        %swap3A_168 = vector.shape_cast %swap3A_167 : vector<1x16xf32> to vector<16xf32>
        %swap3A_169 = vector.shape_cast %broadcast_in_dim3A_44 : vector<16xf32> to vector<1x16xf32>
        tpu.vector_store %arg7[%swap3A_165, %swap3A_166], %swap3A_169 {strides = array<i32>} : memref<128x256xf32, #tpu.memory_space<vmem>>, vector<1x16xf32>,
        %swap3A_170 = arith.index_cast %scan3A_75 : i32 to index
        %swap3A_171 = arith.constant 144 : index
        %swap3A_172 = tpu.vector_load %arg8[%swap3A_170, %swap3A_171] {strides = array<i32>} : memref<128x256xf32, #tpu.memory_space<vmem>>, vector<1x16xf32>,
        %swap3A_173 = vector.shape_cast %swap3A_172 : vector<1x16xf32> to vector<16xf32>
        %swap3A_174 = vector.shape_cast %broadcast_in_dim3A_44 : vector<16xf32> to vector<1x16xf32>
        tpu.vector_store %arg8[%swap3A_170, %swap3A_171], %swap3A_174 {strides = array<i32>} : memref<128x256xf32, #tpu.memory_space<vmem>>, vector<1x16xf32>,
        %swap3A_175 = arith.index_cast %scan3A_75 : i32 to index
        %swap3A_176 = arith.constant 160 : index
        %swap3A_177 = tpu.vector_load %arg7[%swap3A_175, %swap3A_176] {strides = array<i32>} : memref<128x256xf32, #tpu.memory_space<vmem>>, vector<1x16xf32>,
        %swap3A_178 = vector.shape_cast %swap3A_177 : vector<1x16xf32> to vector<16xf32>
        %swap3A_179 = vector.shape_cast %broadcast_in_dim3A_44 : vector<16xf32> to vector<1x16xf32>
        tpu.vector_store %arg7[%swap3A_175, %swap3A_176], %swap3A_179 {strides = array<i32>} : memref<128x256xf32, #tpu.memory_space<vmem>>, vector<1x16xf32>,
        %swap3A_180 = arith.index_cast %scan3A_75 : i32 to index
        %swap3A_181 = arith.constant 160 : index
        %swap3A_182 = tpu.vector_load %arg8[%swap3A_180, %swap3A_181] {strides = array<i32>} : memref<128x256xf32, #tpu.memory_space<vmem>>, vector<1x16xf32>,
        %swap3A_183 = vector.shape_cast %swap3A_182 : vector<1x16xf32> to vector<16xf32>
        %swap3A_184 = vector.shape_cast %broadcast_in_dim3A_44 : vector<16xf32> to vector<1x16xf32>
        tpu.vector_store %arg8[%swap3A_180, %swap3A_181], %swap3A_184 {strides = array<i32>} : memref<128x256xf32, #tpu.memory_space<vmem>>, vector<1x16xf32>,
        %swap3A_185 = arith.index_cast %scan3A_75 : i32 to index
        %swap3A_186 = arith.constant 176 : index
        %swap3A_187 = tpu.vector_load %arg7[%swap3A_185, %swap3A_186] {strides = array<i32>} : memref<128x256xf32, #tpu.memory_space<vmem>>, vector<1x16xf32>,
        %swap3A_188 = vector.shape_cast %swap3A_187 : vector<1x16xf32> to vector<16xf32>
        %swap3A_189 = vector.shape_cast %broadcast_in_dim3A_44 : vector<16xf32> to vector<1x16xf32>
        tpu.vector_store %arg7[%swap3A_185, %swap3A_186], %swap3A_189 {strides = array<i32>} : memref<128x256xf32, #tpu.memory_space<vmem>>, vector<1x16xf32>,
        %swap3A_190 = arith.index_cast %scan3A_75 : i32 to index
        %swap3A_191 = arith.constant 176 : index
        %swap3A_192 = tpu.vector_load %arg8[%swap3A_190, %swap3A_191] {strides = array<i32>} : memref<128x256xf32, #tpu.memory_space<vmem>>, vector<1x16xf32>,
        %swap3A_193 = vector.shape_cast %swap3A_192 : vector<1x16xf32> to vector<16xf32>
        %swap3A_194 = vector.shape_cast %broadcast_in_dim3A_44 : vector<16xf32> to vector<1x16xf32>
        tpu.vector_store %arg8[%swap3A_190, %swap3A_191], %swap3A_194 {strides = array<i32>} : memref<128x256xf32, #tpu.memory_space<vmem>>, vector<1x16xf32>,
        %swap3A_195 = arith.index_cast %scan3A_75 : i32 to index
        %swap3A_196 = arith.constant 192 : index
        %swap3A_197 = tpu.vector_load %arg7[%swap3A_195, %swap3A_196] {strides = array<i32>} : memref<128x256xf32, #tpu.memory_space<vmem>>, vector<1x16xf32>,
        %swap3A_198 = vector.shape_cast %swap3A_197 : vector<1x16xf32> to vector<16xf32>
        %swap3A_199 = vector.shape_cast %broadcast_in_dim3A_44 : vector<16xf32> to vector<1x16xf32>
        tpu.vector_store %arg7[%swap3A_195, %swap3A_196], %swap3A_199 {strides = array<i32>} : memref<128x256xf32, #tpu.memory_space<vmem>>, vector<1x16xf32>,
        %swap3A_200 = arith.index_cast %scan3A_75 : i32 to index
        %swap3A_201 = arith.constant 192 : index
        %swap3A_202 = tpu.vector_load %arg8[%swap3A_200, %swap3A_201] {strides = array<i32>} : memref<128x256xf32, #tpu.memory_space<vmem>>, vector<1x16xf32>,
        %swap3A_203 = vector.shape_cast %swap3A_202 : vector<1x16xf32> to vector<16xf32>
        %swap3A_204 = vector.shape_cast %broadcast_in_dim3A_44 : vector<16xf32> to vector<1x16xf32>
        tpu.vector_store %arg8[%swap3A_200, %swap3A_201], %swap3A_204 {strides = array<i32>} : memref<128x256xf32, #tpu.memory_space<vmem>>, vector<1x16xf32>,
        %swap3A_205 = arith.index_cast %scan3A_75 : i32 to index
        %swap3A_206 = arith.constant 208 : index
        %swap3A_207 = tpu.vector_load %arg7[%swap3A_205, %swap3A_206] {strides = array<i32>} : memref<128x256xf32, #tpu.memory_space<vmem>>, vector<1x16xf32>,
        %swap3A_208 = vector.shape_cast %swap3A_207 : vector<1x16xf32> to vector<16xf32>
        %swap3A_209 = vector.shape_cast %broadcast_in_dim3A_44 : vector<16xf32> to vector<1x16xf32>
        tpu.vector_store %arg7[%swap3A_205, %swap3A_206], %swap3A_209 {strides = array<i32>} : memref<128x256xf32, #tpu.memory_space<vmem>>, vector<1x16xf32>,
        %swap3A_210 = arith.index_cast %scan3A_75 : i32 to index
        %swap3A_211 = arith.constant 208 : index
        %swap3A_212 = tpu.vector_load %arg8[%swap3A_210, %swap3A_211] {strides = array<i32>} : memref<128x256xf32, #tpu.memory_space<vmem>>, vector<1x16xf32>,
        %swap3A_213 = vector.shape_cast %swap3A_212 : vector<1x16xf32> to vector<16xf32>
        %swap3A_214 = vector.shape_cast %broadcast_in_dim3A_44 : vector<16xf32> to vector<1x16xf32>
        tpu.vector_store %arg8[%swap3A_210, %swap3A_211], %swap3A_214 {strides = array<i32>} : memref<128x256xf32, #tpu.memory_space<vmem>>, vector<1x16xf32>,
        %swap3A_215 = arith.index_cast %scan3A_75 : i32 to index
        %swap3A_216 = arith.constant 224 : index
        %swap3A_217 = tpu.vector_load %arg7[%swap3A_215, %swap3A_216] {strides = array<i32>} : memref<128x256xf32, #tpu.memory_space<vmem>>, vector<1x16xf32>,
        %swap3A_218 = vector.shape_cast %swap3A_217 : vector<1x16xf32> to vector<16xf32>
        %swap3A_219 = vector.shape_cast %broadcast_in_dim3A_44 : vector<16xf32> to vector<1x16xf32>
        tpu.vector_store %arg7[%swap3A_215, %swap3A_216], %swap3A_219 {strides = array<i32>} : memref<128x256xf32, #tpu.memory_space<vmem>>, vector<1x16xf32>,
        %swap3A_220 = arith.index_cast %scan3A_75 : i32 to index
        %swap3A_221 = arith.constant 224 : index
        %swap3A_222 = tpu.vector_load %arg8[%swap3A_220, %swap3A_221] {strides = array<i32>} : memref<128x256xf32, #tpu.memory_space<vmem>>, vector<1x16xf32>,
        %swap3A_223 = vector.shape_cast %swap3A_222 : vector<1x16xf32> to vector<16xf32>
        %swap3A_224 = vector.shape_cast %broadcast_in_dim3A_44 : vector<16xf32> to vector<1x16xf32>
        tpu.vector_store %arg8[%swap3A_220, %swap3A_221], %swap3A_224 {strides = array<i32>} : memref<128x256xf32, #tpu.memory_space<vmem>>, vector<1x16xf32>,
        %swap3A_225 = arith.index_cast %scan3A_75 : i32 to index
        %swap3A_226 = arith.constant 240 : index
        %swap3A_227 = tpu.vector_load %arg7[%swap3A_225, %swap3A_226] {strides = array<i32>} : memref<128x256xf32, #tpu.memory_space<vmem>>, vector<1x16xf32>,
        %swap3A_228 = vector.shape_cast %swap3A_227 : vector<1x16xf32> to vector<16xf32>
        %swap3A_229 = vector.shape_cast %broadcast_in_dim3A_44 : vector<16xf32> to vector<1x16xf32>
        tpu.vector_store %arg7[%swap3A_225, %swap3A_226], %swap3A_229 {strides = array<i32>} : memref<128x256xf32, #tpu.memory_space<vmem>>, vector<1x16xf32>,
        %swap3A_230 = arith.index_cast %scan3A_75 : i32 to index
        %swap3A_231 = arith.constant 240 : index
        %swap3A_232 = tpu.vector_load %arg8[%swap3A_230, %swap3A_231] {strides = array<i32>} : memref<128x256xf32, #tpu.memory_space<vmem>>, vector<1x16xf32>,
        %swap3A_233 = vector.shape_cast %swap3A_232 : vector<1x16xf32> to vector<16xf32>
        %swap3A_234 = vector.shape_cast %broadcast_in_dim3A_44 : vector<16xf32> to vector<1x16xf32>
        tpu.vector_store %arg8[%swap3A_230, %swap3A_231], %swap3A_234 {strides = array<i32>} : memref<128x256xf32, #tpu.memory_space<vmem>>, vector<1x16xf32>,
      }
      %scan3A_50 = arith.constant 64 : i32
      %dma_wait3A_51 = arith.constant 64 : i32
      %dma_wait3A_52 = arith.constant 0 : i32
      %dma_wait3A_53 = tpu.memref_slice %arg7[%dma_wait3A_51, %dma_wait3A_52] : memref<128x256xf32, #tpu.memory_space<vmem>> -> memref<64x256xf32, #tpu.memory_space<vmem>>
      %dma_wait3A_54 = arith.constant 0 : i32
      %dma_wait3A_55 = arith.constant 0 : i32
      %dma_wait3A_56 = tpu.memref_slice %arg3[%dma_wait3A_54, %dma_wait3A_55] : memref<2048x256xf32, #tpu.memory_space<hbm>> -> memref<64x256xf32, #tpu.memory_space<hbm>>
      %dma_wait3A_57 = arith.constant 64 : i32
      %dma_wait3A_58 = arith.constant 0 : i32
      %dma_wait3A_59 = tpu.memref_slice %arg7[%dma_wait3A_57, %dma_wait3A_58] : memref<128x256xf32, #tpu.memory_space<vmem>> -> memref<64x256xf32, #tpu.memory_space<vmem>>
      %dma_wait3A_60 = arith.constant 0 : i32
      %dma_wait3A_61 = arith.constant 0 : i32
      %dma_wait3A_62 = tpu.memref_slice %arg3[%dma_wait3A_60, %dma_wait3A_61] : memref<2048x256xf32, #tpu.memory_space<hbm>> -> memref<64x256xf32, #tpu.memory_space<hbm>>
      tpu.wait_dma2 semaphore(%arg10 : memref<!tpu.dma_semaphore, #tpu.memory_space<semaphore_mem>>) src(%dma_wait3A_62 : memref<64x256xf32, #tpu.memory_space<hbm>>) dst(%dma_wait3A_59 : memref<64x256xf32, #tpu.memory_space<vmem>>)
      %dma_wait3A_63 = arith.constant 64 : i32
      %dma_wait3A_64 = arith.constant 0 : i32
      %dma_wait3A_65 = tpu.memref_slice %arg8[%dma_wait3A_63, %dma_wait3A_64] : memref<128x256xf32, #tpu.memory_space<vmem>> -> memref<64x256xf32, #tpu.memory_space<vmem>>
      %dma_wait3A_66 = arith.constant 0 : i32
      %dma_wait3A_67 = arith.constant 0 : i32
      %dma_wait3A_68 = tpu.memref_slice %arg4[%dma_wait3A_66, %dma_wait3A_67] : memref<2048x256xf32, #tpu.memory_space<hbm>> -> memref<64x256xf32, #tpu.memory_space<hbm>>
      %dma_wait3A_69 = arith.constant 64 : i32
      %dma_wait3A_70 = arith.constant 0 : i32
      %dma_wait3A_71 = tpu.memref_slice %arg8[%dma_wait3A_69, %dma_wait3A_70] : memref<128x256xf32, #tpu.memory_space<vmem>> -> memref<64x256xf32, #tpu.memory_space<vmem>>
      %dma_wait3A_72 = arith.constant 0 : i32
      %dma_wait3A_73 = arith.constant 0 : i32
      %dma_wait3A_74 = tpu.memref_slice %arg4[%dma_wait3A_72, %dma_wait3A_73] : memref<2048x256xf32, #tpu.memory_space<hbm>> -> memref<64x256xf32, #tpu.memory_space<hbm>>
      tpu.wait_dma2 semaphore(%arg11 : memref<!tpu.dma_semaphore, #tpu.memory_space<semaphore_mem>>) src(%dma_wait3A_74 : memref<64x256xf32, #tpu.memory_space<hbm>>) dst(%dma_wait3A_71 : memref<64x256xf32, #tpu.memory_space<vmem>>)
    } else {
    }
    %gt3A = arith.constant 0 : i32
    %gt3A_8 = arith.cmpi sgt, %add3A, %gt3A : i32
    %convert_element_type3A_9 = arith.extui %gt3A_8 : i1 to i32
    %cond3A_10 = arith.constant 0 : i32
    %cond3A_11 = arith.cmpi ne, %convert_element_type3A_9, %cond3A_10 : i32
    scf.if %cond3A_11 {
      %sub3A = arith.constant 64 : i32
      %sub3A_20 = arith.subi %mul3A_2, %sub3A : i32
      %sub3A_21 = arith.constant 64 : i32
      %sub3A_22 = arith.subi %mul3A_2, %sub3A_21 : i32
      %dma_start3A_23 = arith.constant 0 : i32
      %dma_start3A_24 = tpu.memref_slice %arg3[%sub3A_20, %dma_start3A_23] : memref<2048x256xf32, #tpu.memory_space<hbm>> -> memref<128x256xf32, #tpu.memory_space<hbm>>
      %dma_start3A_25 = arith.constant 0 : i32
      %dma_start3A_26 = tpu.memref_slice %arg3[%sub3A_20, %dma_start3A_25] : memref<2048x256xf32, #tpu.memory_space<hbm>> -> memref<128x256xf32, #tpu.memory_space<hbm>>
      tpu.enqueue_dma source(%dma_start3A_26 : memref<128x256xf32, #tpu.memory_space<hbm>>) target(%arg7 : memref<128x256xf32, #tpu.memory_space<vmem>>) target_semaphore(%arg10 : memref<!tpu.dma_semaphore, #tpu.memory_space<semaphore_mem>>)
      %dma_start3A_27 = arith.constant 0 : i32
      %dma_start3A_28 = tpu.memref_slice %arg4[%sub3A_22, %dma_start3A_27] : memref<2048x256xf32, #tpu.memory_space<hbm>> -> memref<128x256xf32, #tpu.memory_space<hbm>>
      %dma_start3A_29 = arith.constant 0 : i32
      %dma_start3A_30 = tpu.memref_slice %arg4[%sub3A_22, %dma_start3A_29] : memref<2048x256xf32, #tpu.memory_space<hbm>> -> memref<128x256xf32, #tpu.memory_space<hbm>>
      tpu.enqueue_dma source(%dma_start3A_30 : memref<128x256xf32, #tpu.memory_space<hbm>>) target(%arg8 : memref<128x256xf32, #tpu.memory_space<vmem>>) target_semaphore(%arg11 : memref<!tpu.dma_semaphore, #tpu.memory_space<semaphore_mem>>)
      %dma_wait3A_31 = arith.constant 0 : i32
      %dma_wait3A_32 = tpu.memref_slice %arg3[%sub3A_20, %dma_wait3A_31] : memref<2048x256xf32, #tpu.memory_space<hbm>> -> memref<128x256xf32, #tpu.memory_space<hbm>>
      %dma_wait3A_33 = arith.constant 0 : i32
      %dma_wait3A_34 = tpu.memref_slice %arg3[%sub3A_20, %dma_wait3A_33] : memref<2048x256xf32, #tpu.memory_space<hbm>> -> memref<128x256xf32, #tpu.memory_space<hbm>>
      tpu.wait_dma2 semaphore(%arg10 : memref<!tpu.dma_semaphore, #tpu.memory_space<semaphore_mem>>) src(%dma_wait3A_34 : memref<128x256xf32, #tpu.memory_space<hbm>>) dst(%arg7 : memref<128x256xf32, #tpu.memory_space<vmem>>)
      %dma_wait3A_35 = arith.constant 0 : i32
      %dma_wait3A_36 = tpu.memref_slice %arg4[%sub3A_22, %dma_wait3A_35] : memref<2048x256xf32, #tpu.memory_space<hbm>> -> memref<128x256xf32, #tpu.memory_space<hbm>>
      %dma_wait3A_37 = arith.constant 0 : i32
      %dma_wait3A_38 = tpu.memref_slice %arg4[%sub3A_22, %dma_wait3A_37] : memref<2048x256xf32, #tpu.memory_space<hbm>> -> memref<128x256xf32, #tpu.memory_space<hbm>>
      tpu.wait_dma2 semaphore(%arg11 : memref<!tpu.dma_semaphore, #tpu.memory_space<semaphore_mem>>) src(%dma_wait3A_38 : memref<128x256xf32, #tpu.memory_space<hbm>>) dst(%arg8 : memref<128x256xf32, #tpu.memory_space<vmem>>)
    } else {
    }
    %dma_wait3A = arith.constant 0 : i32
    %dma_wait3A_12 = tpu.memref_slice %arg2[%mul3A_2, %dma_wait3A] : memref<2048x256xf32, #tpu.memory_space<hbm>> -> memref<64x256xf32, #tpu.memory_space<hbm>>
    %dma_wait3A_13 = arith.constant 0 : i32
    %dma_wait3A_14 = tpu.memref_slice %arg2[%mul3A_2, %dma_wait3A_13] : memref<2048x256xf32, #tpu.memory_space<hbm>> -> memref<64x256xf32, #tpu.memory_space<hbm>>
    tpu.wait_dma2 semaphore(%arg9 : memref<!tpu.dma_semaphore, #tpu.memory_space<semaphore_mem>>) src(%dma_wait3A_14 : memref<64x256xf32, #tpu.memory_space<hbm>>) dst(%arg6 : memref<64x256xf32, #tpu.memory_space<vmem>>)
    %scan3A = arith.constant 0 : i32
    %scan3A_15 = arith.constant 0 : i32
    %scan3A_16 = arith.constant 16 : i32
    %scan3A_17 = arith.addi %scan3A_15, %scan3A_16 : i32
    %scan3A_18 = arith.constant 1 : i32
    scf.for %scan3A_20 = %scan3A_15 to %scan3A_17 step %scan3A_18  : i32 {
      %mul3A_21 = arith.constant 16 : i32
      %mul3A_22 = arith.muli %scan3A_20, %mul3A_21 : i32
      %broadcast_in_dim3A = arith.constant 0.000000e+00 : f32
      %broadcast_in_dim3A_23 = vector.broadcast %broadcast_in_dim3A : f32 to vector<16xf32>
      %scan3A_24 = arith.constant 0 : i32
      %scan3A_25 = arith.constant 16 : i32
      %scan3A_26 = arith.addi %scan3A_24, %scan3A_25 : i32
      %scan3A_27 = arith.constant 1 : i32
      %scan3A_28 = scf.for %scan3A_35 = %scan3A_24 to %scan3A_26 step %scan3A_27 iter_args(%scan3A_36 = %broadcast_in_dim3A_23) -> (vector<16xf32>)  : i32 {
        %mul3A_37 = arith.constant 8 : i32
        %mul3A_38 = arith.muli %scan3A_35, %mul3A_37 : i32
        %add3A_39 = arith.constant 0 : i32
        %add3A_40 = arith.addi %mul3A_38, %add3A_39 : i32
        %get3A = arith.index_cast %add3A_40 : i32 to index
        %get3A_41 = arith.index_cast %mul3A_22 : i32 to index
        %get3A_42 = tpu.vector_load %arg7[%get3A, %get3A_41] {strides = array<i32>} : memref<128x256xf32, #tpu.memory_space<vmem>>, vector<1x16xf32>,
        %get3A_43 = vector.shape_cast %get3A_42 : vector<1x16xf32> to vector<16xf32>
        %abs3A = math.absf %get3A_43 : vector<16xf32>
        %max3A = arith.maximumf %scan3A_36, %abs3A : vector<16xf32>
        %add3A_44 = arith.constant 1 : i32
        %add3A_45 = arith.addi %mul3A_38, %add3A_44 : i32
        %get3A_46 = arith.index_cast %add3A_45 : i32 to index
        %get3A_47 = arith.index_cast %mul3A_22 : i32 to index
        %get3A_48 = tpu.vector_load %arg7[%get3A_46, %get3A_47] {strides = array<i32>} : memref<128x256xf32, #tpu.memory_space<vmem>>, vector<1x16xf32>,
        %get3A_49 = vector.shape_cast %get3A_48 : vector<1x16xf32> to vector<16xf32>
        %abs3A_50 = math.absf %get3A_49 : vector<16xf32>
        %max3A_51 = arith.maximumf %max3A, %abs3A_50 : vector<16xf32>
        %add3A_52 = arith.constant 2 : i32
        %add3A_53 = arith.addi %mul3A_38, %add3A_52 : i32
        %get3A_54 = arith.index_cast %add3A_53 : i32 to index
        %get3A_55 = arith.index_cast %mul3A_22 : i32 to index
        %get3A_56 = tpu.vector_load %arg7[%get3A_54, %get3A_55] {strides = array<i32>} : memref<128x256xf32, #tpu.memory_space<vmem>>, vector<1x16xf32>,
        %get3A_57 = vector.shape_cast %get3A_56 : vector<1x16xf32> to vector<16xf32>
        %abs3A_58 = math.absf %get3A_57 : vector<16xf32>
        %max3A_59 = arith.maximumf %max3A_51, %abs3A_58 : vector<16xf32>
        %add3A_60 = arith.constant 3 : i32
        %add3A_61 = arith.addi %mul3A_38, %add3A_60 : i32
        %get3A_62 = arith.index_cast %add3A_61 : i32 to index
        %get3A_63 = arith.index_cast %mul3A_22 : i32 to index
        %get3A_64 = tpu.vector_load %arg7[%get3A_62, %get3A_63] {strides = array<i32>} : memref<128x256xf32, #tpu.memory_space<vmem>>, vector<1x16xf32>,
        %get3A_65 = vector.shape_cast %get3A_64 : vector<1x16xf32> to vector<16xf32>
        %abs3A_66 = math.absf %get3A_65 : vector<16xf32>
        %max3A_67 = arith.maximumf %max3A_59, %abs3A_66 : vector<16xf32>
        %add3A_68 = arith.constant 4 : i32
        %add3A_69 = arith.addi %mul3A_38, %add3A_68 : i32
        %get3A_70 = arith.index_cast %add3A_69 : i32 to index
        %get3A_71 = arith.index_cast %mul3A_22 : i32 to index
        %get3A_72 = tpu.vector_load %arg7[%get3A_70, %get3A_71] {strides = array<i32>} : memref<128x256xf32, #tpu.memory_space<vmem>>, vector<1x16xf32>,
        %get3A_73 = vector.shape_cast %get3A_72 : vector<1x16xf32> to vector<16xf32>
        %abs3A_74 = math.absf %get3A_73 : vector<16xf32>
        %max3A_75 = arith.maximumf %max3A_67, %abs3A_74 : vector<16xf32>
        %add3A_76 = arith.constant 5 : i32
        %add3A_77 = arith.addi %mul3A_38, %add3A_76 : i32
        %get3A_78 = arith.index_cast %add3A_77 : i32 to index
        %get3A_79 = arith.index_cast %mul3A_22 : i32 to index
        %get3A_80 = tpu.vector_load %arg7[%get3A_78, %get3A_79] {strides = array<i32>} : memref<128x256xf32, #tpu.memory_space<vmem>>, vector<1x16xf32>,
        %get3A_81 = vector.shape_cast %get3A_80 : vector<1x16xf32> to vector<16xf32>
        %abs3A_82 = math.absf %get3A_81 : vector<16xf32>
        %max3A_83 = arith.maximumf %max3A_75, %abs3A_82 : vector<16xf32>
        %add3A_84 = arith.constant 6 : i32
        %add3A_85 = arith.addi %mul3A_38, %add3A_84 : i32
        %get3A_86 = arith.index_cast %add3A_85 : i32 to index
        %get3A_87 = arith.index_cast %mul3A_22 : i32 to index
        %get3A_88 = tpu.vector_load %arg7[%get3A_86, %get3A_87] {strides = array<i32>} : memref<128x256xf32, #tpu.memory_space<vmem>>, vector<1x16xf32>,
        %get3A_89 = vector.shape_cast %get3A_88 : vector<1x16xf32> to vector<16xf32>
        %abs3A_90 = math.absf %get3A_89 : vector<16xf32>
        %max3A_91 = arith.maximumf %max3A_83, %abs3A_90 : vector<16xf32>
        %add3A_92 = arith.constant 7 : i32
        %add3A_93 = arith.addi %mul3A_38, %add3A_92 : i32
        %get3A_94 = arith.index_cast %add3A_93 : i32 to index
        %get3A_95 = arith.index_cast %mul3A_22 : i32 to index
        %get3A_96 = tpu.vector_load %arg7[%get3A_94, %get3A_95] {strides = array<i32>} : memref<128x256xf32, #tpu.memory_space<vmem>>, vector<1x16xf32>,
        %get3A_97 = vector.shape_cast %get3A_96 : vector<1x16xf32> to vector<16xf32>
        %abs3A_98 = math.absf %get3A_97 : vector<16xf32>
        %max3A_99 = arith.maximumf %max3A_91, %abs3A_98 : vector<16xf32>
        scf.yield %max3A_99 : vector<16xf32>
      }
      %scan3A_29 = arith.constant 16 : i32
      %scan3A_30 = arith.constant 0 : i32
      %scan3A_31 = arith.constant 16 : i32
      %scan3A_32 = arith.addi %scan3A_30, %scan3A_31 : i32
      %scan3A_33 = arith.constant 1 : i32
      scf.for %scan3A_35 = %scan3A_30 to %scan3A_32 step %scan3A_33  : i32 {
        %mul3A_36 = arith.constant 4 : i32
        %mul3A_37 = arith.muli %scan3A_35, %mul3A_36 : i32
        %add3A_38 = arith.constant 0 : i32
        %add3A_39 = arith.addi %mul3A_37, %add3A_38 : i32
        %get3A = arith.index_cast %add3A_39 : i32 to index
        %get3A_40 = arith.index_cast %mul3A_22 : i32 to index
        %get3A_41 = tpu.vector_load %arg6[%get3A, %get3A_40] {strides = array<i32>} : memref<64x256xf32, #tpu.memory_space<vmem>>, vector<1x16xf32>,
        %get3A_42 = vector.shape_cast %get3A_41 : vector<1x16xf32> to vector<16xf32>
        %mul3A_43 = arith.constant 1.250000e-01 : f32
        %mul3A_44 = vector.broadcast %mul3A_43 : f32 to vector<16xf32>
        %mul3A_45 = arith.mulf %get3A_42, %mul3A_44 : vector<16xf32>
        %abs3A = math.absf %mul3A_45 : vector<16xf32>
        %mul3A_46 = arith.mulf %abs3A, %scan3A_28 : vector<16xf32>
        %add3A_47 = arith.addi %mul3A_2, %mul3A_37 : i32
        %add3A_48 = arith.constant 0 : i32
        %add3A_49 = arith.addi %add3A_47, %add3A_48 : i32
        %sub3A = arith.constant 63 : i32
        %sub3A_50 = arith.subi %sub3A, %add3A_49 : i32
        %max3A = arith.constant 0 : i32
        %max3A_51 = arith.maxsi %sub3A_50, %max3A : i32
        %convert_element_type3A_52 = arith.sitofp %max3A_51 : i32 to f32
        %neg3A = arith.constant 0.000000e+00 : f32
        %neg3A_53 = vector.broadcast %neg3A : f32 to vector<16xf32>
        %neg3A_54 = arith.subf %neg3A_53, %mul3A_46 : vector<16xf32>
        %exp3A = math.exp %neg3A_54 : vector<16xf32>
        %neg3A_55 = arith.constant 0.000000e+00 : f32
        %neg3A_56 = arith.subf %neg3A_55, %convert_element_type3A_52 : f32
        %mul3A_57 = vector.broadcast %neg3A_56 : f32 to vector<16xf32>
        %mul3A_58 = arith.mulf %exp3A, %mul3A_57 : vector<16xf32>
        %broadcast_in_dim3A_59 = arith.constant 0.000000e+00 : f32
        %broadcast_in_dim3A_60 = vector.broadcast %broadcast_in_dim3A_59 : f32 to vector<16xf32>
        %add3A_61 = arith.constant 1 : i32
        %add3A_62 = arith.addi %mul3A_37, %add3A_61 : i32
        %get3A_63 = arith.index_cast %add3A_62 : i32 to index
        %get3A_64 = arith.index_cast %mul3A_22 : i32 to index
        %get3A_65 = tpu.vector_load %arg6[%get3A_63, %get3A_64] {strides = array<i32>} : memref<64x256xf32, #tpu.memory_space<vmem>>, vector<1x16xf32>,
        %get3A_66 = vector.shape_cast %get3A_65 : vector<1x16xf32> to vector<16xf32>
        %mul3A_67 = arith.constant 1.250000e-01 : f32
        %mul3A_68 = vector.broadcast %mul3A_67 : f32 to vector<16xf32>
        %mul3A_69 = arith.mulf %get3A_66, %mul3A_68 : vector<16xf32>
        %abs3A_70 = math.absf %mul3A_69 : vector<16xf32>
        %mul3A_71 = arith.mulf %abs3A_70, %scan3A_28 : vector<16xf32>
        %add3A_72 = arith.addi %mul3A_2, %mul3A_37 : i32
        %add3A_73 = arith.constant 1 : i32
        %add3A_74 = arith.addi %add3A_72, %add3A_73 : i32
        %sub3A_75 = arith.constant 63 : i32
        %sub3A_76 = arith.subi %sub3A_75, %add3A_74 : i32
        %max3A_77 = arith.constant 0 : i32
        %max3A_78 = arith.maxsi %sub3A_76, %max3A_77 : i32
        %convert_element_type3A_79 = arith.sitofp %max3A_78 : i32 to f32
        %neg3A_80 = arith.constant 0.000000e+00 : f32
        %neg3A_81 = vector.broadcast %neg3A_80 : f32 to vector<16xf32>
        %neg3A_82 = arith.subf %neg3A_81, %mul3A_71 : vector<16xf32>
        %exp3A_83 = math.exp %neg3A_82 : vector<16xf32>
        %neg3A_84 = arith.constant 0.000000e+00 : f32
        %neg3A_85 = arith.subf %neg3A_84, %convert_element_type3A_79 : f32
        %mul3A_86 = vector.broadcast %neg3A_85 : f32 to vector<16xf32>
        %mul3A_87 = arith.mulf %exp3A_83, %mul3A_86 : vector<16xf32>
        %broadcast_in_dim3A_88 = arith.constant 0.000000e+00 : f32
        %broadcast_in_dim3A_89 = vector.broadcast %broadcast_in_dim3A_88 : f32 to vector<16xf32>
        %add3A_90 = arith.constant 2 : i32
        %add3A_91 = arith.addi %mul3A_37, %add3A_90 : i32
        %get3A_92 = arith.index_cast %add3A_91 : i32 to index
        %get3A_93 = arith.index_cast %mul3A_22 : i32 to index
        %get3A_94 = tpu.vector_load %arg6[%get3A_92, %get3A_93] {strides = array<i32>} : memref<64x256xf32, #tpu.memory_space<vmem>>, vector<1x16xf32>,
        %get3A_95 = vector.shape_cast %get3A_94 : vector<1x16xf32> to vector<16xf32>
        %mul3A_96 = arith.constant 1.250000e-01 : f32
        %mul3A_97 = vector.broadcast %mul3A_96 : f32 to vector<16xf32>
        %mul3A_98 = arith.mulf %get3A_95, %mul3A_97 : vector<16xf32>
        %abs3A_99 = math.absf %mul3A_98 : vector<16xf32>
        %mul3A_100 = arith.mulf %abs3A_99, %scan3A_28 : vector<16xf32>
        %add3A_101 = arith.addi %mul3A_2, %mul3A_37 : i32
        %add3A_102 = arith.constant 2 : i32
        %add3A_103 = arith.addi %add3A_101, %add3A_102 : i32
        %sub3A_104 = arith.constant 63 : i32
        %sub3A_105 = arith.subi %sub3A_104, %add3A_103 : i32
        %max3A_106 = arith.constant 0 : i32
        %max3A_107 = arith.maxsi %sub3A_105, %max3A_106 : i32
        %convert_element_type3A_108 = arith.sitofp %max3A_107 : i32 to f32
        %neg3A_109 = arith.constant 0.000000e+00 : f32
        %neg3A_110 = vector.broadcast %neg3A_109 : f32 to vector<16xf32>
        %neg3A_111 = arith.subf %neg3A_110, %mul3A_100 : vector<16xf32>
        %exp3A_112 = math.exp %neg3A_111 : vector<16xf32>
        %neg3A_113 = arith.constant 0.000000e+00 : f32
        %neg3A_114 = arith.subf %neg3A_113, %convert_element_type3A_108 : f32
        %mul3A_115 = vector.broadcast %neg3A_114 : f32 to vector<16xf32>
        %mul3A_116 = arith.mulf %exp3A_112, %mul3A_115 : vector<16xf32>
        %broadcast_in_dim3A_117 = arith.constant 0.000000e+00 : f32
        %broadcast_in_dim3A_118 = vector.broadcast %broadcast_in_dim3A_117 : f32 to vector<16xf32>
        %add3A_119 = arith.constant 3 : i32
        %add3A_120 = arith.addi %mul3A_37, %add3A_119 : i32
        %get3A_121 = arith.index_cast %add3A_120 : i32 to index
        %get3A_122 = arith.index_cast %mul3A_22 : i32 to index
        %get3A_123 = tpu.vector_load %arg6[%get3A_121, %get3A_122] {strides = array<i32>} : memref<64x256xf32, #tpu.memory_space<vmem>>, vector<1x16xf32>,
        %get3A_124 = vector.shape_cast %get3A_123 : vector<1x16xf32> to vector<16xf32>
        %mul3A_125 = arith.constant 1.250000e-01 : f32
        %mul3A_126 = vector.broadcast %mul3A_125 : f32 to vector<16xf32>
        %mul3A_127 = arith.mulf %get3A_124, %mul3A_126 : vector<16xf32>
        %abs3A_128 = math.absf %mul3A_127 : vector<16xf32>
        %mul3A_129 = arith.mulf %abs3A_128, %scan3A_28 : vector<16xf32>
        %add3A_130 = arith.addi %mul3A_2, %mul3A_37 : i32
        %add3A_131 = arith.constant 3 : i32
        %add3A_132 = arith.addi %add3A_130, %add3A_131 : i32
        %sub3A_133 = arith.constant 63 : i32
        %sub3A_134 = arith.subi %sub3A_133, %add3A_132 : i32
        %max3A_135 = arith.constant 0 : i32
        %max3A_136 = arith.maxsi %sub3A_134, %max3A_135 : i32
        %convert_element_type3A_137 = arith.sitofp %max3A_136 : i32 to f32
        %neg3A_138 = arith.constant 0.000000e+00 : f32
        %neg3A_139 = vector.broadcast %neg3A_138 : f32 to vector<16xf32>
        %neg3A_140 = arith.subf %neg3A_139, %mul3A_129 : vector<16xf32>
        %exp3A_141 = math.exp %neg3A_140 : vector<16xf32>
        %neg3A_142 = arith.constant 0.000000e+00 : f32
        %neg3A_143 = arith.subf %neg3A_142, %convert_element_type3A_137 : f32
        %mul3A_144 = vector.broadcast %neg3A_143 : f32 to vector<16xf32>
        %mul3A_145 = arith.mulf %exp3A_141, %mul3A_144 : vector<16xf32>
        %broadcast_in_dim3A_146 = arith.constant 0.000000e+00 : f32
        %broadcast_in_dim3A_147 = vector.broadcast %broadcast_in_dim3A_146 : f32 to vector<16xf32>
        %add3A_148 = arith.constant 0 : i32
        %add3A_149 = arith.addi %mul3A_37, %add3A_148 : i32
        %add3A_150 = arith.constant 1 : i32
        %add3A_151 = arith.addi %add3A_149, %add3A_150 : i32
        %get3A_152 = arith.index_cast %add3A_151 : i32 to index
        %get3A_153 = arith.index_cast %mul3A_22 : i32 to index
        %get3A_154 = tpu.vector_load %arg7[%get3A_152, %get3A_153] {strides = array<i32>} : memref<128x256xf32, #tpu.memory_space<vmem>>, vector<1x16xf32>,
        %get3A_155 = vector.shape_cast %get3A_154 : vector<1x16xf32> to vector<16xf32>
        %add3A_156 = arith.constant 0 : i32
        %add3A_157 = arith.addi %mul3A_37, %add3A_156 : i32
        %add3A_158 = arith.constant 1 : i32
        %add3A_159 = arith.addi %add3A_157, %add3A_158 : i32
        %get3A_160 = arith.index_cast %add3A_159 : i32 to index
        %get3A_161 = arith.index_cast %mul3A_22 : i32 to index
        %get3A_162 = tpu.vector_load %arg8[%get3A_160, %get3A_161] {strides = array<i32>} : memref<128x256xf32, #tpu.memory_space<vmem>>, vector<1x16xf32>,
        %get3A_163 = vector.shape_cast %get3A_162 : vector<1x16xf32> to vector<16xf32>
        %mul3A_164 = arith.mulf %mul3A_45, %get3A_155 : vector<16xf32>
        %sub3A_165 = arith.subf %mul3A_164, %mul3A_46 : vector<16xf32>
        %exp3A_166 = math.exp %sub3A_165 : vector<16xf32>
        %add3A_167 = arith.addf %mul3A_58, %exp3A_166 : vector<16xf32>
        %mul3A_168 = arith.mulf %exp3A_166, %get3A_163 : vector<16xf32>
        %add3A_169 = arith.addf %broadcast_in_dim3A_60, %mul3A_168 : vector<16xf32>
        %add3A_170 = arith.constant 1 : i32
        %add3A_171 = arith.addi %mul3A_37, %add3A_170 : i32
        %add3A_172 = arith.constant 1 : i32
        %add3A_173 = arith.addi %add3A_171, %add3A_172 : i32
        %get3A_174 = arith.index_cast %add3A_173 : i32 to index
        %get3A_175 = arith.index_cast %mul3A_22 : i32 to index
        %get3A_176 = tpu.vector_load %arg7[%get3A_174, %get3A_175] {strides = array<i32>} : memref<128x256xf32, #tpu.memory_space<vmem>>, vector<1x16xf32>,
        %get3A_177 = vector.shape_cast %get3A_176 : vector<1x16xf32> to vector<16xf32>
        %add3A_178 = arith.constant 1 : i32
        %add3A_179 = arith.addi %mul3A_37, %add3A_178 : i32
        %add3A_180 = arith.constant 1 : i32
        %add3A_181 = arith.addi %add3A_179, %add3A_180 : i32
        %get3A_182 = arith.index_cast %add3A_181 : i32 to index
        %get3A_183 = arith.index_cast %mul3A_22 : i32 to index
        %get3A_184 = tpu.vector_load %arg8[%get3A_182, %get3A_183] {strides = array<i32>} : memref<128x256xf32, #tpu.memory_space<vmem>>, vector<1x16xf32>,
        %get3A_185 = vector.shape_cast %get3A_184 : vector<1x16xf32> to vector<16xf32>
        %mul3A_186 = arith.mulf %mul3A_45, %get3A_177 : vector<16xf32>
        %sub3A_187 = arith.subf %mul3A_186, %mul3A_46 : vector<16xf32>
        %exp3A_188 = math.exp %sub3A_187 : vector<16xf32>
        %add3A_189 = arith.addf %add3A_167, %exp3A_188 : vector<16xf32>
        %mul3A_190 = arith.mulf %exp3A_188, %get3A_185 : vector<16xf32>
        %add3A_191 = arith.addf %add3A_169, %mul3A_190 : vector<16xf32>
        %mul3A_192 = arith.mulf %mul3A_69, %get3A_177 : vector<16xf32>
        %sub3A_193 = arith.subf %mul3A_192, %mul3A_71 : vector<16xf32>
        %exp3A_194 = math.exp %sub3A_193 : vector<16xf32>
        %add3A_195 = arith.addf %mul3A_87, %exp3A_194 : vector<16xf32>
        %mul3A_196 = arith.mulf %exp3A_194, %get3A_185 : vector<16xf32>
        %add3A_197 = arith.addf %broadcast_in_dim3A_89, %mul3A_196 : vector<16xf32>
        %add3A_198 = arith.constant 2 : i32
        %add3A_199 = arith.addi %mul3A_37, %add3A_198 : i32
        %add3A_200 = arith.constant 1 : i32
        %add3A_201 = arith.addi %add3A_199, %add3A_200 : i32
        %get3A_202 = arith.index_cast %add3A_201 : i32 to index
        %get3A_203 = arith.index_cast %mul3A_22 : i32 to index
        %get3A_204 = tpu.vector_load %arg7[%get3A_202, %get3A_203] {strides = array<i32>} : memref<128x256xf32, #tpu.memory_space<vmem>>, vector<1x16xf32>,
        %get3A_205 = vector.shape_cast %get3A_204 : vector<1x16xf32> to vector<16xf32>
        %add3A_206 = arith.constant 2 : i32
        %add3A_207 = arith.addi %mul3A_37, %add3A_206 : i32
        %add3A_208 = arith.constant 1 : i32
        %add3A_209 = arith.addi %add3A_207, %add3A_208 : i32
        %get3A_210 = arith.index_cast %add3A_209 : i32 to index
        %get3A_211 = arith.index_cast %mul3A_22 : i32 to index
        %get3A_212 = tpu.vector_load %arg8[%get3A_210, %get3A_211] {strides = array<i32>} : memref<128x256xf32, #tpu.memory_space<vmem>>, vector<1x16xf32>,
        %get3A_213 = vector.shape_cast %get3A_212 : vector<1x16xf32> to vector<16xf32>
        %mul3A_214 = arith.mulf %mul3A_45, %get3A_205 : vector<16xf32>
        %sub3A_215 = arith.subf %mul3A_214, %mul3A_46 : vector<16xf32>
        %exp3A_216 = math.exp %sub3A_215 : vector<16xf32>
        %add3A_217 = arith.addf %add3A_189, %exp3A_216 : vector<16xf32>
        %mul3A_218 = arith.mulf %exp3A_216, %get3A_213 : vector<16xf32>
        %add3A_219 = arith.addf %add3A_191, %mul3A_218 : vector<16xf32>
        %mul3A_220 = arith.mulf %mul3A_69, %get3A_205 : vector<16xf32>
        %sub3A_221 = arith.subf %mul3A_220, %mul3A_71 : vector<16xf32>
        %exp3A_222 = math.exp %sub3A_221 : vector<16xf32>
        %add3A_223 = arith.addf %add3A_195, %exp3A_222 : vector<16xf32>
        %mul3A_224 = arith.mulf %exp3A_222, %get3A_213 : vector<16xf32>
        %add3A_225 = arith.addf %add3A_197, %mul3A_224 : vector<16xf32>
        %mul3A_226 = arith.mulf %mul3A_98, %get3A_205 : vector<16xf32>
        %sub3A_227 = arith.subf %mul3A_226, %mul3A_100 : vector<16xf32>
        %exp3A_228 = math.exp %sub3A_227 : vector<16xf32>
        %add3A_229 = arith.addf %mul3A_116, %exp3A_228 : vector<16xf32>
        %mul3A_230 = arith.mulf %exp3A_228, %get3A_213 : vector<16xf32>
        %add3A_231 = arith.addf %broadcast_in_dim3A_118, %mul3A_230 : vector<16xf32>
        %add3A_232 = arith.constant 3 : i32
        %add3A_233 = arith.addi %mul3A_37, %add3A_232 : i32
        %add3A_234 = arith.constant 1 : i32
        %add3A_235 = arith.addi %add3A_233, %add3A_234 : i32
        %get3A_236 = arith.index_cast %add3A_235 : i32 to index
        %get3A_237 = arith.index_cast %mul3A_22 : i32 to index
        %get3A_238 = tpu.vector_load %arg7[%get3A_236, %get3A_237] {strides = array<i32>} : memref<128x256xf32, #tpu.memory_space<vmem>>, vector<1x16xf32>,
        %get3A_239 = vector.shape_cast %get3A_238 : vector<1x16xf32> to vector<16xf32>
        %add3A_240 = arith.constant 3 : i32
        %add3A_241 = arith.addi %mul3A_37, %add3A_240 : i32
        %add3A_242 = arith.constant 1 : i32
        %add3A_243 = arith.addi %add3A_241, %add3A_242 : i32
        %get3A_244 = arith.index_cast %add3A_243 : i32 to index
        %get3A_245 = arith.index_cast %mul3A_22 : i32 to index
        %get3A_246 = tpu.vector_load %arg8[%get3A_244, %get3A_245] {strides = array<i32>} : memref<128x256xf32, #tpu.memory_space<vmem>>, vector<1x16xf32>,
        %get3A_247 = vector.shape_cast %get3A_246 : vector<1x16xf32> to vector<16xf32>
        %mul3A_248 = arith.mulf %mul3A_45, %get3A_239 : vector<16xf32>
        %sub3A_249 = arith.subf %mul3A_248, %mul3A_46 : vector<16xf32>
        %exp3A_250 = math.exp %sub3A_249 : vector<16xf32>
        %add3A_251 = arith.addf %add3A_217, %exp3A_250 : vector<16xf32>
        %mul3A_252 = arith.mulf %exp3A_250, %get3A_247 : vector<16xf32>
        %add3A_253 = arith.addf %add3A_219, %mul3A_252 : vector<16xf32>
        %mul3A_254 = arith.mulf %mul3A_69, %get3A_239 : vector<16xf32>
        %sub3A_255 = arith.subf %mul3A_254, %mul3A_71 : vector<16xf32>
        %exp3A_256 = math.exp %sub3A_255 : vector<16xf32>
        %add3A_257 = arith.addf %add3A_223, %exp3A_256 : vector<16xf32>
        %mul3A_258 = arith.mulf %exp3A_256, %get3A_247 : vector<16xf32>
        %add3A_259 = arith.addf %add3A_225, %mul3A_258 : vector<16xf32>
        %mul3A_260 = arith.mulf %mul3A_98, %get3A_239 : vector<16xf32>
        %sub3A_261 = arith.subf %mul3A_260, %mul3A_100 : vector<16xf32>
        %exp3A_262 = math.exp %sub3A_261 : vector<16xf32>
        %add3A_263 = arith.addf %add3A_229, %exp3A_262 : vector<16xf32>
        %mul3A_264 = arith.mulf %exp3A_262, %get3A_247 : vector<16xf32>
        %add3A_265 = arith.addf %add3A_231, %mul3A_264 : vector<16xf32>
        %mul3A_266 = arith.mulf %mul3A_127, %get3A_239 : vector<16xf32>
        %sub3A_267 = arith.subf %mul3A_266, %mul3A_129 : vector<16xf32>
        %exp3A_268 = math.exp %sub3A_267 : vector<16xf32>
        %add3A_269 = arith.addf %mul3A_145, %exp3A_268 : vector<16xf32>
        %mul3A_270 = arith.mulf %exp3A_268, %get3A_247 : vector<16xf32>
        %add3A_271 = arith.addf %broadcast_in_dim3A_147, %mul3A_270 : vector<16xf32>
        %add3A_272 = arith.constant 4 : i32
        %add3A_273 = arith.addi %mul3A_37, %add3A_272 : i32
        %add3A_274 = arith.constant 1 : i32
        %add3A_275 = arith.addi %add3A_273, %add3A_274 : i32
        %get3A_276 = arith.index_cast %add3A_275 : i32 to index
        %get3A_277 = arith.index_cast %mul3A_22 : i32 to index
        %get3A_278 = tpu.vector_load %arg7[%get3A_276, %get3A_277] {strides = array<i32>} : memref<128x256xf32, #tpu.memory_space<vmem>>, vector<1x16xf32>,
        %get3A_279 = vector.shape_cast %get3A_278 : vector<1x16xf32> to vector<16xf32>
        %add3A_280 = arith.constant 4 : i32
        %add3A_281 = arith.addi %mul3A_37, %add3A_280 : i32
        %add3A_282 = arith.constant 1 : i32
        %add3A_283 = arith.addi %add3A_281, %add3A_282 : i32
        %get3A_284 = arith.index_cast %add3A_283 : i32 to index
        %get3A_285 = arith.index_cast %mul3A_22 : i32 to index
        %get3A_286 = tpu.vector_load %arg8[%get3A_284, %get3A_285] {strides = array<i32>} : memref<128x256xf32, #tpu.memory_space<vmem>>, vector<1x16xf32>,
        %get3A_287 = vector.shape_cast %get3A_286 : vector<1x16xf32> to vector<16xf32>
        %mul3A_288 = arith.mulf %mul3A_45, %get3A_279 : vector<16xf32>
        %sub3A_289 = arith.subf %mul3A_288, %mul3A_46 : vector<16xf32>
        %exp3A_290 = math.exp %sub3A_289 : vector<16xf32>
        %add3A_291 = arith.addf %add3A_251, %exp3A_290 : vector<16xf32>
        %mul3A_292 = arith.mulf %exp3A_290, %get3A_287 : vector<16xf32>
        %add3A_293 = arith.addf %add3A_253, %mul3A_292 : vector<16xf32>
        %mul3A_294 = arith.mulf %mul3A_69, %get3A_279 : vector<16xf32>
        %sub3A_295 = arith.subf %mul3A_294, %mul3A_71 : vector<16xf32>
        %exp3A_296 = math.exp %sub3A_295 : vector<16xf32>
        %add3A_297 = arith.addf %add3A_257, %exp3A_296 : vector<16xf32>
        %mul3A_298 = arith.mulf %exp3A_296, %get3A_287 : vector<16xf32>
        %add3A_299 = arith.addf %add3A_259, %mul3A_298 : vector<16xf32>
        %mul3A_300 = arith.mulf %mul3A_98, %get3A_279 : vector<16xf32>
        %sub3A_301 = arith.subf %mul3A_300, %mul3A_100 : vector<16xf32>
        %exp3A_302 = math.exp %sub3A_301 : vector<16xf32>
        %add3A_303 = arith.addf %add3A_263, %exp3A_302 : vector<16xf32>
        %mul3A_304 = arith.mulf %exp3A_302, %get3A_287 : vector<16xf32>
        %add3A_305 = arith.addf %add3A_265, %mul3A_304 : vector<16xf32>
        %mul3A_306 = arith.mulf %mul3A_127, %get3A_279 : vector<16xf32>
        %sub3A_307 = arith.subf %mul3A_306, %mul3A_129 : vector<16xf32>
        %exp3A_308 = math.exp %sub3A_307 : vector<16xf32>
        %add3A_309 = arith.addf %add3A_269, %exp3A_308 : vector<16xf32>
        %mul3A_310 = arith.mulf %exp3A_308, %get3A_287 : vector<16xf32>
        %add3A_311 = arith.addf %add3A_271, %mul3A_310 : vector<16xf32>
        %add3A_312 = arith.constant 5 : i32
        %add3A_313 = arith.addi %mul3A_37, %add3A_312 : i32
        %add3A_314 = arith.constant 1 : i32
        %add3A_315 = arith.addi %add3A_313, %add3A_314 : i32
        %get3A_316 = arith.index_cast %add3A_315 : i32 to index
        %get3A_317 = arith.index_cast %mul3A_22 : i32 to index
        %get3A_318 = tpu.vector_load %arg7[%get3A_316, %get3A_317] {strides = array<i32>} : memref<128x256xf32, #tpu.memory_space<vmem>>, vector<1x16xf32>,
        %get3A_319 = vector.shape_cast %get3A_318 : vector<1x16xf32> to vector<16xf32>
        %add3A_320 = arith.constant 5 : i32
        %add3A_321 = arith.addi %mul3A_37, %add3A_320 : i32
        %add3A_322 = arith.constant 1 : i32
        %add3A_323 = arith.addi %add3A_321, %add3A_322 : i32
        %get3A_324 = arith.index_cast %add3A_323 : i32 to index
        %get3A_325 = arith.index_cast %mul3A_22 : i32 to index
        %get3A_326 = tpu.vector_load %arg8[%get3A_324, %get3A_325] {strides = array<i32>} : memref<128x256xf32, #tpu.memory_space<vmem>>, vector<1x16xf32>,
        %get3A_327 = vector.shape_cast %get3A_326 : vector<1x16xf32> to vector<16xf32>
        %mul3A_328 = arith.mulf %mul3A_45, %get3A_319 : vector<16xf32>
        %sub3A_329 = arith.subf %mul3A_328, %mul3A_46 : vector<16xf32>
        %exp3A_330 = math.exp %sub3A_329 : vector<16xf32>
        %add3A_331 = arith.addf %add3A_291, %exp3A_330 : vector<16xf32>
        %mul3A_332 = arith.mulf %exp3A_330, %get3A_327 : vector<16xf32>
        %add3A_333 = arith.addf %add3A_293, %mul3A_332 : vector<16xf32>
        %mul3A_334 = arith.mulf %mul3A_69, %get3A_319 : vector<16xf32>
        %sub3A_335 = arith.subf %mul3A_334, %mul3A_71 : vector<16xf32>
        %exp3A_336 = math.exp %sub3A_335 : vector<16xf32>
        %add3A_337 = arith.addf %add3A_297, %exp3A_336 : vector<16xf32>
        %mul3A_338 = arith.mulf %exp3A_336, %get3A_327 : vector<16xf32>
        %add3A_339 = arith.addf %add3A_299, %mul3A_338 : vector<16xf32>
        %mul3A_340 = arith.mulf %mul3A_98, %get3A_319 : vector<16xf32>
        %sub3A_341 = arith.subf %mul3A_340, %mul3A_100 : vector<16xf32>
        %exp3A_342 = math.exp %sub3A_341 : vector<16xf32>
        %add3A_343 = arith.addf %add3A_303, %exp3A_342 : vector<16xf32>
        %mul3A_344 = arith.mulf %exp3A_342, %get3A_327 : vector<16xf32>
        %add3A_345 = arith.addf %add3A_305, %mul3A_344 : vector<16xf32>
        %mul3A_346 = arith.mulf %mul3A_127, %get3A_319 : vector<16xf32>
        %sub3A_347 = arith.subf %mul3A_346, %mul3A_129 : vector<16xf32>
        %exp3A_348 = math.exp %sub3A_347 : vector<16xf32>
        %add3A_349 = arith.addf %add3A_309, %exp3A_348 : vector<16xf32>
        %mul3A_350 = arith.mulf %exp3A_348, %get3A_327 : vector<16xf32>
        %add3A_351 = arith.addf %add3A_311, %mul3A_350 : vector<16xf32>
        %add3A_352 = arith.constant 6 : i32
        %add3A_353 = arith.addi %mul3A_37, %add3A_352 : i32
        %add3A_354 = arith.constant 1 : i32
        %add3A_355 = arith.addi %add3A_353, %add3A_354 : i32
        %get3A_356 = arith.index_cast %add3A_355 : i32 to index
        %get3A_357 = arith.index_cast %mul3A_22 : i32 to index
        %get3A_358 = tpu.vector_load %arg7[%get3A_356, %get3A_357] {strides = array<i32>} : memref<128x256xf32, #tpu.memory_space<vmem>>, vector<1x16xf32>,
        %get3A_359 = vector.shape_cast %get3A_358 : vector<1x16xf32> to vector<16xf32>
        %add3A_360 = arith.constant 6 : i32
        %add3A_361 = arith.addi %mul3A_37, %add3A_360 : i32
        %add3A_362 = arith.constant 1 : i32
        %add3A_363 = arith.addi %add3A_361, %add3A_362 : i32
        %get3A_364 = arith.index_cast %add3A_363 : i32 to index
        %get3A_365 = arith.index_cast %mul3A_22 : i32 to index
        %get3A_366 = tpu.vector_load %arg8[%get3A_364, %get3A_365] {strides = array<i32>} : memref<128x256xf32, #tpu.memory_space<vmem>>, vector<1x16xf32>,
        %get3A_367 = vector.shape_cast %get3A_366 : vector<1x16xf32> to vector<16xf32>
        %mul3A_368 = arith.mulf %mul3A_45, %get3A_359 : vector<16xf32>
        %sub3A_369 = arith.subf %mul3A_368, %mul3A_46 : vector<16xf32>
        %exp3A_370 = math.exp %sub3A_369 : vector<16xf32>
        %add3A_371 = arith.addf %add3A_331, %exp3A_370 : vector<16xf32>
        %mul3A_372 = arith.mulf %exp3A_370, %get3A_367 : vector<16xf32>
        %add3A_373 = arith.addf %add3A_333, %mul3A_372 : vector<16xf32>
        %mul3A_374 = arith.mulf %mul3A_69, %get3A_359 : vector<16xf32>
        %sub3A_375 = arith.subf %mul3A_374, %mul3A_71 : vector<16xf32>
        %exp3A_376 = math.exp %sub3A_375 : vector<16xf32>
        %add3A_377 = arith.addf %add3A_337, %exp3A_376 : vector<16xf32>
        %mul3A_378 = arith.mulf %exp3A_376, %get3A_367 : vector<16xf32>
        %add3A_379 = arith.addf %add3A_339, %mul3A_378 : vector<16xf32>
        %mul3A_380 = arith.mulf %mul3A_98, %get3A_359 : vector<16xf32>
        %sub3A_381 = arith.subf %mul3A_380, %mul3A_100 : vector<16xf32>
        %exp3A_382 = math.exp %sub3A_381 : vector<16xf32>
        %add3A_383 = arith.addf %add3A_343, %exp3A_382 : vector<16xf32>
        %mul3A_384 = arith.mulf %exp3A_382, %get3A_367 : vector<16xf32>
        %add3A_385 = arith.addf %add3A_345, %mul3A_384 : vector<16xf32>
        %mul3A_386 = arith.mulf %mul3A_127, %get3A_359 : vector<16xf32>
        %sub3A_387 = arith.subf %mul3A_386, %mul3A_129 : vector<16xf32>
        %exp3A_388 = math.exp %sub3A_387 : vector<16xf32>
        %add3A_389 = arith.addf %add3A_349, %exp3A_388 : vector<16xf32>
        %mul3A_390 = arith.mulf %exp3A_388, %get3A_367 : vector<16xf32>
        %add3A_391 = arith.addf %add3A_351, %mul3A_390 : vector<16xf32>
        %add3A_392 = arith.constant 7 : i32
        %add3A_393 = arith.addi %mul3A_37, %add3A_392 : i32
        %add3A_394 = arith.constant 1 : i32
        %add3A_395 = arith.addi %add3A_393, %add3A_394 : i32
        %get3A_396 = arith.index_cast %add3A_395 : i32 to index
        %get3A_397 = arith.index_cast %mul3A_22 : i32 to index
        %get3A_398 = tpu.vector_load %arg7[%get3A_396, %get3A_397] {strides = array<i32>} : memref<128x256xf32, #tpu.memory_space<vmem>>, vector<1x16xf32>,
        %get3A_399 = vector.shape_cast %get3A_398 : vector<1x16xf32> to vector<16xf32>
        %add3A_400 = arith.constant 7 : i32
        %add3A_401 = arith.addi %mul3A_37, %add3A_400 : i32
        %add3A_402 = arith.constant 1 : i32
        %add3A_403 = arith.addi %add3A_401, %add3A_402 : i32
        %get3A_404 = arith.index_cast %add3A_403 : i32 to index
        %get3A_405 = arith.index_cast %mul3A_22 : i32 to index
        %get3A_406 = tpu.vector_load %arg8[%get3A_404, %get3A_405] {strides = array<i32>} : memref<128x256xf32, #tpu.memory_space<vmem>>, vector<1x16xf32>,
        %get3A_407 = vector.shape_cast %get3A_406 : vector<1x16xf32> to vector<16xf32>
        %mul3A_408 = arith.mulf %mul3A_45, %get3A_399 : vector<16xf32>
        %sub3A_409 = arith.subf %mul3A_408, %mul3A_46 : vector<16xf32>
        %exp3A_410 = math.exp %sub3A_409 : vector<16xf32>
        %add3A_411 = arith.addf %add3A_371, %exp3A_410 : vector<16xf32>
        %mul3A_412 = arith.mulf %exp3A_410, %get3A_407 : vector<16xf32>
        %add3A_413 = arith.addf %add3A_373, %mul3A_412 : vector<16xf32>
        %mul3A_414 = arith.mulf %mul3A_69, %get3A_399 : vector<16xf32>
        %sub3A_415 = arith.subf %mul3A_414, %mul3A_71 : vector<16xf32>
        %exp3A_416 = math.exp %sub3A_415 : vector<16xf32>
        %add3A_417 = arith.addf %add3A_377, %exp3A_416 : vector<16xf32>
        %mul3A_418 = arith.mulf %exp3A_416, %get3A_407 : vector<16xf32>
        %add3A_419 = arith.addf %add3A_379, %mul3A_418 : vector<16xf32>
        %mul3A_420 = arith.mulf %mul3A_98, %get3A_399 : vector<16xf32>
        %sub3A_421 = arith.subf %mul3A_420, %mul3A_100 : vector<16xf32>
        %exp3A_422 = math.exp %sub3A_421 : vector<16xf32>
        %add3A_423 = arith.addf %add3A_383, %exp3A_422 : vector<16xf32>
        %mul3A_424 = arith.mulf %exp3A_422, %get3A_407 : vector<16xf32>
        %add3A_425 = arith.addf %add3A_385, %mul3A_424 : vector<16xf32>
        %mul3A_426 = arith.mulf %mul3A_127, %get3A_399 : vector<16xf32>
        %sub3A_427 = arith.subf %mul3A_426, %mul3A_129 : vector<16xf32>
        %exp3A_428 = math.exp %sub3A_427 : vector<16xf32>
        %add3A_429 = arith.addf %add3A_389, %exp3A_428 : vector<16xf32>
        %mul3A_430 = arith.mulf %exp3A_428, %get3A_407 : vector<16xf32>
        %add3A_431 = arith.addf %add3A_391, %mul3A_430 : vector<16xf32>
        %add3A_432 = arith.constant 8 : i32
        %add3A_433 = arith.addi %mul3A_37, %add3A_432 : i32
        %add3A_434 = arith.constant 1 : i32
        %add3A_435 = arith.addi %add3A_433, %add3A_434 : i32
        %get3A_436 = arith.index_cast %add3A_435 : i32 to index
        %get3A_437 = arith.index_cast %mul3A_22 : i32 to index
        %get3A_438 = tpu.vector_load %arg7[%get3A_436, %get3A_437] {strides = array<i32>} : memref<128x256xf32, #tpu.memory_space<vmem>>, vector<1x16xf32>,
        %get3A_439 = vector.shape_cast %get3A_438 : vector<1x16xf32> to vector<16xf32>
        %add3A_440 = arith.constant 8 : i32
        %add3A_441 = arith.addi %mul3A_37, %add3A_440 : i32
        %add3A_442 = arith.constant 1 : i32
        %add3A_443 = arith.addi %add3A_441, %add3A_442 : i32
        %get3A_444 = arith.index_cast %add3A_443 : i32 to index
        %get3A_445 = arith.index_cast %mul3A_22 : i32 to index
        %get3A_446 = tpu.vector_load %arg8[%get3A_444, %get3A_445] {strides = array<i32>} : memref<128x256xf32, #tpu.memory_space<vmem>>, vector<1x16xf32>,
        %get3A_447 = vector.shape_cast %get3A_446 : vector<1x16xf32> to vector<16xf32>
        %mul3A_448 = arith.mulf %mul3A_45, %get3A_439 : vector<16xf32>
        %sub3A_449 = arith.subf %mul3A_448, %mul3A_46 : vector<16xf32>
        %exp3A_450 = math.exp %sub3A_449 : vector<16xf32>
        %add3A_451 = arith.addf %add3A_411, %exp3A_450 : vector<16xf32>
        %mul3A_452 = arith.mulf %exp3A_450, %get3A_447 : vector<16xf32>
        %add3A_453 = arith.addf %add3A_413, %mul3A_452 : vector<16xf32>
        %mul3A_454 = arith.mulf %mul3A_69, %get3A_439 : vector<16xf32>
        %sub3A_455 = arith.subf %mul3A_454, %mul3A_71 : vector<16xf32>
        %exp3A_456 = math.exp %sub3A_455 : vector<16xf32>
        %add3A_457 = arith.addf %add3A_417, %exp3A_456 : vector<16xf32>
        %mul3A_458 = arith.mulf %exp3A_456, %get3A_447 : vector<16xf32>
        %add3A_459 = arith.addf %add3A_419, %mul3A_458 : vector<16xf32>
        %mul3A_460 = arith.mulf %mul3A_98, %get3A_439 : vector<16xf32>
        %sub3A_461 = arith.subf %mul3A_460, %mul3A_100 : vector<16xf32>
        %exp3A_462 = math.exp %sub3A_461 : vector<16xf32>
        %add3A_463 = arith.addf %add3A_423, %exp3A_462 : vector<16xf32>
        %mul3A_464 = arith.mulf %exp3A_462, %get3A_447 : vector<16xf32>
        %add3A_465 = arith.addf %add3A_425, %mul3A_464 : vector<16xf32>
        %mul3A_466 = arith.mulf %mul3A_127, %get3A_439 : vector<16xf32>
        %sub3A_467 = arith.subf %mul3A_466, %mul3A_129 : vector<16xf32>
        %exp3A_468 = math.exp %sub3A_467 : vector<16xf32>
        %add3A_469 = arith.addf %add3A_429, %exp3A_468 : vector<16xf32>
        %mul3A_470 = arith.mulf %exp3A_468, %get3A_447 : vector<16xf32>
        %add3A_471 = arith.addf %add3A_431, %mul3A_470 : vector<16xf32>
        %add3A_472 = arith.constant 9 : i32
        %add3A_473 = arith.addi %mul3A_37, %add3A_472 : i32
        %add3A_474 = arith.constant 1 : i32
        %add3A_475 = arith.addi %add3A_473, %add3A_474 : i32
        %get3A_476 = arith.index_cast %add3A_475 : i32 to index
        %get3A_477 = arith.index_cast %mul3A_22 : i32 to index
        %get3A_478 = tpu.vector_load %arg7[%get3A_476, %get3A_477] {strides = array<i32>} : memref<128x256xf32, #tpu.memory_space<vmem>>, vector<1x16xf32>,
        %get3A_479 = vector.shape_cast %get3A_478 : vector<1x16xf32> to vector<16xf32>
        %add3A_480 = arith.constant 9 : i32
        %add3A_481 = arith.addi %mul3A_37, %add3A_480 : i32
        %add3A_482 = arith.constant 1 : i32
        %add3A_483 = arith.addi %add3A_481, %add3A_482 : i32
        %get3A_484 = arith.index_cast %add3A_483 : i32 to index
        %get3A_485 = arith.index_cast %mul3A_22 : i32 to index
        %get3A_486 = tpu.vector_load %arg8[%get3A_484, %get3A_485] {strides = array<i32>} : memref<128x256xf32, #tpu.memory_space<vmem>>, vector<1x16xf32>,
        %get3A_487 = vector.shape_cast %get3A_486 : vector<1x16xf32> to vector<16xf32>
        %mul3A_488 = arith.mulf %mul3A_45, %get3A_479 : vector<16xf32>
        %sub3A_489 = arith.subf %mul3A_488, %mul3A_46 : vector<16xf32>
        %exp3A_490 = math.exp %sub3A_489 : vector<16xf32>
        %add3A_491 = arith.addf %add3A_451, %exp3A_490 : vector<16xf32>
        %mul3A_492 = arith.mulf %exp3A_490, %get3A_487 : vector<16xf32>
        %add3A_493 = arith.addf %add3A_453, %mul3A_492 : vector<16xf32>
        %mul3A_494 = arith.mulf %mul3A_69, %get3A_479 : vector<16xf32>
        %sub3A_495 = arith.subf %mul3A_494, %mul3A_71 : vector<16xf32>
        %exp3A_496 = math.exp %sub3A_495 : vector<16xf32>
        %add3A_497 = arith.addf %add3A_457, %exp3A_496 : vector<16xf32>
        %mul3A_498 = arith.mulf %exp3A_496, %get3A_487 : vector<16xf32>
        %add3A_499 = arith.addf %add3A_459, %mul3A_498 : vector<16xf32>
        %mul3A_500 = arith.mulf %mul3A_98, %get3A_479 : vector<16xf32>
        %sub3A_501 = arith.subf %mul3A_500, %mul3A_100 : vector<16xf32>
        %exp3A_502 = math.exp %sub3A_501 : vector<16xf32>
        %add3A_503 = arith.addf %add3A_463, %exp3A_502 : vector<16xf32>
        %mul3A_504 = arith.mulf %exp3A_502, %get3A_487 : vector<16xf32>
        %add3A_505 = arith.addf %add3A_465, %mul3A_504 : vector<16xf32>
        %mul3A_506 = arith.mulf %mul3A_127, %get3A_479 : vector<16xf32>
        %sub3A_507 = arith.subf %mul3A_506, %mul3A_129 : vector<16xf32>
        %exp3A_508 = math.exp %sub3A_507 : vector<16xf32>
        %add3A_509 = arith.addf %add3A_469, %exp3A_508 : vector<16xf32>
        %mul3A_510 = arith.mulf %exp3A_508, %get3A_487 : vector<16xf32>
        %add3A_511 = arith.addf %add3A_471, %mul3A_510 : vector<16xf32>
        %add3A_512 = arith.constant 10 : i32
        %add3A_513 = arith.addi %mul3A_37, %add3A_512 : i32
        %add3A_514 = arith.constant 1 : i32
        %add3A_515 = arith.addi %add3A_513, %add3A_514 : i32
        %get3A_516 = arith.index_cast %add3A_515 : i32 to index
        %get3A_517 = arith.index_cast %mul3A_22 : i32 to index
        %get3A_518 = tpu.vector_load %arg7[%get3A_516, %get3A_517] {strides = array<i32>} : memref<128x256xf32, #tpu.memory_space<vmem>>, vector<1x16xf32>,
        %get3A_519 = vector.shape_cast %get3A_518 : vector<1x16xf32> to vector<16xf32>
        %add3A_520 = arith.constant 10 : i32
        %add3A_521 = arith.addi %mul3A_37, %add3A_520 : i32
        %add3A_522 = arith.constant 1 : i32
        %add3A_523 = arith.addi %add3A_521, %add3A_522 : i32
        %get3A_524 = arith.index_cast %add3A_523 : i32 to index
        %get3A_525 = arith.index_cast %mul3A_22 : i32 to index
        %get3A_526 = tpu.vector_load %arg8[%get3A_524, %get3A_525] {strides = array<i32>} : memref<128x256xf32, #tpu.memory_space<vmem>>, vector<1x16xf32>,
        %get3A_527 = vector.shape_cast %get3A_526 : vector<1x16xf32> to vector<16xf32>
        %mul3A_528 = arith.mulf %mul3A_45, %get3A_519 : vector<16xf32>
        %sub3A_529 = arith.subf %mul3A_528, %mul3A_46 : vector<16xf32>
        %exp3A_530 = math.exp %sub3A_529 : vector<16xf32>
        %add3A_531 = arith.addf %add3A_491, %exp3A_530 : vector<16xf32>
        %mul3A_532 = arith.mulf %exp3A_530, %get3A_527 : vector<16xf32>
        %add3A_533 = arith.addf %add3A_493, %mul3A_532 : vector<16xf32>
        %mul3A_534 = arith.mulf %mul3A_69, %get3A_519 : vector<16xf32>
        %sub3A_535 = arith.subf %mul3A_534, %mul3A_71 : vector<16xf32>
        %exp3A_536 = math.exp %sub3A_535 : vector<16xf32>
        %add3A_537 = arith.addf %add3A_497, %exp3A_536 : vector<16xf32>
        %mul3A_538 = arith.mulf %exp3A_536, %get3A_527 : vector<16xf32>
        %add3A_539 = arith.addf %add3A_499, %mul3A_538 : vector<16xf32>
        %mul3A_540 = arith.mulf %mul3A_98, %get3A_519 : vector<16xf32>
        %sub3A_541 = arith.subf %mul3A_540, %mul3A_100 : vector<16xf32>
        %exp3A_542 = math.exp %sub3A_541 : vector<16xf32>
        %add3A_543 = arith.addf %add3A_503, %exp3A_542 : vector<16xf32>
        %mul3A_544 = arith.mulf %exp3A_542, %get3A_527 : vector<16xf32>
        %add3A_545 = arith.addf %add3A_505, %mul3A_544 : vector<16xf32>
        %mul3A_546 = arith.mulf %mul3A_127, %get3A_519 : vector<16xf32>
        %sub3A_547 = arith.subf %mul3A_546, %mul3A_129 : vector<16xf32>
        %exp3A_548 = math.exp %sub3A_547 : vector<16xf32>
        %add3A_549 = arith.addf %add3A_509, %exp3A_548 : vector<16xf32>
        %mul3A_550 = arith.mulf %exp3A_548, %get3A_527 : vector<16xf32>
        %add3A_551 = arith.addf %add3A_511, %mul3A_550 : vector<16xf32>
        %add3A_552 = arith.constant 11 : i32
        %add3A_553 = arith.addi %mul3A_37, %add3A_552 : i32
        %add3A_554 = arith.constant 1 : i32
        %add3A_555 = arith.addi %add3A_553, %add3A_554 : i32
        %get3A_556 = arith.index_cast %add3A_555 : i32 to index
        %get3A_557 = arith.index_cast %mul3A_22 : i32 to index
        %get3A_558 = tpu.vector_load %arg7[%get3A_556, %get3A_557] {strides = array<i32>} : memref<128x256xf32, #tpu.memory_space<vmem>>, vector<1x16xf32>,
        %get3A_559 = vector.shape_cast %get3A_558 : vector<1x16xf32> to vector<16xf32>
        %add3A_560 = arith.constant 11 : i32
        %add3A_561 = arith.addi %mul3A_37, %add3A_560 : i32
        %add3A_562 = arith.constant 1 : i32
        %add3A_563 = arith.addi %add3A_561, %add3A_562 : i32
        %get3A_564 = arith.index_cast %add3A_563 : i32 to index
        %get3A_565 = arith.index_cast %mul3A_22 : i32 to index
        %get3A_566 = tpu.vector_load %arg8[%get3A_564, %get3A_565] {strides = array<i32>} : memref<128x256xf32, #tpu.memory_space<vmem>>, vector<1x16xf32>,
        %get3A_567 = vector.shape_cast %get3A_566 : vector<1x16xf32> to vector<16xf32>
        %mul3A_568 = arith.mulf %mul3A_45, %get3A_559 : vector<16xf32>
        %sub3A_569 = arith.subf %mul3A_568, %mul3A_46 : vector<16xf32>
        %exp3A_570 = math.exp %sub3A_569 : vector<16xf32>
        %add3A_571 = arith.addf %add3A_531, %exp3A_570 : vector<16xf32>
        %mul3A_572 = arith.mulf %exp3A_570, %get3A_567 : vector<16xf32>
        %add3A_573 = arith.addf %add3A_533, %mul3A_572 : vector<16xf32>
        %mul3A_574 = arith.mulf %mul3A_69, %get3A_559 : vector<16xf32>
        %sub3A_575 = arith.subf %mul3A_574, %mul3A_71 : vector<16xf32>
        %exp3A_576 = math.exp %sub3A_575 : vector<16xf32>
        %add3A_577 = arith.addf %add3A_537, %exp3A_576 : vector<16xf32>
        %mul3A_578 = arith.mulf %exp3A_576, %get3A_567 : vector<16xf32>
        %add3A_579 = arith.addf %add3A_539, %mul3A_578 : vector<16xf32>
        %mul3A_580 = arith.mulf %mul3A_98, %get3A_559 : vector<16xf32>
        %sub3A_581 = arith.subf %mul3A_580, %mul3A_100 : vector<16xf32>
        %exp3A_582 = math.exp %sub3A_581 : vector<16xf32>
        %add3A_583 = arith.addf %add3A_543, %exp3A_582 : vector<16xf32>
        %mul3A_584 = arith.mulf %exp3A_582, %get3A_567 : vector<16xf32>
        %add3A_585 = arith.addf %add3A_545, %mul3A_584 : vector<16xf32>
        %mul3A_586 = arith.mulf %mul3A_127, %get3A_559 : vector<16xf32>
        %sub3A_587 = arith.subf %mul3A_586, %mul3A_129 : vector<16xf32>
        %exp3A_588 = math.exp %sub3A_587 : vector<16xf32>
        %add3A_589 = arith.addf %add3A_549, %exp3A_588 : vector<16xf32>
        %mul3A_590 = arith.mulf %exp3A_588, %get3A_567 : vector<16xf32>
        %add3A_591 = arith.addf %add3A_551, %mul3A_590 : vector<16xf32>
        %add3A_592 = arith.constant 12 : i32
        %add3A_593 = arith.addi %mul3A_37, %add3A_592 : i32
        %add3A_594 = arith.constant 1 : i32
        %add3A_595 = arith.addi %add3A_593, %add3A_594 : i32
        %get3A_596 = arith.index_cast %add3A_595 : i32 to index
        %get3A_597 = arith.index_cast %mul3A_22 : i32 to index
        %get3A_598 = tpu.vector_load %arg7[%get3A_596, %get3A_597] {strides = array<i32>} : memref<128x256xf32, #tpu.memory_space<vmem>>, vector<1x16xf32>,
        %get3A_599 = vector.shape_cast %get3A_598 : vector<1x16xf32> to vector<16xf32>
        %add3A_600 = arith.constant 12 : i32
        %add3A_601 = arith.addi %mul3A_37, %add3A_600 : i32
        %add3A_602 = arith.constant 1 : i32
        %add3A_603 = arith.addi %add3A_601, %add3A_602 : i32
        %get3A_604 = arith.index_cast %add3A_603 : i32 to index
        %get3A_605 = arith.index_cast %mul3A_22 : i32 to index
        %get3A_606 = tpu.vector_load %arg8[%get3A_604, %get3A_605] {strides = array<i32>} : memref<128x256xf32, #tpu.memory_space<vmem>>, vector<1x16xf32>,
        %get3A_607 = vector.shape_cast %get3A_606 : vector<1x16xf32> to vector<16xf32>
        %mul3A_608 = arith.mulf %mul3A_45, %get3A_599 : vector<16xf32>
        %sub3A_609 = arith.subf %mul3A_608, %mul3A_46 : vector<16xf32>
        %exp3A_610 = math.exp %sub3A_609 : vector<16xf32>
        %add3A_611 = arith.addf %add3A_571, %exp3A_610 : vector<16xf32>
        %mul3A_612 = arith.mulf %exp3A_610, %get3A_607 : vector<16xf32>
        %add3A_613 = arith.addf %add3A_573, %mul3A_612 : vector<16xf32>
        %mul3A_614 = arith.mulf %mul3A_69, %get3A_599 : vector<16xf32>
        %sub3A_615 = arith.subf %mul3A_614, %mul3A_71 : vector<16xf32>
        %exp3A_616 = math.exp %sub3A_615 : vector<16xf32>
        %add3A_617 = arith.addf %add3A_577, %exp3A_616 : vector<16xf32>
        %mul3A_618 = arith.mulf %exp3A_616, %get3A_607 : vector<16xf32>
        %add3A_619 = arith.addf %add3A_579, %mul3A_618 : vector<16xf32>
        %mul3A_620 = arith.mulf %mul3A_98, %get3A_599 : vector<16xf32>
        %sub3A_621 = arith.subf %mul3A_620, %mul3A_100 : vector<16xf32>
        %exp3A_622 = math.exp %sub3A_621 : vector<16xf32>
        %add3A_623 = arith.addf %add3A_583, %exp3A_622 : vector<16xf32>
        %mul3A_624 = arith.mulf %exp3A_622, %get3A_607 : vector<16xf32>
        %add3A_625 = arith.addf %add3A_585, %mul3A_624 : vector<16xf32>
        %mul3A_626 = arith.mulf %mul3A_127, %get3A_599 : vector<16xf32>
        %sub3A_627 = arith.subf %mul3A_626, %mul3A_129 : vector<16xf32>
        %exp3A_628 = math.exp %sub3A_627 : vector<16xf32>
        %add3A_629 = arith.addf %add3A_589, %exp3A_628 : vector<16xf32>
        %mul3A_630 = arith.mulf %exp3A_628, %get3A_607 : vector<16xf32>
        %add3A_631 = arith.addf %add3A_591, %mul3A_630 : vector<16xf32>
        %add3A_632 = arith.constant 13 : i32
        %add3A_633 = arith.addi %mul3A_37, %add3A_632 : i32
        %add3A_634 = arith.constant 1 : i32
        %add3A_635 = arith.addi %add3A_633, %add3A_634 : i32
        %get3A_636 = arith.index_cast %add3A_635 : i32 to index
        %get3A_637 = arith.index_cast %mul3A_22 : i32 to index
        %get3A_638 = tpu.vector_load %arg7[%get3A_636, %get3A_637] {strides = array<i32>} : memref<128x256xf32, #tpu.memory_space<vmem>>, vector<1x16xf32>,
        %get3A_639 = vector.shape_cast %get3A_638 : vector<1x16xf32> to vector<16xf32>
        %add3A_640 = arith.constant 13 : i32
        %add3A_641 = arith.addi %mul3A_37, %add3A_640 : i32
        %add3A_642 = arith.constant 1 : i32
        %add3A_643 = arith.addi %add3A_641, %add3A_642 : i32
        %get3A_644 = arith.index_cast %add3A_643 : i32 to index
        %get3A_645 = arith.index_cast %mul3A_22 : i32 to index
        %get3A_646 = tpu.vector_load %arg8[%get3A_644, %get3A_645] {strides = array<i32>} : memref<128x256xf32, #tpu.memory_space<vmem>>, vector<1x16xf32>,
        %get3A_647 = vector.shape_cast %get3A_646 : vector<1x16xf32> to vector<16xf32>
        %mul3A_648 = arith.mulf %mul3A_45, %get3A_639 : vector<16xf32>
        %sub3A_649 = arith.subf %mul3A_648, %mul3A_46 : vector<16xf32>
        %exp3A_650 = math.exp %sub3A_649 : vector<16xf32>
        %add3A_651 = arith.addf %add3A_611, %exp3A_650 : vector<16xf32>
        %mul3A_652 = arith.mulf %exp3A_650, %get3A_647 : vector<16xf32>
        %add3A_653 = arith.addf %add3A_613, %mul3A_652 : vector<16xf32>
        %mul3A_654 = arith.mulf %mul3A_69, %get3A_639 : vector<16xf32>
        %sub3A_655 = arith.subf %mul3A_654, %mul3A_71 : vector<16xf32>
        %exp3A_656 = math.exp %sub3A_655 : vector<16xf32>
        %add3A_657 = arith.addf %add3A_617, %exp3A_656 : vector<16xf32>
        %mul3A_658 = arith.mulf %exp3A_656, %get3A_647 : vector<16xf32>
        %add3A_659 = arith.addf %add3A_619, %mul3A_658 : vector<16xf32>
        %mul3A_660 = arith.mulf %mul3A_98, %get3A_639 : vector<16xf32>
        %sub3A_661 = arith.subf %mul3A_660, %mul3A_100 : vector<16xf32>
        %exp3A_662 = math.exp %sub3A_661 : vector<16xf32>
        %add3A_663 = arith.addf %add3A_623, %exp3A_662 : vector<16xf32>
        %mul3A_664 = arith.mulf %exp3A_662, %get3A_647 : vector<16xf32>
        %add3A_665 = arith.addf %add3A_625, %mul3A_664 : vector<16xf32>
        %mul3A_666 = arith.mulf %mul3A_127, %get3A_639 : vector<16xf32>
        %sub3A_667 = arith.subf %mul3A_666, %mul3A_129 : vector<16xf32>
        %exp3A_668 = math.exp %sub3A_667 : vector<16xf32>
        %add3A_669 = arith.addf %add3A_629, %exp3A_668 : vector<16xf32>
        %mul3A_670 = arith.mulf %exp3A_668, %get3A_647 : vector<16xf32>
        %add3A_671 = arith.addf %add3A_631, %mul3A_670 : vector<16xf32>
        %add3A_672 = arith.constant 14 : i32
        %add3A_673 = arith.addi %mul3A_37, %add3A_672 : i32
        %add3A_674 = arith.constant 1 : i32
        %add3A_675 = arith.addi %add3A_673, %add3A_674 : i32
        %get3A_676 = arith.index_cast %add3A_675 : i32 to index
        %get3A_677 = arith.index_cast %mul3A_22 : i32 to index
        %get3A_678 = tpu.vector_load %arg7[%get3A_676, %get3A_677] {strides = array<i32>} : memref<128x256xf32, #tpu.memory_space<vmem>>, vector<1x16xf32>,
        %get3A_679 = vector.shape_cast %get3A_678 : vector<1x16xf32> to vector<16xf32>
        %add3A_680 = arith.constant 14 : i32
        %add3A_681 = arith.addi %mul3A_37, %add3A_680 : i32
        %add3A_682 = arith.constant 1 : i32
        %add3A_683 = arith.addi %add3A_681, %add3A_682 : i32
        %get3A_684 = arith.index_cast %add3A_683 : i32 to index
        %get3A_685 = arith.index_cast %mul3A_22 : i32 to index
        %get3A_686 = tpu.vector_load %arg8[%get3A_684, %get3A_685] {strides = array<i32>} : memref<128x256xf32, #tpu.memory_space<vmem>>, vector<1x16xf32>,
        %get3A_687 = vector.shape_cast %get3A_686 : vector<1x16xf32> to vector<16xf32>
        %mul3A_688 = arith.mulf %mul3A_45, %get3A_679 : vector<16xf32>
        %sub3A_689 = arith.subf %mul3A_688, %mul3A_46 : vector<16xf32>
        %exp3A_690 = math.exp %sub3A_689 : vector<16xf32>
        %add3A_691 = arith.addf %add3A_651, %exp3A_690 : vector<16xf32>
        %mul3A_692 = arith.mulf %exp3A_690, %get3A_687 : vector<16xf32>
        %add3A_693 = arith.addf %add3A_653, %mul3A_692 : vector<16xf32>
        %mul3A_694 = arith.mulf %mul3A_69, %get3A_679 : vector<16xf32>
        %sub3A_695 = arith.subf %mul3A_694, %mul3A_71 : vector<16xf32>
        %exp3A_696 = math.exp %sub3A_695 : vector<16xf32>
        %add3A_697 = arith.addf %add3A_657, %exp3A_696 : vector<16xf32>
        %mul3A_698 = arith.mulf %exp3A_696, %get3A_687 : vector<16xf32>
        %add3A_699 = arith.addf %add3A_659, %mul3A_698 : vector<16xf32>
        %mul3A_700 = arith.mulf %mul3A_98, %get3A_679 : vector<16xf32>
        %sub3A_701 = arith.subf %mul3A_700, %mul3A_100 : vector<16xf32>
        %exp3A_702 = math.exp %sub3A_701 : vector<16xf32>
        %add3A_703 = arith.addf %add3A_663, %exp3A_702 : vector<16xf32>
        %mul3A_704 = arith.mulf %exp3A_702, %get3A_687 : vector<16xf32>
        %add3A_705 = arith.addf %add3A_665, %mul3A_704 : vector<16xf32>
        %mul3A_706 = arith.mulf %mul3A_127, %get3A_679 : vector<16xf32>
        %sub3A_707 = arith.subf %mul3A_706, %mul3A_129 : vector<16xf32>
        %exp3A_708 = math.exp %sub3A_707 : vector<16xf32>
        %add3A_709 = arith.addf %add3A_669, %exp3A_708 : vector<16xf32>
        %mul3A_710 = arith.mulf %exp3A_708, %get3A_687 : vector<16xf32>
        %add3A_711 = arith.addf %add3A_671, %mul3A_710 : vector<16xf32>
        %add3A_712 = arith.constant 15 : i32
        %add3A_713 = arith.addi %mul3A_37, %add3A_712 : i32
        %add3A_714 = arith.constant 1 : i32
        %add3A_715 = arith.addi %add3A_713, %add3A_714 : i32
        %get3A_716 = arith.index_cast %add3A_715 : i32 to index
        %get3A_717 = arith.index_cast %mul3A_22 : i32 to index
        %get3A_718 = tpu.vector_load %arg7[%get3A_716, %get3A_717] {strides = array<i32>} : memref<128x256xf32, #tpu.memory_space<vmem>>, vector<1x16xf32>,
        %get3A_719 = vector.shape_cast %get3A_718 : vector<1x16xf32> to vector<16xf32>
        %add3A_720 = arith.constant 15 : i32
        %add3A_721 = arith.addi %mul3A_37, %add3A_720 : i32
        %add3A_722 = arith.constant 1 : i32
        %add3A_723 = arith.addi %add3A_721, %add3A_722 : i32
        %get3A_724 = arith.index_cast %add3A_723 : i32 to index
        %get3A_725 = arith.index_cast %mul3A_22 : i32 to index
        %get3A_726 = tpu.vector_load %arg8[%get3A_724, %get3A_725] {strides = array<i32>} : memref<128x256xf32, #tpu.memory_space<vmem>>, vector<1x16xf32>,
        %get3A_727 = vector.shape_cast %get3A_726 : vector<1x16xf32> to vector<16xf32>
        %mul3A_728 = arith.mulf %mul3A_45, %get3A_719 : vector<16xf32>
        %sub3A_729 = arith.subf %mul3A_728, %mul3A_46 : vector<16xf32>
        %exp3A_730 = math.exp %sub3A_729 : vector<16xf32>
        %add3A_731 = arith.addf %add3A_691, %exp3A_730 : vector<16xf32>
        %mul3A_732 = arith.mulf %exp3A_730, %get3A_727 : vector<16xf32>
        %add3A_733 = arith.addf %add3A_693, %mul3A_732 : vector<16xf32>
        %mul3A_734 = arith.mulf %mul3A_69, %get3A_719 : vector<16xf32>
        %sub3A_735 = arith.subf %mul3A_734, %mul3A_71 : vector<16xf32>
        %exp3A_736 = math.exp %sub3A_735 : vector<16xf32>
        %add3A_737 = arith.addf %add3A_697, %exp3A_736 : vector<16xf32>
        %mul3A_738 = arith.mulf %exp3A_736, %get3A_727 : vector<16xf32>
        %add3A_739 = arith.addf %add3A_699, %mul3A_738 : vector<16xf32>
        %mul3A_740 = arith.mulf %mul3A_98, %get3A_719 : vector<16xf32>
        %sub3A_741 = arith.subf %mul3A_740, %mul3A_100 : vector<16xf32>
        %exp3A_742 = math.exp %sub3A_741 : vector<16xf32>
        %add3A_743 = arith.addf %add3A_703, %exp3A_742 : vector<16xf32>
        %mul3A_744 = arith.mulf %exp3A_742, %get3A_727 : vector<16xf32>
        %add3A_745 = arith.addf %add3A_705, %mul3A_744 : vector<16xf32>
        %mul3A_746 = arith.mulf %mul3A_127, %get3A_719 : vector<16xf32>
        %sub3A_747 = arith.subf %mul3A_746, %mul3A_129 : vector<16xf32>
        %exp3A_748 = math.exp %sub3A_747 : vector<16xf32>
        %add3A_749 = arith.addf %add3A_709, %exp3A_748 : vector<16xf32>
        %mul3A_750 = arith.mulf %exp3A_748, %get3A_727 : vector<16xf32>
        %add3A_751 = arith.addf %add3A_711, %mul3A_750 : vector<16xf32>
        %add3A_752 = arith.constant 16 : i32
        %add3A_753 = arith.addi %mul3A_37, %add3A_752 : i32
        %add3A_754 = arith.constant 1 : i32
        %add3A_755 = arith.addi %add3A_753, %add3A_754 : i32
        %get3A_756 = arith.index_cast %add3A_755 : i32 to index
        %get3A_757 = arith.index_cast %mul3A_22 : i32 to index
        %get3A_758 = tpu.vector_load %arg7[%get3A_756, %get3A_757] {strides = array<i32>} : memref<128x256xf32, #tpu.memory_space<vmem>>, vector<1x16xf32>,
        %get3A_759 = vector.shape_cast %get3A_758 : vector<1x16xf32> to vector<16xf32>
        %add3A_760 = arith.constant 16 : i32
        %add3A_761 = arith.addi %mul3A_37, %add3A_760 : i32
        %add3A_762 = arith.constant 1 : i32
        %add3A_763 = arith.addi %add3A_761, %add3A_762 : i32
        %get3A_764 = arith.index_cast %add3A_763 : i32 to index
        %get3A_765 = arith.index_cast %mul3A_22 : i32 to index
        %get3A_766 = tpu.vector_load %arg8[%get3A_764, %get3A_765] {strides = array<i32>} : memref<128x256xf32, #tpu.memory_space<vmem>>, vector<1x16xf32>,
        %get3A_767 = vector.shape_cast %get3A_766 : vector<1x16xf32> to vector<16xf32>
        %mul3A_768 = arith.mulf %mul3A_45, %get3A_759 : vector<16xf32>
        %sub3A_769 = arith.subf %mul3A_768, %mul3A_46 : vector<16xf32>
        %exp3A_770 = math.exp %sub3A_769 : vector<16xf32>
        %add3A_771 = arith.addf %add3A_731, %exp3A_770 : vector<16xf32>
        %mul3A_772 = arith.mulf %exp3A_770, %get3A_767 : vector<16xf32>
        %add3A_773 = arith.addf %add3A_733, %mul3A_772 : vector<16xf32>
        %mul3A_774 = arith.mulf %mul3A_69, %get3A_759 : vector<16xf32>
        %sub3A_775 = arith.subf %mul3A_774, %mul3A_71 : vector<16xf32>
        %exp3A_776 = math.exp %sub3A_775 : vector<16xf32>
        %add3A_777 = arith.addf %add3A_737, %exp3A_776 : vector<16xf32>
        %mul3A_778 = arith.mulf %exp3A_776, %get3A_767 : vector<16xf32>
        %add3A_779 = arith.addf %add3A_739, %mul3A_778 : vector<16xf32>
        %mul3A_780 = arith.mulf %mul3A_98, %get3A_759 : vector<16xf32>
        %sub3A_781 = arith.subf %mul3A_780, %mul3A_100 : vector<16xf32>
        %exp3A_782 = math.exp %sub3A_781 : vector<16xf32>
        %add3A_783 = arith.addf %add3A_743, %exp3A_782 : vector<16xf32>
        %mul3A_784 = arith.mulf %exp3A_782, %get3A_767 : vector<16xf32>
        %add3A_785 = arith.addf %add3A_745, %mul3A_784 : vector<16xf32>
        %mul3A_786 = arith.mulf %mul3A_127, %get3A_759 : vector<16xf32>
        %sub3A_787 = arith.subf %mul3A_786, %mul3A_129 : vector<16xf32>
        %exp3A_788 = math.exp %sub3A_787 : vector<16xf32>
        %add3A_789 = arith.addf %add3A_749, %exp3A_788 : vector<16xf32>
        %mul3A_790 = arith.mulf %exp3A_788, %get3A_767 : vector<16xf32>
        %add3A_791 = arith.addf %add3A_751, %mul3A_790 : vector<16xf32>
        %add3A_792 = arith.constant 17 : i32
        %add3A_793 = arith.addi %mul3A_37, %add3A_792 : i32
        %add3A_794 = arith.constant 1 : i32
        %add3A_795 = arith.addi %add3A_793, %add3A_794 : i32
        %get3A_796 = arith.index_cast %add3A_795 : i32 to index
        %get3A_797 = arith.index_cast %mul3A_22 : i32 to index
        %get3A_798 = tpu.vector_load %arg7[%get3A_796, %get3A_797] {strides = array<i32>} : memref<128x256xf32, #tpu.memory_space<vmem>>, vector<1x16xf32>,
        %get3A_799 = vector.shape_cast %get3A_798 : vector<1x16xf32> to vector<16xf32>
        %add3A_800 = arith.constant 17 : i32
        %add3A_801 = arith.addi %mul3A_37, %add3A_800 : i32
        %add3A_802 = arith.constant 1 : i32
        %add3A_803 = arith.addi %add3A_801, %add3A_802 : i32
        %get3A_804 = arith.index_cast %add3A_803 : i32 to index
        %get3A_805 = arith.index_cast %mul3A_22 : i32 to index
        %get3A_806 = tpu.vector_load %arg8[%get3A_804, %get3A_805] {strides = array<i32>} : memref<128x256xf32, #tpu.memory_space<vmem>>, vector<1x16xf32>,
        %get3A_807 = vector.shape_cast %get3A_806 : vector<1x16xf32> to vector<16xf32>
        %mul3A_808 = arith.mulf %mul3A_45, %get3A_799 : vector<16xf32>
        %sub3A_809 = arith.subf %mul3A_808, %mul3A_46 : vector<16xf32>
        %exp3A_810 = math.exp %sub3A_809 : vector<16xf32>
        %add3A_811 = arith.addf %add3A_771, %exp3A_810 : vector<16xf32>
        %mul3A_812 = arith.mulf %exp3A_810, %get3A_807 : vector<16xf32>
        %add3A_813 = arith.addf %add3A_773, %mul3A_812 : vector<16xf32>
        %mul3A_814 = arith.mulf %mul3A_69, %get3A_799 : vector<16xf32>
        %sub3A_815 = arith.subf %mul3A_814, %mul3A_71 : vector<16xf32>
        %exp3A_816 = math.exp %sub3A_815 : vector<16xf32>
        %add3A_817 = arith.addf %add3A_777, %exp3A_816 : vector<16xf32>
        %mul3A_818 = arith.mulf %exp3A_816, %get3A_807 : vector<16xf32>
        %add3A_819 = arith.addf %add3A_779, %mul3A_818 : vector<16xf32>
        %mul3A_820 = arith.mulf %mul3A_98, %get3A_799 : vector<16xf32>
        %sub3A_821 = arith.subf %mul3A_820, %mul3A_100 : vector<16xf32>
        %exp3A_822 = math.exp %sub3A_821 : vector<16xf32>
        %add3A_823 = arith.addf %add3A_783, %exp3A_822 : vector<16xf32>
        %mul3A_824 = arith.mulf %exp3A_822, %get3A_807 : vector<16xf32>
        %add3A_825 = arith.addf %add3A_785, %mul3A_824 : vector<16xf32>
        %mul3A_826 = arith.mulf %mul3A_127, %get3A_799 : vector<16xf32>
        %sub3A_827 = arith.subf %mul3A_826, %mul3A_129 : vector<16xf32>
        %exp3A_828 = math.exp %sub3A_827 : vector<16xf32>
        %add3A_829 = arith.addf %add3A_789, %exp3A_828 : vector<16xf32>
        %mul3A_830 = arith.mulf %exp3A_828, %get3A_807 : vector<16xf32>
        %add3A_831 = arith.addf %add3A_791, %mul3A_830 : vector<16xf32>
        %add3A_832 = arith.constant 18 : i32
        %add3A_833 = arith.addi %mul3A_37, %add3A_832 : i32
        %add3A_834 = arith.constant 1 : i32
        %add3A_835 = arith.addi %add3A_833, %add3A_834 : i32
        %get3A_836 = arith.index_cast %add3A_835 : i32 to index
        %get3A_837 = arith.index_cast %mul3A_22 : i32 to index
        %get3A_838 = tpu.vector_load %arg7[%get3A_836, %get3A_837] {strides = array<i32>} : memref<128x256xf32, #tpu.memory_space<vmem>>, vector<1x16xf32>,
        %get3A_839 = vector.shape_cast %get3A_838 : vector<1x16xf32> to vector<16xf32>
        %add3A_840 = arith.constant 18 : i32
        %add3A_841 = arith.addi %mul3A_37, %add3A_840 : i32
        %add3A_842 = arith.constant 1 : i32
        %add3A_843 = arith.addi %add3A_841, %add3A_842 : i32
        %get3A_844 = arith.index_cast %add3A_843 : i32 to index
        %get3A_845 = arith.index_cast %mul3A_22 : i32 to index
        %get3A_846 = tpu.vector_load %arg8[%get3A_844, %get3A_845] {strides = array<i32>} : memref<128x256xf32, #tpu.memory_space<vmem>>, vector<1x16xf32>,
        %get3A_847 = vector.shape_cast %get3A_846 : vector<1x16xf32> to vector<16xf32>
        %mul3A_848 = arith.mulf %mul3A_45, %get3A_839 : vector<16xf32>
        %sub3A_849 = arith.subf %mul3A_848, %mul3A_46 : vector<16xf32>
        %exp3A_850 = math.exp %sub3A_849 : vector<16xf32>
        %add3A_851 = arith.addf %add3A_811, %exp3A_850 : vector<16xf32>
        %mul3A_852 = arith.mulf %exp3A_850, %get3A_847 : vector<16xf32>
        %add3A_853 = arith.addf %add3A_813, %mul3A_852 : vector<16xf32>
        %mul3A_854 = arith.mulf %mul3A_69, %get3A_839 : vector<16xf32>
        %sub3A_855 = arith.subf %mul3A_854, %mul3A_71 : vector<16xf32>
        %exp3A_856 = math.exp %sub3A_855 : vector<16xf32>
        %add3A_857 = arith.addf %add3A_817, %exp3A_856 : vector<16xf32>
        %mul3A_858 = arith.mulf %exp3A_856, %get3A_847 : vector<16xf32>
        %add3A_859 = arith.addf %add3A_819, %mul3A_858 : vector<16xf32>
        %mul3A_860 = arith.mulf %mul3A_98, %get3A_839 : vector<16xf32>
        %sub3A_861 = arith.subf %mul3A_860, %mul3A_100 : vector<16xf32>
        %exp3A_862 = math.exp %sub3A_861 : vector<16xf32>
        %add3A_863 = arith.addf %add3A_823, %exp3A_862 : vector<16xf32>
        %mul3A_864 = arith.mulf %exp3A_862, %get3A_847 : vector<16xf32>
        %add3A_865 = arith.addf %add3A_825, %mul3A_864 : vector<16xf32>
        %mul3A_866 = arith.mulf %mul3A_127, %get3A_839 : vector<16xf32>
        %sub3A_867 = arith.subf %mul3A_866, %mul3A_129 : vector<16xf32>
        %exp3A_868 = math.exp %sub3A_867 : vector<16xf32>
        %add3A_869 = arith.addf %add3A_829, %exp3A_868 : vector<16xf32>
        %mul3A_870 = arith.mulf %exp3A_868, %get3A_847 : vector<16xf32>
        %add3A_871 = arith.addf %add3A_831, %mul3A_870 : vector<16xf32>
        %add3A_872 = arith.constant 19 : i32
        %add3A_873 = arith.addi %mul3A_37, %add3A_872 : i32
        %add3A_874 = arith.constant 1 : i32
        %add3A_875 = arith.addi %add3A_873, %add3A_874 : i32
        %get3A_876 = arith.index_cast %add3A_875 : i32 to index
        %get3A_877 = arith.index_cast %mul3A_22 : i32 to index
        %get3A_878 = tpu.vector_load %arg7[%get3A_876, %get3A_877] {strides = array<i32>} : memref<128x256xf32, #tpu.memory_space<vmem>>, vector<1x16xf32>,
        %get3A_879 = vector.shape_cast %get3A_878 : vector<1x16xf32> to vector<16xf32>
        %add3A_880 = arith.constant 19 : i32
        %add3A_881 = arith.addi %mul3A_37, %add3A_880 : i32
        %add3A_882 = arith.constant 1 : i32
        %add3A_883 = arith.addi %add3A_881, %add3A_882 : i32
        %get3A_884 = arith.index_cast %add3A_883 : i32 to index
        %get3A_885 = arith.index_cast %mul3A_22 : i32 to index
        %get3A_886 = tpu.vector_load %arg8[%get3A_884, %get3A_885] {strides = array<i32>} : memref<128x256xf32, #tpu.memory_space<vmem>>, vector<1x16xf32>,
        %get3A_887 = vector.shape_cast %get3A_886 : vector<1x16xf32> to vector<16xf32>
        %mul3A_888 = arith.mulf %mul3A_45, %get3A_879 : vector<16xf32>
        %sub3A_889 = arith.subf %mul3A_888, %mul3A_46 : vector<16xf32>
        %exp3A_890 = math.exp %sub3A_889 : vector<16xf32>
        %add3A_891 = arith.addf %add3A_851, %exp3A_890 : vector<16xf32>
        %mul3A_892 = arith.mulf %exp3A_890, %get3A_887 : vector<16xf32>
        %add3A_893 = arith.addf %add3A_853, %mul3A_892 : vector<16xf32>
        %mul3A_894 = arith.mulf %mul3A_69, %get3A_879 : vector<16xf32>
        %sub3A_895 = arith.subf %mul3A_894, %mul3A_71 : vector<16xf32>
        %exp3A_896 = math.exp %sub3A_895 : vector<16xf32>
        %add3A_897 = arith.addf %add3A_857, %exp3A_896 : vector<16xf32>
        %mul3A_898 = arith.mulf %exp3A_896, %get3A_887 : vector<16xf32>
        %add3A_899 = arith.addf %add3A_859, %mul3A_898 : vector<16xf32>
        %mul3A_900 = arith.mulf %mul3A_98, %get3A_879 : vector<16xf32>
        %sub3A_901 = arith.subf %mul3A_900, %mul3A_100 : vector<16xf32>
        %exp3A_902 = math.exp %sub3A_901 : vector<16xf32>
        %add3A_903 = arith.addf %add3A_863, %exp3A_902 : vector<16xf32>
        %mul3A_904 = arith.mulf %exp3A_902, %get3A_887 : vector<16xf32>
        %add3A_905 = arith.addf %add3A_865, %mul3A_904 : vector<16xf32>
        %mul3A_906 = arith.mulf %mul3A_127, %get3A_879 : vector<16xf32>
        %sub3A_907 = arith.subf %mul3A_906, %mul3A_129 : vector<16xf32>
        %exp3A_908 = math.exp %sub3A_907 : vector<16xf32>
        %add3A_909 = arith.addf %add3A_869, %exp3A_908 : vector<16xf32>
        %mul3A_910 = arith.mulf %exp3A_908, %get3A_887 : vector<16xf32>
        %add3A_911 = arith.addf %add3A_871, %mul3A_910 : vector<16xf32>
        %add3A_912 = arith.constant 20 : i32
        %add3A_913 = arith.addi %mul3A_37, %add3A_912 : i32
        %add3A_914 = arith.constant 1 : i32
        %add3A_915 = arith.addi %add3A_913, %add3A_914 : i32
        %get3A_916 = arith.index_cast %add3A_915 : i32 to index
        %get3A_917 = arith.index_cast %mul3A_22 : i32 to index
        %get3A_918 = tpu.vector_load %arg7[%get3A_916, %get3A_917] {strides = array<i32>} : memref<128x256xf32, #tpu.memory_space<vmem>>, vector<1x16xf32>,
        %get3A_919 = vector.shape_cast %get3A_918 : vector<1x16xf32> to vector<16xf32>
        %add3A_920 = arith.constant 20 : i32
        %add3A_921 = arith.addi %mul3A_37, %add3A_920 : i32
        %add3A_922 = arith.constant 1 : i32
        %add3A_923 = arith.addi %add3A_921, %add3A_922 : i32
        %get3A_924 = arith.index_cast %add3A_923 : i32 to index
        %get3A_925 = arith.index_cast %mul3A_22 : i32 to index
        %get3A_926 = tpu.vector_load %arg8[%get3A_924, %get3A_925] {strides = array<i32>} : memref<128x256xf32, #tpu.memory_space<vmem>>, vector<1x16xf32>,
        %get3A_927 = vector.shape_cast %get3A_926 : vector<1x16xf32> to vector<16xf32>
        %mul3A_928 = arith.mulf %mul3A_45, %get3A_919 : vector<16xf32>
        %sub3A_929 = arith.subf %mul3A_928, %mul3A_46 : vector<16xf32>
        %exp3A_930 = math.exp %sub3A_929 : vector<16xf32>
        %add3A_931 = arith.addf %add3A_891, %exp3A_930 : vector<16xf32>
        %mul3A_932 = arith.mulf %exp3A_930, %get3A_927 : vector<16xf32>
        %add3A_933 = arith.addf %add3A_893, %mul3A_932 : vector<16xf32>
        %mul3A_934 = arith.mulf %mul3A_69, %get3A_919 : vector<16xf32>
        %sub3A_935 = arith.subf %mul3A_934, %mul3A_71 : vector<16xf32>
        %exp3A_936 = math.exp %sub3A_935 : vector<16xf32>
        %add3A_937 = arith.addf %add3A_897, %exp3A_936 : vector<16xf32>
        %mul3A_938 = arith.mulf %exp3A_936, %get3A_927 : vector<16xf32>
        %add3A_939 = arith.addf %add3A_899, %mul3A_938 : vector<16xf32>
        %mul3A_940 = arith.mulf %mul3A_98, %get3A_919 : vector<16xf32>
        %sub3A_941 = arith.subf %mul3A_940, %mul3A_100 : vector<16xf32>
        %exp3A_942 = math.exp %sub3A_941 : vector<16xf32>
        %add3A_943 = arith.addf %add3A_903, %exp3A_942 : vector<16xf32>
        %mul3A_944 = arith.mulf %exp3A_942, %get3A_927 : vector<16xf32>
        %add3A_945 = arith.addf %add3A_905, %mul3A_944 : vector<16xf32>
        %mul3A_946 = arith.mulf %mul3A_127, %get3A_919 : vector<16xf32>
        %sub3A_947 = arith.subf %mul3A_946, %mul3A_129 : vector<16xf32>
        %exp3A_948 = math.exp %sub3A_947 : vector<16xf32>
        %add3A_949 = arith.addf %add3A_909, %exp3A_948 : vector<16xf32>
        %mul3A_950 = arith.mulf %exp3A_948, %get3A_927 : vector<16xf32>
        %add3A_951 = arith.addf %add3A_911, %mul3A_950 : vector<16xf32>
        %add3A_952 = arith.constant 21 : i32
        %add3A_953 = arith.addi %mul3A_37, %add3A_952 : i32
        %add3A_954 = arith.constant 1 : i32
        %add3A_955 = arith.addi %add3A_953, %add3A_954 : i32
        %get3A_956 = arith.index_cast %add3A_955 : i32 to index
        %get3A_957 = arith.index_cast %mul3A_22 : i32 to index
        %get3A_958 = tpu.vector_load %arg7[%get3A_956, %get3A_957] {strides = array<i32>} : memref<128x256xf32, #tpu.memory_space<vmem>>, vector<1x16xf32>,
        %get3A_959 = vector.shape_cast %get3A_958 : vector<1x16xf32> to vector<16xf32>
        %add3A_960 = arith.constant 21 : i32
        %add3A_961 = arith.addi %mul3A_37, %add3A_960 : i32
        %add3A_962 = arith.constant 1 : i32
        %add3A_963 = arith.addi %add3A_961, %add3A_962 : i32
        %get3A_964 = arith.index_cast %add3A_963 : i32 to index
        %get3A_965 = arith.index_cast %mul3A_22 : i32 to index
        %get3A_966 = tpu.vector_load %arg8[%get3A_964, %get3A_965] {strides = array<i32>} : memref<128x256xf32, #tpu.memory_space<vmem>>, vector<1x16xf32>,
        %get3A_967 = vector.shape_cast %get3A_966 : vector<1x16xf32> to vector<16xf32>
        %mul3A_968 = arith.mulf %mul3A_45, %get3A_959 : vector<16xf32>
        %sub3A_969 = arith.subf %mul3A_968, %mul3A_46 : vector<16xf32>
        %exp3A_970 = math.exp %sub3A_969 : vector<16xf32>
        %add3A_971 = arith.addf %add3A_931, %exp3A_970 : vector<16xf32>
        %mul3A_972 = arith.mulf %exp3A_970, %get3A_967 : vector<16xf32>
        %add3A_973 = arith.addf %add3A_933, %mul3A_972 : vector<16xf32>
        %mul3A_974 = arith.mulf %mul3A_69, %get3A_959 : vector<16xf32>
        %sub3A_975 = arith.subf %mul3A_974, %mul3A_71 : vector<16xf32>
        %exp3A_976 = math.exp %sub3A_975 : vector<16xf32>
        %add3A_977 = arith.addf %add3A_937, %exp3A_976 : vector<16xf32>
        %mul3A_978 = arith.mulf %exp3A_976, %get3A_967 : vector<16xf32>
        %add3A_979 = arith.addf %add3A_939, %mul3A_978 : vector<16xf32>
        %mul3A_980 = arith.mulf %mul3A_98, %get3A_959 : vector<16xf32>
        %sub3A_981 = arith.subf %mul3A_980, %mul3A_100 : vector<16xf32>
        %exp3A_982 = math.exp %sub3A_981 : vector<16xf32>
        %add3A_983 = arith.addf %add3A_943, %exp3A_982 : vector<16xf32>
        %mul3A_984 = arith.mulf %exp3A_982, %get3A_967 : vector<16xf32>
        %add3A_985 = arith.addf %add3A_945, %mul3A_984 : vector<16xf32>
        %mul3A_986 = arith.mulf %mul3A_127, %get3A_959 : vector<16xf32>
        %sub3A_987 = arith.subf %mul3A_986, %mul3A_129 : vector<16xf32>
        %exp3A_988 = math.exp %sub3A_987 : vector<16xf32>
        %add3A_989 = arith.addf %add3A_949, %exp3A_988 : vector<16xf32>
        %mul3A_990 = arith.mulf %exp3A_988, %get3A_967 : vector<16xf32>
        %add3A_991 = arith.addf %add3A_951, %mul3A_990 : vector<16xf32>
        %add3A_992 = arith.constant 22 : i32
        %add3A_993 = arith.addi %mul3A_37, %add3A_992 : i32
        %add3A_994 = arith.constant 1 : i32
        %add3A_995 = arith.addi %add3A_993, %add3A_994 : i32
        %get3A_996 = arith.index_cast %add3A_995 : i32 to index
        %get3A_997 = arith.index_cast %mul3A_22 : i32 to index
        %get3A_998 = tpu.vector_load %arg7[%get3A_996, %get3A_997] {strides = array<i32>} : memref<128x256xf32, #tpu.memory_space<vmem>>, vector<1x16xf32>,
        %get3A_999 = vector.shape_cast %get3A_998 : vector<1x16xf32> to vector<16xf32>
        %add3A_1000 = arith.constant 22 : i32
        %add3A_1001 = arith.addi %mul3A_37, %add3A_1000 : i32
        %add3A_1002 = arith.constant 1 : i32
        %add3A_1003 = arith.addi %add3A_1001, %add3A_1002 : i32
        %get3A_1004 = arith.index_cast %add3A_1003 : i32 to index
        %get3A_1005 = arith.index_cast %mul3A_22 : i32 to index
        %get3A_1006 = tpu.vector_load %arg8[%get3A_1004, %get3A_1005] {strides = array<i32>} : memref<128x256xf32, #tpu.memory_space<vmem>>, vector<1x16xf32>,
        %get3A_1007 = vector.shape_cast %get3A_1006 : vector<1x16xf32> to vector<16xf32>
        %mul3A_1008 = arith.mulf %mul3A_45, %get3A_999 : vector<16xf32>
        %sub3A_1009 = arith.subf %mul3A_1008, %mul3A_46 : vector<16xf32>
        %exp3A_1010 = math.exp %sub3A_1009 : vector<16xf32>
        %add3A_1011 = arith.addf %add3A_971, %exp3A_1010 : vector<16xf32>
        %mul3A_1012 = arith.mulf %exp3A_1010, %get3A_1007 : vector<16xf32>
        %add3A_1013 = arith.addf %add3A_973, %mul3A_1012 : vector<16xf32>
        %mul3A_1014 = arith.mulf %mul3A_69, %get3A_999 : vector<16xf32>
        %sub3A_1015 = arith.subf %mul3A_1014, %mul3A_71 : vector<16xf32>
        %exp3A_1016 = math.exp %sub3A_1015 : vector<16xf32>
        %add3A_1017 = arith.addf %add3A_977, %exp3A_1016 : vector<16xf32>
        %mul3A_1018 = arith.mulf %exp3A_1016, %get3A_1007 : vector<16xf32>
        %add3A_1019 = arith.addf %add3A_979, %mul3A_1018 : vector<16xf32>
        %mul3A_1020 = arith.mulf %mul3A_98, %get3A_999 : vector<16xf32>
        %sub3A_1021 = arith.subf %mul3A_1020, %mul3A_100 : vector<16xf32>
        %exp3A_1022 = math.exp %sub3A_1021 : vector<16xf32>
        %add3A_1023 = arith.addf %add3A_983, %exp3A_1022 : vector<16xf32>
        %mul3A_1024 = arith.mulf %exp3A_1022, %get3A_1007 : vector<16xf32>
        %add3A_1025 = arith.addf %add3A_985, %mul3A_1024 : vector<16xf32>
        %mul3A_1026 = arith.mulf %mul3A_127, %get3A_999 : vector<16xf32>
        %sub3A_1027 = arith.subf %mul3A_1026, %mul3A_129 : vector<16xf32>
        %exp3A_1028 = math.exp %sub3A_1027 : vector<16xf32>
        %add3A_1029 = arith.addf %add3A_989, %exp3A_1028 : vector<16xf32>
        %mul3A_1030 = arith.mulf %exp3A_1028, %get3A_1007 : vector<16xf32>
        %add3A_1031 = arith.addf %add3A_991, %mul3A_1030 : vector<16xf32>
        %add3A_1032 = arith.constant 23 : i32
        %add3A_1033 = arith.addi %mul3A_37, %add3A_1032 : i32
        %add3A_1034 = arith.constant 1 : i32
        %add3A_1035 = arith.addi %add3A_1033, %add3A_1034 : i32
        %get3A_1036 = arith.index_cast %add3A_1035 : i32 to index
        %get3A_1037 = arith.index_cast %mul3A_22 : i32 to index
        %get3A_1038 = tpu.vector_load %arg7[%get3A_1036, %get3A_1037] {strides = array<i32>} : memref<128x256xf32, #tpu.memory_space<vmem>>, vector<1x16xf32>,
        %get3A_1039 = vector.shape_cast %get3A_1038 : vector<1x16xf32> to vector<16xf32>
        %add3A_1040 = arith.constant 23 : i32
        %add3A_1041 = arith.addi %mul3A_37, %add3A_1040 : i32
        %add3A_1042 = arith.constant 1 : i32
        %add3A_1043 = arith.addi %add3A_1041, %add3A_1042 : i32
        %get3A_1044 = arith.index_cast %add3A_1043 : i32 to index
        %get3A_1045 = arith.index_cast %mul3A_22 : i32 to index
        %get3A_1046 = tpu.vector_load %arg8[%get3A_1044, %get3A_1045] {strides = array<i32>} : memref<128x256xf32, #tpu.memory_space<vmem>>, vector<1x16xf32>,
        %get3A_1047 = vector.shape_cast %get3A_1046 : vector<1x16xf32> to vector<16xf32>
        %mul3A_1048 = arith.mulf %mul3A_45, %get3A_1039 : vector<16xf32>
        %sub3A_1049 = arith.subf %mul3A_1048, %mul3A_46 : vector<16xf32>
        %exp3A_1050 = math.exp %sub3A_1049 : vector<16xf32>
        %add3A_1051 = arith.addf %add3A_1011, %exp3A_1050 : vector<16xf32>
        %mul3A_1052 = arith.mulf %exp3A_1050, %get3A_1047 : vector<16xf32>
        %add3A_1053 = arith.addf %add3A_1013, %mul3A_1052 : vector<16xf32>
        %mul3A_1054 = arith.mulf %mul3A_69, %get3A_1039 : vector<16xf32>
        %sub3A_1055 = arith.subf %mul3A_1054, %mul3A_71 : vector<16xf32>
        %exp3A_1056 = math.exp %sub3A_1055 : vector<16xf32>
        %add3A_1057 = arith.addf %add3A_1017, %exp3A_1056 : vector<16xf32>
        %mul3A_1058 = arith.mulf %exp3A_1056, %get3A_1047 : vector<16xf32>
        %add3A_1059 = arith.addf %add3A_1019, %mul3A_1058 : vector<16xf32>
        %mul3A_1060 = arith.mulf %mul3A_98, %get3A_1039 : vector<16xf32>
        %sub3A_1061 = arith.subf %mul3A_1060, %mul3A_100 : vector<16xf32>
        %exp3A_1062 = math.exp %sub3A_1061 : vector<16xf32>
        %add3A_1063 = arith.addf %add3A_1023, %exp3A_1062 : vector<16xf32>
        %mul3A_1064 = arith.mulf %exp3A_1062, %get3A_1047 : vector<16xf32>
        %add3A_1065 = arith.addf %add3A_1025, %mul3A_1064 : vector<16xf32>
        %mul3A_1066 = arith.mulf %mul3A_127, %get3A_1039 : vector<16xf32>
        %sub3A_1067 = arith.subf %mul3A_1066, %mul3A_129 : vector<16xf32>
        %exp3A_1068 = math.exp %sub3A_1067 : vector<16xf32>
        %add3A_1069 = arith.addf %add3A_1029, %exp3A_1068 : vector<16xf32>
        %mul3A_1070 = arith.mulf %exp3A_1068, %get3A_1047 : vector<16xf32>
        %add3A_1071 = arith.addf %add3A_1031, %mul3A_1070 : vector<16xf32>
        %add3A_1072 = arith.constant 24 : i32
        %add3A_1073 = arith.addi %mul3A_37, %add3A_1072 : i32
        %add3A_1074 = arith.constant 1 : i32
        %add3A_1075 = arith.addi %add3A_1073, %add3A_1074 : i32
        %get3A_1076 = arith.index_cast %add3A_1075 : i32 to index
        %get3A_1077 = arith.index_cast %mul3A_22 : i32 to index
        %get3A_1078 = tpu.vector_load %arg7[%get3A_1076, %get3A_1077] {strides = array<i32>} : memref<128x256xf32, #tpu.memory_space<vmem>>, vector<1x16xf32>,
        %get3A_1079 = vector.shape_cast %get3A_1078 : vector<1x16xf32> to vector<16xf32>
        %add3A_1080 = arith.constant 24 : i32
        %add3A_1081 = arith.addi %mul3A_37, %add3A_1080 : i32
        %add3A_1082 = arith.constant 1 : i32
        %add3A_1083 = arith.addi %add3A_1081, %add3A_1082 : i32
        %get3A_1084 = arith.index_cast %add3A_1083 : i32 to index
        %get3A_1085 = arith.index_cast %mul3A_22 : i32 to index
        %get3A_1086 = tpu.vector_load %arg8[%get3A_1084, %get3A_1085] {strides = array<i32>} : memref<128x256xf32, #tpu.memory_space<vmem>>, vector<1x16xf32>,
        %get3A_1087 = vector.shape_cast %get3A_1086 : vector<1x16xf32> to vector<16xf32>
        %mul3A_1088 = arith.mulf %mul3A_45, %get3A_1079 : vector<16xf32>
        %sub3A_1089 = arith.subf %mul3A_1088, %mul3A_46 : vector<16xf32>
        %exp3A_1090 = math.exp %sub3A_1089 : vector<16xf32>
        %add3A_1091 = arith.addf %add3A_1051, %exp3A_1090 : vector<16xf32>
        %mul3A_1092 = arith.mulf %exp3A_1090, %get3A_1087 : vector<16xf32>
        %add3A_1093 = arith.addf %add3A_1053, %mul3A_1092 : vector<16xf32>
        %mul3A_1094 = arith.mulf %mul3A_69, %get3A_1079 : vector<16xf32>
        %sub3A_1095 = arith.subf %mul3A_1094, %mul3A_71 : vector<16xf32>
        %exp3A_1096 = math.exp %sub3A_1095 : vector<16xf32>
        %add3A_1097 = arith.addf %add3A_1057, %exp3A_1096 : vector<16xf32>
        %mul3A_1098 = arith.mulf %exp3A_1096, %get3A_1087 : vector<16xf32>
        %add3A_1099 = arith.addf %add3A_1059, %mul3A_1098 : vector<16xf32>
        %mul3A_1100 = arith.mulf %mul3A_98, %get3A_1079 : vector<16xf32>
        %sub3A_1101 = arith.subf %mul3A_1100, %mul3A_100 : vector<16xf32>
        %exp3A_1102 = math.exp %sub3A_1101 : vector<16xf32>
        %add3A_1103 = arith.addf %add3A_1063, %exp3A_1102 : vector<16xf32>
        %mul3A_1104 = arith.mulf %exp3A_1102, %get3A_1087 : vector<16xf32>
        %add3A_1105 = arith.addf %add3A_1065, %mul3A_1104 : vector<16xf32>
        %mul3A_1106 = arith.mulf %mul3A_127, %get3A_1079 : vector<16xf32>
        %sub3A_1107 = arith.subf %mul3A_1106, %mul3A_129 : vector<16xf32>
        %exp3A_1108 = math.exp %sub3A_1107 : vector<16xf32>
        %add3A_1109 = arith.addf %add3A_1069, %exp3A_1108 : vector<16xf32>
        %mul3A_1110 = arith.mulf %exp3A_1108, %get3A_1087 : vector<16xf32>
        %add3A_1111 = arith.addf %add3A_1071, %mul3A_1110 : vector<16xf32>
        %add3A_1112 = arith.constant 25 : i32
        %add3A_1113 = arith.addi %mul3A_37, %add3A_1112 : i32
        %add3A_1114 = arith.constant 1 : i32
        %add3A_1115 = arith.addi %add3A_1113, %add3A_1114 : i32
        %get3A_1116 = arith.index_cast %add3A_1115 : i32 to index
        %get3A_1117 = arith.index_cast %mul3A_22 : i32 to index
        %get3A_1118 = tpu.vector_load %arg7[%get3A_1116, %get3A_1117] {strides = array<i32>} : memref<128x256xf32, #tpu.memory_space<vmem>>, vector<1x16xf32>,
        %get3A_1119 = vector.shape_cast %get3A_1118 : vector<1x16xf32> to vector<16xf32>
        %add3A_1120 = arith.constant 25 : i32
        %add3A_1121 = arith.addi %mul3A_37, %add3A_1120 : i32
        %add3A_1122 = arith.constant 1 : i32
        %add3A_1123 = arith.addi %add3A_1121, %add3A_1122 : i32
        %get3A_1124 = arith.index_cast %add3A_1123 : i32 to index
        %get3A_1125 = arith.index_cast %mul3A_22 : i32 to index
        %get3A_1126 = tpu.vector_load %arg8[%get3A_1124, %get3A_1125] {strides = array<i32>} : memref<128x256xf32, #tpu.memory_space<vmem>>, vector<1x16xf32>,
        %get3A_1127 = vector.shape_cast %get3A_1126 : vector<1x16xf32> to vector<16xf32>
        %mul3A_1128 = arith.mulf %mul3A_45, %get3A_1119 : vector<16xf32>
        %sub3A_1129 = arith.subf %mul3A_1128, %mul3A_46 : vector<16xf32>
        %exp3A_1130 = math.exp %sub3A_1129 : vector<16xf32>
        %add3A_1131 = arith.addf %add3A_1091, %exp3A_1130 : vector<16xf32>
        %mul3A_1132 = arith.mulf %exp3A_1130, %get3A_1127 : vector<16xf32>
        %add3A_1133 = arith.addf %add3A_1093, %mul3A_1132 : vector<16xf32>
        %mul3A_1134 = arith.mulf %mul3A_69, %get3A_1119 : vector<16xf32>
        %sub3A_1135 = arith.subf %mul3A_1134, %mul3A_71 : vector<16xf32>
        %exp3A_1136 = math.exp %sub3A_1135 : vector<16xf32>
        %add3A_1137 = arith.addf %add3A_1097, %exp3A_1136 : vector<16xf32>
        %mul3A_1138 = arith.mulf %exp3A_1136, %get3A_1127 : vector<16xf32>
        %add3A_1139 = arith.addf %add3A_1099, %mul3A_1138 : vector<16xf32>
        %mul3A_1140 = arith.mulf %mul3A_98, %get3A_1119 : vector<16xf32>
        %sub3A_1141 = arith.subf %mul3A_1140, %mul3A_100 : vector<16xf32>
        %exp3A_1142 = math.exp %sub3A_1141 : vector<16xf32>
        %add3A_1143 = arith.addf %add3A_1103, %exp3A_1142 : vector<16xf32>
        %mul3A_1144 = arith.mulf %exp3A_1142, %get3A_1127 : vector<16xf32>
        %add3A_1145 = arith.addf %add3A_1105, %mul3A_1144 : vector<16xf32>
        %mul3A_1146 = arith.mulf %mul3A_127, %get3A_1119 : vector<16xf32>
        %sub3A_1147 = arith.subf %mul3A_1146, %mul3A_129 : vector<16xf32>
        %exp3A_1148 = math.exp %sub3A_1147 : vector<16xf32>
        %add3A_1149 = arith.addf %add3A_1109, %exp3A_1148 : vector<16xf32>
        %mul3A_1150 = arith.mulf %exp3A_1148, %get3A_1127 : vector<16xf32>
        %add3A_1151 = arith.addf %add3A_1111, %mul3A_1150 : vector<16xf32>
        %add3A_1152 = arith.constant 26 : i32
        %add3A_1153 = arith.addi %mul3A_37, %add3A_1152 : i32
        %add3A_1154 = arith.constant 1 : i32
        %add3A_1155 = arith.addi %add3A_1153, %add3A_1154 : i32
        %get3A_1156 = arith.index_cast %add3A_1155 : i32 to index
        %get3A_1157 = arith.index_cast %mul3A_22 : i32 to index
        %get3A_1158 = tpu.vector_load %arg7[%get3A_1156, %get3A_1157] {strides = array<i32>} : memref<128x256xf32, #tpu.memory_space<vmem>>, vector<1x16xf32>,
        %get3A_1159 = vector.shape_cast %get3A_1158 : vector<1x16xf32> to vector<16xf32>
        %add3A_1160 = arith.constant 26 : i32
        %add3A_1161 = arith.addi %mul3A_37, %add3A_1160 : i32
        %add3A_1162 = arith.constant 1 : i32
        %add3A_1163 = arith.addi %add3A_1161, %add3A_1162 : i32
        %get3A_1164 = arith.index_cast %add3A_1163 : i32 to index
        %get3A_1165 = arith.index_cast %mul3A_22 : i32 to index
        %get3A_1166 = tpu.vector_load %arg8[%get3A_1164, %get3A_1165] {strides = array<i32>} : memref<128x256xf32, #tpu.memory_space<vmem>>, vector<1x16xf32>,
        %get3A_1167 = vector.shape_cast %get3A_1166 : vector<1x16xf32> to vector<16xf32>
        %mul3A_1168 = arith.mulf %mul3A_45, %get3A_1159 : vector<16xf32>
        %sub3A_1169 = arith.subf %mul3A_1168, %mul3A_46 : vector<16xf32>
        %exp3A_1170 = math.exp %sub3A_1169 : vector<16xf32>
        %add3A_1171 = arith.addf %add3A_1131, %exp3A_1170 : vector<16xf32>
        %mul3A_1172 = arith.mulf %exp3A_1170, %get3A_1167 : vector<16xf32>
        %add3A_1173 = arith.addf %add3A_1133, %mul3A_1172 : vector<16xf32>
        %mul3A_1174 = arith.mulf %mul3A_69, %get3A_1159 : vector<16xf32>
        %sub3A_1175 = arith.subf %mul3A_1174, %mul3A_71 : vector<16xf32>
        %exp3A_1176 = math.exp %sub3A_1175 : vector<16xf32>
        %add3A_1177 = arith.addf %add3A_1137, %exp3A_1176 : vector<16xf32>
        %mul3A_1178 = arith.mulf %exp3A_1176, %get3A_1167 : vector<16xf32>
        %add3A_1179 = arith.addf %add3A_1139, %mul3A_1178 : vector<16xf32>
        %mul3A_1180 = arith.mulf %mul3A_98, %get3A_1159 : vector<16xf32>
        %sub3A_1181 = arith.subf %mul3A_1180, %mul3A_100 : vector<16xf32>
        %exp3A_1182 = math.exp %sub3A_1181 : vector<16xf32>
        %add3A_1183 = arith.addf %add3A_1143, %exp3A_1182 : vector<16xf32>
        %mul3A_1184 = arith.mulf %exp3A_1182, %get3A_1167 : vector<16xf32>
        %add3A_1185 = arith.addf %add3A_1145, %mul3A_1184 : vector<16xf32>
        %mul3A_1186 = arith.mulf %mul3A_127, %get3A_1159 : vector<16xf32>
        %sub3A_1187 = arith.subf %mul3A_1186, %mul3A_129 : vector<16xf32>
        %exp3A_1188 = math.exp %sub3A_1187 : vector<16xf32>
        %add3A_1189 = arith.addf %add3A_1149, %exp3A_1188 : vector<16xf32>
        %mul3A_1190 = arith.mulf %exp3A_1188, %get3A_1167 : vector<16xf32>
        %add3A_1191 = arith.addf %add3A_1151, %mul3A_1190 : vector<16xf32>
        %add3A_1192 = arith.constant 27 : i32
        %add3A_1193 = arith.addi %mul3A_37, %add3A_1192 : i32
        %add3A_1194 = arith.constant 1 : i32
        %add3A_1195 = arith.addi %add3A_1193, %add3A_1194 : i32
        %get3A_1196 = arith.index_cast %add3A_1195 : i32 to index
        %get3A_1197 = arith.index_cast %mul3A_22 : i32 to index
        %get3A_1198 = tpu.vector_load %arg7[%get3A_1196, %get3A_1197] {strides = array<i32>} : memref<128x256xf32, #tpu.memory_space<vmem>>, vector<1x16xf32>,
        %get3A_1199 = vector.shape_cast %get3A_1198 : vector<1x16xf32> to vector<16xf32>
        %add3A_1200 = arith.constant 27 : i32
        %add3A_1201 = arith.addi %mul3A_37, %add3A_1200 : i32
        %add3A_1202 = arith.constant 1 : i32
        %add3A_1203 = arith.addi %add3A_1201, %add3A_1202 : i32
        %get3A_1204 = arith.index_cast %add3A_1203 : i32 to index
        %get3A_1205 = arith.index_cast %mul3A_22 : i32 to index
        %get3A_1206 = tpu.vector_load %arg8[%get3A_1204, %get3A_1205] {strides = array<i32>} : memref<128x256xf32, #tpu.memory_space<vmem>>, vector<1x16xf32>,
        %get3A_1207 = vector.shape_cast %get3A_1206 : vector<1x16xf32> to vector<16xf32>
        %mul3A_1208 = arith.mulf %mul3A_45, %get3A_1199 : vector<16xf32>
        %sub3A_1209 = arith.subf %mul3A_1208, %mul3A_46 : vector<16xf32>
        %exp3A_1210 = math.exp %sub3A_1209 : vector<16xf32>
        %add3A_1211 = arith.addf %add3A_1171, %exp3A_1210 : vector<16xf32>
        %mul3A_1212 = arith.mulf %exp3A_1210, %get3A_1207 : vector<16xf32>
        %add3A_1213 = arith.addf %add3A_1173, %mul3A_1212 : vector<16xf32>
        %mul3A_1214 = arith.mulf %mul3A_69, %get3A_1199 : vector<16xf32>
        %sub3A_1215 = arith.subf %mul3A_1214, %mul3A_71 : vector<16xf32>
        %exp3A_1216 = math.exp %sub3A_1215 : vector<16xf32>
        %add3A_1217 = arith.addf %add3A_1177, %exp3A_1216 : vector<16xf32>
        %mul3A_1218 = arith.mulf %exp3A_1216, %get3A_1207 : vector<16xf32>
        %add3A_1219 = arith.addf %add3A_1179, %mul3A_1218 : vector<16xf32>
        %mul3A_1220 = arith.mulf %mul3A_98, %get3A_1199 : vector<16xf32>
        %sub3A_1221 = arith.subf %mul3A_1220, %mul3A_100 : vector<16xf32>
        %exp3A_1222 = math.exp %sub3A_1221 : vector<16xf32>
        %add3A_1223 = arith.addf %add3A_1183, %exp3A_1222 : vector<16xf32>
        %mul3A_1224 = arith.mulf %exp3A_1222, %get3A_1207 : vector<16xf32>
        %add3A_1225 = arith.addf %add3A_1185, %mul3A_1224 : vector<16xf32>
        %mul3A_1226 = arith.mulf %mul3A_127, %get3A_1199 : vector<16xf32>
        %sub3A_1227 = arith.subf %mul3A_1226, %mul3A_129 : vector<16xf32>
        %exp3A_1228 = math.exp %sub3A_1227 : vector<16xf32>
        %add3A_1229 = arith.addf %add3A_1189, %exp3A_1228 : vector<16xf32>
        %mul3A_1230 = arith.mulf %exp3A_1228, %get3A_1207 : vector<16xf32>
        %add3A_1231 = arith.addf %add3A_1191, %mul3A_1230 : vector<16xf32>
        %add3A_1232 = arith.constant 28 : i32
        %add3A_1233 = arith.addi %mul3A_37, %add3A_1232 : i32
        %add3A_1234 = arith.constant 1 : i32
        %add3A_1235 = arith.addi %add3A_1233, %add3A_1234 : i32
        %get3A_1236 = arith.index_cast %add3A_1235 : i32 to index
        %get3A_1237 = arith.index_cast %mul3A_22 : i32 to index
        %get3A_1238 = tpu.vector_load %arg7[%get3A_1236, %get3A_1237] {strides = array<i32>} : memref<128x256xf32, #tpu.memory_space<vmem>>, vector<1x16xf32>,
        %get3A_1239 = vector.shape_cast %get3A_1238 : vector<1x16xf32> to vector<16xf32>
        %add3A_1240 = arith.constant 28 : i32
        %add3A_1241 = arith.addi %mul3A_37, %add3A_1240 : i32
        %add3A_1242 = arith.constant 1 : i32
        %add3A_1243 = arith.addi %add3A_1241, %add3A_1242 : i32
        %get3A_1244 = arith.index_cast %add3A_1243 : i32 to index
        %get3A_1245 = arith.index_cast %mul3A_22 : i32 to index
        %get3A_1246 = tpu.vector_load %arg8[%get3A_1244, %get3A_1245] {strides = array<i32>} : memref<128x256xf32, #tpu.memory_space<vmem>>, vector<1x16xf32>,
        %get3A_1247 = vector.shape_cast %get3A_1246 : vector<1x16xf32> to vector<16xf32>
        %mul3A_1248 = arith.mulf %mul3A_45, %get3A_1239 : vector<16xf32>
        %sub3A_1249 = arith.subf %mul3A_1248, %mul3A_46 : vector<16xf32>
        %exp3A_1250 = math.exp %sub3A_1249 : vector<16xf32>
        %add3A_1251 = arith.addf %add3A_1211, %exp3A_1250 : vector<16xf32>
        %mul3A_1252 = arith.mulf %exp3A_1250, %get3A_1247 : vector<16xf32>
        %add3A_1253 = arith.addf %add3A_1213, %mul3A_1252 : vector<16xf32>
        %mul3A_1254 = arith.mulf %mul3A_69, %get3A_1239 : vector<16xf32>
        %sub3A_1255 = arith.subf %mul3A_1254, %mul3A_71 : vector<16xf32>
        %exp3A_1256 = math.exp %sub3A_1255 : vector<16xf32>
        %add3A_1257 = arith.addf %add3A_1217, %exp3A_1256 : vector<16xf32>
        %mul3A_1258 = arith.mulf %exp3A_1256, %get3A_1247 : vector<16xf32>
        %add3A_1259 = arith.addf %add3A_1219, %mul3A_1258 : vector<16xf32>
        %mul3A_1260 = arith.mulf %mul3A_98, %get3A_1239 : vector<16xf32>
        %sub3A_1261 = arith.subf %mul3A_1260, %mul3A_100 : vector<16xf32>
        %exp3A_1262 = math.exp %sub3A_1261 : vector<16xf32>
        %add3A_1263 = arith.addf %add3A_1223, %exp3A_1262 : vector<16xf32>
        %mul3A_1264 = arith.mulf %exp3A_1262, %get3A_1247 : vector<16xf32>
        %add3A_1265 = arith.addf %add3A_1225, %mul3A_1264 : vector<16xf32>
        %mul3A_1266 = arith.mulf %mul3A_127, %get3A_1239 : vector<16xf32>
        %sub3A_1267 = arith.subf %mul3A_1266, %mul3A_129 : vector<16xf32>
        %exp3A_1268 = math.exp %sub3A_1267 : vector<16xf32>
        %add3A_1269 = arith.addf %add3A_1229, %exp3A_1268 : vector<16xf32>
        %mul3A_1270 = arith.mulf %exp3A_1268, %get3A_1247 : vector<16xf32>
        %add3A_1271 = arith.addf %add3A_1231, %mul3A_1270 : vector<16xf32>
        %add3A_1272 = arith.constant 29 : i32
        %add3A_1273 = arith.addi %mul3A_37, %add3A_1272 : i32
        %add3A_1274 = arith.constant 1 : i32
        %add3A_1275 = arith.addi %add3A_1273, %add3A_1274 : i32
        %get3A_1276 = arith.index_cast %add3A_1275 : i32 to index
        %get3A_1277 = arith.index_cast %mul3A_22 : i32 to index
        %get3A_1278 = tpu.vector_load %arg7[%get3A_1276, %get3A_1277] {strides = array<i32>} : memref<128x256xf32, #tpu.memory_space<vmem>>, vector<1x16xf32>,
        %get3A_1279 = vector.shape_cast %get3A_1278 : vector<1x16xf32> to vector<16xf32>
        %add3A_1280 = arith.constant 29 : i32
        %add3A_1281 = arith.addi %mul3A_37, %add3A_1280 : i32
        %add3A_1282 = arith.constant 1 : i32
        %add3A_1283 = arith.addi %add3A_1281, %add3A_1282 : i32
        %get3A_1284 = arith.index_cast %add3A_1283 : i32 to index
        %get3A_1285 = arith.index_cast %mul3A_22 : i32 to index
        %get3A_1286 = tpu.vector_load %arg8[%get3A_1284, %get3A_1285] {strides = array<i32>} : memref<128x256xf32, #tpu.memory_space<vmem>>, vector<1x16xf32>,
        %get3A_1287 = vector.shape_cast %get3A_1286 : vector<1x16xf32> to vector<16xf32>
        %mul3A_1288 = arith.mulf %mul3A_45, %get3A_1279 : vector<16xf32>
        %sub3A_1289 = arith.subf %mul3A_1288, %mul3A_46 : vector<16xf32>
        %exp3A_1290 = math.exp %sub3A_1289 : vector<16xf32>
        %add3A_1291 = arith.addf %add3A_1251, %exp3A_1290 : vector<16xf32>
        %mul3A_1292 = arith.mulf %exp3A_1290, %get3A_1287 : vector<16xf32>
        %add3A_1293 = arith.addf %add3A_1253, %mul3A_1292 : vector<16xf32>
        %mul3A_1294 = arith.mulf %mul3A_69, %get3A_1279 : vector<16xf32>
        %sub3A_1295 = arith.subf %mul3A_1294, %mul3A_71 : vector<16xf32>
        %exp3A_1296 = math.exp %sub3A_1295 : vector<16xf32>
        %add3A_1297 = arith.addf %add3A_1257, %exp3A_1296 : vector<16xf32>
        %mul3A_1298 = arith.mulf %exp3A_1296, %get3A_1287 : vector<16xf32>
        %add3A_1299 = arith.addf %add3A_1259, %mul3A_1298 : vector<16xf32>
        %mul3A_1300 = arith.mulf %mul3A_98, %get3A_1279 : vector<16xf32>
        %sub3A_1301 = arith.subf %mul3A_1300, %mul3A_100 : vector<16xf32>
        %exp3A_1302 = math.exp %sub3A_1301 : vector<16xf32>
        %add3A_1303 = arith.addf %add3A_1263, %exp3A_1302 : vector<16xf32>
        %mul3A_1304 = arith.mulf %exp3A_1302, %get3A_1287 : vector<16xf32>
        %add3A_1305 = arith.addf %add3A_1265, %mul3A_1304 : vector<16xf32>
        %mul3A_1306 = arith.mulf %mul3A_127, %get3A_1279 : vector<16xf32>
        %sub3A_1307 = arith.subf %mul3A_1306, %mul3A_129 : vector<16xf32>
        %exp3A_1308 = math.exp %sub3A_1307 : vector<16xf32>
        %add3A_1309 = arith.addf %add3A_1269, %exp3A_1308 : vector<16xf32>
        %mul3A_1310 = arith.mulf %exp3A_1308, %get3A_1287 : vector<16xf32>
        %add3A_1311 = arith.addf %add3A_1271, %mul3A_1310 : vector<16xf32>
        %add3A_1312 = arith.constant 30 : i32
        %add3A_1313 = arith.addi %mul3A_37, %add3A_1312 : i32
        %add3A_1314 = arith.constant 1 : i32
        %add3A_1315 = arith.addi %add3A_1313, %add3A_1314 : i32
        %get3A_1316 = arith.index_cast %add3A_1315 : i32 to index
        %get3A_1317 = arith.index_cast %mul3A_22 : i32 to index
        %get3A_1318 = tpu.vector_load %arg7[%get3A_1316, %get3A_1317] {strides = array<i32>} : memref<128x256xf32, #tpu.memory_space<vmem>>, vector<1x16xf32>,
        %get3A_1319 = vector.shape_cast %get3A_1318 : vector<1x16xf32> to vector<16xf32>
        %add3A_1320 = arith.constant 30 : i32
        %add3A_1321 = arith.addi %mul3A_37, %add3A_1320 : i32
        %add3A_1322 = arith.constant 1 : i32
        %add3A_1323 = arith.addi %add3A_1321, %add3A_1322 : i32
        %get3A_1324 = arith.index_cast %add3A_1323 : i32 to index
        %get3A_1325 = arith.index_cast %mul3A_22 : i32 to index
        %get3A_1326 = tpu.vector_load %arg8[%get3A_1324, %get3A_1325] {strides = array<i32>} : memref<128x256xf32, #tpu.memory_space<vmem>>, vector<1x16xf32>,
        %get3A_1327 = vector.shape_cast %get3A_1326 : vector<1x16xf32> to vector<16xf32>
        %mul3A_1328 = arith.mulf %mul3A_45, %get3A_1319 : vector<16xf32>
        %sub3A_1329 = arith.subf %mul3A_1328, %mul3A_46 : vector<16xf32>
        %exp3A_1330 = math.exp %sub3A_1329 : vector<16xf32>
        %add3A_1331 = arith.addf %add3A_1291, %exp3A_1330 : vector<16xf32>
        %mul3A_1332 = arith.mulf %exp3A_1330, %get3A_1327 : vector<16xf32>
        %add3A_1333 = arith.addf %add3A_1293, %mul3A_1332 : vector<16xf32>
        %mul3A_1334 = arith.mulf %mul3A_69, %get3A_1319 : vector<16xf32>
        %sub3A_1335 = arith.subf %mul3A_1334, %mul3A_71 : vector<16xf32>
        %exp3A_1336 = math.exp %sub3A_1335 : vector<16xf32>
        %add3A_1337 = arith.addf %add3A_1297, %exp3A_1336 : vector<16xf32>
        %mul3A_1338 = arith.mulf %exp3A_1336, %get3A_1327 : vector<16xf32>
        %add3A_1339 = arith.addf %add3A_1299, %mul3A_1338 : vector<16xf32>
        %mul3A_1340 = arith.mulf %mul3A_98, %get3A_1319 : vector<16xf32>
        %sub3A_1341 = arith.subf %mul3A_1340, %mul3A_100 : vector<16xf32>
        %exp3A_1342 = math.exp %sub3A_1341 : vector<16xf32>
        %add3A_1343 = arith.addf %add3A_1303, %exp3A_1342 : vector<16xf32>
        %mul3A_1344 = arith.mulf %exp3A_1342, %get3A_1327 : vector<16xf32>
        %add3A_1345 = arith.addf %add3A_1305, %mul3A_1344 : vector<16xf32>
        %mul3A_1346 = arith.mulf %mul3A_127, %get3A_1319 : vector<16xf32>
        %sub3A_1347 = arith.subf %mul3A_1346, %mul3A_129 : vector<16xf32>
        %exp3A_1348 = math.exp %sub3A_1347 : vector<16xf32>
        %add3A_1349 = arith.addf %add3A_1309, %exp3A_1348 : vector<16xf32>
        %mul3A_1350 = arith.mulf %exp3A_1348, %get3A_1327 : vector<16xf32>
        %add3A_1351 = arith.addf %add3A_1311, %mul3A_1350 : vector<16xf32>
        %add3A_1352 = arith.constant 31 : i32
        %add3A_1353 = arith.addi %mul3A_37, %add3A_1352 : i32
        %add3A_1354 = arith.constant 1 : i32
        %add3A_1355 = arith.addi %add3A_1353, %add3A_1354 : i32
        %get3A_1356 = arith.index_cast %add3A_1355 : i32 to index
        %get3A_1357 = arith.index_cast %mul3A_22 : i32 to index
        %get3A_1358 = tpu.vector_load %arg7[%get3A_1356, %get3A_1357] {strides = array<i32>} : memref<128x256xf32, #tpu.memory_space<vmem>>, vector<1x16xf32>,
        %get3A_1359 = vector.shape_cast %get3A_1358 : vector<1x16xf32> to vector<16xf32>
        %add3A_1360 = arith.constant 31 : i32
        %add3A_1361 = arith.addi %mul3A_37, %add3A_1360 : i32
        %add3A_1362 = arith.constant 1 : i32
        %add3A_1363 = arith.addi %add3A_1361, %add3A_1362 : i32
        %get3A_1364 = arith.index_cast %add3A_1363 : i32 to index
        %get3A_1365 = arith.index_cast %mul3A_22 : i32 to index
        %get3A_1366 = tpu.vector_load %arg8[%get3A_1364, %get3A_1365] {strides = array<i32>} : memref<128x256xf32, #tpu.memory_space<vmem>>, vector<1x16xf32>,
        %get3A_1367 = vector.shape_cast %get3A_1366 : vector<1x16xf32> to vector<16xf32>
        %mul3A_1368 = arith.mulf %mul3A_45, %get3A_1359 : vector<16xf32>
        %sub3A_1369 = arith.subf %mul3A_1368, %mul3A_46 : vector<16xf32>
        %exp3A_1370 = math.exp %sub3A_1369 : vector<16xf32>
        %add3A_1371 = arith.addf %add3A_1331, %exp3A_1370 : vector<16xf32>
        %mul3A_1372 = arith.mulf %exp3A_1370, %get3A_1367 : vector<16xf32>
        %add3A_1373 = arith.addf %add3A_1333, %mul3A_1372 : vector<16xf32>
        %mul3A_1374 = arith.mulf %mul3A_69, %get3A_1359 : vector<16xf32>
        %sub3A_1375 = arith.subf %mul3A_1374, %mul3A_71 : vector<16xf32>
        %exp3A_1376 = math.exp %sub3A_1375 : vector<16xf32>
        %add3A_1377 = arith.addf %add3A_1337, %exp3A_1376 : vector<16xf32>
        %mul3A_1378 = arith.mulf %exp3A_1376, %get3A_1367 : vector<16xf32>
        %add3A_1379 = arith.addf %add3A_1339, %mul3A_1378 : vector<16xf32>
        %mul3A_1380 = arith.mulf %mul3A_98, %get3A_1359 : vector<16xf32>
        %sub3A_1381 = arith.subf %mul3A_1380, %mul3A_100 : vector<16xf32>
        %exp3A_1382 = math.exp %sub3A_1381 : vector<16xf32>
        %add3A_1383 = arith.addf %add3A_1343, %exp3A_1382 : vector<16xf32>
        %mul3A_1384 = arith.mulf %exp3A_1382, %get3A_1367 : vector<16xf32>
        %add3A_1385 = arith.addf %add3A_1345, %mul3A_1384 : vector<16xf32>
        %mul3A_1386 = arith.mulf %mul3A_127, %get3A_1359 : vector<16xf32>
        %sub3A_1387 = arith.subf %mul3A_1386, %mul3A_129 : vector<16xf32>
        %exp3A_1388 = math.exp %sub3A_1387 : vector<16xf32>
        %add3A_1389 = arith.addf %add3A_1349, %exp3A_1388 : vector<16xf32>
        %mul3A_1390 = arith.mulf %exp3A_1388, %get3A_1367 : vector<16xf32>
        %add3A_1391 = arith.addf %add3A_1351, %mul3A_1390 : vector<16xf32>
        %add3A_1392 = arith.constant 32 : i32
        %add3A_1393 = arith.addi %mul3A_37, %add3A_1392 : i32
        %add3A_1394 = arith.constant 1 : i32
        %add3A_1395 = arith.addi %add3A_1393, %add3A_1394 : i32
        %get3A_1396 = arith.index_cast %add3A_1395 : i32 to index
        %get3A_1397 = arith.index_cast %mul3A_22 : i32 to index
        %get3A_1398 = tpu.vector_load %arg7[%get3A_1396, %get3A_1397] {strides = array<i32>} : memref<128x256xf32, #tpu.memory_space<vmem>>, vector<1x16xf32>,
        %get3A_1399 = vector.shape_cast %get3A_1398 : vector<1x16xf32> to vector<16xf32>
        %add3A_1400 = arith.constant 32 : i32
        %add3A_1401 = arith.addi %mul3A_37, %add3A_1400 : i32
        %add3A_1402 = arith.constant 1 : i32
        %add3A_1403 = arith.addi %add3A_1401, %add3A_1402 : i32
        %get3A_1404 = arith.index_cast %add3A_1403 : i32 to index
        %get3A_1405 = arith.index_cast %mul3A_22 : i32 to index
        %get3A_1406 = tpu.vector_load %arg8[%get3A_1404, %get3A_1405] {strides = array<i32>} : memref<128x256xf32, #tpu.memory_space<vmem>>, vector<1x16xf32>,
        %get3A_1407 = vector.shape_cast %get3A_1406 : vector<1x16xf32> to vector<16xf32>
        %mul3A_1408 = arith.mulf %mul3A_45, %get3A_1399 : vector<16xf32>
        %sub3A_1409 = arith.subf %mul3A_1408, %mul3A_46 : vector<16xf32>
        %exp3A_1410 = math.exp %sub3A_1409 : vector<16xf32>
        %add3A_1411 = arith.addf %add3A_1371, %exp3A_1410 : vector<16xf32>
        %mul3A_1412 = arith.mulf %exp3A_1410, %get3A_1407 : vector<16xf32>
        %add3A_1413 = arith.addf %add3A_1373, %mul3A_1412 : vector<16xf32>
        %mul3A_1414 = arith.mulf %mul3A_69, %get3A_1399 : vector<16xf32>
        %sub3A_1415 = arith.subf %mul3A_1414, %mul3A_71 : vector<16xf32>
        %exp3A_1416 = math.exp %sub3A_1415 : vector<16xf32>
        %add3A_1417 = arith.addf %add3A_1377, %exp3A_1416 : vector<16xf32>
        %mul3A_1418 = arith.mulf %exp3A_1416, %get3A_1407 : vector<16xf32>
        %add3A_1419 = arith.addf %add3A_1379, %mul3A_1418 : vector<16xf32>
        %mul3A_1420 = arith.mulf %mul3A_98, %get3A_1399 : vector<16xf32>
        %sub3A_1421 = arith.subf %mul3A_1420, %mul3A_100 : vector<16xf32>
        %exp3A_1422 = math.exp %sub3A_1421 : vector<16xf32>
        %add3A_1423 = arith.addf %add3A_1383, %exp3A_1422 : vector<16xf32>
        %mul3A_1424 = arith.mulf %exp3A_1422, %get3A_1407 : vector<16xf32>
        %add3A_1425 = arith.addf %add3A_1385, %mul3A_1424 : vector<16xf32>
        %mul3A_1426 = arith.mulf %mul3A_127, %get3A_1399 : vector<16xf32>
        %sub3A_1427 = arith.subf %mul3A_1426, %mul3A_129 : vector<16xf32>
        %exp3A_1428 = math.exp %sub3A_1427 : vector<16xf32>
        %add3A_1429 = arith.addf %add3A_1389, %exp3A_1428 : vector<16xf32>
        %mul3A_1430 = arith.mulf %exp3A_1428, %get3A_1407 : vector<16xf32>
        %add3A_1431 = arith.addf %add3A_1391, %mul3A_1430 : vector<16xf32>
        %add3A_1432 = arith.constant 33 : i32
        %add3A_1433 = arith.addi %mul3A_37, %add3A_1432 : i32
        %add3A_1434 = arith.constant 1 : i32
        %add3A_1435 = arith.addi %add3A_1433, %add3A_1434 : i32
        %get3A_1436 = arith.index_cast %add3A_1435 : i32 to index
        %get3A_1437 = arith.index_cast %mul3A_22 : i32 to index
        %get3A_1438 = tpu.vector_load %arg7[%get3A_1436, %get3A_1437] {strides = array<i32>} : memref<128x256xf32, #tpu.memory_space<vmem>>, vector<1x16xf32>,
        %get3A_1439 = vector.shape_cast %get3A_1438 : vector<1x16xf32> to vector<16xf32>
        %add3A_1440 = arith.constant 33 : i32
        %add3A_1441 = arith.addi %mul3A_37, %add3A_1440 : i32
        %add3A_1442 = arith.constant 1 : i32
        %add3A_1443 = arith.addi %add3A_1441, %add3A_1442 : i32
        %get3A_1444 = arith.index_cast %add3A_1443 : i32 to index
        %get3A_1445 = arith.index_cast %mul3A_22 : i32 to index
        %get3A_1446 = tpu.vector_load %arg8[%get3A_1444, %get3A_1445] {strides = array<i32>} : memref<128x256xf32, #tpu.memory_space<vmem>>, vector<1x16xf32>,
        %get3A_1447 = vector.shape_cast %get3A_1446 : vector<1x16xf32> to vector<16xf32>
        %mul3A_1448 = arith.mulf %mul3A_45, %get3A_1439 : vector<16xf32>
        %sub3A_1449 = arith.subf %mul3A_1448, %mul3A_46 : vector<16xf32>
        %exp3A_1450 = math.exp %sub3A_1449 : vector<16xf32>
        %add3A_1451 = arith.addf %add3A_1411, %exp3A_1450 : vector<16xf32>
        %mul3A_1452 = arith.mulf %exp3A_1450, %get3A_1447 : vector<16xf32>
        %add3A_1453 = arith.addf %add3A_1413, %mul3A_1452 : vector<16xf32>
        %mul3A_1454 = arith.mulf %mul3A_69, %get3A_1439 : vector<16xf32>
        %sub3A_1455 = arith.subf %mul3A_1454, %mul3A_71 : vector<16xf32>
        %exp3A_1456 = math.exp %sub3A_1455 : vector<16xf32>
        %add3A_1457 = arith.addf %add3A_1417, %exp3A_1456 : vector<16xf32>
        %mul3A_1458 = arith.mulf %exp3A_1456, %get3A_1447 : vector<16xf32>
        %add3A_1459 = arith.addf %add3A_1419, %mul3A_1458 : vector<16xf32>
        %mul3A_1460 = arith.mulf %mul3A_98, %get3A_1439 : vector<16xf32>
        %sub3A_1461 = arith.subf %mul3A_1460, %mul3A_100 : vector<16xf32>
        %exp3A_1462 = math.exp %sub3A_1461 : vector<16xf32>
        %add3A_1463 = arith.addf %add3A_1423, %exp3A_1462 : vector<16xf32>
        %mul3A_1464 = arith.mulf %exp3A_1462, %get3A_1447 : vector<16xf32>
        %add3A_1465 = arith.addf %add3A_1425, %mul3A_1464 : vector<16xf32>
        %mul3A_1466 = arith.mulf %mul3A_127, %get3A_1439 : vector<16xf32>
        %sub3A_1467 = arith.subf %mul3A_1466, %mul3A_129 : vector<16xf32>
        %exp3A_1468 = math.exp %sub3A_1467 : vector<16xf32>
        %add3A_1469 = arith.addf %add3A_1429, %exp3A_1468 : vector<16xf32>
        %mul3A_1470 = arith.mulf %exp3A_1468, %get3A_1447 : vector<16xf32>
        %add3A_1471 = arith.addf %add3A_1431, %mul3A_1470 : vector<16xf32>
        %add3A_1472 = arith.constant 34 : i32
        %add3A_1473 = arith.addi %mul3A_37, %add3A_1472 : i32
        %add3A_1474 = arith.constant 1 : i32
        %add3A_1475 = arith.addi %add3A_1473, %add3A_1474 : i32
        %get3A_1476 = arith.index_cast %add3A_1475 : i32 to index
        %get3A_1477 = arith.index_cast %mul3A_22 : i32 to index
        %get3A_1478 = tpu.vector_load %arg7[%get3A_1476, %get3A_1477] {strides = array<i32>} : memref<128x256xf32, #tpu.memory_space<vmem>>, vector<1x16xf32>,
        %get3A_1479 = vector.shape_cast %get3A_1478 : vector<1x16xf32> to vector<16xf32>
        %add3A_1480 = arith.constant 34 : i32
        %add3A_1481 = arith.addi %mul3A_37, %add3A_1480 : i32
        %add3A_1482 = arith.constant 1 : i32
        %add3A_1483 = arith.addi %add3A_1481, %add3A_1482 : i32
        %get3A_1484 = arith.index_cast %add3A_1483 : i32 to index
        %get3A_1485 = arith.index_cast %mul3A_22 : i32 to index
        %get3A_1486 = tpu.vector_load %arg8[%get3A_1484, %get3A_1485] {strides = array<i32>} : memref<128x256xf32, #tpu.memory_space<vmem>>, vector<1x16xf32>,
        %get3A_1487 = vector.shape_cast %get3A_1486 : vector<1x16xf32> to vector<16xf32>
        %mul3A_1488 = arith.mulf %mul3A_45, %get3A_1479 : vector<16xf32>
        %sub3A_1489 = arith.subf %mul3A_1488, %mul3A_46 : vector<16xf32>
        %exp3A_1490 = math.exp %sub3A_1489 : vector<16xf32>
        %add3A_1491 = arith.addf %add3A_1451, %exp3A_1490 : vector<16xf32>
        %mul3A_1492 = arith.mulf %exp3A_1490, %get3A_1487 : vector<16xf32>
        %add3A_1493 = arith.addf %add3A_1453, %mul3A_1492 : vector<16xf32>
        %mul3A_1494 = arith.mulf %mul3A_69, %get3A_1479 : vector<16xf32>
        %sub3A_1495 = arith.subf %mul3A_1494, %mul3A_71 : vector<16xf32>
        %exp3A_1496 = math.exp %sub3A_1495 : vector<16xf32>
        %add3A_1497 = arith.addf %add3A_1457, %exp3A_1496 : vector<16xf32>
        %mul3A_1498 = arith.mulf %exp3A_1496, %get3A_1487 : vector<16xf32>
        %add3A_1499 = arith.addf %add3A_1459, %mul3A_1498 : vector<16xf32>
        %mul3A_1500 = arith.mulf %mul3A_98, %get3A_1479 : vector<16xf32>
        %sub3A_1501 = arith.subf %mul3A_1500, %mul3A_100 : vector<16xf32>
        %exp3A_1502 = math.exp %sub3A_1501 : vector<16xf32>
        %add3A_1503 = arith.addf %add3A_1463, %exp3A_1502 : vector<16xf32>
        %mul3A_1504 = arith.mulf %exp3A_1502, %get3A_1487 : vector<16xf32>
        %add3A_1505 = arith.addf %add3A_1465, %mul3A_1504 : vector<16xf32>
        %mul3A_1506 = arith.mulf %mul3A_127, %get3A_1479 : vector<16xf32>
        %sub3A_1507 = arith.subf %mul3A_1506, %mul3A_129 : vector<16xf32>
        %exp3A_1508 = math.exp %sub3A_1507 : vector<16xf32>
        %add3A_1509 = arith.addf %add3A_1469, %exp3A_1508 : vector<16xf32>
        %mul3A_1510 = arith.mulf %exp3A_1508, %get3A_1487 : vector<16xf32>
        %add3A_1511 = arith.addf %add3A_1471, %mul3A_1510 : vector<16xf32>
        %add3A_1512 = arith.constant 35 : i32
        %add3A_1513 = arith.addi %mul3A_37, %add3A_1512 : i32
        %add3A_1514 = arith.constant 1 : i32
        %add3A_1515 = arith.addi %add3A_1513, %add3A_1514 : i32
        %get3A_1516 = arith.index_cast %add3A_1515 : i32 to index
        %get3A_1517 = arith.index_cast %mul3A_22 : i32 to index
        %get3A_1518 = tpu.vector_load %arg7[%get3A_1516, %get3A_1517] {strides = array<i32>} : memref<128x256xf32, #tpu.memory_space<vmem>>, vector<1x16xf32>,
        %get3A_1519 = vector.shape_cast %get3A_1518 : vector<1x16xf32> to vector<16xf32>
        %add3A_1520 = arith.constant 35 : i32
        %add3A_1521 = arith.addi %mul3A_37, %add3A_1520 : i32
        %add3A_1522 = arith.constant 1 : i32
        %add3A_1523 = arith.addi %add3A_1521, %add3A_1522 : i32
        %get3A_1524 = arith.index_cast %add3A_1523 : i32 to index
        %get3A_1525 = arith.index_cast %mul3A_22 : i32 to index
        %get3A_1526 = tpu.vector_load %arg8[%get3A_1524, %get3A_1525] {strides = array<i32>} : memref<128x256xf32, #tpu.memory_space<vmem>>, vector<1x16xf32>,
        %get3A_1527 = vector.shape_cast %get3A_1526 : vector<1x16xf32> to vector<16xf32>
        %mul3A_1528 = arith.mulf %mul3A_45, %get3A_1519 : vector<16xf32>
        %sub3A_1529 = arith.subf %mul3A_1528, %mul3A_46 : vector<16xf32>
        %exp3A_1530 = math.exp %sub3A_1529 : vector<16xf32>
        %add3A_1531 = arith.addf %add3A_1491, %exp3A_1530 : vector<16xf32>
        %mul3A_1532 = arith.mulf %exp3A_1530, %get3A_1527 : vector<16xf32>
        %add3A_1533 = arith.addf %add3A_1493, %mul3A_1532 : vector<16xf32>
        %mul3A_1534 = arith.mulf %mul3A_69, %get3A_1519 : vector<16xf32>
        %sub3A_1535 = arith.subf %mul3A_1534, %mul3A_71 : vector<16xf32>
        %exp3A_1536 = math.exp %sub3A_1535 : vector<16xf32>
        %add3A_1537 = arith.addf %add3A_1497, %exp3A_1536 : vector<16xf32>
        %mul3A_1538 = arith.mulf %exp3A_1536, %get3A_1527 : vector<16xf32>
        %add3A_1539 = arith.addf %add3A_1499, %mul3A_1538 : vector<16xf32>
        %mul3A_1540 = arith.mulf %mul3A_98, %get3A_1519 : vector<16xf32>
        %sub3A_1541 = arith.subf %mul3A_1540, %mul3A_100 : vector<16xf32>
        %exp3A_1542 = math.exp %sub3A_1541 : vector<16xf32>
        %add3A_1543 = arith.addf %add3A_1503, %exp3A_1542 : vector<16xf32>
        %mul3A_1544 = arith.mulf %exp3A_1542, %get3A_1527 : vector<16xf32>
        %add3A_1545 = arith.addf %add3A_1505, %mul3A_1544 : vector<16xf32>
        %mul3A_1546 = arith.mulf %mul3A_127, %get3A_1519 : vector<16xf32>
        %sub3A_1547 = arith.subf %mul3A_1546, %mul3A_129 : vector<16xf32>
        %exp3A_1548 = math.exp %sub3A_1547 : vector<16xf32>
        %add3A_1549 = arith.addf %add3A_1509, %exp3A_1548 : vector<16xf32>
        %mul3A_1550 = arith.mulf %exp3A_1548, %get3A_1527 : vector<16xf32>
        %add3A_1551 = arith.addf %add3A_1511, %mul3A_1550 : vector<16xf32>
        %add3A_1552 = arith.constant 36 : i32
        %add3A_1553 = arith.addi %mul3A_37, %add3A_1552 : i32
        %add3A_1554 = arith.constant 1 : i32
        %add3A_1555 = arith.addi %add3A_1553, %add3A_1554 : i32
        %get3A_1556 = arith.index_cast %add3A_1555 : i32 to index
        %get3A_1557 = arith.index_cast %mul3A_22 : i32 to index
        %get3A_1558 = tpu.vector_load %arg7[%get3A_1556, %get3A_1557] {strides = array<i32>} : memref<128x256xf32, #tpu.memory_space<vmem>>, vector<1x16xf32>,
        %get3A_1559 = vector.shape_cast %get3A_1558 : vector<1x16xf32> to vector<16xf32>
        %add3A_1560 = arith.constant 36 : i32
        %add3A_1561 = arith.addi %mul3A_37, %add3A_1560 : i32
        %add3A_1562 = arith.constant 1 : i32
        %add3A_1563 = arith.addi %add3A_1561, %add3A_1562 : i32
        %get3A_1564 = arith.index_cast %add3A_1563 : i32 to index
        %get3A_1565 = arith.index_cast %mul3A_22 : i32 to index
        %get3A_1566 = tpu.vector_load %arg8[%get3A_1564, %get3A_1565] {strides = array<i32>} : memref<128x256xf32, #tpu.memory_space<vmem>>, vector<1x16xf32>,
        %get3A_1567 = vector.shape_cast %get3A_1566 : vector<1x16xf32> to vector<16xf32>
        %mul3A_1568 = arith.mulf %mul3A_45, %get3A_1559 : vector<16xf32>
        %sub3A_1569 = arith.subf %mul3A_1568, %mul3A_46 : vector<16xf32>
        %exp3A_1570 = math.exp %sub3A_1569 : vector<16xf32>
        %add3A_1571 = arith.addf %add3A_1531, %exp3A_1570 : vector<16xf32>
        %mul3A_1572 = arith.mulf %exp3A_1570, %get3A_1567 : vector<16xf32>
        %add3A_1573 = arith.addf %add3A_1533, %mul3A_1572 : vector<16xf32>
        %mul3A_1574 = arith.mulf %mul3A_69, %get3A_1559 : vector<16xf32>
        %sub3A_1575 = arith.subf %mul3A_1574, %mul3A_71 : vector<16xf32>
        %exp3A_1576 = math.exp %sub3A_1575 : vector<16xf32>
        %add3A_1577 = arith.addf %add3A_1537, %exp3A_1576 : vector<16xf32>
        %mul3A_1578 = arith.mulf %exp3A_1576, %get3A_1567 : vector<16xf32>
        %add3A_1579 = arith.addf %add3A_1539, %mul3A_1578 : vector<16xf32>
        %mul3A_1580 = arith.mulf %mul3A_98, %get3A_1559 : vector<16xf32>
        %sub3A_1581 = arith.subf %mul3A_1580, %mul3A_100 : vector<16xf32>
        %exp3A_1582 = math.exp %sub3A_1581 : vector<16xf32>
        %add3A_1583 = arith.addf %add3A_1543, %exp3A_1582 : vector<16xf32>
        %mul3A_1584 = arith.mulf %exp3A_1582, %get3A_1567 : vector<16xf32>
        %add3A_1585 = arith.addf %add3A_1545, %mul3A_1584 : vector<16xf32>
        %mul3A_1586 = arith.mulf %mul3A_127, %get3A_1559 : vector<16xf32>
        %sub3A_1587 = arith.subf %mul3A_1586, %mul3A_129 : vector<16xf32>
        %exp3A_1588 = math.exp %sub3A_1587 : vector<16xf32>
        %add3A_1589 = arith.addf %add3A_1549, %exp3A_1588 : vector<16xf32>
        %mul3A_1590 = arith.mulf %exp3A_1588, %get3A_1567 : vector<16xf32>
        %add3A_1591 = arith.addf %add3A_1551, %mul3A_1590 : vector<16xf32>
        %add3A_1592 = arith.constant 37 : i32
        %add3A_1593 = arith.addi %mul3A_37, %add3A_1592 : i32
        %add3A_1594 = arith.constant 1 : i32
        %add3A_1595 = arith.addi %add3A_1593, %add3A_1594 : i32
        %get3A_1596 = arith.index_cast %add3A_1595 : i32 to index
        %get3A_1597 = arith.index_cast %mul3A_22 : i32 to index
        %get3A_1598 = tpu.vector_load %arg7[%get3A_1596, %get3A_1597] {strides = array<i32>} : memref<128x256xf32, #tpu.memory_space<vmem>>, vector<1x16xf32>,
        %get3A_1599 = vector.shape_cast %get3A_1598 : vector<1x16xf32> to vector<16xf32>
        %add3A_1600 = arith.constant 37 : i32
        %add3A_1601 = arith.addi %mul3A_37, %add3A_1600 : i32
        %add3A_1602 = arith.constant 1 : i32
        %add3A_1603 = arith.addi %add3A_1601, %add3A_1602 : i32
        %get3A_1604 = arith.index_cast %add3A_1603 : i32 to index
        %get3A_1605 = arith.index_cast %mul3A_22 : i32 to index
        %get3A_1606 = tpu.vector_load %arg8[%get3A_1604, %get3A_1605] {strides = array<i32>} : memref<128x256xf32, #tpu.memory_space<vmem>>, vector<1x16xf32>,
        %get3A_1607 = vector.shape_cast %get3A_1606 : vector<1x16xf32> to vector<16xf32>
        %mul3A_1608 = arith.mulf %mul3A_45, %get3A_1599 : vector<16xf32>
        %sub3A_1609 = arith.subf %mul3A_1608, %mul3A_46 : vector<16xf32>
        %exp3A_1610 = math.exp %sub3A_1609 : vector<16xf32>
        %add3A_1611 = arith.addf %add3A_1571, %exp3A_1610 : vector<16xf32>
        %mul3A_1612 = arith.mulf %exp3A_1610, %get3A_1607 : vector<16xf32>
        %add3A_1613 = arith.addf %add3A_1573, %mul3A_1612 : vector<16xf32>
        %mul3A_1614 = arith.mulf %mul3A_69, %get3A_1599 : vector<16xf32>
        %sub3A_1615 = arith.subf %mul3A_1614, %mul3A_71 : vector<16xf32>
        %exp3A_1616 = math.exp %sub3A_1615 : vector<16xf32>
        %add3A_1617 = arith.addf %add3A_1577, %exp3A_1616 : vector<16xf32>
        %mul3A_1618 = arith.mulf %exp3A_1616, %get3A_1607 : vector<16xf32>
        %add3A_1619 = arith.addf %add3A_1579, %mul3A_1618 : vector<16xf32>
        %mul3A_1620 = arith.mulf %mul3A_98, %get3A_1599 : vector<16xf32>
        %sub3A_1621 = arith.subf %mul3A_1620, %mul3A_100 : vector<16xf32>
        %exp3A_1622 = math.exp %sub3A_1621 : vector<16xf32>
        %add3A_1623 = arith.addf %add3A_1583, %exp3A_1622 : vector<16xf32>
        %mul3A_1624 = arith.mulf %exp3A_1622, %get3A_1607 : vector<16xf32>
        %add3A_1625 = arith.addf %add3A_1585, %mul3A_1624 : vector<16xf32>
        %mul3A_1626 = arith.mulf %mul3A_127, %get3A_1599 : vector<16xf32>
        %sub3A_1627 = arith.subf %mul3A_1626, %mul3A_129 : vector<16xf32>
        %exp3A_1628 = math.exp %sub3A_1627 : vector<16xf32>
        %add3A_1629 = arith.addf %add3A_1589, %exp3A_1628 : vector<16xf32>
        %mul3A_1630 = arith.mulf %exp3A_1628, %get3A_1607 : vector<16xf32>
        %add3A_1631 = arith.addf %add3A_1591, %mul3A_1630 : vector<16xf32>
        %add3A_1632 = arith.constant 38 : i32
        %add3A_1633 = arith.addi %mul3A_37, %add3A_1632 : i32
        %add3A_1634 = arith.constant 1 : i32
        %add3A_1635 = arith.addi %add3A_1633, %add3A_1634 : i32
        %get3A_1636 = arith.index_cast %add3A_1635 : i32 to index
        %get3A_1637 = arith.index_cast %mul3A_22 : i32 to index
        %get3A_1638 = tpu.vector_load %arg7[%get3A_1636, %get3A_1637] {strides = array<i32>} : memref<128x256xf32, #tpu.memory_space<vmem>>, vector<1x16xf32>,
        %get3A_1639 = vector.shape_cast %get3A_1638 : vector<1x16xf32> to vector<16xf32>
        %add3A_1640 = arith.constant 38 : i32
        %add3A_1641 = arith.addi %mul3A_37, %add3A_1640 : i32
        %add3A_1642 = arith.constant 1 : i32
        %add3A_1643 = arith.addi %add3A_1641, %add3A_1642 : i32
        %get3A_1644 = arith.index_cast %add3A_1643 : i32 to index
        %get3A_1645 = arith.index_cast %mul3A_22 : i32 to index
        %get3A_1646 = tpu.vector_load %arg8[%get3A_1644, %get3A_1645] {strides = array<i32>} : memref<128x256xf32, #tpu.memory_space<vmem>>, vector<1x16xf32>,
        %get3A_1647 = vector.shape_cast %get3A_1646 : vector<1x16xf32> to vector<16xf32>
        %mul3A_1648 = arith.mulf %mul3A_45, %get3A_1639 : vector<16xf32>
        %sub3A_1649 = arith.subf %mul3A_1648, %mul3A_46 : vector<16xf32>
        %exp3A_1650 = math.exp %sub3A_1649 : vector<16xf32>
        %add3A_1651 = arith.addf %add3A_1611, %exp3A_1650 : vector<16xf32>
        %mul3A_1652 = arith.mulf %exp3A_1650, %get3A_1647 : vector<16xf32>
        %add3A_1653 = arith.addf %add3A_1613, %mul3A_1652 : vector<16xf32>
        %mul3A_1654 = arith.mulf %mul3A_69, %get3A_1639 : vector<16xf32>
        %sub3A_1655 = arith.subf %mul3A_1654, %mul3A_71 : vector<16xf32>
        %exp3A_1656 = math.exp %sub3A_1655 : vector<16xf32>
        %add3A_1657 = arith.addf %add3A_1617, %exp3A_1656 : vector<16xf32>
        %mul3A_1658 = arith.mulf %exp3A_1656, %get3A_1647 : vector<16xf32>
        %add3A_1659 = arith.addf %add3A_1619, %mul3A_1658 : vector<16xf32>
        %mul3A_1660 = arith.mulf %mul3A_98, %get3A_1639 : vector<16xf32>
        %sub3A_1661 = arith.subf %mul3A_1660, %mul3A_100 : vector<16xf32>
        %exp3A_1662 = math.exp %sub3A_1661 : vector<16xf32>
        %add3A_1663 = arith.addf %add3A_1623, %exp3A_1662 : vector<16xf32>
        %mul3A_1664 = arith.mulf %exp3A_1662, %get3A_1647 : vector<16xf32>
        %add3A_1665 = arith.addf %add3A_1625, %mul3A_1664 : vector<16xf32>
        %mul3A_1666 = arith.mulf %mul3A_127, %get3A_1639 : vector<16xf32>
        %sub3A_1667 = arith.subf %mul3A_1666, %mul3A_129 : vector<16xf32>
        %exp3A_1668 = math.exp %sub3A_1667 : vector<16xf32>
        %add3A_1669 = arith.addf %add3A_1629, %exp3A_1668 : vector<16xf32>
        %mul3A_1670 = arith.mulf %exp3A_1668, %get3A_1647 : vector<16xf32>
        %add3A_1671 = arith.addf %add3A_1631, %mul3A_1670 : vector<16xf32>
        %add3A_1672 = arith.constant 39 : i32
        %add3A_1673 = arith.addi %mul3A_37, %add3A_1672 : i32
        %add3A_1674 = arith.constant 1 : i32
        %add3A_1675 = arith.addi %add3A_1673, %add3A_1674 : i32
        %get3A_1676 = arith.index_cast %add3A_1675 : i32 to index
        %get3A_1677 = arith.index_cast %mul3A_22 : i32 to index
        %get3A_1678 = tpu.vector_load %arg7[%get3A_1676, %get3A_1677] {strides = array<i32>} : memref<128x256xf32, #tpu.memory_space<vmem>>, vector<1x16xf32>,
        %get3A_1679 = vector.shape_cast %get3A_1678 : vector<1x16xf32> to vector<16xf32>
        %add3A_1680 = arith.constant 39 : i32
        %add3A_1681 = arith.addi %mul3A_37, %add3A_1680 : i32
        %add3A_1682 = arith.constant 1 : i32
        %add3A_1683 = arith.addi %add3A_1681, %add3A_1682 : i32
        %get3A_1684 = arith.index_cast %add3A_1683 : i32 to index
        %get3A_1685 = arith.index_cast %mul3A_22 : i32 to index
        %get3A_1686 = tpu.vector_load %arg8[%get3A_1684, %get3A_1685] {strides = array<i32>} : memref<128x256xf32, #tpu.memory_space<vmem>>, vector<1x16xf32>,
        %get3A_1687 = vector.shape_cast %get3A_1686 : vector<1x16xf32> to vector<16xf32>
        %mul3A_1688 = arith.mulf %mul3A_45, %get3A_1679 : vector<16xf32>
        %sub3A_1689 = arith.subf %mul3A_1688, %mul3A_46 : vector<16xf32>
        %exp3A_1690 = math.exp %sub3A_1689 : vector<16xf32>
        %add3A_1691 = arith.addf %add3A_1651, %exp3A_1690 : vector<16xf32>
        %mul3A_1692 = arith.mulf %exp3A_1690, %get3A_1687 : vector<16xf32>
        %add3A_1693 = arith.addf %add3A_1653, %mul3A_1692 : vector<16xf32>
        %mul3A_1694 = arith.mulf %mul3A_69, %get3A_1679 : vector<16xf32>
        %sub3A_1695 = arith.subf %mul3A_1694, %mul3A_71 : vector<16xf32>
        %exp3A_1696 = math.exp %sub3A_1695 : vector<16xf32>
        %add3A_1697 = arith.addf %add3A_1657, %exp3A_1696 : vector<16xf32>
        %mul3A_1698 = arith.mulf %exp3A_1696, %get3A_1687 : vector<16xf32>
        %add3A_1699 = arith.addf %add3A_1659, %mul3A_1698 : vector<16xf32>
        %mul3A_1700 = arith.mulf %mul3A_98, %get3A_1679 : vector<16xf32>
        %sub3A_1701 = arith.subf %mul3A_1700, %mul3A_100 : vector<16xf32>
        %exp3A_1702 = math.exp %sub3A_1701 : vector<16xf32>
        %add3A_1703 = arith.addf %add3A_1663, %exp3A_1702 : vector<16xf32>
        %mul3A_1704 = arith.mulf %exp3A_1702, %get3A_1687 : vector<16xf32>
        %add3A_1705 = arith.addf %add3A_1665, %mul3A_1704 : vector<16xf32>
        %mul3A_1706 = arith.mulf %mul3A_127, %get3A_1679 : vector<16xf32>
        %sub3A_1707 = arith.subf %mul3A_1706, %mul3A_129 : vector<16xf32>
        %exp3A_1708 = math.exp %sub3A_1707 : vector<16xf32>
        %add3A_1709 = arith.addf %add3A_1669, %exp3A_1708 : vector<16xf32>
        %mul3A_1710 = arith.mulf %exp3A_1708, %get3A_1687 : vector<16xf32>
        %add3A_1711 = arith.addf %add3A_1671, %mul3A_1710 : vector<16xf32>
        %add3A_1712 = arith.constant 40 : i32
        %add3A_1713 = arith.addi %mul3A_37, %add3A_1712 : i32
        %add3A_1714 = arith.constant 1 : i32
        %add3A_1715 = arith.addi %add3A_1713, %add3A_1714 : i32
        %get3A_1716 = arith.index_cast %add3A_1715 : i32 to index
        %get3A_1717 = arith.index_cast %mul3A_22 : i32 to index
        %get3A_1718 = tpu.vector_load %arg7[%get3A_1716, %get3A_1717] {strides = array<i32>} : memref<128x256xf32, #tpu.memory_space<vmem>>, vector<1x16xf32>,
        %get3A_1719 = vector.shape_cast %get3A_1718 : vector<1x16xf32> to vector<16xf32>
        %add3A_1720 = arith.constant 40 : i32
        %add3A_1721 = arith.addi %mul3A_37, %add3A_1720 : i32
        %add3A_1722 = arith.constant 1 : i32
        %add3A_1723 = arith.addi %add3A_1721, %add3A_1722 : i32
        %get3A_1724 = arith.index_cast %add3A_1723 : i32 to index
        %get3A_1725 = arith.index_cast %mul3A_22 : i32 to index
        %get3A_1726 = tpu.vector_load %arg8[%get3A_1724, %get3A_1725] {strides = array<i32>} : memref<128x256xf32, #tpu.memory_space<vmem>>, vector<1x16xf32>,
        %get3A_1727 = vector.shape_cast %get3A_1726 : vector<1x16xf32> to vector<16xf32>
        %mul3A_1728 = arith.mulf %mul3A_45, %get3A_1719 : vector<16xf32>
        %sub3A_1729 = arith.subf %mul3A_1728, %mul3A_46 : vector<16xf32>
        %exp3A_1730 = math.exp %sub3A_1729 : vector<16xf32>
        %add3A_1731 = arith.addf %add3A_1691, %exp3A_1730 : vector<16xf32>
        %mul3A_1732 = arith.mulf %exp3A_1730, %get3A_1727 : vector<16xf32>
        %add3A_1733 = arith.addf %add3A_1693, %mul3A_1732 : vector<16xf32>
        %mul3A_1734 = arith.mulf %mul3A_69, %get3A_1719 : vector<16xf32>
        %sub3A_1735 = arith.subf %mul3A_1734, %mul3A_71 : vector<16xf32>
        %exp3A_1736 = math.exp %sub3A_1735 : vector<16xf32>
        %add3A_1737 = arith.addf %add3A_1697, %exp3A_1736 : vector<16xf32>
        %mul3A_1738 = arith.mulf %exp3A_1736, %get3A_1727 : vector<16xf32>
        %add3A_1739 = arith.addf %add3A_1699, %mul3A_1738 : vector<16xf32>
        %mul3A_1740 = arith.mulf %mul3A_98, %get3A_1719 : vector<16xf32>
        %sub3A_1741 = arith.subf %mul3A_1740, %mul3A_100 : vector<16xf32>
        %exp3A_1742 = math.exp %sub3A_1741 : vector<16xf32>
        %add3A_1743 = arith.addf %add3A_1703, %exp3A_1742 : vector<16xf32>
        %mul3A_1744 = arith.mulf %exp3A_1742, %get3A_1727 : vector<16xf32>
        %add3A_1745 = arith.addf %add3A_1705, %mul3A_1744 : vector<16xf32>
        %mul3A_1746 = arith.mulf %mul3A_127, %get3A_1719 : vector<16xf32>
        %sub3A_1747 = arith.subf %mul3A_1746, %mul3A_129 : vector<16xf32>
        %exp3A_1748 = math.exp %sub3A_1747 : vector<16xf32>
        %add3A_1749 = arith.addf %add3A_1709, %exp3A_1748 : vector<16xf32>
        %mul3A_1750 = arith.mulf %exp3A_1748, %get3A_1727 : vector<16xf32>
        %add3A_1751 = arith.addf %add3A_1711, %mul3A_1750 : vector<16xf32>
        %add3A_1752 = arith.constant 41 : i32
        %add3A_1753 = arith.addi %mul3A_37, %add3A_1752 : i32
        %add3A_1754 = arith.constant 1 : i32
        %add3A_1755 = arith.addi %add3A_1753, %add3A_1754 : i32
        %get3A_1756 = arith.index_cast %add3A_1755 : i32 to index
        %get3A_1757 = arith.index_cast %mul3A_22 : i32 to index
        %get3A_1758 = tpu.vector_load %arg7[%get3A_1756, %get3A_1757] {strides = array<i32>} : memref<128x256xf32, #tpu.memory_space<vmem>>, vector<1x16xf32>,
        %get3A_1759 = vector.shape_cast %get3A_1758 : vector<1x16xf32> to vector<16xf32>
        %add3A_1760 = arith.constant 41 : i32
        %add3A_1761 = arith.addi %mul3A_37, %add3A_1760 : i32
        %add3A_1762 = arith.constant 1 : i32
        %add3A_1763 = arith.addi %add3A_1761, %add3A_1762 : i32
        %get3A_1764 = arith.index_cast %add3A_1763 : i32 to index
        %get3A_1765 = arith.index_cast %mul3A_22 : i32 to index
        %get3A_1766 = tpu.vector_load %arg8[%get3A_1764, %get3A_1765] {strides = array<i32>} : memref<128x256xf32, #tpu.memory_space<vmem>>, vector<1x16xf32>,
        %get3A_1767 = vector.shape_cast %get3A_1766 : vector<1x16xf32> to vector<16xf32>
        %mul3A_1768 = arith.mulf %mul3A_45, %get3A_1759 : vector<16xf32>
        %sub3A_1769 = arith.subf %mul3A_1768, %mul3A_46 : vector<16xf32>
        %exp3A_1770 = math.exp %sub3A_1769 : vector<16xf32>
        %add3A_1771 = arith.addf %add3A_1731, %exp3A_1770 : vector<16xf32>
        %mul3A_1772 = arith.mulf %exp3A_1770, %get3A_1767 : vector<16xf32>
        %add3A_1773 = arith.addf %add3A_1733, %mul3A_1772 : vector<16xf32>
        %mul3A_1774 = arith.mulf %mul3A_69, %get3A_1759 : vector<16xf32>
        %sub3A_1775 = arith.subf %mul3A_1774, %mul3A_71 : vector<16xf32>
        %exp3A_1776 = math.exp %sub3A_1775 : vector<16xf32>
        %add3A_1777 = arith.addf %add3A_1737, %exp3A_1776 : vector<16xf32>
        %mul3A_1778 = arith.mulf %exp3A_1776, %get3A_1767 : vector<16xf32>
        %add3A_1779 = arith.addf %add3A_1739, %mul3A_1778 : vector<16xf32>
        %mul3A_1780 = arith.mulf %mul3A_98, %get3A_1759 : vector<16xf32>
        %sub3A_1781 = arith.subf %mul3A_1780, %mul3A_100 : vector<16xf32>
        %exp3A_1782 = math.exp %sub3A_1781 : vector<16xf32>
        %add3A_1783 = arith.addf %add3A_1743, %exp3A_1782 : vector<16xf32>
        %mul3A_1784 = arith.mulf %exp3A_1782, %get3A_1767 : vector<16xf32>
        %add3A_1785 = arith.addf %add3A_1745, %mul3A_1784 : vector<16xf32>
        %mul3A_1786 = arith.mulf %mul3A_127, %get3A_1759 : vector<16xf32>
        %sub3A_1787 = arith.subf %mul3A_1786, %mul3A_129 : vector<16xf32>
        %exp3A_1788 = math.exp %sub3A_1787 : vector<16xf32>
        %add3A_1789 = arith.addf %add3A_1749, %exp3A_1788 : vector<16xf32>
        %mul3A_1790 = arith.mulf %exp3A_1788, %get3A_1767 : vector<16xf32>
        %add3A_1791 = arith.addf %add3A_1751, %mul3A_1790 : vector<16xf32>
        %add3A_1792 = arith.constant 42 : i32
        %add3A_1793 = arith.addi %mul3A_37, %add3A_1792 : i32
        %add3A_1794 = arith.constant 1 : i32
        %add3A_1795 = arith.addi %add3A_1793, %add3A_1794 : i32
        %get3A_1796 = arith.index_cast %add3A_1795 : i32 to index
        %get3A_1797 = arith.index_cast %mul3A_22 : i32 to index
        %get3A_1798 = tpu.vector_load %arg7[%get3A_1796, %get3A_1797] {strides = array<i32>} : memref<128x256xf32, #tpu.memory_space<vmem>>, vector<1x16xf32>,
        %get3A_1799 = vector.shape_cast %get3A_1798 : vector<1x16xf32> to vector<16xf32>
        %add3A_1800 = arith.constant 42 : i32
        %add3A_1801 = arith.addi %mul3A_37, %add3A_1800 : i32
        %add3A_1802 = arith.constant 1 : i32
        %add3A_1803 = arith.addi %add3A_1801, %add3A_1802 : i32
        %get3A_1804 = arith.index_cast %add3A_1803 : i32 to index
        %get3A_1805 = arith.index_cast %mul3A_22 : i32 to index
        %get3A_1806 = tpu.vector_load %arg8[%get3A_1804, %get3A_1805] {strides = array<i32>} : memref<128x256xf32, #tpu.memory_space<vmem>>, vector<1x16xf32>,
        %get3A_1807 = vector.shape_cast %get3A_1806 : vector<1x16xf32> to vector<16xf32>
        %mul3A_1808 = arith.mulf %mul3A_45, %get3A_1799 : vector<16xf32>
        %sub3A_1809 = arith.subf %mul3A_1808, %mul3A_46 : vector<16xf32>
        %exp3A_1810 = math.exp %sub3A_1809 : vector<16xf32>
        %add3A_1811 = arith.addf %add3A_1771, %exp3A_1810 : vector<16xf32>
        %mul3A_1812 = arith.mulf %exp3A_1810, %get3A_1807 : vector<16xf32>
        %add3A_1813 = arith.addf %add3A_1773, %mul3A_1812 : vector<16xf32>
        %mul3A_1814 = arith.mulf %mul3A_69, %get3A_1799 : vector<16xf32>
        %sub3A_1815 = arith.subf %mul3A_1814, %mul3A_71 : vector<16xf32>
        %exp3A_1816 = math.exp %sub3A_1815 : vector<16xf32>
        %add3A_1817 = arith.addf %add3A_1777, %exp3A_1816 : vector<16xf32>
        %mul3A_1818 = arith.mulf %exp3A_1816, %get3A_1807 : vector<16xf32>
        %add3A_1819 = arith.addf %add3A_1779, %mul3A_1818 : vector<16xf32>
        %mul3A_1820 = arith.mulf %mul3A_98, %get3A_1799 : vector<16xf32>
        %sub3A_1821 = arith.subf %mul3A_1820, %mul3A_100 : vector<16xf32>
        %exp3A_1822 = math.exp %sub3A_1821 : vector<16xf32>
        %add3A_1823 = arith.addf %add3A_1783, %exp3A_1822 : vector<16xf32>
        %mul3A_1824 = arith.mulf %exp3A_1822, %get3A_1807 : vector<16xf32>
        %add3A_1825 = arith.addf %add3A_1785, %mul3A_1824 : vector<16xf32>
        %mul3A_1826 = arith.mulf %mul3A_127, %get3A_1799 : vector<16xf32>
        %sub3A_1827 = arith.subf %mul3A_1826, %mul3A_129 : vector<16xf32>
        %exp3A_1828 = math.exp %sub3A_1827 : vector<16xf32>
        %add3A_1829 = arith.addf %add3A_1789, %exp3A_1828 : vector<16xf32>
        %mul3A_1830 = arith.mulf %exp3A_1828, %get3A_1807 : vector<16xf32>
        %add3A_1831 = arith.addf %add3A_1791, %mul3A_1830 : vector<16xf32>
        %add3A_1832 = arith.constant 43 : i32
        %add3A_1833 = arith.addi %mul3A_37, %add3A_1832 : i32
        %add3A_1834 = arith.constant 1 : i32
        %add3A_1835 = arith.addi %add3A_1833, %add3A_1834 : i32
        %get3A_1836 = arith.index_cast %add3A_1835 : i32 to index
        %get3A_1837 = arith.index_cast %mul3A_22 : i32 to index
        %get3A_1838 = tpu.vector_load %arg7[%get3A_1836, %get3A_1837] {strides = array<i32>} : memref<128x256xf32, #tpu.memory_space<vmem>>, vector<1x16xf32>,
        %get3A_1839 = vector.shape_cast %get3A_1838 : vector<1x16xf32> to vector<16xf32>
        %add3A_1840 = arith.constant 43 : i32
        %add3A_1841 = arith.addi %mul3A_37, %add3A_1840 : i32
        %add3A_1842 = arith.constant 1 : i32
        %add3A_1843 = arith.addi %add3A_1841, %add3A_1842 : i32
        %get3A_1844 = arith.index_cast %add3A_1843 : i32 to index
        %get3A_1845 = arith.index_cast %mul3A_22 : i32 to index
        %get3A_1846 = tpu.vector_load %arg8[%get3A_1844, %get3A_1845] {strides = array<i32>} : memref<128x256xf32, #tpu.memory_space<vmem>>, vector<1x16xf32>,
        %get3A_1847 = vector.shape_cast %get3A_1846 : vector<1x16xf32> to vector<16xf32>
        %mul3A_1848 = arith.mulf %mul3A_45, %get3A_1839 : vector<16xf32>
        %sub3A_1849 = arith.subf %mul3A_1848, %mul3A_46 : vector<16xf32>
        %exp3A_1850 = math.exp %sub3A_1849 : vector<16xf32>
        %add3A_1851 = arith.addf %add3A_1811, %exp3A_1850 : vector<16xf32>
        %mul3A_1852 = arith.mulf %exp3A_1850, %get3A_1847 : vector<16xf32>
        %add3A_1853 = arith.addf %add3A_1813, %mul3A_1852 : vector<16xf32>
        %mul3A_1854 = arith.mulf %mul3A_69, %get3A_1839 : vector<16xf32>
        %sub3A_1855 = arith.subf %mul3A_1854, %mul3A_71 : vector<16xf32>
        %exp3A_1856 = math.exp %sub3A_1855 : vector<16xf32>
        %add3A_1857 = arith.addf %add3A_1817, %exp3A_1856 : vector<16xf32>
        %mul3A_1858 = arith.mulf %exp3A_1856, %get3A_1847 : vector<16xf32>
        %add3A_1859 = arith.addf %add3A_1819, %mul3A_1858 : vector<16xf32>
        %mul3A_1860 = arith.mulf %mul3A_98, %get3A_1839 : vector<16xf32>
        %sub3A_1861 = arith.subf %mul3A_1860, %mul3A_100 : vector<16xf32>
        %exp3A_1862 = math.exp %sub3A_1861 : vector<16xf32>
        %add3A_1863 = arith.addf %add3A_1823, %exp3A_1862 : vector<16xf32>
        %mul3A_1864 = arith.mulf %exp3A_1862, %get3A_1847 : vector<16xf32>
        %add3A_1865 = arith.addf %add3A_1825, %mul3A_1864 : vector<16xf32>
        %mul3A_1866 = arith.mulf %mul3A_127, %get3A_1839 : vector<16xf32>
        %sub3A_1867 = arith.subf %mul3A_1866, %mul3A_129 : vector<16xf32>
        %exp3A_1868 = math.exp %sub3A_1867 : vector<16xf32>
        %add3A_1869 = arith.addf %add3A_1829, %exp3A_1868 : vector<16xf32>
        %mul3A_1870 = arith.mulf %exp3A_1868, %get3A_1847 : vector<16xf32>
        %add3A_1871 = arith.addf %add3A_1831, %mul3A_1870 : vector<16xf32>
        %add3A_1872 = arith.constant 44 : i32
        %add3A_1873 = arith.addi %mul3A_37, %add3A_1872 : i32
        %add3A_1874 = arith.constant 1 : i32
        %add3A_1875 = arith.addi %add3A_1873, %add3A_1874 : i32
        %get3A_1876 = arith.index_cast %add3A_1875 : i32 to index
        %get3A_1877 = arith.index_cast %mul3A_22 : i32 to index
        %get3A_1878 = tpu.vector_load %arg7[%get3A_1876, %get3A_1877] {strides = array<i32>} : memref<128x256xf32, #tpu.memory_space<vmem>>, vector<1x16xf32>,
        %get3A_1879 = vector.shape_cast %get3A_1878 : vector<1x16xf32> to vector<16xf32>
        %add3A_1880 = arith.constant 44 : i32
        %add3A_1881 = arith.addi %mul3A_37, %add3A_1880 : i32
        %add3A_1882 = arith.constant 1 : i32
        %add3A_1883 = arith.addi %add3A_1881, %add3A_1882 : i32
        %get3A_1884 = arith.index_cast %add3A_1883 : i32 to index
        %get3A_1885 = arith.index_cast %mul3A_22 : i32 to index
        %get3A_1886 = tpu.vector_load %arg8[%get3A_1884, %get3A_1885] {strides = array<i32>} : memref<128x256xf32, #tpu.memory_space<vmem>>, vector<1x16xf32>,
        %get3A_1887 = vector.shape_cast %get3A_1886 : vector<1x16xf32> to vector<16xf32>
        %mul3A_1888 = arith.mulf %mul3A_45, %get3A_1879 : vector<16xf32>
        %sub3A_1889 = arith.subf %mul3A_1888, %mul3A_46 : vector<16xf32>
        %exp3A_1890 = math.exp %sub3A_1889 : vector<16xf32>
        %add3A_1891 = arith.addf %add3A_1851, %exp3A_1890 : vector<16xf32>
        %mul3A_1892 = arith.mulf %exp3A_1890, %get3A_1887 : vector<16xf32>
        %add3A_1893 = arith.addf %add3A_1853, %mul3A_1892 : vector<16xf32>
        %mul3A_1894 = arith.mulf %mul3A_69, %get3A_1879 : vector<16xf32>
        %sub3A_1895 = arith.subf %mul3A_1894, %mul3A_71 : vector<16xf32>
        %exp3A_1896 = math.exp %sub3A_1895 : vector<16xf32>
        %add3A_1897 = arith.addf %add3A_1857, %exp3A_1896 : vector<16xf32>
        %mul3A_1898 = arith.mulf %exp3A_1896, %get3A_1887 : vector<16xf32>
        %add3A_1899 = arith.addf %add3A_1859, %mul3A_1898 : vector<16xf32>
        %mul3A_1900 = arith.mulf %mul3A_98, %get3A_1879 : vector<16xf32>
        %sub3A_1901 = arith.subf %mul3A_1900, %mul3A_100 : vector<16xf32>
        %exp3A_1902 = math.exp %sub3A_1901 : vector<16xf32>
        %add3A_1903 = arith.addf %add3A_1863, %exp3A_1902 : vector<16xf32>
        %mul3A_1904 = arith.mulf %exp3A_1902, %get3A_1887 : vector<16xf32>
        %add3A_1905 = arith.addf %add3A_1865, %mul3A_1904 : vector<16xf32>
        %mul3A_1906 = arith.mulf %mul3A_127, %get3A_1879 : vector<16xf32>
        %sub3A_1907 = arith.subf %mul3A_1906, %mul3A_129 : vector<16xf32>
        %exp3A_1908 = math.exp %sub3A_1907 : vector<16xf32>
        %add3A_1909 = arith.addf %add3A_1869, %exp3A_1908 : vector<16xf32>
        %mul3A_1910 = arith.mulf %exp3A_1908, %get3A_1887 : vector<16xf32>
        %add3A_1911 = arith.addf %add3A_1871, %mul3A_1910 : vector<16xf32>
        %add3A_1912 = arith.constant 45 : i32
        %add3A_1913 = arith.addi %mul3A_37, %add3A_1912 : i32
        %add3A_1914 = arith.constant 1 : i32
        %add3A_1915 = arith.addi %add3A_1913, %add3A_1914 : i32
        %get3A_1916 = arith.index_cast %add3A_1915 : i32 to index
        %get3A_1917 = arith.index_cast %mul3A_22 : i32 to index
        %get3A_1918 = tpu.vector_load %arg7[%get3A_1916, %get3A_1917] {strides = array<i32>} : memref<128x256xf32, #tpu.memory_space<vmem>>, vector<1x16xf32>,
        %get3A_1919 = vector.shape_cast %get3A_1918 : vector<1x16xf32> to vector<16xf32>
        %add3A_1920 = arith.constant 45 : i32
        %add3A_1921 = arith.addi %mul3A_37, %add3A_1920 : i32
        %add3A_1922 = arith.constant 1 : i32
        %add3A_1923 = arith.addi %add3A_1921, %add3A_1922 : i32
        %get3A_1924 = arith.index_cast %add3A_1923 : i32 to index
        %get3A_1925 = arith.index_cast %mul3A_22 : i32 to index
        %get3A_1926 = tpu.vector_load %arg8[%get3A_1924, %get3A_1925] {strides = array<i32>} : memref<128x256xf32, #tpu.memory_space<vmem>>, vector<1x16xf32>,
        %get3A_1927 = vector.shape_cast %get3A_1926 : vector<1x16xf32> to vector<16xf32>
        %mul3A_1928 = arith.mulf %mul3A_45, %get3A_1919 : vector<16xf32>
        %sub3A_1929 = arith.subf %mul3A_1928, %mul3A_46 : vector<16xf32>
        %exp3A_1930 = math.exp %sub3A_1929 : vector<16xf32>
        %add3A_1931 = arith.addf %add3A_1891, %exp3A_1930 : vector<16xf32>
        %mul3A_1932 = arith.mulf %exp3A_1930, %get3A_1927 : vector<16xf32>
        %add3A_1933 = arith.addf %add3A_1893, %mul3A_1932 : vector<16xf32>
        %mul3A_1934 = arith.mulf %mul3A_69, %get3A_1919 : vector<16xf32>
        %sub3A_1935 = arith.subf %mul3A_1934, %mul3A_71 : vector<16xf32>
        %exp3A_1936 = math.exp %sub3A_1935 : vector<16xf32>
        %add3A_1937 = arith.addf %add3A_1897, %exp3A_1936 : vector<16xf32>
        %mul3A_1938 = arith.mulf %exp3A_1936, %get3A_1927 : vector<16xf32>
        %add3A_1939 = arith.addf %add3A_1899, %mul3A_1938 : vector<16xf32>
        %mul3A_1940 = arith.mulf %mul3A_98, %get3A_1919 : vector<16xf32>
        %sub3A_1941 = arith.subf %mul3A_1940, %mul3A_100 : vector<16xf32>
        %exp3A_1942 = math.exp %sub3A_1941 : vector<16xf32>
        %add3A_1943 = arith.addf %add3A_1903, %exp3A_1942 : vector<16xf32>
        %mul3A_1944 = arith.mulf %exp3A_1942, %get3A_1927 : vector<16xf32>
        %add3A_1945 = arith.addf %add3A_1905, %mul3A_1944 : vector<16xf32>
        %mul3A_1946 = arith.mulf %mul3A_127, %get3A_1919 : vector<16xf32>
        %sub3A_1947 = arith.subf %mul3A_1946, %mul3A_129 : vector<16xf32>
        %exp3A_1948 = math.exp %sub3A_1947 : vector<16xf32>
        %add3A_1949 = arith.addf %add3A_1909, %exp3A_1948 : vector<16xf32>
        %mul3A_1950 = arith.mulf %exp3A_1948, %get3A_1927 : vector<16xf32>
        %add3A_1951 = arith.addf %add3A_1911, %mul3A_1950 : vector<16xf32>
        %add3A_1952 = arith.constant 46 : i32
        %add3A_1953 = arith.addi %mul3A_37, %add3A_1952 : i32
        %add3A_1954 = arith.constant 1 : i32
        %add3A_1955 = arith.addi %add3A_1953, %add3A_1954 : i32
        %get3A_1956 = arith.index_cast %add3A_1955 : i32 to index
        %get3A_1957 = arith.index_cast %mul3A_22 : i32 to index
        %get3A_1958 = tpu.vector_load %arg7[%get3A_1956, %get3A_1957] {strides = array<i32>} : memref<128x256xf32, #tpu.memory_space<vmem>>, vector<1x16xf32>,
        %get3A_1959 = vector.shape_cast %get3A_1958 : vector<1x16xf32> to vector<16xf32>
        %add3A_1960 = arith.constant 46 : i32
        %add3A_1961 = arith.addi %mul3A_37, %add3A_1960 : i32
        %add3A_1962 = arith.constant 1 : i32
        %add3A_1963 = arith.addi %add3A_1961, %add3A_1962 : i32
        %get3A_1964 = arith.index_cast %add3A_1963 : i32 to index
        %get3A_1965 = arith.index_cast %mul3A_22 : i32 to index
        %get3A_1966 = tpu.vector_load %arg8[%get3A_1964, %get3A_1965] {strides = array<i32>} : memref<128x256xf32, #tpu.memory_space<vmem>>, vector<1x16xf32>,
        %get3A_1967 = vector.shape_cast %get3A_1966 : vector<1x16xf32> to vector<16xf32>
        %mul3A_1968 = arith.mulf %mul3A_45, %get3A_1959 : vector<16xf32>
        %sub3A_1969 = arith.subf %mul3A_1968, %mul3A_46 : vector<16xf32>
        %exp3A_1970 = math.exp %sub3A_1969 : vector<16xf32>
        %add3A_1971 = arith.addf %add3A_1931, %exp3A_1970 : vector<16xf32>
        %mul3A_1972 = arith.mulf %exp3A_1970, %get3A_1967 : vector<16xf32>
        %add3A_1973 = arith.addf %add3A_1933, %mul3A_1972 : vector<16xf32>
        %mul3A_1974 = arith.mulf %mul3A_69, %get3A_1959 : vector<16xf32>
        %sub3A_1975 = arith.subf %mul3A_1974, %mul3A_71 : vector<16xf32>
        %exp3A_1976 = math.exp %sub3A_1975 : vector<16xf32>
        %add3A_1977 = arith.addf %add3A_1937, %exp3A_1976 : vector<16xf32>
        %mul3A_1978 = arith.mulf %exp3A_1976, %get3A_1967 : vector<16xf32>
        %add3A_1979 = arith.addf %add3A_1939, %mul3A_1978 : vector<16xf32>
        %mul3A_1980 = arith.mulf %mul3A_98, %get3A_1959 : vector<16xf32>
        %sub3A_1981 = arith.subf %mul3A_1980, %mul3A_100 : vector<16xf32>
        %exp3A_1982 = math.exp %sub3A_1981 : vector<16xf32>
        %add3A_1983 = arith.addf %add3A_1943, %exp3A_1982 : vector<16xf32>
        %mul3A_1984 = arith.mulf %exp3A_1982, %get3A_1967 : vector<16xf32>
        %add3A_1985 = arith.addf %add3A_1945, %mul3A_1984 : vector<16xf32>
        %mul3A_1986 = arith.mulf %mul3A_127, %get3A_1959 : vector<16xf32>
        %sub3A_1987 = arith.subf %mul3A_1986, %mul3A_129 : vector<16xf32>
        %exp3A_1988 = math.exp %sub3A_1987 : vector<16xf32>
        %add3A_1989 = arith.addf %add3A_1949, %exp3A_1988 : vector<16xf32>
        %mul3A_1990 = arith.mulf %exp3A_1988, %get3A_1967 : vector<16xf32>
        %add3A_1991 = arith.addf %add3A_1951, %mul3A_1990 : vector<16xf32>
        %add3A_1992 = arith.constant 47 : i32
        %add3A_1993 = arith.addi %mul3A_37, %add3A_1992 : i32
        %add3A_1994 = arith.constant 1 : i32
        %add3A_1995 = arith.addi %add3A_1993, %add3A_1994 : i32
        %get3A_1996 = arith.index_cast %add3A_1995 : i32 to index
        %get3A_1997 = arith.index_cast %mul3A_22 : i32 to index
        %get3A_1998 = tpu.vector_load %arg7[%get3A_1996, %get3A_1997] {strides = array<i32>} : memref<128x256xf32, #tpu.memory_space<vmem>>, vector<1x16xf32>,
        %get3A_1999 = vector.shape_cast %get3A_1998 : vector<1x16xf32> to vector<16xf32>
        %add3A_2000 = arith.constant 47 : i32
        %add3A_2001 = arith.addi %mul3A_37, %add3A_2000 : i32
        %add3A_2002 = arith.constant 1 : i32
        %add3A_2003 = arith.addi %add3A_2001, %add3A_2002 : i32
        %get3A_2004 = arith.index_cast %add3A_2003 : i32 to index
        %get3A_2005 = arith.index_cast %mul3A_22 : i32 to index
        %get3A_2006 = tpu.vector_load %arg8[%get3A_2004, %get3A_2005] {strides = array<i32>} : memref<128x256xf32, #tpu.memory_space<vmem>>, vector<1x16xf32>,
        %get3A_2007 = vector.shape_cast %get3A_2006 : vector<1x16xf32> to vector<16xf32>
        %mul3A_2008 = arith.mulf %mul3A_45, %get3A_1999 : vector<16xf32>
        %sub3A_2009 = arith.subf %mul3A_2008, %mul3A_46 : vector<16xf32>
        %exp3A_2010 = math.exp %sub3A_2009 : vector<16xf32>
        %add3A_2011 = arith.addf %add3A_1971, %exp3A_2010 : vector<16xf32>
        %mul3A_2012 = arith.mulf %exp3A_2010, %get3A_2007 : vector<16xf32>
        %add3A_2013 = arith.addf %add3A_1973, %mul3A_2012 : vector<16xf32>
        %mul3A_2014 = arith.mulf %mul3A_69, %get3A_1999 : vector<16xf32>
        %sub3A_2015 = arith.subf %mul3A_2014, %mul3A_71 : vector<16xf32>
        %exp3A_2016 = math.exp %sub3A_2015 : vector<16xf32>
        %add3A_2017 = arith.addf %add3A_1977, %exp3A_2016 : vector<16xf32>
        %mul3A_2018 = arith.mulf %exp3A_2016, %get3A_2007 : vector<16xf32>
        %add3A_2019 = arith.addf %add3A_1979, %mul3A_2018 : vector<16xf32>
        %mul3A_2020 = arith.mulf %mul3A_98, %get3A_1999 : vector<16xf32>
        %sub3A_2021 = arith.subf %mul3A_2020, %mul3A_100 : vector<16xf32>
        %exp3A_2022 = math.exp %sub3A_2021 : vector<16xf32>
        %add3A_2023 = arith.addf %add3A_1983, %exp3A_2022 : vector<16xf32>
        %mul3A_2024 = arith.mulf %exp3A_2022, %get3A_2007 : vector<16xf32>
        %add3A_2025 = arith.addf %add3A_1985, %mul3A_2024 : vector<16xf32>
        %mul3A_2026 = arith.mulf %mul3A_127, %get3A_1999 : vector<16xf32>
        %sub3A_2027 = arith.subf %mul3A_2026, %mul3A_129 : vector<16xf32>
        %exp3A_2028 = math.exp %sub3A_2027 : vector<16xf32>
        %add3A_2029 = arith.addf %add3A_1989, %exp3A_2028 : vector<16xf32>
        %mul3A_2030 = arith.mulf %exp3A_2028, %get3A_2007 : vector<16xf32>
        %add3A_2031 = arith.addf %add3A_1991, %mul3A_2030 : vector<16xf32>
        %add3A_2032 = arith.constant 48 : i32
        %add3A_2033 = arith.addi %mul3A_37, %add3A_2032 : i32
        %add3A_2034 = arith.constant 1 : i32
        %add3A_2035 = arith.addi %add3A_2033, %add3A_2034 : i32
        %get3A_2036 = arith.index_cast %add3A_2035 : i32 to index
        %get3A_2037 = arith.index_cast %mul3A_22 : i32 to index
        %get3A_2038 = tpu.vector_load %arg7[%get3A_2036, %get3A_2037] {strides = array<i32>} : memref<128x256xf32, #tpu.memory_space<vmem>>, vector<1x16xf32>,
        %get3A_2039 = vector.shape_cast %get3A_2038 : vector<1x16xf32> to vector<16xf32>
        %add3A_2040 = arith.constant 48 : i32
        %add3A_2041 = arith.addi %mul3A_37, %add3A_2040 : i32
        %add3A_2042 = arith.constant 1 : i32
        %add3A_2043 = arith.addi %add3A_2041, %add3A_2042 : i32
        %get3A_2044 = arith.index_cast %add3A_2043 : i32 to index
        %get3A_2045 = arith.index_cast %mul3A_22 : i32 to index
        %get3A_2046 = tpu.vector_load %arg8[%get3A_2044, %get3A_2045] {strides = array<i32>} : memref<128x256xf32, #tpu.memory_space<vmem>>, vector<1x16xf32>,
        %get3A_2047 = vector.shape_cast %get3A_2046 : vector<1x16xf32> to vector<16xf32>
        %mul3A_2048 = arith.mulf %mul3A_45, %get3A_2039 : vector<16xf32>
        %sub3A_2049 = arith.subf %mul3A_2048, %mul3A_46 : vector<16xf32>
        %exp3A_2050 = math.exp %sub3A_2049 : vector<16xf32>
        %add3A_2051 = arith.addf %add3A_2011, %exp3A_2050 : vector<16xf32>
        %mul3A_2052 = arith.mulf %exp3A_2050, %get3A_2047 : vector<16xf32>
        %add3A_2053 = arith.addf %add3A_2013, %mul3A_2052 : vector<16xf32>
        %mul3A_2054 = arith.mulf %mul3A_69, %get3A_2039 : vector<16xf32>
        %sub3A_2055 = arith.subf %mul3A_2054, %mul3A_71 : vector<16xf32>
        %exp3A_2056 = math.exp %sub3A_2055 : vector<16xf32>
        %add3A_2057 = arith.addf %add3A_2017, %exp3A_2056 : vector<16xf32>
        %mul3A_2058 = arith.mulf %exp3A_2056, %get3A_2047 : vector<16xf32>
        %add3A_2059 = arith.addf %add3A_2019, %mul3A_2058 : vector<16xf32>
        %mul3A_2060 = arith.mulf %mul3A_98, %get3A_2039 : vector<16xf32>
        %sub3A_2061 = arith.subf %mul3A_2060, %mul3A_100 : vector<16xf32>
        %exp3A_2062 = math.exp %sub3A_2061 : vector<16xf32>
        %add3A_2063 = arith.addf %add3A_2023, %exp3A_2062 : vector<16xf32>
        %mul3A_2064 = arith.mulf %exp3A_2062, %get3A_2047 : vector<16xf32>
        %add3A_2065 = arith.addf %add3A_2025, %mul3A_2064 : vector<16xf32>
        %mul3A_2066 = arith.mulf %mul3A_127, %get3A_2039 : vector<16xf32>
        %sub3A_2067 = arith.subf %mul3A_2066, %mul3A_129 : vector<16xf32>
        %exp3A_2068 = math.exp %sub3A_2067 : vector<16xf32>
        %add3A_2069 = arith.addf %add3A_2029, %exp3A_2068 : vector<16xf32>
        %mul3A_2070 = arith.mulf %exp3A_2068, %get3A_2047 : vector<16xf32>
        %add3A_2071 = arith.addf %add3A_2031, %mul3A_2070 : vector<16xf32>
        %add3A_2072 = arith.constant 49 : i32
        %add3A_2073 = arith.addi %mul3A_37, %add3A_2072 : i32
        %add3A_2074 = arith.constant 1 : i32
        %add3A_2075 = arith.addi %add3A_2073, %add3A_2074 : i32
        %get3A_2076 = arith.index_cast %add3A_2075 : i32 to index
        %get3A_2077 = arith.index_cast %mul3A_22 : i32 to index
        %get3A_2078 = tpu.vector_load %arg7[%get3A_2076, %get3A_2077] {strides = array<i32>} : memref<128x256xf32, #tpu.memory_space<vmem>>, vector<1x16xf32>,
        %get3A_2079 = vector.shape_cast %get3A_2078 : vector<1x16xf32> to vector<16xf32>
        %add3A_2080 = arith.constant 49 : i32
        %add3A_2081 = arith.addi %mul3A_37, %add3A_2080 : i32
        %add3A_2082 = arith.constant 1 : i32
        %add3A_2083 = arith.addi %add3A_2081, %add3A_2082 : i32
        %get3A_2084 = arith.index_cast %add3A_2083 : i32 to index
        %get3A_2085 = arith.index_cast %mul3A_22 : i32 to index
        %get3A_2086 = tpu.vector_load %arg8[%get3A_2084, %get3A_2085] {strides = array<i32>} : memref<128x256xf32, #tpu.memory_space<vmem>>, vector<1x16xf32>,
        %get3A_2087 = vector.shape_cast %get3A_2086 : vector<1x16xf32> to vector<16xf32>
        %mul3A_2088 = arith.mulf %mul3A_45, %get3A_2079 : vector<16xf32>
        %sub3A_2089 = arith.subf %mul3A_2088, %mul3A_46 : vector<16xf32>
        %exp3A_2090 = math.exp %sub3A_2089 : vector<16xf32>
        %add3A_2091 = arith.addf %add3A_2051, %exp3A_2090 : vector<16xf32>
        %mul3A_2092 = arith.mulf %exp3A_2090, %get3A_2087 : vector<16xf32>
        %add3A_2093 = arith.addf %add3A_2053, %mul3A_2092 : vector<16xf32>
        %mul3A_2094 = arith.mulf %mul3A_69, %get3A_2079 : vector<16xf32>
        %sub3A_2095 = arith.subf %mul3A_2094, %mul3A_71 : vector<16xf32>
        %exp3A_2096 = math.exp %sub3A_2095 : vector<16xf32>
        %add3A_2097 = arith.addf %add3A_2057, %exp3A_2096 : vector<16xf32>
        %mul3A_2098 = arith.mulf %exp3A_2096, %get3A_2087 : vector<16xf32>
        %add3A_2099 = arith.addf %add3A_2059, %mul3A_2098 : vector<16xf32>
        %mul3A_2100 = arith.mulf %mul3A_98, %get3A_2079 : vector<16xf32>
        %sub3A_2101 = arith.subf %mul3A_2100, %mul3A_100 : vector<16xf32>
        %exp3A_2102 = math.exp %sub3A_2101 : vector<16xf32>
        %add3A_2103 = arith.addf %add3A_2063, %exp3A_2102 : vector<16xf32>
        %mul3A_2104 = arith.mulf %exp3A_2102, %get3A_2087 : vector<16xf32>
        %add3A_2105 = arith.addf %add3A_2065, %mul3A_2104 : vector<16xf32>
        %mul3A_2106 = arith.mulf %mul3A_127, %get3A_2079 : vector<16xf32>
        %sub3A_2107 = arith.subf %mul3A_2106, %mul3A_129 : vector<16xf32>
        %exp3A_2108 = math.exp %sub3A_2107 : vector<16xf32>
        %add3A_2109 = arith.addf %add3A_2069, %exp3A_2108 : vector<16xf32>
        %mul3A_2110 = arith.mulf %exp3A_2108, %get3A_2087 : vector<16xf32>
        %add3A_2111 = arith.addf %add3A_2071, %mul3A_2110 : vector<16xf32>
        %add3A_2112 = arith.constant 50 : i32
        %add3A_2113 = arith.addi %mul3A_37, %add3A_2112 : i32
        %add3A_2114 = arith.constant 1 : i32
        %add3A_2115 = arith.addi %add3A_2113, %add3A_2114 : i32
        %get3A_2116 = arith.index_cast %add3A_2115 : i32 to index
        %get3A_2117 = arith.index_cast %mul3A_22 : i32 to index
        %get3A_2118 = tpu.vector_load %arg7[%get3A_2116, %get3A_2117] {strides = array<i32>} : memref<128x256xf32, #tpu.memory_space<vmem>>, vector<1x16xf32>,
        %get3A_2119 = vector.shape_cast %get3A_2118 : vector<1x16xf32> to vector<16xf32>
        %add3A_2120 = arith.constant 50 : i32
        %add3A_2121 = arith.addi %mul3A_37, %add3A_2120 : i32
        %add3A_2122 = arith.constant 1 : i32
        %add3A_2123 = arith.addi %add3A_2121, %add3A_2122 : i32
        %get3A_2124 = arith.index_cast %add3A_2123 : i32 to index
        %get3A_2125 = arith.index_cast %mul3A_22 : i32 to index
        %get3A_2126 = tpu.vector_load %arg8[%get3A_2124, %get3A_2125] {strides = array<i32>} : memref<128x256xf32, #tpu.memory_space<vmem>>, vector<1x16xf32>,
        %get3A_2127 = vector.shape_cast %get3A_2126 : vector<1x16xf32> to vector<16xf32>
        %mul3A_2128 = arith.mulf %mul3A_45, %get3A_2119 : vector<16xf32>
        %sub3A_2129 = arith.subf %mul3A_2128, %mul3A_46 : vector<16xf32>
        %exp3A_2130 = math.exp %sub3A_2129 : vector<16xf32>
        %add3A_2131 = arith.addf %add3A_2091, %exp3A_2130 : vector<16xf32>
        %mul3A_2132 = arith.mulf %exp3A_2130, %get3A_2127 : vector<16xf32>
        %add3A_2133 = arith.addf %add3A_2093, %mul3A_2132 : vector<16xf32>
        %mul3A_2134 = arith.mulf %mul3A_69, %get3A_2119 : vector<16xf32>
        %sub3A_2135 = arith.subf %mul3A_2134, %mul3A_71 : vector<16xf32>
        %exp3A_2136 = math.exp %sub3A_2135 : vector<16xf32>
        %add3A_2137 = arith.addf %add3A_2097, %exp3A_2136 : vector<16xf32>
        %mul3A_2138 = arith.mulf %exp3A_2136, %get3A_2127 : vector<16xf32>
        %add3A_2139 = arith.addf %add3A_2099, %mul3A_2138 : vector<16xf32>
        %mul3A_2140 = arith.mulf %mul3A_98, %get3A_2119 : vector<16xf32>
        %sub3A_2141 = arith.subf %mul3A_2140, %mul3A_100 : vector<16xf32>
        %exp3A_2142 = math.exp %sub3A_2141 : vector<16xf32>
        %add3A_2143 = arith.addf %add3A_2103, %exp3A_2142 : vector<16xf32>
        %mul3A_2144 = arith.mulf %exp3A_2142, %get3A_2127 : vector<16xf32>
        %add3A_2145 = arith.addf %add3A_2105, %mul3A_2144 : vector<16xf32>
        %mul3A_2146 = arith.mulf %mul3A_127, %get3A_2119 : vector<16xf32>
        %sub3A_2147 = arith.subf %mul3A_2146, %mul3A_129 : vector<16xf32>
        %exp3A_2148 = math.exp %sub3A_2147 : vector<16xf32>
        %add3A_2149 = arith.addf %add3A_2109, %exp3A_2148 : vector<16xf32>
        %mul3A_2150 = arith.mulf %exp3A_2148, %get3A_2127 : vector<16xf32>
        %add3A_2151 = arith.addf %add3A_2111, %mul3A_2150 : vector<16xf32>
        %add3A_2152 = arith.constant 51 : i32
        %add3A_2153 = arith.addi %mul3A_37, %add3A_2152 : i32
        %add3A_2154 = arith.constant 1 : i32
        %add3A_2155 = arith.addi %add3A_2153, %add3A_2154 : i32
        %get3A_2156 = arith.index_cast %add3A_2155 : i32 to index
        %get3A_2157 = arith.index_cast %mul3A_22 : i32 to index
        %get3A_2158 = tpu.vector_load %arg7[%get3A_2156, %get3A_2157] {strides = array<i32>} : memref<128x256xf32, #tpu.memory_space<vmem>>, vector<1x16xf32>,
        %get3A_2159 = vector.shape_cast %get3A_2158 : vector<1x16xf32> to vector<16xf32>
        %add3A_2160 = arith.constant 51 : i32
        %add3A_2161 = arith.addi %mul3A_37, %add3A_2160 : i32
        %add3A_2162 = arith.constant 1 : i32
        %add3A_2163 = arith.addi %add3A_2161, %add3A_2162 : i32
        %get3A_2164 = arith.index_cast %add3A_2163 : i32 to index
        %get3A_2165 = arith.index_cast %mul3A_22 : i32 to index
        %get3A_2166 = tpu.vector_load %arg8[%get3A_2164, %get3A_2165] {strides = array<i32>} : memref<128x256xf32, #tpu.memory_space<vmem>>, vector<1x16xf32>,
        %get3A_2167 = vector.shape_cast %get3A_2166 : vector<1x16xf32> to vector<16xf32>
        %mul3A_2168 = arith.mulf %mul3A_45, %get3A_2159 : vector<16xf32>
        %sub3A_2169 = arith.subf %mul3A_2168, %mul3A_46 : vector<16xf32>
        %exp3A_2170 = math.exp %sub3A_2169 : vector<16xf32>
        %add3A_2171 = arith.addf %add3A_2131, %exp3A_2170 : vector<16xf32>
        %mul3A_2172 = arith.mulf %exp3A_2170, %get3A_2167 : vector<16xf32>
        %add3A_2173 = arith.addf %add3A_2133, %mul3A_2172 : vector<16xf32>
        %mul3A_2174 = arith.mulf %mul3A_69, %get3A_2159 : vector<16xf32>
        %sub3A_2175 = arith.subf %mul3A_2174, %mul3A_71 : vector<16xf32>
        %exp3A_2176 = math.exp %sub3A_2175 : vector<16xf32>
        %add3A_2177 = arith.addf %add3A_2137, %exp3A_2176 : vector<16xf32>
        %mul3A_2178 = arith.mulf %exp3A_2176, %get3A_2167 : vector<16xf32>
        %add3A_2179 = arith.addf %add3A_2139, %mul3A_2178 : vector<16xf32>
        %mul3A_2180 = arith.mulf %mul3A_98, %get3A_2159 : vector<16xf32>
        %sub3A_2181 = arith.subf %mul3A_2180, %mul3A_100 : vector<16xf32>
        %exp3A_2182 = math.exp %sub3A_2181 : vector<16xf32>
        %add3A_2183 = arith.addf %add3A_2143, %exp3A_2182 : vector<16xf32>
        %mul3A_2184 = arith.mulf %exp3A_2182, %get3A_2167 : vector<16xf32>
        %add3A_2185 = arith.addf %add3A_2145, %mul3A_2184 : vector<16xf32>
        %mul3A_2186 = arith.mulf %mul3A_127, %get3A_2159 : vector<16xf32>
        %sub3A_2187 = arith.subf %mul3A_2186, %mul3A_129 : vector<16xf32>
        %exp3A_2188 = math.exp %sub3A_2187 : vector<16xf32>
        %add3A_2189 = arith.addf %add3A_2149, %exp3A_2188 : vector<16xf32>
        %mul3A_2190 = arith.mulf %exp3A_2188, %get3A_2167 : vector<16xf32>
        %add3A_2191 = arith.addf %add3A_2151, %mul3A_2190 : vector<16xf32>
        %add3A_2192 = arith.constant 52 : i32
        %add3A_2193 = arith.addi %mul3A_37, %add3A_2192 : i32
        %add3A_2194 = arith.constant 1 : i32
        %add3A_2195 = arith.addi %add3A_2193, %add3A_2194 : i32
        %get3A_2196 = arith.index_cast %add3A_2195 : i32 to index
        %get3A_2197 = arith.index_cast %mul3A_22 : i32 to index
        %get3A_2198 = tpu.vector_load %arg7[%get3A_2196, %get3A_2197] {strides = array<i32>} : memref<128x256xf32, #tpu.memory_space<vmem>>, vector<1x16xf32>,
        %get3A_2199 = vector.shape_cast %get3A_2198 : vector<1x16xf32> to vector<16xf32>
        %add3A_2200 = arith.constant 52 : i32
        %add3A_2201 = arith.addi %mul3A_37, %add3A_2200 : i32
        %add3A_2202 = arith.constant 1 : i32
        %add3A_2203 = arith.addi %add3A_2201, %add3A_2202 : i32
        %get3A_2204 = arith.index_cast %add3A_2203 : i32 to index
        %get3A_2205 = arith.index_cast %mul3A_22 : i32 to index
        %get3A_2206 = tpu.vector_load %arg8[%get3A_2204, %get3A_2205] {strides = array<i32>} : memref<128x256xf32, #tpu.memory_space<vmem>>, vector<1x16xf32>,
        %get3A_2207 = vector.shape_cast %get3A_2206 : vector<1x16xf32> to vector<16xf32>
        %mul3A_2208 = arith.mulf %mul3A_45, %get3A_2199 : vector<16xf32>
        %sub3A_2209 = arith.subf %mul3A_2208, %mul3A_46 : vector<16xf32>
        %exp3A_2210 = math.exp %sub3A_2209 : vector<16xf32>
        %add3A_2211 = arith.addf %add3A_2171, %exp3A_2210 : vector<16xf32>
        %mul3A_2212 = arith.mulf %exp3A_2210, %get3A_2207 : vector<16xf32>
        %add3A_2213 = arith.addf %add3A_2173, %mul3A_2212 : vector<16xf32>
        %mul3A_2214 = arith.mulf %mul3A_69, %get3A_2199 : vector<16xf32>
        %sub3A_2215 = arith.subf %mul3A_2214, %mul3A_71 : vector<16xf32>
        %exp3A_2216 = math.exp %sub3A_2215 : vector<16xf32>
        %add3A_2217 = arith.addf %add3A_2177, %exp3A_2216 : vector<16xf32>
        %mul3A_2218 = arith.mulf %exp3A_2216, %get3A_2207 : vector<16xf32>
        %add3A_2219 = arith.addf %add3A_2179, %mul3A_2218 : vector<16xf32>
        %mul3A_2220 = arith.mulf %mul3A_98, %get3A_2199 : vector<16xf32>
        %sub3A_2221 = arith.subf %mul3A_2220, %mul3A_100 : vector<16xf32>
        %exp3A_2222 = math.exp %sub3A_2221 : vector<16xf32>
        %add3A_2223 = arith.addf %add3A_2183, %exp3A_2222 : vector<16xf32>
        %mul3A_2224 = arith.mulf %exp3A_2222, %get3A_2207 : vector<16xf32>
        %add3A_2225 = arith.addf %add3A_2185, %mul3A_2224 : vector<16xf32>
        %mul3A_2226 = arith.mulf %mul3A_127, %get3A_2199 : vector<16xf32>
        %sub3A_2227 = arith.subf %mul3A_2226, %mul3A_129 : vector<16xf32>
        %exp3A_2228 = math.exp %sub3A_2227 : vector<16xf32>
        %add3A_2229 = arith.addf %add3A_2189, %exp3A_2228 : vector<16xf32>
        %mul3A_2230 = arith.mulf %exp3A_2228, %get3A_2207 : vector<16xf32>
        %add3A_2231 = arith.addf %add3A_2191, %mul3A_2230 : vector<16xf32>
        %add3A_2232 = arith.constant 53 : i32
        %add3A_2233 = arith.addi %mul3A_37, %add3A_2232 : i32
        %add3A_2234 = arith.constant 1 : i32
        %add3A_2235 = arith.addi %add3A_2233, %add3A_2234 : i32
        %get3A_2236 = arith.index_cast %add3A_2235 : i32 to index
        %get3A_2237 = arith.index_cast %mul3A_22 : i32 to index
        %get3A_2238 = tpu.vector_load %arg7[%get3A_2236, %get3A_2237] {strides = array<i32>} : memref<128x256xf32, #tpu.memory_space<vmem>>, vector<1x16xf32>,
        %get3A_2239 = vector.shape_cast %get3A_2238 : vector<1x16xf32> to vector<16xf32>
        %add3A_2240 = arith.constant 53 : i32
        %add3A_2241 = arith.addi %mul3A_37, %add3A_2240 : i32
        %add3A_2242 = arith.constant 1 : i32
        %add3A_2243 = arith.addi %add3A_2241, %add3A_2242 : i32
        %get3A_2244 = arith.index_cast %add3A_2243 : i32 to index
        %get3A_2245 = arith.index_cast %mul3A_22 : i32 to index
        %get3A_2246 = tpu.vector_load %arg8[%get3A_2244, %get3A_2245] {strides = array<i32>} : memref<128x256xf32, #tpu.memory_space<vmem>>, vector<1x16xf32>,
        %get3A_2247 = vector.shape_cast %get3A_2246 : vector<1x16xf32> to vector<16xf32>
        %mul3A_2248 = arith.mulf %mul3A_45, %get3A_2239 : vector<16xf32>
        %sub3A_2249 = arith.subf %mul3A_2248, %mul3A_46 : vector<16xf32>
        %exp3A_2250 = math.exp %sub3A_2249 : vector<16xf32>
        %add3A_2251 = arith.addf %add3A_2211, %exp3A_2250 : vector<16xf32>
        %mul3A_2252 = arith.mulf %exp3A_2250, %get3A_2247 : vector<16xf32>
        %add3A_2253 = arith.addf %add3A_2213, %mul3A_2252 : vector<16xf32>
        %mul3A_2254 = arith.mulf %mul3A_69, %get3A_2239 : vector<16xf32>
        %sub3A_2255 = arith.subf %mul3A_2254, %mul3A_71 : vector<16xf32>
        %exp3A_2256 = math.exp %sub3A_2255 : vector<16xf32>
        %add3A_2257 = arith.addf %add3A_2217, %exp3A_2256 : vector<16xf32>
        %mul3A_2258 = arith.mulf %exp3A_2256, %get3A_2247 : vector<16xf32>
        %add3A_2259 = arith.addf %add3A_2219, %mul3A_2258 : vector<16xf32>
        %mul3A_2260 = arith.mulf %mul3A_98, %get3A_2239 : vector<16xf32>
        %sub3A_2261 = arith.subf %mul3A_2260, %mul3A_100 : vector<16xf32>
        %exp3A_2262 = math.exp %sub3A_2261 : vector<16xf32>
        %add3A_2263 = arith.addf %add3A_2223, %exp3A_2262 : vector<16xf32>
        %mul3A_2264 = arith.mulf %exp3A_2262, %get3A_2247 : vector<16xf32>
        %add3A_2265 = arith.addf %add3A_2225, %mul3A_2264 : vector<16xf32>
        %mul3A_2266 = arith.mulf %mul3A_127, %get3A_2239 : vector<16xf32>
        %sub3A_2267 = arith.subf %mul3A_2266, %mul3A_129 : vector<16xf32>
        %exp3A_2268 = math.exp %sub3A_2267 : vector<16xf32>
        %add3A_2269 = arith.addf %add3A_2229, %exp3A_2268 : vector<16xf32>
        %mul3A_2270 = arith.mulf %exp3A_2268, %get3A_2247 : vector<16xf32>
        %add3A_2271 = arith.addf %add3A_2231, %mul3A_2270 : vector<16xf32>
        %add3A_2272 = arith.constant 54 : i32
        %add3A_2273 = arith.addi %mul3A_37, %add3A_2272 : i32
        %add3A_2274 = arith.constant 1 : i32
        %add3A_2275 = arith.addi %add3A_2273, %add3A_2274 : i32
        %get3A_2276 = arith.index_cast %add3A_2275 : i32 to index
        %get3A_2277 = arith.index_cast %mul3A_22 : i32 to index
        %get3A_2278 = tpu.vector_load %arg7[%get3A_2276, %get3A_2277] {strides = array<i32>} : memref<128x256xf32, #tpu.memory_space<vmem>>, vector<1x16xf32>,
        %get3A_2279 = vector.shape_cast %get3A_2278 : vector<1x16xf32> to vector<16xf32>
        %add3A_2280 = arith.constant 54 : i32
        %add3A_2281 = arith.addi %mul3A_37, %add3A_2280 : i32
        %add3A_2282 = arith.constant 1 : i32
        %add3A_2283 = arith.addi %add3A_2281, %add3A_2282 : i32
        %get3A_2284 = arith.index_cast %add3A_2283 : i32 to index
        %get3A_2285 = arith.index_cast %mul3A_22 : i32 to index
        %get3A_2286 = tpu.vector_load %arg8[%get3A_2284, %get3A_2285] {strides = array<i32>} : memref<128x256xf32, #tpu.memory_space<vmem>>, vector<1x16xf32>,
        %get3A_2287 = vector.shape_cast %get3A_2286 : vector<1x16xf32> to vector<16xf32>
        %mul3A_2288 = arith.mulf %mul3A_45, %get3A_2279 : vector<16xf32>
        %sub3A_2289 = arith.subf %mul3A_2288, %mul3A_46 : vector<16xf32>
        %exp3A_2290 = math.exp %sub3A_2289 : vector<16xf32>
        %add3A_2291 = arith.addf %add3A_2251, %exp3A_2290 : vector<16xf32>
        %mul3A_2292 = arith.mulf %exp3A_2290, %get3A_2287 : vector<16xf32>
        %add3A_2293 = arith.addf %add3A_2253, %mul3A_2292 : vector<16xf32>
        %mul3A_2294 = arith.mulf %mul3A_69, %get3A_2279 : vector<16xf32>
        %sub3A_2295 = arith.subf %mul3A_2294, %mul3A_71 : vector<16xf32>
        %exp3A_2296 = math.exp %sub3A_2295 : vector<16xf32>
        %add3A_2297 = arith.addf %add3A_2257, %exp3A_2296 : vector<16xf32>
        %mul3A_2298 = arith.mulf %exp3A_2296, %get3A_2287 : vector<16xf32>
        %add3A_2299 = arith.addf %add3A_2259, %mul3A_2298 : vector<16xf32>
        %mul3A_2300 = arith.mulf %mul3A_98, %get3A_2279 : vector<16xf32>
        %sub3A_2301 = arith.subf %mul3A_2300, %mul3A_100 : vector<16xf32>
        %exp3A_2302 = math.exp %sub3A_2301 : vector<16xf32>
        %add3A_2303 = arith.addf %add3A_2263, %exp3A_2302 : vector<16xf32>
        %mul3A_2304 = arith.mulf %exp3A_2302, %get3A_2287 : vector<16xf32>
        %add3A_2305 = arith.addf %add3A_2265, %mul3A_2304 : vector<16xf32>
        %mul3A_2306 = arith.mulf %mul3A_127, %get3A_2279 : vector<16xf32>
        %sub3A_2307 = arith.subf %mul3A_2306, %mul3A_129 : vector<16xf32>
        %exp3A_2308 = math.exp %sub3A_2307 : vector<16xf32>
        %add3A_2309 = arith.addf %add3A_2269, %exp3A_2308 : vector<16xf32>
        %mul3A_2310 = arith.mulf %exp3A_2308, %get3A_2287 : vector<16xf32>
        %add3A_2311 = arith.addf %add3A_2271, %mul3A_2310 : vector<16xf32>
        %add3A_2312 = arith.constant 55 : i32
        %add3A_2313 = arith.addi %mul3A_37, %add3A_2312 : i32
        %add3A_2314 = arith.constant 1 : i32
        %add3A_2315 = arith.addi %add3A_2313, %add3A_2314 : i32
        %get3A_2316 = arith.index_cast %add3A_2315 : i32 to index
        %get3A_2317 = arith.index_cast %mul3A_22 : i32 to index
        %get3A_2318 = tpu.vector_load %arg7[%get3A_2316, %get3A_2317] {strides = array<i32>} : memref<128x256xf32, #tpu.memory_space<vmem>>, vector<1x16xf32>,
        %get3A_2319 = vector.shape_cast %get3A_2318 : vector<1x16xf32> to vector<16xf32>
        %add3A_2320 = arith.constant 55 : i32
        %add3A_2321 = arith.addi %mul3A_37, %add3A_2320 : i32
        %add3A_2322 = arith.constant 1 : i32
        %add3A_2323 = arith.addi %add3A_2321, %add3A_2322 : i32
        %get3A_2324 = arith.index_cast %add3A_2323 : i32 to index
        %get3A_2325 = arith.index_cast %mul3A_22 : i32 to index
        %get3A_2326 = tpu.vector_load %arg8[%get3A_2324, %get3A_2325] {strides = array<i32>} : memref<128x256xf32, #tpu.memory_space<vmem>>, vector<1x16xf32>,
        %get3A_2327 = vector.shape_cast %get3A_2326 : vector<1x16xf32> to vector<16xf32>
        %mul3A_2328 = arith.mulf %mul3A_45, %get3A_2319 : vector<16xf32>
        %sub3A_2329 = arith.subf %mul3A_2328, %mul3A_46 : vector<16xf32>
        %exp3A_2330 = math.exp %sub3A_2329 : vector<16xf32>
        %add3A_2331 = arith.addf %add3A_2291, %exp3A_2330 : vector<16xf32>
        %mul3A_2332 = arith.mulf %exp3A_2330, %get3A_2327 : vector<16xf32>
        %add3A_2333 = arith.addf %add3A_2293, %mul3A_2332 : vector<16xf32>
        %mul3A_2334 = arith.mulf %mul3A_69, %get3A_2319 : vector<16xf32>
        %sub3A_2335 = arith.subf %mul3A_2334, %mul3A_71 : vector<16xf32>
        %exp3A_2336 = math.exp %sub3A_2335 : vector<16xf32>
        %add3A_2337 = arith.addf %add3A_2297, %exp3A_2336 : vector<16xf32>
        %mul3A_2338 = arith.mulf %exp3A_2336, %get3A_2327 : vector<16xf32>
        %add3A_2339 = arith.addf %add3A_2299, %mul3A_2338 : vector<16xf32>
        %mul3A_2340 = arith.mulf %mul3A_98, %get3A_2319 : vector<16xf32>
        %sub3A_2341 = arith.subf %mul3A_2340, %mul3A_100 : vector<16xf32>
        %exp3A_2342 = math.exp %sub3A_2341 : vector<16xf32>
        %add3A_2343 = arith.addf %add3A_2303, %exp3A_2342 : vector<16xf32>
        %mul3A_2344 = arith.mulf %exp3A_2342, %get3A_2327 : vector<16xf32>
        %add3A_2345 = arith.addf %add3A_2305, %mul3A_2344 : vector<16xf32>
        %mul3A_2346 = arith.mulf %mul3A_127, %get3A_2319 : vector<16xf32>
        %sub3A_2347 = arith.subf %mul3A_2346, %mul3A_129 : vector<16xf32>
        %exp3A_2348 = math.exp %sub3A_2347 : vector<16xf32>
        %add3A_2349 = arith.addf %add3A_2309, %exp3A_2348 : vector<16xf32>
        %mul3A_2350 = arith.mulf %exp3A_2348, %get3A_2327 : vector<16xf32>
        %add3A_2351 = arith.addf %add3A_2311, %mul3A_2350 : vector<16xf32>
        %add3A_2352 = arith.constant 56 : i32
        %add3A_2353 = arith.addi %mul3A_37, %add3A_2352 : i32
        %add3A_2354 = arith.constant 1 : i32
        %add3A_2355 = arith.addi %add3A_2353, %add3A_2354 : i32
        %get3A_2356 = arith.index_cast %add3A_2355 : i32 to index
        %get3A_2357 = arith.index_cast %mul3A_22 : i32 to index
        %get3A_2358 = tpu.vector_load %arg7[%get3A_2356, %get3A_2357] {strides = array<i32>} : memref<128x256xf32, #tpu.memory_space<vmem>>, vector<1x16xf32>,
        %get3A_2359 = vector.shape_cast %get3A_2358 : vector<1x16xf32> to vector<16xf32>
        %add3A_2360 = arith.constant 56 : i32
        %add3A_2361 = arith.addi %mul3A_37, %add3A_2360 : i32
        %add3A_2362 = arith.constant 1 : i32
        %add3A_2363 = arith.addi %add3A_2361, %add3A_2362 : i32
        %get3A_2364 = arith.index_cast %add3A_2363 : i32 to index
        %get3A_2365 = arith.index_cast %mul3A_22 : i32 to index
        %get3A_2366 = tpu.vector_load %arg8[%get3A_2364, %get3A_2365] {strides = array<i32>} : memref<128x256xf32, #tpu.memory_space<vmem>>, vector<1x16xf32>,
        %get3A_2367 = vector.shape_cast %get3A_2366 : vector<1x16xf32> to vector<16xf32>
        %mul3A_2368 = arith.mulf %mul3A_45, %get3A_2359 : vector<16xf32>
        %sub3A_2369 = arith.subf %mul3A_2368, %mul3A_46 : vector<16xf32>
        %exp3A_2370 = math.exp %sub3A_2369 : vector<16xf32>
        %add3A_2371 = arith.addf %add3A_2331, %exp3A_2370 : vector<16xf32>
        %mul3A_2372 = arith.mulf %exp3A_2370, %get3A_2367 : vector<16xf32>
        %add3A_2373 = arith.addf %add3A_2333, %mul3A_2372 : vector<16xf32>
        %mul3A_2374 = arith.mulf %mul3A_69, %get3A_2359 : vector<16xf32>
        %sub3A_2375 = arith.subf %mul3A_2374, %mul3A_71 : vector<16xf32>
        %exp3A_2376 = math.exp %sub3A_2375 : vector<16xf32>
        %add3A_2377 = arith.addf %add3A_2337, %exp3A_2376 : vector<16xf32>
        %mul3A_2378 = arith.mulf %exp3A_2376, %get3A_2367 : vector<16xf32>
        %add3A_2379 = arith.addf %add3A_2339, %mul3A_2378 : vector<16xf32>
        %mul3A_2380 = arith.mulf %mul3A_98, %get3A_2359 : vector<16xf32>
        %sub3A_2381 = arith.subf %mul3A_2380, %mul3A_100 : vector<16xf32>
        %exp3A_2382 = math.exp %sub3A_2381 : vector<16xf32>
        %add3A_2383 = arith.addf %add3A_2343, %exp3A_2382 : vector<16xf32>
        %mul3A_2384 = arith.mulf %exp3A_2382, %get3A_2367 : vector<16xf32>
        %add3A_2385 = arith.addf %add3A_2345, %mul3A_2384 : vector<16xf32>
        %mul3A_2386 = arith.mulf %mul3A_127, %get3A_2359 : vector<16xf32>
        %sub3A_2387 = arith.subf %mul3A_2386, %mul3A_129 : vector<16xf32>
        %exp3A_2388 = math.exp %sub3A_2387 : vector<16xf32>
        %add3A_2389 = arith.addf %add3A_2349, %exp3A_2388 : vector<16xf32>
        %mul3A_2390 = arith.mulf %exp3A_2388, %get3A_2367 : vector<16xf32>
        %add3A_2391 = arith.addf %add3A_2351, %mul3A_2390 : vector<16xf32>
        %add3A_2392 = arith.constant 57 : i32
        %add3A_2393 = arith.addi %mul3A_37, %add3A_2392 : i32
        %add3A_2394 = arith.constant 1 : i32
        %add3A_2395 = arith.addi %add3A_2393, %add3A_2394 : i32
        %get3A_2396 = arith.index_cast %add3A_2395 : i32 to index
        %get3A_2397 = arith.index_cast %mul3A_22 : i32 to index
        %get3A_2398 = tpu.vector_load %arg7[%get3A_2396, %get3A_2397] {strides = array<i32>} : memref<128x256xf32, #tpu.memory_space<vmem>>, vector<1x16xf32>,
        %get3A_2399 = vector.shape_cast %get3A_2398 : vector<1x16xf32> to vector<16xf32>
        %add3A_2400 = arith.constant 57 : i32
        %add3A_2401 = arith.addi %mul3A_37, %add3A_2400 : i32
        %add3A_2402 = arith.constant 1 : i32
        %add3A_2403 = arith.addi %add3A_2401, %add3A_2402 : i32
        %get3A_2404 = arith.index_cast %add3A_2403 : i32 to index
        %get3A_2405 = arith.index_cast %mul3A_22 : i32 to index
        %get3A_2406 = tpu.vector_load %arg8[%get3A_2404, %get3A_2405] {strides = array<i32>} : memref<128x256xf32, #tpu.memory_space<vmem>>, vector<1x16xf32>,
        %get3A_2407 = vector.shape_cast %get3A_2406 : vector<1x16xf32> to vector<16xf32>
        %mul3A_2408 = arith.mulf %mul3A_45, %get3A_2399 : vector<16xf32>
        %sub3A_2409 = arith.subf %mul3A_2408, %mul3A_46 : vector<16xf32>
        %exp3A_2410 = math.exp %sub3A_2409 : vector<16xf32>
        %add3A_2411 = arith.addf %add3A_2371, %exp3A_2410 : vector<16xf32>
        %mul3A_2412 = arith.mulf %exp3A_2410, %get3A_2407 : vector<16xf32>
        %add3A_2413 = arith.addf %add3A_2373, %mul3A_2412 : vector<16xf32>
        %mul3A_2414 = arith.mulf %mul3A_69, %get3A_2399 : vector<16xf32>
        %sub3A_2415 = arith.subf %mul3A_2414, %mul3A_71 : vector<16xf32>
        %exp3A_2416 = math.exp %sub3A_2415 : vector<16xf32>
        %add3A_2417 = arith.addf %add3A_2377, %exp3A_2416 : vector<16xf32>
        %mul3A_2418 = arith.mulf %exp3A_2416, %get3A_2407 : vector<16xf32>
        %add3A_2419 = arith.addf %add3A_2379, %mul3A_2418 : vector<16xf32>
        %mul3A_2420 = arith.mulf %mul3A_98, %get3A_2399 : vector<16xf32>
        %sub3A_2421 = arith.subf %mul3A_2420, %mul3A_100 : vector<16xf32>
        %exp3A_2422 = math.exp %sub3A_2421 : vector<16xf32>
        %add3A_2423 = arith.addf %add3A_2383, %exp3A_2422 : vector<16xf32>
        %mul3A_2424 = arith.mulf %exp3A_2422, %get3A_2407 : vector<16xf32>
        %add3A_2425 = arith.addf %add3A_2385, %mul3A_2424 : vector<16xf32>
        %mul3A_2426 = arith.mulf %mul3A_127, %get3A_2399 : vector<16xf32>
        %sub3A_2427 = arith.subf %mul3A_2426, %mul3A_129 : vector<16xf32>
        %exp3A_2428 = math.exp %sub3A_2427 : vector<16xf32>
        %add3A_2429 = arith.addf %add3A_2389, %exp3A_2428 : vector<16xf32>
        %mul3A_2430 = arith.mulf %exp3A_2428, %get3A_2407 : vector<16xf32>
        %add3A_2431 = arith.addf %add3A_2391, %mul3A_2430 : vector<16xf32>
        %add3A_2432 = arith.constant 58 : i32
        %add3A_2433 = arith.addi %mul3A_37, %add3A_2432 : i32
        %add3A_2434 = arith.constant 1 : i32
        %add3A_2435 = arith.addi %add3A_2433, %add3A_2434 : i32
        %get3A_2436 = arith.index_cast %add3A_2435 : i32 to index
        %get3A_2437 = arith.index_cast %mul3A_22 : i32 to index
        %get3A_2438 = tpu.vector_load %arg7[%get3A_2436, %get3A_2437] {strides = array<i32>} : memref<128x256xf32, #tpu.memory_space<vmem>>, vector<1x16xf32>,
        %get3A_2439 = vector.shape_cast %get3A_2438 : vector<1x16xf32> to vector<16xf32>
        %add3A_2440 = arith.constant 58 : i32
        %add3A_2441 = arith.addi %mul3A_37, %add3A_2440 : i32
        %add3A_2442 = arith.constant 1 : i32
        %add3A_2443 = arith.addi %add3A_2441, %add3A_2442 : i32
        %get3A_2444 = arith.index_cast %add3A_2443 : i32 to index
        %get3A_2445 = arith.index_cast %mul3A_22 : i32 to index
        %get3A_2446 = tpu.vector_load %arg8[%get3A_2444, %get3A_2445] {strides = array<i32>} : memref<128x256xf32, #tpu.memory_space<vmem>>, vector<1x16xf32>,
        %get3A_2447 = vector.shape_cast %get3A_2446 : vector<1x16xf32> to vector<16xf32>
        %mul3A_2448 = arith.mulf %mul3A_45, %get3A_2439 : vector<16xf32>
        %sub3A_2449 = arith.subf %mul3A_2448, %mul3A_46 : vector<16xf32>
        %exp3A_2450 = math.exp %sub3A_2449 : vector<16xf32>
        %add3A_2451 = arith.addf %add3A_2411, %exp3A_2450 : vector<16xf32>
        %mul3A_2452 = arith.mulf %exp3A_2450, %get3A_2447 : vector<16xf32>
        %add3A_2453 = arith.addf %add3A_2413, %mul3A_2452 : vector<16xf32>
        %mul3A_2454 = arith.mulf %mul3A_69, %get3A_2439 : vector<16xf32>
        %sub3A_2455 = arith.subf %mul3A_2454, %mul3A_71 : vector<16xf32>
        %exp3A_2456 = math.exp %sub3A_2455 : vector<16xf32>
        %add3A_2457 = arith.addf %add3A_2417, %exp3A_2456 : vector<16xf32>
        %mul3A_2458 = arith.mulf %exp3A_2456, %get3A_2447 : vector<16xf32>
        %add3A_2459 = arith.addf %add3A_2419, %mul3A_2458 : vector<16xf32>
        %mul3A_2460 = arith.mulf %mul3A_98, %get3A_2439 : vector<16xf32>
        %sub3A_2461 = arith.subf %mul3A_2460, %mul3A_100 : vector<16xf32>
        %exp3A_2462 = math.exp %sub3A_2461 : vector<16xf32>
        %add3A_2463 = arith.addf %add3A_2423, %exp3A_2462 : vector<16xf32>
        %mul3A_2464 = arith.mulf %exp3A_2462, %get3A_2447 : vector<16xf32>
        %add3A_2465 = arith.addf %add3A_2425, %mul3A_2464 : vector<16xf32>
        %mul3A_2466 = arith.mulf %mul3A_127, %get3A_2439 : vector<16xf32>
        %sub3A_2467 = arith.subf %mul3A_2466, %mul3A_129 : vector<16xf32>
        %exp3A_2468 = math.exp %sub3A_2467 : vector<16xf32>
        %add3A_2469 = arith.addf %add3A_2429, %exp3A_2468 : vector<16xf32>
        %mul3A_2470 = arith.mulf %exp3A_2468, %get3A_2447 : vector<16xf32>
        %add3A_2471 = arith.addf %add3A_2431, %mul3A_2470 : vector<16xf32>
        %add3A_2472 = arith.constant 59 : i32
        %add3A_2473 = arith.addi %mul3A_37, %add3A_2472 : i32
        %add3A_2474 = arith.constant 1 : i32
        %add3A_2475 = arith.addi %add3A_2473, %add3A_2474 : i32
        %get3A_2476 = arith.index_cast %add3A_2475 : i32 to index
        %get3A_2477 = arith.index_cast %mul3A_22 : i32 to index
        %get3A_2478 = tpu.vector_load %arg7[%get3A_2476, %get3A_2477] {strides = array<i32>} : memref<128x256xf32, #tpu.memory_space<vmem>>, vector<1x16xf32>,
        %get3A_2479 = vector.shape_cast %get3A_2478 : vector<1x16xf32> to vector<16xf32>
        %add3A_2480 = arith.constant 59 : i32
        %add3A_2481 = arith.addi %mul3A_37, %add3A_2480 : i32
        %add3A_2482 = arith.constant 1 : i32
        %add3A_2483 = arith.addi %add3A_2481, %add3A_2482 : i32
        %get3A_2484 = arith.index_cast %add3A_2483 : i32 to index
        %get3A_2485 = arith.index_cast %mul3A_22 : i32 to index
        %get3A_2486 = tpu.vector_load %arg8[%get3A_2484, %get3A_2485] {strides = array<i32>} : memref<128x256xf32, #tpu.memory_space<vmem>>, vector<1x16xf32>,
        %get3A_2487 = vector.shape_cast %get3A_2486 : vector<1x16xf32> to vector<16xf32>
        %mul3A_2488 = arith.mulf %mul3A_45, %get3A_2479 : vector<16xf32>
        %sub3A_2489 = arith.subf %mul3A_2488, %mul3A_46 : vector<16xf32>
        %exp3A_2490 = math.exp %sub3A_2489 : vector<16xf32>
        %add3A_2491 = arith.addf %add3A_2451, %exp3A_2490 : vector<16xf32>
        %mul3A_2492 = arith.mulf %exp3A_2490, %get3A_2487 : vector<16xf32>
        %add3A_2493 = arith.addf %add3A_2453, %mul3A_2492 : vector<16xf32>
        %mul3A_2494 = arith.mulf %mul3A_69, %get3A_2479 : vector<16xf32>
        %sub3A_2495 = arith.subf %mul3A_2494, %mul3A_71 : vector<16xf32>
        %exp3A_2496 = math.exp %sub3A_2495 : vector<16xf32>
        %add3A_2497 = arith.addf %add3A_2457, %exp3A_2496 : vector<16xf32>
        %mul3A_2498 = arith.mulf %exp3A_2496, %get3A_2487 : vector<16xf32>
        %add3A_2499 = arith.addf %add3A_2459, %mul3A_2498 : vector<16xf32>
        %mul3A_2500 = arith.mulf %mul3A_98, %get3A_2479 : vector<16xf32>
        %sub3A_2501 = arith.subf %mul3A_2500, %mul3A_100 : vector<16xf32>
        %exp3A_2502 = math.exp %sub3A_2501 : vector<16xf32>
        %add3A_2503 = arith.addf %add3A_2463, %exp3A_2502 : vector<16xf32>
        %mul3A_2504 = arith.mulf %exp3A_2502, %get3A_2487 : vector<16xf32>
        %add3A_2505 = arith.addf %add3A_2465, %mul3A_2504 : vector<16xf32>
        %mul3A_2506 = arith.mulf %mul3A_127, %get3A_2479 : vector<16xf32>
        %sub3A_2507 = arith.subf %mul3A_2506, %mul3A_129 : vector<16xf32>
        %exp3A_2508 = math.exp %sub3A_2507 : vector<16xf32>
        %add3A_2509 = arith.addf %add3A_2469, %exp3A_2508 : vector<16xf32>
        %mul3A_2510 = arith.mulf %exp3A_2508, %get3A_2487 : vector<16xf32>
        %add3A_2511 = arith.addf %add3A_2471, %mul3A_2510 : vector<16xf32>
        %add3A_2512 = arith.constant 60 : i32
        %add3A_2513 = arith.addi %mul3A_37, %add3A_2512 : i32
        %add3A_2514 = arith.constant 1 : i32
        %add3A_2515 = arith.addi %add3A_2513, %add3A_2514 : i32
        %get3A_2516 = arith.index_cast %add3A_2515 : i32 to index
        %get3A_2517 = arith.index_cast %mul3A_22 : i32 to index
        %get3A_2518 = tpu.vector_load %arg7[%get3A_2516, %get3A_2517] {strides = array<i32>} : memref<128x256xf32, #tpu.memory_space<vmem>>, vector<1x16xf32>,
        %get3A_2519 = vector.shape_cast %get3A_2518 : vector<1x16xf32> to vector<16xf32>
        %add3A_2520 = arith.constant 60 : i32
        %add3A_2521 = arith.addi %mul3A_37, %add3A_2520 : i32
        %add3A_2522 = arith.constant 1 : i32
        %add3A_2523 = arith.addi %add3A_2521, %add3A_2522 : i32
        %get3A_2524 = arith.index_cast %add3A_2523 : i32 to index
        %get3A_2525 = arith.index_cast %mul3A_22 : i32 to index
        %get3A_2526 = tpu.vector_load %arg8[%get3A_2524, %get3A_2525] {strides = array<i32>} : memref<128x256xf32, #tpu.memory_space<vmem>>, vector<1x16xf32>,
        %get3A_2527 = vector.shape_cast %get3A_2526 : vector<1x16xf32> to vector<16xf32>
        %mul3A_2528 = arith.mulf %mul3A_45, %get3A_2519 : vector<16xf32>
        %sub3A_2529 = arith.subf %mul3A_2528, %mul3A_46 : vector<16xf32>
        %exp3A_2530 = math.exp %sub3A_2529 : vector<16xf32>
        %add3A_2531 = arith.addf %add3A_2491, %exp3A_2530 : vector<16xf32>
        %mul3A_2532 = arith.mulf %exp3A_2530, %get3A_2527 : vector<16xf32>
        %add3A_2533 = arith.addf %add3A_2493, %mul3A_2532 : vector<16xf32>
        %mul3A_2534 = arith.mulf %mul3A_69, %get3A_2519 : vector<16xf32>
        %sub3A_2535 = arith.subf %mul3A_2534, %mul3A_71 : vector<16xf32>
        %exp3A_2536 = math.exp %sub3A_2535 : vector<16xf32>
        %add3A_2537 = arith.addf %add3A_2497, %exp3A_2536 : vector<16xf32>
        %mul3A_2538 = arith.mulf %exp3A_2536, %get3A_2527 : vector<16xf32>
        %add3A_2539 = arith.addf %add3A_2499, %mul3A_2538 : vector<16xf32>
        %mul3A_2540 = arith.mulf %mul3A_98, %get3A_2519 : vector<16xf32>
        %sub3A_2541 = arith.subf %mul3A_2540, %mul3A_100 : vector<16xf32>
        %exp3A_2542 = math.exp %sub3A_2541 : vector<16xf32>
        %add3A_2543 = arith.addf %add3A_2503, %exp3A_2542 : vector<16xf32>
        %mul3A_2544 = arith.mulf %exp3A_2542, %get3A_2527 : vector<16xf32>
        %add3A_2545 = arith.addf %add3A_2505, %mul3A_2544 : vector<16xf32>
        %mul3A_2546 = arith.mulf %mul3A_127, %get3A_2519 : vector<16xf32>
        %sub3A_2547 = arith.subf %mul3A_2546, %mul3A_129 : vector<16xf32>
        %exp3A_2548 = math.exp %sub3A_2547 : vector<16xf32>
        %add3A_2549 = arith.addf %add3A_2509, %exp3A_2548 : vector<16xf32>
        %mul3A_2550 = arith.mulf %exp3A_2548, %get3A_2527 : vector<16xf32>
        %add3A_2551 = arith.addf %add3A_2511, %mul3A_2550 : vector<16xf32>
        %add3A_2552 = arith.constant 61 : i32
        %add3A_2553 = arith.addi %mul3A_37, %add3A_2552 : i32
        %add3A_2554 = arith.constant 1 : i32
        %add3A_2555 = arith.addi %add3A_2553, %add3A_2554 : i32
        %get3A_2556 = arith.index_cast %add3A_2555 : i32 to index
        %get3A_2557 = arith.index_cast %mul3A_22 : i32 to index
        %get3A_2558 = tpu.vector_load %arg7[%get3A_2556, %get3A_2557] {strides = array<i32>} : memref<128x256xf32, #tpu.memory_space<vmem>>, vector<1x16xf32>,
        %get3A_2559 = vector.shape_cast %get3A_2558 : vector<1x16xf32> to vector<16xf32>
        %add3A_2560 = arith.constant 61 : i32
        %add3A_2561 = arith.addi %mul3A_37, %add3A_2560 : i32
        %add3A_2562 = arith.constant 1 : i32
        %add3A_2563 = arith.addi %add3A_2561, %add3A_2562 : i32
        %get3A_2564 = arith.index_cast %add3A_2563 : i32 to index
        %get3A_2565 = arith.index_cast %mul3A_22 : i32 to index
        %get3A_2566 = tpu.vector_load %arg8[%get3A_2564, %get3A_2565] {strides = array<i32>} : memref<128x256xf32, #tpu.memory_space<vmem>>, vector<1x16xf32>,
        %get3A_2567 = vector.shape_cast %get3A_2566 : vector<1x16xf32> to vector<16xf32>
        %mul3A_2568 = arith.mulf %mul3A_45, %get3A_2559 : vector<16xf32>
        %sub3A_2569 = arith.subf %mul3A_2568, %mul3A_46 : vector<16xf32>
        %exp3A_2570 = math.exp %sub3A_2569 : vector<16xf32>
        %add3A_2571 = arith.addf %add3A_2531, %exp3A_2570 : vector<16xf32>
        %mul3A_2572 = arith.mulf %exp3A_2570, %get3A_2567 : vector<16xf32>
        %add3A_2573 = arith.addf %add3A_2533, %mul3A_2572 : vector<16xf32>
        %mul3A_2574 = arith.mulf %mul3A_69, %get3A_2559 : vector<16xf32>
        %sub3A_2575 = arith.subf %mul3A_2574, %mul3A_71 : vector<16xf32>
        %exp3A_2576 = math.exp %sub3A_2575 : vector<16xf32>
        %add3A_2577 = arith.addf %add3A_2537, %exp3A_2576 : vector<16xf32>
        %mul3A_2578 = arith.mulf %exp3A_2576, %get3A_2567 : vector<16xf32>
        %add3A_2579 = arith.addf %add3A_2539, %mul3A_2578 : vector<16xf32>
        %mul3A_2580 = arith.mulf %mul3A_98, %get3A_2559 : vector<16xf32>
        %sub3A_2581 = arith.subf %mul3A_2580, %mul3A_100 : vector<16xf32>
        %exp3A_2582 = math.exp %sub3A_2581 : vector<16xf32>
        %add3A_2583 = arith.addf %add3A_2543, %exp3A_2582 : vector<16xf32>
        %mul3A_2584 = arith.mulf %exp3A_2582, %get3A_2567 : vector<16xf32>
        %add3A_2585 = arith.addf %add3A_2545, %mul3A_2584 : vector<16xf32>
        %mul3A_2586 = arith.mulf %mul3A_127, %get3A_2559 : vector<16xf32>
        %sub3A_2587 = arith.subf %mul3A_2586, %mul3A_129 : vector<16xf32>
        %exp3A_2588 = math.exp %sub3A_2587 : vector<16xf32>
        %add3A_2589 = arith.addf %add3A_2549, %exp3A_2588 : vector<16xf32>
        %mul3A_2590 = arith.mulf %exp3A_2588, %get3A_2567 : vector<16xf32>
        %add3A_2591 = arith.addf %add3A_2551, %mul3A_2590 : vector<16xf32>
        %add3A_2592 = arith.constant 62 : i32
        %add3A_2593 = arith.addi %mul3A_37, %add3A_2592 : i32
        %add3A_2594 = arith.constant 1 : i32
        %add3A_2595 = arith.addi %add3A_2593, %add3A_2594 : i32
        %get3A_2596 = arith.index_cast %add3A_2595 : i32 to index
        %get3A_2597 = arith.index_cast %mul3A_22 : i32 to index
        %get3A_2598 = tpu.vector_load %arg7[%get3A_2596, %get3A_2597] {strides = array<i32>} : memref<128x256xf32, #tpu.memory_space<vmem>>, vector<1x16xf32>,
        %get3A_2599 = vector.shape_cast %get3A_2598 : vector<1x16xf32> to vector<16xf32>
        %add3A_2600 = arith.constant 62 : i32
        %add3A_2601 = arith.addi %mul3A_37, %add3A_2600 : i32
        %add3A_2602 = arith.constant 1 : i32
        %add3A_2603 = arith.addi %add3A_2601, %add3A_2602 : i32
        %get3A_2604 = arith.index_cast %add3A_2603 : i32 to index
        %get3A_2605 = arith.index_cast %mul3A_22 : i32 to index
        %get3A_2606 = tpu.vector_load %arg8[%get3A_2604, %get3A_2605] {strides = array<i32>} : memref<128x256xf32, #tpu.memory_space<vmem>>, vector<1x16xf32>,
        %get3A_2607 = vector.shape_cast %get3A_2606 : vector<1x16xf32> to vector<16xf32>
        %mul3A_2608 = arith.mulf %mul3A_45, %get3A_2599 : vector<16xf32>
        %sub3A_2609 = arith.subf %mul3A_2608, %mul3A_46 : vector<16xf32>
        %exp3A_2610 = math.exp %sub3A_2609 : vector<16xf32>
        %add3A_2611 = arith.addf %add3A_2571, %exp3A_2610 : vector<16xf32>
        %mul3A_2612 = arith.mulf %exp3A_2610, %get3A_2607 : vector<16xf32>
        %add3A_2613 = arith.addf %add3A_2573, %mul3A_2612 : vector<16xf32>
        %mul3A_2614 = arith.mulf %mul3A_69, %get3A_2599 : vector<16xf32>
        %sub3A_2615 = arith.subf %mul3A_2614, %mul3A_71 : vector<16xf32>
        %exp3A_2616 = math.exp %sub3A_2615 : vector<16xf32>
        %add3A_2617 = arith.addf %add3A_2577, %exp3A_2616 : vector<16xf32>
        %mul3A_2618 = arith.mulf %exp3A_2616, %get3A_2607 : vector<16xf32>
        %add3A_2619 = arith.addf %add3A_2579, %mul3A_2618 : vector<16xf32>
        %mul3A_2620 = arith.mulf %mul3A_98, %get3A_2599 : vector<16xf32>
        %sub3A_2621 = arith.subf %mul3A_2620, %mul3A_100 : vector<16xf32>
        %exp3A_2622 = math.exp %sub3A_2621 : vector<16xf32>
        %add3A_2623 = arith.addf %add3A_2583, %exp3A_2622 : vector<16xf32>
        %mul3A_2624 = arith.mulf %exp3A_2622, %get3A_2607 : vector<16xf32>
        %add3A_2625 = arith.addf %add3A_2585, %mul3A_2624 : vector<16xf32>
        %mul3A_2626 = arith.mulf %mul3A_127, %get3A_2599 : vector<16xf32>
        %sub3A_2627 = arith.subf %mul3A_2626, %mul3A_129 : vector<16xf32>
        %exp3A_2628 = math.exp %sub3A_2627 : vector<16xf32>
        %add3A_2629 = arith.addf %add3A_2589, %exp3A_2628 : vector<16xf32>
        %mul3A_2630 = arith.mulf %exp3A_2628, %get3A_2607 : vector<16xf32>
        %add3A_2631 = arith.addf %add3A_2591, %mul3A_2630 : vector<16xf32>
        %add3A_2632 = arith.constant 63 : i32
        %add3A_2633 = arith.addi %mul3A_37, %add3A_2632 : i32
        %add3A_2634 = arith.constant 1 : i32
        %add3A_2635 = arith.addi %add3A_2633, %add3A_2634 : i32
        %get3A_2636 = arith.index_cast %add3A_2635 : i32 to index
        %get3A_2637 = arith.index_cast %mul3A_22 : i32 to index
        %get3A_2638 = tpu.vector_load %arg7[%get3A_2636, %get3A_2637] {strides = array<i32>} : memref<128x256xf32, #tpu.memory_space<vmem>>, vector<1x16xf32>,
        %get3A_2639 = vector.shape_cast %get3A_2638 : vector<1x16xf32> to vector<16xf32>
        %add3A_2640 = arith.constant 63 : i32
        %add3A_2641 = arith.addi %mul3A_37, %add3A_2640 : i32
        %add3A_2642 = arith.constant 1 : i32
        %add3A_2643 = arith.addi %add3A_2641, %add3A_2642 : i32
        %get3A_2644 = arith.index_cast %add3A_2643 : i32 to index
        %get3A_2645 = arith.index_cast %mul3A_22 : i32 to index
        %get3A_2646 = tpu.vector_load %arg8[%get3A_2644, %get3A_2645] {strides = array<i32>} : memref<128x256xf32, #tpu.memory_space<vmem>>, vector<1x16xf32>,
        %get3A_2647 = vector.shape_cast %get3A_2646 : vector<1x16xf32> to vector<16xf32>
        %mul3A_2648 = arith.mulf %mul3A_45, %get3A_2639 : vector<16xf32>
        %sub3A_2649 = arith.subf %mul3A_2648, %mul3A_46 : vector<16xf32>
        %exp3A_2650 = math.exp %sub3A_2649 : vector<16xf32>
        %add3A_2651 = arith.addf %add3A_2611, %exp3A_2650 : vector<16xf32>
        %mul3A_2652 = arith.mulf %exp3A_2650, %get3A_2647 : vector<16xf32>
        %add3A_2653 = arith.addf %add3A_2613, %mul3A_2652 : vector<16xf32>
        %mul3A_2654 = arith.mulf %mul3A_69, %get3A_2639 : vector<16xf32>
        %sub3A_2655 = arith.subf %mul3A_2654, %mul3A_71 : vector<16xf32>
        %exp3A_2656 = math.exp %sub3A_2655 : vector<16xf32>
        %add3A_2657 = arith.addf %add3A_2617, %exp3A_2656 : vector<16xf32>
        %mul3A_2658 = arith.mulf %exp3A_2656, %get3A_2647 : vector<16xf32>
        %add3A_2659 = arith.addf %add3A_2619, %mul3A_2658 : vector<16xf32>
        %mul3A_2660 = arith.mulf %mul3A_98, %get3A_2639 : vector<16xf32>
        %sub3A_2661 = arith.subf %mul3A_2660, %mul3A_100 : vector<16xf32>
        %exp3A_2662 = math.exp %sub3A_2661 : vector<16xf32>
        %add3A_2663 = arith.addf %add3A_2623, %exp3A_2662 : vector<16xf32>
        %mul3A_2664 = arith.mulf %exp3A_2662, %get3A_2647 : vector<16xf32>
        %add3A_2665 = arith.addf %add3A_2625, %mul3A_2664 : vector<16xf32>
        %mul3A_2666 = arith.mulf %mul3A_127, %get3A_2639 : vector<16xf32>
        %sub3A_2667 = arith.subf %mul3A_2666, %mul3A_129 : vector<16xf32>
        %exp3A_2668 = math.exp %sub3A_2667 : vector<16xf32>
        %add3A_2669 = arith.addf %add3A_2629, %exp3A_2668 : vector<16xf32>
        %mul3A_2670 = arith.mulf %exp3A_2668, %get3A_2647 : vector<16xf32>
        %add3A_2671 = arith.addf %add3A_2631, %mul3A_2670 : vector<16xf32>
        %add3A_2672 = arith.constant 64 : i32
        %add3A_2673 = arith.addi %mul3A_37, %add3A_2672 : i32
        %add3A_2674 = arith.constant 1 : i32
        %add3A_2675 = arith.addi %add3A_2673, %add3A_2674 : i32
        %get3A_2676 = arith.index_cast %add3A_2675 : i32 to index
        %get3A_2677 = arith.index_cast %mul3A_22 : i32 to index
        %get3A_2678 = tpu.vector_load %arg7[%get3A_2676, %get3A_2677] {strides = array<i32>} : memref<128x256xf32, #tpu.memory_space<vmem>>, vector<1x16xf32>,
        %get3A_2679 = vector.shape_cast %get3A_2678 : vector<1x16xf32> to vector<16xf32>
        %add3A_2680 = arith.constant 64 : i32
        %add3A_2681 = arith.addi %mul3A_37, %add3A_2680 : i32
        %add3A_2682 = arith.constant 1 : i32
        %add3A_2683 = arith.addi %add3A_2681, %add3A_2682 : i32
        %get3A_2684 = arith.index_cast %add3A_2683 : i32 to index
        %get3A_2685 = arith.index_cast %mul3A_22 : i32 to index
        %get3A_2686 = tpu.vector_load %arg8[%get3A_2684, %get3A_2685] {strides = array<i32>} : memref<128x256xf32, #tpu.memory_space<vmem>>, vector<1x16xf32>,
        %get3A_2687 = vector.shape_cast %get3A_2686 : vector<1x16xf32> to vector<16xf32>
        %mul3A_2688 = arith.mulf %mul3A_69, %get3A_2679 : vector<16xf32>
        %sub3A_2689 = arith.subf %mul3A_2688, %mul3A_71 : vector<16xf32>
        %exp3A_2690 = math.exp %sub3A_2689 : vector<16xf32>
        %add3A_2691 = arith.addf %add3A_2657, %exp3A_2690 : vector<16xf32>
        %mul3A_2692 = arith.mulf %exp3A_2690, %get3A_2687 : vector<16xf32>
        %add3A_2693 = arith.addf %add3A_2659, %mul3A_2692 : vector<16xf32>
        %mul3A_2694 = arith.mulf %mul3A_98, %get3A_2679 : vector<16xf32>
        %sub3A_2695 = arith.subf %mul3A_2694, %mul3A_100 : vector<16xf32>
        %exp3A_2696 = math.exp %sub3A_2695 : vector<16xf32>
        %add3A_2697 = arith.addf %add3A_2663, %exp3A_2696 : vector<16xf32>
        %mul3A_2698 = arith.mulf %exp3A_2696, %get3A_2687 : vector<16xf32>
        %add3A_2699 = arith.addf %add3A_2665, %mul3A_2698 : vector<16xf32>
        %mul3A_2700 = arith.mulf %mul3A_127, %get3A_2679 : vector<16xf32>
        %sub3A_2701 = arith.subf %mul3A_2700, %mul3A_129 : vector<16xf32>
        %exp3A_2702 = math.exp %sub3A_2701 : vector<16xf32>
        %add3A_2703 = arith.addf %add3A_2669, %exp3A_2702 : vector<16xf32>
        %mul3A_2704 = arith.mulf %exp3A_2702, %get3A_2687 : vector<16xf32>
        %add3A_2705 = arith.addf %add3A_2671, %mul3A_2704 : vector<16xf32>
        %add3A_2706 = arith.constant 65 : i32
        %add3A_2707 = arith.addi %mul3A_37, %add3A_2706 : i32
        %add3A_2708 = arith.constant 1 : i32
        %add3A_2709 = arith.addi %add3A_2707, %add3A_2708 : i32
        %get3A_2710 = arith.index_cast %add3A_2709 : i32 to index
        %get3A_2711 = arith.index_cast %mul3A_22 : i32 to index
        %get3A_2712 = tpu.vector_load %arg7[%get3A_2710, %get3A_2711] {strides = array<i32>} : memref<128x256xf32, #tpu.memory_space<vmem>>, vector<1x16xf32>,
        %get3A_2713 = vector.shape_cast %get3A_2712 : vector<1x16xf32> to vector<16xf32>
        %add3A_2714 = arith.constant 65 : i32
        %add3A_2715 = arith.addi %mul3A_37, %add3A_2714 : i32
        %add3A_2716 = arith.constant 1 : i32
        %add3A_2717 = arith.addi %add3A_2715, %add3A_2716 : i32
        %get3A_2718 = arith.index_cast %add3A_2717 : i32 to index
        %get3A_2719 = arith.index_cast %mul3A_22 : i32 to index
        %get3A_2720 = tpu.vector_load %arg8[%get3A_2718, %get3A_2719] {strides = array<i32>} : memref<128x256xf32, #tpu.memory_space<vmem>>, vector<1x16xf32>,
        %get3A_2721 = vector.shape_cast %get3A_2720 : vector<1x16xf32> to vector<16xf32>
        %mul3A_2722 = arith.mulf %mul3A_98, %get3A_2713 : vector<16xf32>
        %sub3A_2723 = arith.subf %mul3A_2722, %mul3A_100 : vector<16xf32>
        %exp3A_2724 = math.exp %sub3A_2723 : vector<16xf32>
        %add3A_2725 = arith.addf %add3A_2697, %exp3A_2724 : vector<16xf32>
        %mul3A_2726 = arith.mulf %exp3A_2724, %get3A_2721 : vector<16xf32>
        %add3A_2727 = arith.addf %add3A_2699, %mul3A_2726 : vector<16xf32>
        %mul3A_2728 = arith.mulf %mul3A_127, %get3A_2713 : vector<16xf32>
        %sub3A_2729 = arith.subf %mul3A_2728, %mul3A_129 : vector<16xf32>
        %exp3A_2730 = math.exp %sub3A_2729 : vector<16xf32>
        %add3A_2731 = arith.addf %add3A_2703, %exp3A_2730 : vector<16xf32>
        %mul3A_2732 = arith.mulf %exp3A_2730, %get3A_2721 : vector<16xf32>
        %add3A_2733 = arith.addf %add3A_2705, %mul3A_2732 : vector<16xf32>
        %add3A_2734 = arith.constant 66 : i32
        %add3A_2735 = arith.addi %mul3A_37, %add3A_2734 : i32
        %add3A_2736 = arith.constant 1 : i32
        %add3A_2737 = arith.addi %add3A_2735, %add3A_2736 : i32
        %get3A_2738 = arith.index_cast %add3A_2737 : i32 to index
        %get3A_2739 = arith.index_cast %mul3A_22 : i32 to index
        %get3A_2740 = tpu.vector_load %arg7[%get3A_2738, %get3A_2739] {strides = array<i32>} : memref<128x256xf32, #tpu.memory_space<vmem>>, vector<1x16xf32>,
        %get3A_2741 = vector.shape_cast %get3A_2740 : vector<1x16xf32> to vector<16xf32>
        %add3A_2742 = arith.constant 66 : i32
        %add3A_2743 = arith.addi %mul3A_37, %add3A_2742 : i32
        %add3A_2744 = arith.constant 1 : i32
        %add3A_2745 = arith.addi %add3A_2743, %add3A_2744 : i32
        %get3A_2746 = arith.index_cast %add3A_2745 : i32 to index
        %get3A_2747 = arith.index_cast %mul3A_22 : i32 to index
        %get3A_2748 = tpu.vector_load %arg8[%get3A_2746, %get3A_2747] {strides = array<i32>} : memref<128x256xf32, #tpu.memory_space<vmem>>, vector<1x16xf32>,
        %get3A_2749 = vector.shape_cast %get3A_2748 : vector<1x16xf32> to vector<16xf32>
        %mul3A_2750 = arith.mulf %mul3A_127, %get3A_2741 : vector<16xf32>
        %sub3A_2751 = arith.subf %mul3A_2750, %mul3A_129 : vector<16xf32>
        %exp3A_2752 = math.exp %sub3A_2751 : vector<16xf32>
        %add3A_2753 = arith.addf %add3A_2731, %exp3A_2752 : vector<16xf32>
        %mul3A_2754 = arith.mulf %exp3A_2752, %get3A_2749 : vector<16xf32>
        %add3A_2755 = arith.addf %add3A_2733, %mul3A_2754 : vector<16xf32>
        %div3A = arith.divf %add3A_2653, %add3A_2651 : vector<16xf32>
        %add3A_2756 = arith.constant 0 : i32
        %add3A_2757 = arith.addi %mul3A_37, %add3A_2756 : i32
        %swap3A = arith.index_cast %add3A_2757 : i32 to index
        %swap3A_2758 = arith.index_cast %mul3A_22 : i32 to index
        %swap3A_2759 = tpu.vector_load %arg6[%swap3A, %swap3A_2758] {strides = array<i32>} : memref<64x256xf32, #tpu.memory_space<vmem>>, vector<1x16xf32>,
        %swap3A_2760 = vector.shape_cast %swap3A_2759 : vector<1x16xf32> to vector<16xf32>
        %swap3A_2761 = vector.shape_cast %div3A : vector<16xf32> to vector<1x16xf32>
        tpu.vector_store %arg6[%swap3A, %swap3A_2758], %swap3A_2761 {strides = array<i32>} : memref<64x256xf32, #tpu.memory_space<vmem>>, vector<1x16xf32>,
        %div3A_2762 = arith.divf %add3A_2693, %add3A_2691 : vector<16xf32>
        %add3A_2763 = arith.constant 1 : i32
        %add3A_2764 = arith.addi %mul3A_37, %add3A_2763 : i32
        %swap3A_2765 = arith.index_cast %add3A_2764 : i32 to index
        %swap3A_2766 = arith.index_cast %mul3A_22 : i32 to index
        %swap3A_2767 = tpu.vector_load %arg6[%swap3A_2765, %swap3A_2766] {strides = array<i32>} : memref<64x256xf32, #tpu.memory_space<vmem>>, vector<1x16xf32>,
        %swap3A_2768 = vector.shape_cast %swap3A_2767 : vector<1x16xf32> to vector<16xf32>
        %swap3A_2769 = vector.shape_cast %div3A_2762 : vector<16xf32> to vector<1x16xf32>
        tpu.vector_store %arg6[%swap3A_2765, %swap3A_2766], %swap3A_2769 {strides = array<i32>} : memref<64x256xf32, #tpu.memory_space<vmem>>, vector<1x16xf32>,
        %div3A_2770 = arith.divf %add3A_2727, %add3A_2725 : vector<16xf32>
        %add3A_2771 = arith.constant 2 : i32
        %add3A_2772 = arith.addi %mul3A_37, %add3A_2771 : i32
        %swap3A_2773 = arith.index_cast %add3A_2772 : i32 to index
        %swap3A_2774 = arith.index_cast %mul3A_22 : i32 to index
        %swap3A_2775 = tpu.vector_load %arg6[%swap3A_2773, %swap3A_2774] {strides = array<i32>} : memref<64x256xf32, #tpu.memory_space<vmem>>, vector<1x16xf32>,
        %swap3A_2776 = vector.shape_cast %swap3A_2775 : vector<1x16xf32> to vector<16xf32>
        %swap3A_2777 = vector.shape_cast %div3A_2770 : vector<16xf32> to vector<1x16xf32>
        tpu.vector_store %arg6[%swap3A_2773, %swap3A_2774], %swap3A_2777 {strides = array<i32>} : memref<64x256xf32, #tpu.memory_space<vmem>>, vector<1x16xf32>,
        %div3A_2778 = arith.divf %add3A_2755, %add3A_2753 : vector<16xf32>
        %add3A_2779 = arith.constant 3 : i32
        %add3A_2780 = arith.addi %mul3A_37, %add3A_2779 : i32
        %swap3A_2781 = arith.index_cast %add3A_2780 : i32 to index
        %swap3A_2782 = arith.index_cast %mul3A_22 : i32 to index
        %swap3A_2783 = tpu.vector_load %arg6[%swap3A_2781, %swap3A_2782] {strides = array<i32>} : memref<64x256xf32, #tpu.memory_space<vmem>>, vector<1x16xf32>,
        %swap3A_2784 = vector.shape_cast %swap3A_2783 : vector<1x16xf32> to vector<16xf32>
        %swap3A_2785 = vector.shape_cast %div3A_2778 : vector<16xf32> to vector<1x16xf32>
        tpu.vector_store %arg6[%swap3A_2781, %swap3A_2782], %swap3A_2785 {strides = array<i32>} : memref<64x256xf32, #tpu.memory_space<vmem>>, vector<1x16xf32>,
      }
      %scan3A_34 = arith.constant 16 : i32
    }
    %scan3A_19 = arith.constant 16 : i32
    "tpu.region"() ({
      %run_scoped3A = tpu.sem_alloc : memref<!tpu.dma_semaphore, #tpu.memory_space<semaphore_mem>>
      %dma_start3A_20 = arith.constant 0 : i32
      %dma_start3A_21 = tpu.memref_slice %arg5[%mul3A_2, %dma_start3A_20] : memref<2048x256xf32, #tpu.memory_space<hbm>> -> memref<64x256xf32, #tpu.memory_space<hbm>>
      %dma_start3A_22 = arith.constant 0 : i32
      %dma_start3A_23 = tpu.memref_slice %arg5[%mul3A_2, %dma_start3A_22] : memref<2048x256xf32, #tpu.memory_space<hbm>> -> memref<64x256xf32, #tpu.memory_space<hbm>>
      tpu.enqueue_dma source(%arg6 : memref<64x256xf32, #tpu.memory_space<vmem>>) target(%dma_start3A_23 : memref<64x256xf32, #tpu.memory_space<hbm>>) target_semaphore(%run_scoped3A : memref<!tpu.dma_semaphore, #tpu.memory_space<semaphore_mem>>)
      %dma_wait3A_24 = arith.constant 0 : i32
      %dma_wait3A_25 = tpu.memref_slice %arg5[%mul3A_2, %dma_wait3A_24] : memref<2048x256xf32, #tpu.memory_space<hbm>> -> memref<64x256xf32, #tpu.memory_space<hbm>>
      %dma_wait3A_26 = arith.constant 0 : i32
      %dma_wait3A_27 = tpu.memref_slice %arg5[%mul3A_2, %dma_wait3A_26] : memref<2048x256xf32, #tpu.memory_space<hbm>> -> memref<64x256xf32, #tpu.memory_space<hbm>>
      tpu.wait_dma2 semaphore(%run_scoped3A : memref<!tpu.dma_semaphore, #tpu.memory_space<semaphore_mem>>) src(%arg6 : memref<64x256xf32, #tpu.memory_space<vmem>>) dst(%dma_wait3A_27 : memref<64x256xf32, #tpu.memory_space<hbm>>)
      tpu.yield
    }) : () -> ()
    return
  }
}

module attributes {stable_mosaic.version = 14 : i64} {
  func.func @_proj_kernel(%arg0: i32, %arg1: memref<256x768xbf16, #tpu.memory_space<vmem>>, %arg2: memref<768x256xbf16, #tpu.memory_space<vmem>>, %arg3: memref<768x256xbf16, #tpu.memory_space<vmem>>, %arg4: memref<768x256xbf16, #tpu.memory_space<vmem>>, %arg5: memref<256x256xf32, #tpu.memory_space<vmem>>, %arg6: memref<256x256xf32, #tpu.memory_space<vmem>>, %arg7: memref<256x256xf32, #tpu.memory_space<vmem>>) attributes {dimension_semantics = [#tpu.dimension_semantics<arbitrary>], iteration_bounds = array<i64: 8>, scalar_prefetch = 0 : i64, scratch_operands = 0 : i64, tpu.core_type = #tpu.core_type<tc>, window_params = [{transform_indices = @transform_0, window_bounds = array<i64: 256, 768>}, {pipeline_mode = #tpu.pipeline_mode<synchronous>, transform_indices = @transform_1, window_bounds = array<i64: 768, 256>}, {pipeline_mode = #tpu.pipeline_mode<synchronous>, transform_indices = @transform_2, window_bounds = array<i64: 768, 256>}, {pipeline_mode = #tpu.pipeline_mode<synchronous>, transform_indices = @transform_3, window_bounds = array<i64: 768, 256>}, {transform_indices = @transform_4, window_bounds = array<i64: 256, 256>}, {transform_indices = @transform_5, window_bounds = array<i64: 256, 256>}, {transform_indices = @transform_6, window_bounds = array<i64: 256, 256>}]} {
    %get3A = arith.constant 0 : index
    %get3A_0 = arith.constant 0 : index
    %get3A_1 = vector.load %arg1[%get3A, %get3A_0] : memref<256x768xbf16, #tpu.memory_space<vmem>>, vector<256x768xbf16>
    %get3A_2 = arith.constant 0 : index
    %get3A_3 = arith.constant 0 : index
    %get3A_4 = vector.load %arg2[%get3A_2, %get3A_3] : memref<768x256xbf16, #tpu.memory_space<vmem>>, vector<768x256xbf16>
    %dot_general3A = arith.constant dense<0.000000e+00> : vector<256x256xf32>
    %dot_general3A_5 = tpu.matmul %get3A_1, %get3A_4, %dot_general3A {dimension_numbers = #tpu.dot_dimension_numbers<[1], [0], [0], [1], [0, 0, 1, 1], [], []>, transpose_lhs_hint = false} : vector<256x768xbf16>, vector<768x256xbf16>, vector<256x256xf32> -> vector<256x256xf32>
    %swap3A = arith.constant 0 : index
    %swap3A_6 = arith.constant 0 : index
    %swap3A_7 = vector.load %arg5[%swap3A, %swap3A_6] : memref<256x256xf32, #tpu.memory_space<vmem>>, vector<256x256xf32>
    tpu.vector_store %arg5[%swap3A, %swap3A_6], %dot_general3A_5 {strides = array<i32>} : memref<256x256xf32, #tpu.memory_space<vmem>>, vector<256x256xf32>,
    %get3A_8 = arith.constant 0 : index
    %get3A_9 = arith.constant 0 : index
    %get3A_10 = vector.load %arg3[%get3A_8, %get3A_9] : memref<768x256xbf16, #tpu.memory_space<vmem>>, vector<768x256xbf16>
    %dot_general3A_11 = arith.constant dense<0.000000e+00> : vector<256x256xf32>
    %dot_general3A_12 = tpu.matmul %get3A_1, %get3A_10, %dot_general3A_11 {dimension_numbers = #tpu.dot_dimension_numbers<[1], [0], [0], [1], [0, 0, 1, 1], [], []>, transpose_lhs_hint = false} : vector<256x768xbf16>, vector<768x256xbf16>, vector<256x256xf32> -> vector<256x256xf32>
    %swap3A_13 = arith.constant 0 : index
    %swap3A_14 = arith.constant 0 : index
    %swap3A_15 = vector.load %arg6[%swap3A_13, %swap3A_14] : memref<256x256xf32, #tpu.memory_space<vmem>>, vector<256x256xf32>
    tpu.vector_store %arg6[%swap3A_13, %swap3A_14], %dot_general3A_12 {strides = array<i32>} : memref<256x256xf32, #tpu.memory_space<vmem>>, vector<256x256xf32>,
    %get3A_16 = arith.constant 0 : index
    %get3A_17 = arith.constant 0 : index
    %get3A_18 = vector.load %arg4[%get3A_16, %get3A_17] : memref<768x256xbf16, #tpu.memory_space<vmem>>, vector<768x256xbf16>
    %dot_general3A_19 = arith.constant dense<0.000000e+00> : vector<256x256xf32>
    %dot_general3A_20 = tpu.matmul %get3A_1, %get3A_18, %dot_general3A_19 {dimension_numbers = #tpu.dot_dimension_numbers<[1], [0], [0], [1], [0, 0, 1, 1], [], []>, transpose_lhs_hint = false} : vector<256x768xbf16>, vector<768x256xbf16>, vector<256x256xf32> -> vector<256x256xf32>
    %swap3A_21 = arith.constant 0 : index
    %swap3A_22 = arith.constant 0 : index
    %swap3A_23 = vector.load %arg7[%swap3A_21, %swap3A_22] : memref<256x256xf32, #tpu.memory_space<vmem>>, vector<256x256xf32>
    tpu.vector_store %arg7[%swap3A_21, %swap3A_22], %dot_general3A_20 {strides = array<i32>} : memref<256x256xf32, #tpu.memory_space<vmem>>, vector<256x256xf32>,
    return
  }
  func.func @transform_0(%arg0: i32) -> (i32, i32) {
    %c0_i32 = arith.constant 0 : i32
    %c0_i32_0 = arith.constant 0 : i32
    return %arg0, %c0_i32 : i32, i32
  }
  func.func @transform_1(%arg0: i32) -> (i32, i32) {
    %c0_i32 = arith.constant 0 : i32
    %c0_i32_0 = arith.constant 0 : i32
    %c0_i32_1 = arith.constant 0 : i32
    return %c0_i32, %c0_i32_0 : i32, i32
  }
  func.func @transform_2(%arg0: i32) -> (i32, i32) {
    %c0_i32 = arith.constant 0 : i32
    %c0_i32_0 = arith.constant 0 : i32
    %c0_i32_1 = arith.constant 0 : i32
    return %c0_i32, %c0_i32_0 : i32, i32
  }
  func.func @transform_3(%arg0: i32) -> (i32, i32) {
    %c0_i32 = arith.constant 0 : i32
    %c0_i32_0 = arith.constant 0 : i32
    %c0_i32_1 = arith.constant 0 : i32
    return %c0_i32, %c0_i32_0 : i32, i32
  }
  func.func @transform_4(%arg0: i32) -> (i32, i32) {
    %c0_i32 = arith.constant 0 : i32
    %c0_i32_0 = arith.constant 0 : i32
    return %arg0, %c0_i32 : i32, i32
  }
  func.func @transform_5(%arg0: i32) -> (i32, i32) {
    %c0_i32 = arith.constant 0 : i32
    %c0_i32_0 = arith.constant 0 : i32
    return %arg0, %c0_i32 : i32, i32
  }
  func.func @transform_6(%arg0: i32) -> (i32, i32) {
    %c0_i32 = arith.constant 0 : i32
    %c0_i32_0 = arith.constant 0 : i32
    return %arg0, %c0_i32 : i32, i32
  }
}

module attributes {stable_mosaic.version = 14 : i64} {
  func.func @_proj_kernel(%arg0: i32, %arg1: memref<256x768xbf16, #tpu.memory_space<vmem>>, %arg2: memref<768x512xbf16, #tpu.memory_space<vmem>>, %arg3: memref<768x512xbf16, #tpu.memory_space<vmem>>, %arg4: memref<768x512xbf16, #tpu.memory_space<vmem>>, %arg5: memref<256x512xf32, #tpu.memory_space<vmem>>, %arg6: memref<256x512xf32, #tpu.memory_space<vmem>>, %arg7: memref<256x512xf32, #tpu.memory_space<vmem>>) attributes {dimension_semantics = [#tpu.dimension_semantics<arbitrary>], iteration_bounds = array<i64: 8>, scalar_prefetch = 0 : i64, scratch_operands = 0 : i64, tpu.core_type = #tpu.core_type<tc>, window_params = [{transform_indices = @transform_0, window_bounds = array<i64: 256, 768>}, {pipeline_mode = #tpu.pipeline_mode<synchronous>, transform_indices = @transform_1, window_bounds = array<i64: 768, 512>}, {pipeline_mode = #tpu.pipeline_mode<synchronous>, transform_indices = @transform_2, window_bounds = array<i64: 768, 512>}, {pipeline_mode = #tpu.pipeline_mode<synchronous>, transform_indices = @transform_3, window_bounds = array<i64: 768, 512>}, {transform_indices = @transform_4, window_bounds = array<i64: 256, 512>}, {transform_indices = @transform_5, window_bounds = array<i64: 256, 512>}, {transform_indices = @transform_6, window_bounds = array<i64: 256, 512>}]} {
    %get3A = arith.constant 0 : index
    %get3A_0 = arith.constant 0 : index
    %get3A_1 = vector.load %arg1[%get3A, %get3A_0] : memref<256x768xbf16, #tpu.memory_space<vmem>>, vector<256x768xbf16>
    %get3A_2 = arith.constant 0 : index
    %get3A_3 = arith.constant 0 : index
    %get3A_4 = vector.load %arg2[%get3A_2, %get3A_3] : memref<768x512xbf16, #tpu.memory_space<vmem>>, vector<768x512xbf16>
    %dot_general3A = arith.constant dense<0.000000e+00> : vector<256x512xf32>
    %dot_general3A_5 = tpu.matmul %get3A_1, %get3A_4, %dot_general3A {dimension_numbers = #tpu.dot_dimension_numbers<[1], [0], [0], [1], [0, 0, 1, 1], [], []>, transpose_lhs_hint = false} : vector<256x768xbf16>, vector<768x512xbf16>, vector<256x512xf32> -> vector<256x512xf32>
    %swap3A = arith.constant 0 : index
    %swap3A_6 = arith.constant 0 : index
    %swap3A_7 = vector.load %arg5[%swap3A, %swap3A_6] : memref<256x512xf32, #tpu.memory_space<vmem>>, vector<256x512xf32>
    tpu.vector_store %arg5[%swap3A, %swap3A_6], %dot_general3A_5 {strides = array<i32>} : memref<256x512xf32, #tpu.memory_space<vmem>>, vector<256x512xf32>,
    %get3A_8 = arith.constant 0 : index
    %get3A_9 = arith.constant 0 : index
    %get3A_10 = vector.load %arg3[%get3A_8, %get3A_9] : memref<768x512xbf16, #tpu.memory_space<vmem>>, vector<768x512xbf16>
    %dot_general3A_11 = arith.constant dense<0.000000e+00> : vector<256x512xf32>
    %dot_general3A_12 = tpu.matmul %get3A_1, %get3A_10, %dot_general3A_11 {dimension_numbers = #tpu.dot_dimension_numbers<[1], [0], [0], [1], [0, 0, 1, 1], [], []>, transpose_lhs_hint = false} : vector<256x768xbf16>, vector<768x512xbf16>, vector<256x512xf32> -> vector<256x512xf32>
    %swap3A_13 = arith.constant 0 : index
    %swap3A_14 = arith.constant 0 : index
    %swap3A_15 = vector.load %arg6[%swap3A_13, %swap3A_14] : memref<256x512xf32, #tpu.memory_space<vmem>>, vector<256x512xf32>
    tpu.vector_store %arg6[%swap3A_13, %swap3A_14], %dot_general3A_12 {strides = array<i32>} : memref<256x512xf32, #tpu.memory_space<vmem>>, vector<256x512xf32>,
    %get3A_16 = arith.constant 0 : index
    %get3A_17 = arith.constant 0 : index
    %get3A_18 = vector.load %arg4[%get3A_16, %get3A_17] : memref<768x512xbf16, #tpu.memory_space<vmem>>, vector<768x512xbf16>
    %dot_general3A_19 = arith.constant dense<0.000000e+00> : vector<256x512xf32>
    %dot_general3A_20 = tpu.matmul %get3A_1, %get3A_18, %dot_general3A_19 {dimension_numbers = #tpu.dot_dimension_numbers<[1], [0], [0], [1], [0, 0, 1, 1], [], []>, transpose_lhs_hint = false} : vector<256x768xbf16>, vector<768x512xbf16>, vector<256x512xf32> -> vector<256x512xf32>
    %swap3A_21 = arith.constant 0 : index
    %swap3A_22 = arith.constant 0 : index
    %swap3A_23 = vector.load %arg7[%swap3A_21, %swap3A_22] : memref<256x512xf32, #tpu.memory_space<vmem>>, vector<256x512xf32>
    tpu.vector_store %arg7[%swap3A_21, %swap3A_22], %dot_general3A_20 {strides = array<i32>} : memref<256x512xf32, #tpu.memory_space<vmem>>, vector<256x512xf32>,
    return
  }
  func.func @transform_0(%arg0: i32) -> (i32, i32) {
    %c0_i32 = arith.constant 0 : i32
    %c0_i32_0 = arith.constant 0 : i32
    return %arg0, %c0_i32 : i32, i32
  }
  func.func @transform_1(%arg0: i32) -> (i32, i32) {
    %c0_i32 = arith.constant 0 : i32
    %c0_i32_0 = arith.constant 0 : i32
    %c0_i32_1 = arith.constant 0 : i32
    return %c0_i32, %c0_i32_0 : i32, i32
  }
  func.func @transform_2(%arg0: i32) -> (i32, i32) {
    %c0_i32 = arith.constant 0 : i32
    %c0_i32_0 = arith.constant 0 : i32
    %c0_i32_1 = arith.constant 0 : i32
    return %c0_i32, %c0_i32_0 : i32, i32
  }
  func.func @transform_3(%arg0: i32) -> (i32, i32) {
    %c0_i32 = arith.constant 0 : i32
    %c0_i32_0 = arith.constant 0 : i32
    %c0_i32_1 = arith.constant 0 : i32
    return %c0_i32, %c0_i32_0 : i32, i32
  }
  func.func @transform_4(%arg0: i32) -> (i32, i32) {
    %c0_i32 = arith.constant 0 : i32
    %c0_i32_0 = arith.constant 0 : i32
    return %arg0, %c0_i32 : i32, i32
  }
  func.func @transform_5(%arg0: i32) -> (i32, i32) {
    %c0_i32 = arith.constant 0 : i32
    %c0_i32_0 = arith.constant 0 : i32
    return %arg0, %c0_i32 : i32, i32
  }
  func.func @transform_6(%arg0: i32) -> (i32, i32) {
    %c0_i32 = arith.constant 0 : i32
    %c0_i32_0 = arith.constant 0 : i32
    return %arg0, %c0_i32 : i32, i32
  }
}

module attributes {stable_mosaic.version = 14 : i64} {
  func.func @_win_tc_kernel(%arg0: i32, %arg1: memref<256x512xf32, #tpu.memory_space<vmem>>, %arg2: memref<2048x512xf32, #tpu.memory_space<vmem>>, %arg3: memref<2048x512xf32, #tpu.memory_space<vmem>>, %arg4: memref<512x768xbf16, #tpu.memory_space<vmem>>, %arg5: memref<256x768xf32, #tpu.memory_space<vmem>>, %arg6: memref<328x512xf32, #tpu.memory_space<vmem>>, %arg7: memref<328x512xf32, #tpu.memory_space<vmem>>, %arg8: memref<8x320x512xf32, #tpu.memory_space<vmem>>, %arg9: memref<8x320x512xf32, #tpu.memory_space<vmem>>, %arg10: memref<256x512xf32, #tpu.memory_space<vmem>>) attributes {dimension_semantics = [#tpu.dimension_semantics<arbitrary>], iteration_bounds = array<i64: 8>, scalar_prefetch = 0 : i64, scratch_operands = 5 : i64, tpu.core_type = #tpu.core_type<tc>, window_params = [{transform_indices = @transform_0, window_bounds = array<i64: 256, 512>}, {pipeline_mode = #tpu.pipeline_mode<synchronous>, transform_indices = @transform_1, window_bounds = array<i64: 2048, 512>}, {pipeline_mode = #tpu.pipeline_mode<synchronous>, transform_indices = @transform_2, window_bounds = array<i64: 2048, 512>}, {pipeline_mode = #tpu.pipeline_mode<synchronous>, transform_indices = @transform_3, window_bounds = array<i64: 512, 768>}, {transform_indices = @transform_4, window_bounds = array<i64: 256, 768>}]} {
    %mul3A = arith.constant 256 : i32
    %mul3A_0 = arith.muli %arg0, %mul3A : i32
    %multiple_of3A = tpu.assume_multiple %mul3A_0, 256 : i32
    %eq3A = arith.constant 0 : i32
    %eq3A_1 = arith.cmpi eq, %arg0, %eq3A : i32
    %convert_element_type3A = arith.extui %eq3A_1 : i1 to i32
    %cond3A = arith.constant 0 : i32
    %cond3A_2 = arith.cmpi ne, %convert_element_type3A, %cond3A : i32
    scf.if %cond3A_2 {
      %broadcast_in_dim3A_139 = arith.constant 0.000000e+00 : f32
      %broadcast_in_dim3A_140 = vector.broadcast %broadcast_in_dim3A_139 : f32 to vector<64x512xf32>
      %swap3A_141 = arith.constant 0 : index
      %swap3A_142 = arith.constant 0 : index
      %swap3A_143 = vector.load %arg6[%swap3A_141, %swap3A_142] : memref<328x512xf32, #tpu.memory_space<vmem>>, vector<64x512xf32>
      tpu.vector_store %arg6[%swap3A_141, %swap3A_142], %broadcast_in_dim3A_140 {strides = array<i32>} : memref<328x512xf32, #tpu.memory_space<vmem>>, vector<64x512xf32>,
      %broadcast_in_dim3A_144 = arith.constant 0.000000e+00 : f32
      %broadcast_in_dim3A_145 = vector.broadcast %broadcast_in_dim3A_144 : f32 to vector<64x512xf32>
      %swap3A_146 = arith.constant 0 : index
      %swap3A_147 = arith.constant 0 : index
      %swap3A_148 = vector.load %arg7[%swap3A_146, %swap3A_147] : memref<328x512xf32, #tpu.memory_space<vmem>>, vector<64x512xf32>
      tpu.vector_store %arg7[%swap3A_146, %swap3A_147], %broadcast_in_dim3A_145 {strides = array<i32>} : memref<328x512xf32, #tpu.memory_space<vmem>>, vector<64x512xf32>,
      %get3A_149 = arith.constant 0 : index
      %get3A_150 = arith.constant 0 : index
      %get3A_151 = vector.load %arg2[%get3A_149, %get3A_150] : memref<2048x512xf32, #tpu.memory_space<vmem>>, vector<256x512xf32>
      %swap3A_152 = arith.constant 64 : index
      %swap3A_153 = arith.constant 0 : index
      %swap3A_154 = vector.load %arg6[%swap3A_152, %swap3A_153] : memref<328x512xf32, #tpu.memory_space<vmem>>, vector<256x512xf32>
      tpu.vector_store %arg6[%swap3A_152, %swap3A_153], %get3A_151 {strides = array<i32>} : memref<328x512xf32, #tpu.memory_space<vmem>>, vector<256x512xf32>,
      %get3A_155 = arith.constant 0 : index
      %get3A_156 = arith.constant 0 : index
      %get3A_157 = vector.load %arg3[%get3A_155, %get3A_156] : memref<2048x512xf32, #tpu.memory_space<vmem>>, vector<256x512xf32>
      %swap3A_158 = arith.constant 64 : index
      %swap3A_159 = arith.constant 0 : index
      %swap3A_160 = vector.load %arg7[%swap3A_158, %swap3A_159] : memref<328x512xf32, #tpu.memory_space<vmem>>, vector<256x512xf32>
      tpu.vector_store %arg7[%swap3A_158, %swap3A_159], %get3A_157 {strides = array<i32>} : memref<328x512xf32, #tpu.memory_space<vmem>>, vector<256x512xf32>,
    } else {
    }
    %gt3A = arith.constant 0 : i32
    %gt3A_3 = arith.cmpi sgt, %arg0, %gt3A : i32
    %convert_element_type3A_4 = arith.extui %gt3A_3 : i1 to i32
    %cond3A_5 = arith.constant 0 : i32
    %cond3A_6 = arith.cmpi ne, %convert_element_type3A_4, %cond3A_5 : i32
    scf.if %cond3A_6 {
      %sub3A = arith.constant 64 : i32
      %sub3A_139 = arith.subi %multiple_of3A, %sub3A : i32
      %get3A_140 = arith.index_cast %sub3A_139 : i32 to index
      %get3A_141 = arith.constant 0 : index
      %get3A_142 = vector.load %arg2[%get3A_140, %get3A_141] : memref<2048x512xf32, #tpu.memory_space<vmem>>, vector<320x512xf32>
      %swap3A_143 = arith.constant 0 : index
      %swap3A_144 = arith.constant 0 : index
      %swap3A_145 = vector.load %arg6[%swap3A_143, %swap3A_144] : memref<328x512xf32, #tpu.memory_space<vmem>>, vector<320x512xf32>
      tpu.vector_store %arg6[%swap3A_143, %swap3A_144], %get3A_142 {strides = array<i32>} : memref<328x512xf32, #tpu.memory_space<vmem>>, vector<320x512xf32>,
      %sub3A_146 = arith.constant 64 : i32
      %sub3A_147 = arith.subi %multiple_of3A, %sub3A_146 : i32
      %get3A_148 = arith.index_cast %sub3A_147 : i32 to index
      %get3A_149 = arith.constant 0 : index
      %get3A_150 = vector.load %arg3[%get3A_148, %get3A_149] : memref<2048x512xf32, #tpu.memory_space<vmem>>, vector<320x512xf32>
      %swap3A_151 = arith.constant 0 : index
      %swap3A_152 = arith.constant 0 : index
      %swap3A_153 = vector.load %arg7[%swap3A_151, %swap3A_152] : memref<328x512xf32, #tpu.memory_space<vmem>>, vector<320x512xf32>
      tpu.vector_store %arg7[%swap3A_151, %swap3A_152], %get3A_150 {strides = array<i32>} : memref<328x512xf32, #tpu.memory_space<vmem>>, vector<320x512xf32>,
    } else {
    }
    %get3A = arith.constant 0 : index
    %get3A_7 = arith.constant 0 : index
    %get3A_8 = vector.load %arg6[%get3A, %get3A_7] : memref<328x512xf32, #tpu.memory_space<vmem>>, vector<328x512xf32>
    %get3A_9 = arith.constant 0 : index
    %get3A_10 = arith.constant 0 : index
    %get3A_11 = vector.load %arg7[%get3A_9, %get3A_10] : memref<328x512xf32, #tpu.memory_space<vmem>>, vector<328x512xf32>
    %slice3A = vector.extract_strided_slice %get3A_8 {offsets = [0, 0], sizes = [320, 512], strides = [1, 1]} : vector<328x512xf32> to vector<320x512xf32>
    %swap3A = arith.constant 0 : index
    %swap3A_12 = arith.constant 0 : index
    %swap3A_13 = arith.constant 0 : index
    %swap3A_14 = vector.load %arg8[%swap3A, %swap3A_12, %swap3A_13] : memref<8x320x512xf32, #tpu.memory_space<vmem>>, vector<1x320x512xf32>
    %swap3A_15 = vector.shape_cast %swap3A_14 : vector<1x320x512xf32> to vector<320x512xf32>
    %swap3A_16 = vector.shape_cast %slice3A : vector<320x512xf32> to vector<1x320x512xf32>
    tpu.vector_store %arg8[%swap3A, %swap3A_12, %swap3A_13], %swap3A_16 {strides = array<i32>} : memref<8x320x512xf32, #tpu.memory_space<vmem>>, vector<1x320x512xf32>,
    %slice3A_17 = vector.extract_strided_slice %get3A_11 {offsets = [0, 0], sizes = [320, 512], strides = [1, 1]} : vector<328x512xf32> to vector<320x512xf32>
    %swap3A_18 = arith.constant 0 : index
    %swap3A_19 = arith.constant 0 : index
    %swap3A_20 = arith.constant 0 : index
    %swap3A_21 = vector.load %arg9[%swap3A_18, %swap3A_19, %swap3A_20] : memref<8x320x512xf32, #tpu.memory_space<vmem>>, vector<1x320x512xf32>
    %swap3A_22 = vector.shape_cast %swap3A_21 : vector<1x320x512xf32> to vector<320x512xf32>
    %swap3A_23 = vector.shape_cast %slice3A_17 : vector<320x512xf32> to vector<1x320x512xf32>
    tpu.vector_store %arg9[%swap3A_18, %swap3A_19, %swap3A_20], %swap3A_23 {strides = array<i32>} : memref<8x320x512xf32, #tpu.memory_space<vmem>>, vector<1x320x512xf32>,
    %slice3A_24 = vector.extract_strided_slice %get3A_8 {offsets = [1, 0], sizes = [320, 512], strides = [1, 1]} : vector<328x512xf32> to vector<320x512xf32>
    %swap3A_25 = arith.constant 1 : index
    %swap3A_26 = arith.constant 0 : index
    %swap3A_27 = arith.constant 0 : index
    %swap3A_28 = vector.load %arg8[%swap3A_25, %swap3A_26, %swap3A_27] : memref<8x320x512xf32, #tpu.memory_space<vmem>>, vector<1x320x512xf32>
    %swap3A_29 = vector.shape_cast %swap3A_28 : vector<1x320x512xf32> to vector<320x512xf32>
    %swap3A_30 = vector.shape_cast %slice3A_24 : vector<320x512xf32> to vector<1x320x512xf32>
    tpu.vector_store %arg8[%swap3A_25, %swap3A_26, %swap3A_27], %swap3A_30 {strides = array<i32>} : memref<8x320x512xf32, #tpu.memory_space<vmem>>, vector<1x320x512xf32>,
    %slice3A_31 = vector.extract_strided_slice %get3A_11 {offsets = [1, 0], sizes = [320, 512], strides = [1, 1]} : vector<328x512xf32> to vector<320x512xf32>
    %swap3A_32 = arith.constant 1 : index
    %swap3A_33 = arith.constant 0 : index
    %swap3A_34 = arith.constant 0 : index
    %swap3A_35 = vector.load %arg9[%swap3A_32, %swap3A_33, %swap3A_34] : memref<8x320x512xf32, #tpu.memory_space<vmem>>, vector<1x320x512xf32>
    %swap3A_36 = vector.shape_cast %swap3A_35 : vector<1x320x512xf32> to vector<320x512xf32>
    %swap3A_37 = vector.shape_cast %slice3A_31 : vector<320x512xf32> to vector<1x320x512xf32>
    tpu.vector_store %arg9[%swap3A_32, %swap3A_33, %swap3A_34], %swap3A_37 {strides = array<i32>} : memref<8x320x512xf32, #tpu.memory_space<vmem>>, vector<1x320x512xf32>,
    %slice3A_38 = vector.extract_strided_slice %get3A_8 {offsets = [2, 0], sizes = [320, 512], strides = [1, 1]} : vector<328x512xf32> to vector<320x512xf32>
    %swap3A_39 = arith.constant 2 : index
    %swap3A_40 = arith.constant 0 : index
    %swap3A_41 = arith.constant 0 : index
    %swap3A_42 = vector.load %arg8[%swap3A_39, %swap3A_40, %swap3A_41] : memref<8x320x512xf32, #tpu.memory_space<vmem>>, vector<1x320x512xf32>
    %swap3A_43 = vector.shape_cast %swap3A_42 : vector<1x320x512xf32> to vector<320x512xf32>
    %swap3A_44 = vector.shape_cast %slice3A_38 : vector<320x512xf32> to vector<1x320x512xf32>
    tpu.vector_store %arg8[%swap3A_39, %swap3A_40, %swap3A_41], %swap3A_44 {strides = array<i32>} : memref<8x320x512xf32, #tpu.memory_space<vmem>>, vector<1x320x512xf32>,
    %slice3A_45 = vector.extract_strided_slice %get3A_11 {offsets = [2, 0], sizes = [320, 512], strides = [1, 1]} : vector<328x512xf32> to vector<320x512xf32>
    %swap3A_46 = arith.constant 2 : index
    %swap3A_47 = arith.constant 0 : index
    %swap3A_48 = arith.constant 0 : index
    %swap3A_49 = vector.load %arg9[%swap3A_46, %swap3A_47, %swap3A_48] : memref<8x320x512xf32, #tpu.memory_space<vmem>>, vector<1x320x512xf32>
    %swap3A_50 = vector.shape_cast %swap3A_49 : vector<1x320x512xf32> to vector<320x512xf32>
    %swap3A_51 = vector.shape_cast %slice3A_45 : vector<320x512xf32> to vector<1x320x512xf32>
    tpu.vector_store %arg9[%swap3A_46, %swap3A_47, %swap3A_48], %swap3A_51 {strides = array<i32>} : memref<8x320x512xf32, #tpu.memory_space<vmem>>, vector<1x320x512xf32>,
    %slice3A_52 = vector.extract_strided_slice %get3A_8 {offsets = [3, 0], sizes = [320, 512], strides = [1, 1]} : vector<328x512xf32> to vector<320x512xf32>
    %swap3A_53 = arith.constant 3 : index
    %swap3A_54 = arith.constant 0 : index
    %swap3A_55 = arith.constant 0 : index
    %swap3A_56 = vector.load %arg8[%swap3A_53, %swap3A_54, %swap3A_55] : memref<8x320x512xf32, #tpu.memory_space<vmem>>, vector<1x320x512xf32>
    %swap3A_57 = vector.shape_cast %swap3A_56 : vector<1x320x512xf32> to vector<320x512xf32>
    %swap3A_58 = vector.shape_cast %slice3A_52 : vector<320x512xf32> to vector<1x320x512xf32>
    tpu.vector_store %arg8[%swap3A_53, %swap3A_54, %swap3A_55], %swap3A_58 {strides = array<i32>} : memref<8x320x512xf32, #tpu.memory_space<vmem>>, vector<1x320x512xf32>,
    %slice3A_59 = vector.extract_strided_slice %get3A_11 {offsets = [3, 0], sizes = [320, 512], strides = [1, 1]} : vector<328x512xf32> to vector<320x512xf32>
    %swap3A_60 = arith.constant 3 : index
    %swap3A_61 = arith.constant 0 : index
    %swap3A_62 = arith.constant 0 : index
    %swap3A_63 = vector.load %arg9[%swap3A_60, %swap3A_61, %swap3A_62] : memref<8x320x512xf32, #tpu.memory_space<vmem>>, vector<1x320x512xf32>
    %swap3A_64 = vector.shape_cast %swap3A_63 : vector<1x320x512xf32> to vector<320x512xf32>
    %swap3A_65 = vector.shape_cast %slice3A_59 : vector<320x512xf32> to vector<1x320x512xf32>
    tpu.vector_store %arg9[%swap3A_60, %swap3A_61, %swap3A_62], %swap3A_65 {strides = array<i32>} : memref<8x320x512xf32, #tpu.memory_space<vmem>>, vector<1x320x512xf32>,
    %slice3A_66 = vector.extract_strided_slice %get3A_8 {offsets = [4, 0], sizes = [320, 512], strides = [1, 1]} : vector<328x512xf32> to vector<320x512xf32>
    %swap3A_67 = arith.constant 4 : index
    %swap3A_68 = arith.constant 0 : index
    %swap3A_69 = arith.constant 0 : index
    %swap3A_70 = vector.load %arg8[%swap3A_67, %swap3A_68, %swap3A_69] : memref<8x320x512xf32, #tpu.memory_space<vmem>>, vector<1x320x512xf32>
    %swap3A_71 = vector.shape_cast %swap3A_70 : vector<1x320x512xf32> to vector<320x512xf32>
    %swap3A_72 = vector.shape_cast %slice3A_66 : vector<320x512xf32> to vector<1x320x512xf32>
    tpu.vector_store %arg8[%swap3A_67, %swap3A_68, %swap3A_69], %swap3A_72 {strides = array<i32>} : memref<8x320x512xf32, #tpu.memory_space<vmem>>, vector<1x320x512xf32>,
    %slice3A_73 = vector.extract_strided_slice %get3A_11 {offsets = [4, 0], sizes = [320, 512], strides = [1, 1]} : vector<328x512xf32> to vector<320x512xf32>
    %swap3A_74 = arith.constant 4 : index
    %swap3A_75 = arith.constant 0 : index
    %swap3A_76 = arith.constant 0 : index
    %swap3A_77 = vector.load %arg9[%swap3A_74, %swap3A_75, %swap3A_76] : memref<8x320x512xf32, #tpu.memory_space<vmem>>, vector<1x320x512xf32>
    %swap3A_78 = vector.shape_cast %swap3A_77 : vector<1x320x512xf32> to vector<320x512xf32>
    %swap3A_79 = vector.shape_cast %slice3A_73 : vector<320x512xf32> to vector<1x320x512xf32>
    tpu.vector_store %arg9[%swap3A_74, %swap3A_75, %swap3A_76], %swap3A_79 {strides = array<i32>} : memref<8x320x512xf32, #tpu.memory_space<vmem>>, vector<1x320x512xf32>,
    %slice3A_80 = vector.extract_strided_slice %get3A_8 {offsets = [5, 0], sizes = [320, 512], strides = [1, 1]} : vector<328x512xf32> to vector<320x512xf32>
    %swap3A_81 = arith.constant 5 : index
    %swap3A_82 = arith.constant 0 : index
    %swap3A_83 = arith.constant 0 : index
    %swap3A_84 = vector.load %arg8[%swap3A_81, %swap3A_82, %swap3A_83] : memref<8x320x512xf32, #tpu.memory_space<vmem>>, vector<1x320x512xf32>
    %swap3A_85 = vector.shape_cast %swap3A_84 : vector<1x320x512xf32> to vector<320x512xf32>
    %swap3A_86 = vector.shape_cast %slice3A_80 : vector<320x512xf32> to vector<1x320x512xf32>
    tpu.vector_store %arg8[%swap3A_81, %swap3A_82, %swap3A_83], %swap3A_86 {strides = array<i32>} : memref<8x320x512xf32, #tpu.memory_space<vmem>>, vector<1x320x512xf32>,
    %slice3A_87 = vector.extract_strided_slice %get3A_11 {offsets = [5, 0], sizes = [320, 512], strides = [1, 1]} : vector<328x512xf32> to vector<320x512xf32>
    %swap3A_88 = arith.constant 5 : index
    %swap3A_89 = arith.constant 0 : index
    %swap3A_90 = arith.constant 0 : index
    %swap3A_91 = vector.load %arg9[%swap3A_88, %swap3A_89, %swap3A_90] : memref<8x320x512xf32, #tpu.memory_space<vmem>>, vector<1x320x512xf32>
    %swap3A_92 = vector.shape_cast %swap3A_91 : vector<1x320x512xf32> to vector<320x512xf32>
    %swap3A_93 = vector.shape_cast %slice3A_87 : vector<320x512xf32> to vector<1x320x512xf32>
    tpu.vector_store %arg9[%swap3A_88, %swap3A_89, %swap3A_90], %swap3A_93 {strides = array<i32>} : memref<8x320x512xf32, #tpu.memory_space<vmem>>, vector<1x320x512xf32>,
    %slice3A_94 = vector.extract_strided_slice %get3A_8 {offsets = [6, 0], sizes = [320, 512], strides = [1, 1]} : vector<328x512xf32> to vector<320x512xf32>
    %swap3A_95 = arith.constant 6 : index
    %swap3A_96 = arith.constant 0 : index
    %swap3A_97 = arith.constant 0 : index
    %swap3A_98 = vector.load %arg8[%swap3A_95, %swap3A_96, %swap3A_97] : memref<8x320x512xf32, #tpu.memory_space<vmem>>, vector<1x320x512xf32>
    %swap3A_99 = vector.shape_cast %swap3A_98 : vector<1x320x512xf32> to vector<320x512xf32>
    %swap3A_100 = vector.shape_cast %slice3A_94 : vector<320x512xf32> to vector<1x320x512xf32>
    tpu.vector_store %arg8[%swap3A_95, %swap3A_96, %swap3A_97], %swap3A_100 {strides = array<i32>} : memref<8x320x512xf32, #tpu.memory_space<vmem>>, vector<1x320x512xf32>,
    %slice3A_101 = vector.extract_strided_slice %get3A_11 {offsets = [6, 0], sizes = [320, 512], strides = [1, 1]} : vector<328x512xf32> to vector<320x512xf32>
    %swap3A_102 = arith.constant 6 : index
    %swap3A_103 = arith.constant 0 : index
    %swap3A_104 = arith.constant 0 : index
    %swap3A_105 = vector.load %arg9[%swap3A_102, %swap3A_103, %swap3A_104] : memref<8x320x512xf32, #tpu.memory_space<vmem>>, vector<1x320x512xf32>
    %swap3A_106 = vector.shape_cast %swap3A_105 : vector<1x320x512xf32> to vector<320x512xf32>
    %swap3A_107 = vector.shape_cast %slice3A_101 : vector<320x512xf32> to vector<1x320x512xf32>
    tpu.vector_store %arg9[%swap3A_102, %swap3A_103, %swap3A_104], %swap3A_107 {strides = array<i32>} : memref<8x320x512xf32, #tpu.memory_space<vmem>>, vector<1x320x512xf32>,
    %slice3A_108 = vector.extract_strided_slice %get3A_8 {offsets = [7, 0], sizes = [320, 512], strides = [1, 1]} : vector<328x512xf32> to vector<320x512xf32>
    %swap3A_109 = arith.constant 7 : index
    %swap3A_110 = arith.constant 0 : index
    %swap3A_111 = arith.constant 0 : index
    %swap3A_112 = vector.load %arg8[%swap3A_109, %swap3A_110, %swap3A_111] : memref<8x320x512xf32, #tpu.memory_space<vmem>>, vector<1x320x512xf32>
    %swap3A_113 = vector.shape_cast %swap3A_112 : vector<1x320x512xf32> to vector<320x512xf32>
    %swap3A_114 = vector.shape_cast %slice3A_108 : vector<320x512xf32> to vector<1x320x512xf32>
    tpu.vector_store %arg8[%swap3A_109, %swap3A_110, %swap3A_111], %swap3A_114 {strides = array<i32>} : memref<8x320x512xf32, #tpu.memory_space<vmem>>, vector<1x320x512xf32>,
    %slice3A_115 = vector.extract_strided_slice %get3A_11 {offsets = [7, 0], sizes = [320, 512], strides = [1, 1]} : vector<328x512xf32> to vector<320x512xf32>
    %swap3A_116 = arith.constant 7 : index
    %swap3A_117 = arith.constant 0 : index
    %swap3A_118 = arith.constant 0 : index
    %swap3A_119 = vector.load %arg9[%swap3A_116, %swap3A_117, %swap3A_118] : memref<8x320x512xf32, #tpu.memory_space<vmem>>, vector<1x320x512xf32>
    %swap3A_120 = vector.shape_cast %swap3A_119 : vector<1x320x512xf32> to vector<320x512xf32>
    %swap3A_121 = vector.shape_cast %slice3A_115 : vector<320x512xf32> to vector<1x320x512xf32>
    tpu.vector_store %arg9[%swap3A_116, %swap3A_117, %swap3A_118], %swap3A_121 {strides = array<i32>} : memref<8x320x512xf32, #tpu.memory_space<vmem>>, vector<1x320x512xf32>,
    %slice3A_122 = vector.extract_strided_slice %get3A_8 {offsets = [0, 0], sizes = [320, 512], strides = [1, 1]} : vector<328x512xf32> to vector<320x512xf32>
    %abs3A = math.absf %slice3A_122 : vector<320x512xf32>
    %reduce_max3A = arith.constant dense<0xFF800000> : vector<512xf32>
    %reduce_max3A_123 = vector.multi_reduction <maximumf>, %abs3A, %reduce_max3A [0] : vector<320x512xf32> to vector<512xf32>
    %broadcast_in_dim3A = vector.shape_cast %reduce_max3A_123 : vector<512xf32> to vector<1x512xf32>
    %scan3A = arith.constant 0 : i32
    %scan3A_124 = arith.constant 16 : i32
    %scan3A_125 = arith.addi %scan3A, %scan3A_124 : i32
    %scan3A_126 = arith.constant 1 : i32
    scf.for %scan3A_139 = %scan3A to %scan3A_125 step %scan3A_126  : i32 {
      %mul3A_140 = arith.constant 16 : i32
      %mul3A_141 = arith.muli %scan3A_139, %mul3A_140 : i32
      %multiple_of3A_142 = tpu.assume_multiple %mul3A_141, 16 : i32
      %get3A_143 = arith.index_cast %multiple_of3A_142 : i32 to index
      %get3A_144 = arith.constant 0 : index
      %get3A_145 = vector.load %arg1[%get3A_143, %get3A_144] : memref<256x512xf32, #tpu.memory_space<vmem>>, vector<16x512xf32>
      %mul3A_146 = arith.constant 1.250000e-01 : f32
      %mul3A_147 = vector.broadcast %mul3A_146 : f32 to vector<16x512xf32>
      %mul3A_148 = arith.mulf %get3A_145, %mul3A_147 : vector<16x512xf32>
      %abs3A_149 = math.absf %mul3A_148 : vector<16x512xf32>
      %mul3A_150 = vector.broadcast %broadcast_in_dim3A : vector<1x512xf32> to vector<16x512xf32>
      %mul3A_151 = arith.mulf %abs3A_149, %mul3A_150 : vector<16x512xf32>
      %iota3A = tpu.iota {dimensions = array<i32: 0>} : vector<16x512xi32>
      %add3A = vector.broadcast %multiple_of3A : i32 to vector<16x512xi32>
      %add3A_152 = arith.addi %iota3A, %add3A : vector<16x512xi32>
      %add3A_153 = vector.broadcast %multiple_of3A_142 : i32 to vector<16x512xi32>
      %add3A_154 = arith.addi %add3A_152, %add3A_153 : vector<16x512xi32>
      %sub3A = arith.constant 63 : i32
      %sub3A_155 = vector.broadcast %sub3A : i32 to vector<16x512xi32>
      %sub3A_156 = arith.subi %sub3A_155, %add3A_154 : vector<16x512xi32>
      %max3A = arith.constant 0 : i32
      %max3A_157 = vector.broadcast %max3A : i32 to vector<16x512xi32>
      %max3A_158 = arith.maxsi %sub3A_156, %max3A_157 : vector<16x512xi32>
      %convert_element_type3A_159 = arith.sitofp %max3A_158 : vector<16x512xi32> to vector<16x512xf32>
      %neg3A = arith.constant 0.000000e+00 : f32
      %neg3A_160 = vector.broadcast %neg3A : f32 to vector<16x512xf32>
      %neg3A_161 = arith.subf %neg3A_160, %convert_element_type3A_159 : vector<16x512xf32>
      %neg3A_162 = arith.constant 0.000000e+00 : f32
      %neg3A_163 = vector.broadcast %neg3A_162 : f32 to vector<16x512xf32>
      %neg3A_164 = arith.subf %neg3A_163, %mul3A_151 : vector<16x512xf32>
      %exp3A = math.exp %neg3A_164 : vector<16x512xf32>
      %mul3A_165 = arith.mulf %neg3A_161, %exp3A : vector<16x512xf32>
      %broadcast_in_dim3A_166 = arith.constant 0.000000e+00 : f32
      %broadcast_in_dim3A_167 = vector.broadcast %broadcast_in_dim3A_166 : f32 to vector<16x512xf32>
      %add3A_168 = arith.constant 0 : i32
      %add3A_169 = arith.addi %add3A_168, %multiple_of3A_142 : i32
      %multiple_of3A_170 = tpu.assume_multiple %add3A_169, 16 : i32
      %get3A_171 = arith.constant 1 : index
      %get3A_172 = arith.index_cast %multiple_of3A_170 : i32 to index
      %get3A_173 = arith.constant 0 : index
      %get3A_174 = vector.load %arg8[%get3A_171, %get3A_172, %get3A_173] : memref<8x320x512xf32, #tpu.memory_space<vmem>>, vector<1x16x512xf32>
      %get3A_175 = vector.shape_cast %get3A_174 : vector<1x16x512xf32> to vector<16x512xf32>
      %mul3A_176 = arith.mulf %mul3A_148, %get3A_175 : vector<16x512xf32>
      %sub3A_177 = arith.subf %mul3A_176, %mul3A_151 : vector<16x512xf32>
      %exp3A_178 = math.exp %sub3A_177 : vector<16x512xf32>
      %add3A_179 = arith.addf %mul3A_165, %exp3A_178 : vector<16x512xf32>
      %get3A_180 = arith.constant 1 : index
      %get3A_181 = arith.index_cast %multiple_of3A_170 : i32 to index
      %get3A_182 = arith.constant 0 : index
      %get3A_183 = vector.load %arg9[%get3A_180, %get3A_181, %get3A_182] : memref<8x320x512xf32, #tpu.memory_space<vmem>>, vector<1x16x512xf32>
      %get3A_184 = vector.shape_cast %get3A_183 : vector<1x16x512xf32> to vector<16x512xf32>
      %mul3A_185 = arith.mulf %exp3A_178, %get3A_184 : vector<16x512xf32>
      %add3A_186 = arith.addf %broadcast_in_dim3A_167, %mul3A_185 : vector<16x512xf32>
      %add3A_187 = arith.constant 0 : i32
      %add3A_188 = arith.addi %add3A_187, %multiple_of3A_142 : i32
      %multiple_of3A_189 = tpu.assume_multiple %add3A_188, 16 : i32
      %get3A_190 = arith.constant 2 : index
      %get3A_191 = arith.index_cast %multiple_of3A_189 : i32 to index
      %get3A_192 = arith.constant 0 : index
      %get3A_193 = vector.load %arg8[%get3A_190, %get3A_191, %get3A_192] : memref<8x320x512xf32, #tpu.memory_space<vmem>>, vector<1x16x512xf32>
      %get3A_194 = vector.shape_cast %get3A_193 : vector<1x16x512xf32> to vector<16x512xf32>
      %mul3A_195 = arith.mulf %mul3A_148, %get3A_194 : vector<16x512xf32>
      %sub3A_196 = arith.subf %mul3A_195, %mul3A_151 : vector<16x512xf32>
      %exp3A_197 = math.exp %sub3A_196 : vector<16x512xf32>
      %add3A_198 = arith.addf %add3A_179, %exp3A_197 : vector<16x512xf32>
      %get3A_199 = arith.constant 2 : index
      %get3A_200 = arith.index_cast %multiple_of3A_189 : i32 to index
      %get3A_201 = arith.constant 0 : index
      %get3A_202 = vector.load %arg9[%get3A_199, %get3A_200, %get3A_201] : memref<8x320x512xf32, #tpu.memory_space<vmem>>, vector<1x16x512xf32>
      %get3A_203 = vector.shape_cast %get3A_202 : vector<1x16x512xf32> to vector<16x512xf32>
      %mul3A_204 = arith.mulf %exp3A_197, %get3A_203 : vector<16x512xf32>
      %add3A_205 = arith.addf %add3A_186, %mul3A_204 : vector<16x512xf32>
      %add3A_206 = arith.constant 0 : i32
      %add3A_207 = arith.addi %add3A_206, %multiple_of3A_142 : i32
      %multiple_of3A_208 = tpu.assume_multiple %add3A_207, 16 : i32
      %get3A_209 = arith.constant 3 : index
      %get3A_210 = arith.index_cast %multiple_of3A_208 : i32 to index
      %get3A_211 = arith.constant 0 : index
      %get3A_212 = vector.load %arg8[%get3A_209, %get3A_210, %get3A_211] : memref<8x320x512xf32, #tpu.memory_space<vmem>>, vector<1x16x512xf32>
      %get3A_213 = vector.shape_cast %get3A_212 : vector<1x16x512xf32> to vector<16x512xf32>
      %mul3A_214 = arith.mulf %mul3A_148, %get3A_213 : vector<16x512xf32>
      %sub3A_215 = arith.subf %mul3A_214, %mul3A_151 : vector<16x512xf32>
      %exp3A_216 = math.exp %sub3A_215 : vector<16x512xf32>
      %add3A_217 = arith.addf %add3A_198, %exp3A_216 : vector<16x512xf32>
      %get3A_218 = arith.constant 3 : index
      %get3A_219 = arith.index_cast %multiple_of3A_208 : i32 to index
      %get3A_220 = arith.constant 0 : index
      %get3A_221 = vector.load %arg9[%get3A_218, %get3A_219, %get3A_220] : memref<8x320x512xf32, #tpu.memory_space<vmem>>, vector<1x16x512xf32>
      %get3A_222 = vector.shape_cast %get3A_221 : vector<1x16x512xf32> to vector<16x512xf32>
      %mul3A_223 = arith.mulf %exp3A_216, %get3A_222 : vector<16x512xf32>
      %add3A_224 = arith.addf %add3A_205, %mul3A_223 : vector<16x512xf32>
      %add3A_225 = arith.constant 0 : i32
      %add3A_226 = arith.addi %add3A_225, %multiple_of3A_142 : i32
      %multiple_of3A_227 = tpu.assume_multiple %add3A_226, 16 : i32
      %get3A_228 = arith.constant 4 : index
      %get3A_229 = arith.index_cast %multiple_of3A_227 : i32 to index
      %get3A_230 = arith.constant 0 : index
      %get3A_231 = vector.load %arg8[%get3A_228, %get3A_229, %get3A_230] : memref<8x320x512xf32, #tpu.memory_space<vmem>>, vector<1x16x512xf32>
      %get3A_232 = vector.shape_cast %get3A_231 : vector<1x16x512xf32> to vector<16x512xf32>
      %mul3A_233 = arith.mulf %mul3A_148, %get3A_232 : vector<16x512xf32>
      %sub3A_234 = arith.subf %mul3A_233, %mul3A_151 : vector<16x512xf32>
      %exp3A_235 = math.exp %sub3A_234 : vector<16x512xf32>
      %add3A_236 = arith.addf %add3A_217, %exp3A_235 : vector<16x512xf32>
      %get3A_237 = arith.constant 4 : index
      %get3A_238 = arith.index_cast %multiple_of3A_227 : i32 to index
      %get3A_239 = arith.constant 0 : index
      %get3A_240 = vector.load %arg9[%get3A_237, %get3A_238, %get3A_239] : memref<8x320x512xf32, #tpu.memory_space<vmem>>, vector<1x16x512xf32>
      %get3A_241 = vector.shape_cast %get3A_240 : vector<1x16x512xf32> to vector<16x512xf32>
      %mul3A_242 = arith.mulf %exp3A_235, %get3A_241 : vector<16x512xf32>
      %add3A_243 = arith.addf %add3A_224, %mul3A_242 : vector<16x512xf32>
      %add3A_244 = arith.constant 0 : i32
      %add3A_245 = arith.addi %add3A_244, %multiple_of3A_142 : i32
      %multiple_of3A_246 = tpu.assume_multiple %add3A_245, 16 : i32
      %get3A_247 = arith.constant 5 : index
      %get3A_248 = arith.index_cast %multiple_of3A_246 : i32 to index
      %get3A_249 = arith.constant 0 : index
      %get3A_250 = vector.load %arg8[%get3A_247, %get3A_248, %get3A_249] : memref<8x320x512xf32, #tpu.memory_space<vmem>>, vector<1x16x512xf32>
      %get3A_251 = vector.shape_cast %get3A_250 : vector<1x16x512xf32> to vector<16x512xf32>
      %mul3A_252 = arith.mulf %mul3A_148, %get3A_251 : vector<16x512xf32>
      %sub3A_253 = arith.subf %mul3A_252, %mul3A_151 : vector<16x512xf32>
      %exp3A_254 = math.exp %sub3A_253 : vector<16x512xf32>
      %add3A_255 = arith.addf %add3A_236, %exp3A_254 : vector<16x512xf32>
      %get3A_256 = arith.constant 5 : index
      %get3A_257 = arith.index_cast %multiple_of3A_246 : i32 to index
      %get3A_258 = arith.constant 0 : index
      %get3A_259 = vector.load %arg9[%get3A_256, %get3A_257, %get3A_258] : memref<8x320x512xf32, #tpu.memory_space<vmem>>, vector<1x16x512xf32>
      %get3A_260 = vector.shape_cast %get3A_259 : vector<1x16x512xf32> to vector<16x512xf32>
      %mul3A_261 = arith.mulf %exp3A_254, %get3A_260 : vector<16x512xf32>
      %add3A_262 = arith.addf %add3A_243, %mul3A_261 : vector<16x512xf32>
      %add3A_263 = arith.constant 0 : i32
      %add3A_264 = arith.addi %add3A_263, %multiple_of3A_142 : i32
      %multiple_of3A_265 = tpu.assume_multiple %add3A_264, 16 : i32
      %get3A_266 = arith.constant 6 : index
      %get3A_267 = arith.index_cast %multiple_of3A_265 : i32 to index
      %get3A_268 = arith.constant 0 : index
      %get3A_269 = vector.load %arg8[%get3A_266, %get3A_267, %get3A_268] : memref<8x320x512xf32, #tpu.memory_space<vmem>>, vector<1x16x512xf32>
      %get3A_270 = vector.shape_cast %get3A_269 : vector<1x16x512xf32> to vector<16x512xf32>
      %mul3A_271 = arith.mulf %mul3A_148, %get3A_270 : vector<16x512xf32>
      %sub3A_272 = arith.subf %mul3A_271, %mul3A_151 : vector<16x512xf32>
      %exp3A_273 = math.exp %sub3A_272 : vector<16x512xf32>
      %add3A_274 = arith.addf %add3A_255, %exp3A_273 : vector<16x512xf32>
      %get3A_275 = arith.constant 6 : index
      %get3A_276 = arith.index_cast %multiple_of3A_265 : i32 to index
      %get3A_277 = arith.constant 0 : index
      %get3A_278 = vector.load %arg9[%get3A_275, %get3A_276, %get3A_277] : memref<8x320x512xf32, #tpu.memory_space<vmem>>, vector<1x16x512xf32>
      %get3A_279 = vector.shape_cast %get3A_278 : vector<1x16x512xf32> to vector<16x512xf32>
      %mul3A_280 = arith.mulf %exp3A_273, %get3A_279 : vector<16x512xf32>
      %add3A_281 = arith.addf %add3A_262, %mul3A_280 : vector<16x512xf32>
      %add3A_282 = arith.constant 0 : i32
      %add3A_283 = arith.addi %add3A_282, %multiple_of3A_142 : i32
      %multiple_of3A_284 = tpu.assume_multiple %add3A_283, 16 : i32
      %get3A_285 = arith.constant 7 : index
      %get3A_286 = arith.index_cast %multiple_of3A_284 : i32 to index
      %get3A_287 = arith.constant 0 : index
      %get3A_288 = vector.load %arg8[%get3A_285, %get3A_286, %get3A_287] : memref<8x320x512xf32, #tpu.memory_space<vmem>>, vector<1x16x512xf32>
      %get3A_289 = vector.shape_cast %get3A_288 : vector<1x16x512xf32> to vector<16x512xf32>
      %mul3A_290 = arith.mulf %mul3A_148, %get3A_289 : vector<16x512xf32>
      %sub3A_291 = arith.subf %mul3A_290, %mul3A_151 : vector<16x512xf32>
      %exp3A_292 = math.exp %sub3A_291 : vector<16x512xf32>
      %add3A_293 = arith.addf %add3A_274, %exp3A_292 : vector<16x512xf32>
      %get3A_294 = arith.constant 7 : index
      %get3A_295 = arith.index_cast %multiple_of3A_284 : i32 to index
      %get3A_296 = arith.constant 0 : index
      %get3A_297 = vector.load %arg9[%get3A_294, %get3A_295, %get3A_296] : memref<8x320x512xf32, #tpu.memory_space<vmem>>, vector<1x16x512xf32>
      %get3A_298 = vector.shape_cast %get3A_297 : vector<1x16x512xf32> to vector<16x512xf32>
      %mul3A_299 = arith.mulf %exp3A_292, %get3A_298 : vector<16x512xf32>
      %add3A_300 = arith.addf %add3A_281, %mul3A_299 : vector<16x512xf32>
      %add3A_301 = arith.constant 8 : i32
      %add3A_302 = arith.addi %add3A_301, %multiple_of3A_142 : i32
      %multiple_of3A_303 = tpu.assume_multiple %add3A_302, 16 : i32
      %get3A_304 = arith.constant 0 : index
      %get3A_305 = arith.index_cast %multiple_of3A_303 : i32 to index
      %get3A_306 = arith.constant 0 : index
      %get3A_307 = vector.load %arg8[%get3A_304, %get3A_305, %get3A_306] : memref<8x320x512xf32, #tpu.memory_space<vmem>>, vector<1x16x512xf32>
      %get3A_308 = vector.shape_cast %get3A_307 : vector<1x16x512xf32> to vector<16x512xf32>
      %mul3A_309 = arith.mulf %mul3A_148, %get3A_308 : vector<16x512xf32>
      %sub3A_310 = arith.subf %mul3A_309, %mul3A_151 : vector<16x512xf32>
      %exp3A_311 = math.exp %sub3A_310 : vector<16x512xf32>
      %add3A_312 = arith.addf %add3A_293, %exp3A_311 : vector<16x512xf32>
      %get3A_313 = arith.constant 0 : index
      %get3A_314 = arith.index_cast %multiple_of3A_303 : i32 to index
      %get3A_315 = arith.constant 0 : index
      %get3A_316 = vector.load %arg9[%get3A_313, %get3A_314, %get3A_315] : memref<8x320x512xf32, #tpu.memory_space<vmem>>, vector<1x16x512xf32>
      %get3A_317 = vector.shape_cast %get3A_316 : vector<1x16x512xf32> to vector<16x512xf32>
      %mul3A_318 = arith.mulf %exp3A_311, %get3A_317 : vector<16x512xf32>
      %add3A_319 = arith.addf %add3A_300, %mul3A_318 : vector<16x512xf32>
      %add3A_320 = arith.constant 8 : i32
      %add3A_321 = arith.addi %add3A_320, %multiple_of3A_142 : i32
      %multiple_of3A_322 = tpu.assume_multiple %add3A_321, 16 : i32
      %get3A_323 = arith.constant 1 : index
      %get3A_324 = arith.index_cast %multiple_of3A_322 : i32 to index
      %get3A_325 = arith.constant 0 : index
      %get3A_326 = vector.load %arg8[%get3A_323, %get3A_324, %get3A_325] : memref<8x320x512xf32, #tpu.memory_space<vmem>>, vector<1x16x512xf32>
      %get3A_327 = vector.shape_cast %get3A_326 : vector<1x16x512xf32> to vector<16x512xf32>
      %mul3A_328 = arith.mulf %mul3A_148, %get3A_327 : vector<16x512xf32>
      %sub3A_329 = arith.subf %mul3A_328, %mul3A_151 : vector<16x512xf32>
      %exp3A_330 = math.exp %sub3A_329 : vector<16x512xf32>
      %add3A_331 = arith.addf %add3A_312, %exp3A_330 : vector<16x512xf32>
      %get3A_332 = arith.constant 1 : index
      %get3A_333 = arith.index_cast %multiple_of3A_322 : i32 to index
      %get3A_334 = arith.constant 0 : index
      %get3A_335 = vector.load %arg9[%get3A_332, %get3A_333, %get3A_334] : memref<8x320x512xf32, #tpu.memory_space<vmem>>, vector<1x16x512xf32>
      %get3A_336 = vector.shape_cast %get3A_335 : vector<1x16x512xf32> to vector<16x512xf32>
      %mul3A_337 = arith.mulf %exp3A_330, %get3A_336 : vector<16x512xf32>
      %add3A_338 = arith.addf %add3A_319, %mul3A_337 : vector<16x512xf32>
      %add3A_339 = arith.constant 8 : i32
      %add3A_340 = arith.addi %add3A_339, %multiple_of3A_142 : i32
      %multiple_of3A_341 = tpu.assume_multiple %add3A_340, 16 : i32
      %get3A_342 = arith.constant 2 : index
      %get3A_343 = arith.index_cast %multiple_of3A_341 : i32 to index
      %get3A_344 = arith.constant 0 : index
      %get3A_345 = vector.load %arg8[%get3A_342, %get3A_343, %get3A_344] : memref<8x320x512xf32, #tpu.memory_space<vmem>>, vector<1x16x512xf32>
      %get3A_346 = vector.shape_cast %get3A_345 : vector<1x16x512xf32> to vector<16x512xf32>
      %mul3A_347 = arith.mulf %mul3A_148, %get3A_346 : vector<16x512xf32>
      %sub3A_348 = arith.subf %mul3A_347, %mul3A_151 : vector<16x512xf32>
      %exp3A_349 = math.exp %sub3A_348 : vector<16x512xf32>
      %add3A_350 = arith.addf %add3A_331, %exp3A_349 : vector<16x512xf32>
      %get3A_351 = arith.constant 2 : index
      %get3A_352 = arith.index_cast %multiple_of3A_341 : i32 to index
      %get3A_353 = arith.constant 0 : index
      %get3A_354 = vector.load %arg9[%get3A_351, %get3A_352, %get3A_353] : memref<8x320x512xf32, #tpu.memory_space<vmem>>, vector<1x16x512xf32>
      %get3A_355 = vector.shape_cast %get3A_354 : vector<1x16x512xf32> to vector<16x512xf32>
      %mul3A_356 = arith.mulf %exp3A_349, %get3A_355 : vector<16x512xf32>
      %add3A_357 = arith.addf %add3A_338, %mul3A_356 : vector<16x512xf32>
      %add3A_358 = arith.constant 8 : i32
      %add3A_359 = arith.addi %add3A_358, %multiple_of3A_142 : i32
      %multiple_of3A_360 = tpu.assume_multiple %add3A_359, 16 : i32
      %get3A_361 = arith.constant 3 : index
      %get3A_362 = arith.index_cast %multiple_of3A_360 : i32 to index
      %get3A_363 = arith.constant 0 : index
      %get3A_364 = vector.load %arg8[%get3A_361, %get3A_362, %get3A_363] : memref<8x320x512xf32, #tpu.memory_space<vmem>>, vector<1x16x512xf32>
      %get3A_365 = vector.shape_cast %get3A_364 : vector<1x16x512xf32> to vector<16x512xf32>
      %mul3A_366 = arith.mulf %mul3A_148, %get3A_365 : vector<16x512xf32>
      %sub3A_367 = arith.subf %mul3A_366, %mul3A_151 : vector<16x512xf32>
      %exp3A_368 = math.exp %sub3A_367 : vector<16x512xf32>
      %add3A_369 = arith.addf %add3A_350, %exp3A_368 : vector<16x512xf32>
      %get3A_370 = arith.constant 3 : index
      %get3A_371 = arith.index_cast %multiple_of3A_360 : i32 to index
      %get3A_372 = arith.constant 0 : index
      %get3A_373 = vector.load %arg9[%get3A_370, %get3A_371, %get3A_372] : memref<8x320x512xf32, #tpu.memory_space<vmem>>, vector<1x16x512xf32>
      %get3A_374 = vector.shape_cast %get3A_373 : vector<1x16x512xf32> to vector<16x512xf32>
      %mul3A_375 = arith.mulf %exp3A_368, %get3A_374 : vector<16x512xf32>
      %add3A_376 = arith.addf %add3A_357, %mul3A_375 : vector<16x512xf32>
      %add3A_377 = arith.constant 8 : i32
      %add3A_378 = arith.addi %add3A_377, %multiple_of3A_142 : i32
      %multiple_of3A_379 = tpu.assume_multiple %add3A_378, 16 : i32
      %get3A_380 = arith.constant 4 : index
      %get3A_381 = arith.index_cast %multiple_of3A_379 : i32 to index
      %get3A_382 = arith.constant 0 : index
      %get3A_383 = vector.load %arg8[%get3A_380, %get3A_381, %get3A_382] : memref<8x320x512xf32, #tpu.memory_space<vmem>>, vector<1x16x512xf32>
      %get3A_384 = vector.shape_cast %get3A_383 : vector<1x16x512xf32> to vector<16x512xf32>
      %mul3A_385 = arith.mulf %mul3A_148, %get3A_384 : vector<16x512xf32>
      %sub3A_386 = arith.subf %mul3A_385, %mul3A_151 : vector<16x512xf32>
      %exp3A_387 = math.exp %sub3A_386 : vector<16x512xf32>
      %add3A_388 = arith.addf %add3A_369, %exp3A_387 : vector<16x512xf32>
      %get3A_389 = arith.constant 4 : index
      %get3A_390 = arith.index_cast %multiple_of3A_379 : i32 to index
      %get3A_391 = arith.constant 0 : index
      %get3A_392 = vector.load %arg9[%get3A_389, %get3A_390, %get3A_391] : memref<8x320x512xf32, #tpu.memory_space<vmem>>, vector<1x16x512xf32>
      %get3A_393 = vector.shape_cast %get3A_392 : vector<1x16x512xf32> to vector<16x512xf32>
      %mul3A_394 = arith.mulf %exp3A_387, %get3A_393 : vector<16x512xf32>
      %add3A_395 = arith.addf %add3A_376, %mul3A_394 : vector<16x512xf32>
      %add3A_396 = arith.constant 8 : i32
      %add3A_397 = arith.addi %add3A_396, %multiple_of3A_142 : i32
      %multiple_of3A_398 = tpu.assume_multiple %add3A_397, 16 : i32
      %get3A_399 = arith.constant 5 : index
      %get3A_400 = arith.index_cast %multiple_of3A_398 : i32 to index
      %get3A_401 = arith.constant 0 : index
      %get3A_402 = vector.load %arg8[%get3A_399, %get3A_400, %get3A_401] : memref<8x320x512xf32, #tpu.memory_space<vmem>>, vector<1x16x512xf32>
      %get3A_403 = vector.shape_cast %get3A_402 : vector<1x16x512xf32> to vector<16x512xf32>
      %mul3A_404 = arith.mulf %mul3A_148, %get3A_403 : vector<16x512xf32>
      %sub3A_405 = arith.subf %mul3A_404, %mul3A_151 : vector<16x512xf32>
      %exp3A_406 = math.exp %sub3A_405 : vector<16x512xf32>
      %add3A_407 = arith.addf %add3A_388, %exp3A_406 : vector<16x512xf32>
      %get3A_408 = arith.constant 5 : index
      %get3A_409 = arith.index_cast %multiple_of3A_398 : i32 to index
      %get3A_410 = arith.constant 0 : index
      %get3A_411 = vector.load %arg9[%get3A_408, %get3A_409, %get3A_410] : memref<8x320x512xf32, #tpu.memory_space<vmem>>, vector<1x16x512xf32>
      %get3A_412 = vector.shape_cast %get3A_411 : vector<1x16x512xf32> to vector<16x512xf32>
      %mul3A_413 = arith.mulf %exp3A_406, %get3A_412 : vector<16x512xf32>
      %add3A_414 = arith.addf %add3A_395, %mul3A_413 : vector<16x512xf32>
      %add3A_415 = arith.constant 8 : i32
      %add3A_416 = arith.addi %add3A_415, %multiple_of3A_142 : i32
      %multiple_of3A_417 = tpu.assume_multiple %add3A_416, 16 : i32
      %get3A_418 = arith.constant 6 : index
      %get3A_419 = arith.index_cast %multiple_of3A_417 : i32 to index
      %get3A_420 = arith.constant 0 : index
      %get3A_421 = vector.load %arg8[%get3A_418, %get3A_419, %get3A_420] : memref<8x320x512xf32, #tpu.memory_space<vmem>>, vector<1x16x512xf32>
      %get3A_422 = vector.shape_cast %get3A_421 : vector<1x16x512xf32> to vector<16x512xf32>
      %mul3A_423 = arith.mulf %mul3A_148, %get3A_422 : vector<16x512xf32>
      %sub3A_424 = arith.subf %mul3A_423, %mul3A_151 : vector<16x512xf32>
      %exp3A_425 = math.exp %sub3A_424 : vector<16x512xf32>
      %add3A_426 = arith.addf %add3A_407, %exp3A_425 : vector<16x512xf32>
      %get3A_427 = arith.constant 6 : index
      %get3A_428 = arith.index_cast %multiple_of3A_417 : i32 to index
      %get3A_429 = arith.constant 0 : index
      %get3A_430 = vector.load %arg9[%get3A_427, %get3A_428, %get3A_429] : memref<8x320x512xf32, #tpu.memory_space<vmem>>, vector<1x16x512xf32>
      %get3A_431 = vector.shape_cast %get3A_430 : vector<1x16x512xf32> to vector<16x512xf32>
      %mul3A_432 = arith.mulf %exp3A_425, %get3A_431 : vector<16x512xf32>
      %add3A_433 = arith.addf %add3A_414, %mul3A_432 : vector<16x512xf32>
      %add3A_434 = arith.constant 8 : i32
      %add3A_435 = arith.addi %add3A_434, %multiple_of3A_142 : i32
      %multiple_of3A_436 = tpu.assume_multiple %add3A_435, 16 : i32
      %get3A_437 = arith.constant 7 : index
      %get3A_438 = arith.index_cast %multiple_of3A_436 : i32 to index
      %get3A_439 = arith.constant 0 : index
      %get3A_440 = vector.load %arg8[%get3A_437, %get3A_438, %get3A_439] : memref<8x320x512xf32, #tpu.memory_space<vmem>>, vector<1x16x512xf32>
      %get3A_441 = vector.shape_cast %get3A_440 : vector<1x16x512xf32> to vector<16x512xf32>
      %mul3A_442 = arith.mulf %mul3A_148, %get3A_441 : vector<16x512xf32>
      %sub3A_443 = arith.subf %mul3A_442, %mul3A_151 : vector<16x512xf32>
      %exp3A_444 = math.exp %sub3A_443 : vector<16x512xf32>
      %add3A_445 = arith.addf %add3A_426, %exp3A_444 : vector<16x512xf32>
      %get3A_446 = arith.constant 7 : index
      %get3A_447 = arith.index_cast %multiple_of3A_436 : i32 to index
      %get3A_448 = arith.constant 0 : index
      %get3A_449 = vector.load %arg9[%get3A_446, %get3A_447, %get3A_448] : memref<8x320x512xf32, #tpu.memory_space<vmem>>, vector<1x16x512xf32>
      %get3A_450 = vector.shape_cast %get3A_449 : vector<1x16x512xf32> to vector<16x512xf32>
      %mul3A_451 = arith.mulf %exp3A_444, %get3A_450 : vector<16x512xf32>
      %add3A_452 = arith.addf %add3A_433, %mul3A_451 : vector<16x512xf32>
      %add3A_453 = arith.constant 16 : i32
      %add3A_454 = arith.addi %add3A_453, %multiple_of3A_142 : i32
      %multiple_of3A_455 = tpu.assume_multiple %add3A_454, 16 : i32
      %get3A_456 = arith.constant 0 : index
      %get3A_457 = arith.index_cast %multiple_of3A_455 : i32 to index
      %get3A_458 = arith.constant 0 : index
      %get3A_459 = vector.load %arg8[%get3A_456, %get3A_457, %get3A_458] : memref<8x320x512xf32, #tpu.memory_space<vmem>>, vector<1x16x512xf32>
      %get3A_460 = vector.shape_cast %get3A_459 : vector<1x16x512xf32> to vector<16x512xf32>
      %mul3A_461 = arith.mulf %mul3A_148, %get3A_460 : vector<16x512xf32>
      %sub3A_462 = arith.subf %mul3A_461, %mul3A_151 : vector<16x512xf32>
      %exp3A_463 = math.exp %sub3A_462 : vector<16x512xf32>
      %add3A_464 = arith.addf %add3A_445, %exp3A_463 : vector<16x512xf32>
      %get3A_465 = arith.constant 0 : index
      %get3A_466 = arith.index_cast %multiple_of3A_455 : i32 to index
      %get3A_467 = arith.constant 0 : index
      %get3A_468 = vector.load %arg9[%get3A_465, %get3A_466, %get3A_467] : memref<8x320x512xf32, #tpu.memory_space<vmem>>, vector<1x16x512xf32>
      %get3A_469 = vector.shape_cast %get3A_468 : vector<1x16x512xf32> to vector<16x512xf32>
      %mul3A_470 = arith.mulf %exp3A_463, %get3A_469 : vector<16x512xf32>
      %add3A_471 = arith.addf %add3A_452, %mul3A_470 : vector<16x512xf32>
      %add3A_472 = arith.constant 16 : i32
      %add3A_473 = arith.addi %add3A_472, %multiple_of3A_142 : i32
      %multiple_of3A_474 = tpu.assume_multiple %add3A_473, 16 : i32
      %get3A_475 = arith.constant 1 : index
      %get3A_476 = arith.index_cast %multiple_of3A_474 : i32 to index
      %get3A_477 = arith.constant 0 : index
      %get3A_478 = vector.load %arg8[%get3A_475, %get3A_476, %get3A_477] : memref<8x320x512xf32, #tpu.memory_space<vmem>>, vector<1x16x512xf32>
      %get3A_479 = vector.shape_cast %get3A_478 : vector<1x16x512xf32> to vector<16x512xf32>
      %mul3A_480 = arith.mulf %mul3A_148, %get3A_479 : vector<16x512xf32>
      %sub3A_481 = arith.subf %mul3A_480, %mul3A_151 : vector<16x512xf32>
      %exp3A_482 = math.exp %sub3A_481 : vector<16x512xf32>
      %add3A_483 = arith.addf %add3A_464, %exp3A_482 : vector<16x512xf32>
      %get3A_484 = arith.constant 1 : index
      %get3A_485 = arith.index_cast %multiple_of3A_474 : i32 to index
      %get3A_486 = arith.constant 0 : index
      %get3A_487 = vector.load %arg9[%get3A_484, %get3A_485, %get3A_486] : memref<8x320x512xf32, #tpu.memory_space<vmem>>, vector<1x16x512xf32>
      %get3A_488 = vector.shape_cast %get3A_487 : vector<1x16x512xf32> to vector<16x512xf32>
      %mul3A_489 = arith.mulf %exp3A_482, %get3A_488 : vector<16x512xf32>
      %add3A_490 = arith.addf %add3A_471, %mul3A_489 : vector<16x512xf32>
      %add3A_491 = arith.constant 16 : i32
      %add3A_492 = arith.addi %add3A_491, %multiple_of3A_142 : i32
      %multiple_of3A_493 = tpu.assume_multiple %add3A_492, 16 : i32
      %get3A_494 = arith.constant 2 : index
      %get3A_495 = arith.index_cast %multiple_of3A_493 : i32 to index
      %get3A_496 = arith.constant 0 : index
      %get3A_497 = vector.load %arg8[%get3A_494, %get3A_495, %get3A_496] : memref<8x320x512xf32, #tpu.memory_space<vmem>>, vector<1x16x512xf32>
      %get3A_498 = vector.shape_cast %get3A_497 : vector<1x16x512xf32> to vector<16x512xf32>
      %mul3A_499 = arith.mulf %mul3A_148, %get3A_498 : vector<16x512xf32>
      %sub3A_500 = arith.subf %mul3A_499, %mul3A_151 : vector<16x512xf32>
      %exp3A_501 = math.exp %sub3A_500 : vector<16x512xf32>
      %add3A_502 = arith.addf %add3A_483, %exp3A_501 : vector<16x512xf32>
      %get3A_503 = arith.constant 2 : index
      %get3A_504 = arith.index_cast %multiple_of3A_493 : i32 to index
      %get3A_505 = arith.constant 0 : index
      %get3A_506 = vector.load %arg9[%get3A_503, %get3A_504, %get3A_505] : memref<8x320x512xf32, #tpu.memory_space<vmem>>, vector<1x16x512xf32>
      %get3A_507 = vector.shape_cast %get3A_506 : vector<1x16x512xf32> to vector<16x512xf32>
      %mul3A_508 = arith.mulf %exp3A_501, %get3A_507 : vector<16x512xf32>
      %add3A_509 = arith.addf %add3A_490, %mul3A_508 : vector<16x512xf32>
      %add3A_510 = arith.constant 16 : i32
      %add3A_511 = arith.addi %add3A_510, %multiple_of3A_142 : i32
      %multiple_of3A_512 = tpu.assume_multiple %add3A_511, 16 : i32
      %get3A_513 = arith.constant 3 : index
      %get3A_514 = arith.index_cast %multiple_of3A_512 : i32 to index
      %get3A_515 = arith.constant 0 : index
      %get3A_516 = vector.load %arg8[%get3A_513, %get3A_514, %get3A_515] : memref<8x320x512xf32, #tpu.memory_space<vmem>>, vector<1x16x512xf32>
      %get3A_517 = vector.shape_cast %get3A_516 : vector<1x16x512xf32> to vector<16x512xf32>
      %mul3A_518 = arith.mulf %mul3A_148, %get3A_517 : vector<16x512xf32>
      %sub3A_519 = arith.subf %mul3A_518, %mul3A_151 : vector<16x512xf32>
      %exp3A_520 = math.exp %sub3A_519 : vector<16x512xf32>
      %add3A_521 = arith.addf %add3A_502, %exp3A_520 : vector<16x512xf32>
      %get3A_522 = arith.constant 3 : index
      %get3A_523 = arith.index_cast %multiple_of3A_512 : i32 to index
      %get3A_524 = arith.constant 0 : index
      %get3A_525 = vector.load %arg9[%get3A_522, %get3A_523, %get3A_524] : memref<8x320x512xf32, #tpu.memory_space<vmem>>, vector<1x16x512xf32>
      %get3A_526 = vector.shape_cast %get3A_525 : vector<1x16x512xf32> to vector<16x512xf32>
      %mul3A_527 = arith.mulf %exp3A_520, %get3A_526 : vector<16x512xf32>
      %add3A_528 = arith.addf %add3A_509, %mul3A_527 : vector<16x512xf32>
      %add3A_529 = arith.constant 16 : i32
      %add3A_530 = arith.addi %add3A_529, %multiple_of3A_142 : i32
      %multiple_of3A_531 = tpu.assume_multiple %add3A_530, 16 : i32
      %get3A_532 = arith.constant 4 : index
      %get3A_533 = arith.index_cast %multiple_of3A_531 : i32 to index
      %get3A_534 = arith.constant 0 : index
      %get3A_535 = vector.load %arg8[%get3A_532, %get3A_533, %get3A_534] : memref<8x320x512xf32, #tpu.memory_space<vmem>>, vector<1x16x512xf32>
      %get3A_536 = vector.shape_cast %get3A_535 : vector<1x16x512xf32> to vector<16x512xf32>
      %mul3A_537 = arith.mulf %mul3A_148, %get3A_536 : vector<16x512xf32>
      %sub3A_538 = arith.subf %mul3A_537, %mul3A_151 : vector<16x512xf32>
      %exp3A_539 = math.exp %sub3A_538 : vector<16x512xf32>
      %add3A_540 = arith.addf %add3A_521, %exp3A_539 : vector<16x512xf32>
      %get3A_541 = arith.constant 4 : index
      %get3A_542 = arith.index_cast %multiple_of3A_531 : i32 to index
      %get3A_543 = arith.constant 0 : index
      %get3A_544 = vector.load %arg9[%get3A_541, %get3A_542, %get3A_543] : memref<8x320x512xf32, #tpu.memory_space<vmem>>, vector<1x16x512xf32>
      %get3A_545 = vector.shape_cast %get3A_544 : vector<1x16x512xf32> to vector<16x512xf32>
      %mul3A_546 = arith.mulf %exp3A_539, %get3A_545 : vector<16x512xf32>
      %add3A_547 = arith.addf %add3A_528, %mul3A_546 : vector<16x512xf32>
      %add3A_548 = arith.constant 16 : i32
      %add3A_549 = arith.addi %add3A_548, %multiple_of3A_142 : i32
      %multiple_of3A_550 = tpu.assume_multiple %add3A_549, 16 : i32
      %get3A_551 = arith.constant 5 : index
      %get3A_552 = arith.index_cast %multiple_of3A_550 : i32 to index
      %get3A_553 = arith.constant 0 : index
      %get3A_554 = vector.load %arg8[%get3A_551, %get3A_552, %get3A_553] : memref<8x320x512xf32, #tpu.memory_space<vmem>>, vector<1x16x512xf32>
      %get3A_555 = vector.shape_cast %get3A_554 : vector<1x16x512xf32> to vector<16x512xf32>
      %mul3A_556 = arith.mulf %mul3A_148, %get3A_555 : vector<16x512xf32>
      %sub3A_557 = arith.subf %mul3A_556, %mul3A_151 : vector<16x512xf32>
      %exp3A_558 = math.exp %sub3A_557 : vector<16x512xf32>
      %add3A_559 = arith.addf %add3A_540, %exp3A_558 : vector<16x512xf32>
      %get3A_560 = arith.constant 5 : index
      %get3A_561 = arith.index_cast %multiple_of3A_550 : i32 to index
      %get3A_562 = arith.constant 0 : index
      %get3A_563 = vector.load %arg9[%get3A_560, %get3A_561, %get3A_562] : memref<8x320x512xf32, #tpu.memory_space<vmem>>, vector<1x16x512xf32>
      %get3A_564 = vector.shape_cast %get3A_563 : vector<1x16x512xf32> to vector<16x512xf32>
      %mul3A_565 = arith.mulf %exp3A_558, %get3A_564 : vector<16x512xf32>
      %add3A_566 = arith.addf %add3A_547, %mul3A_565 : vector<16x512xf32>
      %add3A_567 = arith.constant 16 : i32
      %add3A_568 = arith.addi %add3A_567, %multiple_of3A_142 : i32
      %multiple_of3A_569 = tpu.assume_multiple %add3A_568, 16 : i32
      %get3A_570 = arith.constant 6 : index
      %get3A_571 = arith.index_cast %multiple_of3A_569 : i32 to index
      %get3A_572 = arith.constant 0 : index
      %get3A_573 = vector.load %arg8[%get3A_570, %get3A_571, %get3A_572] : memref<8x320x512xf32, #tpu.memory_space<vmem>>, vector<1x16x512xf32>
      %get3A_574 = vector.shape_cast %get3A_573 : vector<1x16x512xf32> to vector<16x512xf32>
      %mul3A_575 = arith.mulf %mul3A_148, %get3A_574 : vector<16x512xf32>
      %sub3A_576 = arith.subf %mul3A_575, %mul3A_151 : vector<16x512xf32>
      %exp3A_577 = math.exp %sub3A_576 : vector<16x512xf32>
      %add3A_578 = arith.addf %add3A_559, %exp3A_577 : vector<16x512xf32>
      %get3A_579 = arith.constant 6 : index
      %get3A_580 = arith.index_cast %multiple_of3A_569 : i32 to index
      %get3A_581 = arith.constant 0 : index
      %get3A_582 = vector.load %arg9[%get3A_579, %get3A_580, %get3A_581] : memref<8x320x512xf32, #tpu.memory_space<vmem>>, vector<1x16x512xf32>
      %get3A_583 = vector.shape_cast %get3A_582 : vector<1x16x512xf32> to vector<16x512xf32>
      %mul3A_584 = arith.mulf %exp3A_577, %get3A_583 : vector<16x512xf32>
      %add3A_585 = arith.addf %add3A_566, %mul3A_584 : vector<16x512xf32>
      %add3A_586 = arith.constant 16 : i32
      %add3A_587 = arith.addi %add3A_586, %multiple_of3A_142 : i32
      %multiple_of3A_588 = tpu.assume_multiple %add3A_587, 16 : i32
      %get3A_589 = arith.constant 7 : index
      %get3A_590 = arith.index_cast %multiple_of3A_588 : i32 to index
      %get3A_591 = arith.constant 0 : index
      %get3A_592 = vector.load %arg8[%get3A_589, %get3A_590, %get3A_591] : memref<8x320x512xf32, #tpu.memory_space<vmem>>, vector<1x16x512xf32>
      %get3A_593 = vector.shape_cast %get3A_592 : vector<1x16x512xf32> to vector<16x512xf32>
      %mul3A_594 = arith.mulf %mul3A_148, %get3A_593 : vector<16x512xf32>
      %sub3A_595 = arith.subf %mul3A_594, %mul3A_151 : vector<16x512xf32>
      %exp3A_596 = math.exp %sub3A_595 : vector<16x512xf32>
      %add3A_597 = arith.addf %add3A_578, %exp3A_596 : vector<16x512xf32>
      %get3A_598 = arith.constant 7 : index
      %get3A_599 = arith.index_cast %multiple_of3A_588 : i32 to index
      %get3A_600 = arith.constant 0 : index
      %get3A_601 = vector.load %arg9[%get3A_598, %get3A_599, %get3A_600] : memref<8x320x512xf32, #tpu.memory_space<vmem>>, vector<1x16x512xf32>
      %get3A_602 = vector.shape_cast %get3A_601 : vector<1x16x512xf32> to vector<16x512xf32>
      %mul3A_603 = arith.mulf %exp3A_596, %get3A_602 : vector<16x512xf32>
      %add3A_604 = arith.addf %add3A_585, %mul3A_603 : vector<16x512xf32>
      %add3A_605 = arith.constant 24 : i32
      %add3A_606 = arith.addi %add3A_605, %multiple_of3A_142 : i32
      %multiple_of3A_607 = tpu.assume_multiple %add3A_606, 16 : i32
      %get3A_608 = arith.constant 0 : index
      %get3A_609 = arith.index_cast %multiple_of3A_607 : i32 to index
      %get3A_610 = arith.constant 0 : index
      %get3A_611 = vector.load %arg8[%get3A_608, %get3A_609, %get3A_610] : memref<8x320x512xf32, #tpu.memory_space<vmem>>, vector<1x16x512xf32>
      %get3A_612 = vector.shape_cast %get3A_611 : vector<1x16x512xf32> to vector<16x512xf32>
      %mul3A_613 = arith.mulf %mul3A_148, %get3A_612 : vector<16x512xf32>
      %sub3A_614 = arith.subf %mul3A_613, %mul3A_151 : vector<16x512xf32>
      %exp3A_615 = math.exp %sub3A_614 : vector<16x512xf32>
      %add3A_616 = arith.addf %add3A_597, %exp3A_615 : vector<16x512xf32>
      %get3A_617 = arith.constant 0 : index
      %get3A_618 = arith.index_cast %multiple_of3A_607 : i32 to index
      %get3A_619 = arith.constant 0 : index
      %get3A_620 = vector.load %arg9[%get3A_617, %get3A_618, %get3A_619] : memref<8x320x512xf32, #tpu.memory_space<vmem>>, vector<1x16x512xf32>
      %get3A_621 = vector.shape_cast %get3A_620 : vector<1x16x512xf32> to vector<16x512xf32>
      %mul3A_622 = arith.mulf %exp3A_615, %get3A_621 : vector<16x512xf32>
      %add3A_623 = arith.addf %add3A_604, %mul3A_622 : vector<16x512xf32>
      %add3A_624 = arith.constant 24 : i32
      %add3A_625 = arith.addi %add3A_624, %multiple_of3A_142 : i32
      %multiple_of3A_626 = tpu.assume_multiple %add3A_625, 16 : i32
      %get3A_627 = arith.constant 1 : index
      %get3A_628 = arith.index_cast %multiple_of3A_626 : i32 to index
      %get3A_629 = arith.constant 0 : index
      %get3A_630 = vector.load %arg8[%get3A_627, %get3A_628, %get3A_629] : memref<8x320x512xf32, #tpu.memory_space<vmem>>, vector<1x16x512xf32>
      %get3A_631 = vector.shape_cast %get3A_630 : vector<1x16x512xf32> to vector<16x512xf32>
      %mul3A_632 = arith.mulf %mul3A_148, %get3A_631 : vector<16x512xf32>
      %sub3A_633 = arith.subf %mul3A_632, %mul3A_151 : vector<16x512xf32>
      %exp3A_634 = math.exp %sub3A_633 : vector<16x512xf32>
      %add3A_635 = arith.addf %add3A_616, %exp3A_634 : vector<16x512xf32>
      %get3A_636 = arith.constant 1 : index
      %get3A_637 = arith.index_cast %multiple_of3A_626 : i32 to index
      %get3A_638 = arith.constant 0 : index
      %get3A_639 = vector.load %arg9[%get3A_636, %get3A_637, %get3A_638] : memref<8x320x512xf32, #tpu.memory_space<vmem>>, vector<1x16x512xf32>
      %get3A_640 = vector.shape_cast %get3A_639 : vector<1x16x512xf32> to vector<16x512xf32>
      %mul3A_641 = arith.mulf %exp3A_634, %get3A_640 : vector<16x512xf32>
      %add3A_642 = arith.addf %add3A_623, %mul3A_641 : vector<16x512xf32>
      %add3A_643 = arith.constant 24 : i32
      %add3A_644 = arith.addi %add3A_643, %multiple_of3A_142 : i32
      %multiple_of3A_645 = tpu.assume_multiple %add3A_644, 16 : i32
      %get3A_646 = arith.constant 2 : index
      %get3A_647 = arith.index_cast %multiple_of3A_645 : i32 to index
      %get3A_648 = arith.constant 0 : index
      %get3A_649 = vector.load %arg8[%get3A_646, %get3A_647, %get3A_648] : memref<8x320x512xf32, #tpu.memory_space<vmem>>, vector<1x16x512xf32>
      %get3A_650 = vector.shape_cast %get3A_649 : vector<1x16x512xf32> to vector<16x512xf32>
      %mul3A_651 = arith.mulf %mul3A_148, %get3A_650 : vector<16x512xf32>
      %sub3A_652 = arith.subf %mul3A_651, %mul3A_151 : vector<16x512xf32>
      %exp3A_653 = math.exp %sub3A_652 : vector<16x512xf32>
      %add3A_654 = arith.addf %add3A_635, %exp3A_653 : vector<16x512xf32>
      %get3A_655 = arith.constant 2 : index
      %get3A_656 = arith.index_cast %multiple_of3A_645 : i32 to index
      %get3A_657 = arith.constant 0 : index
      %get3A_658 = vector.load %arg9[%get3A_655, %get3A_656, %get3A_657] : memref<8x320x512xf32, #tpu.memory_space<vmem>>, vector<1x16x512xf32>
      %get3A_659 = vector.shape_cast %get3A_658 : vector<1x16x512xf32> to vector<16x512xf32>
      %mul3A_660 = arith.mulf %exp3A_653, %get3A_659 : vector<16x512xf32>
      %add3A_661 = arith.addf %add3A_642, %mul3A_660 : vector<16x512xf32>
      %add3A_662 = arith.constant 24 : i32
      %add3A_663 = arith.addi %add3A_662, %multiple_of3A_142 : i32
      %multiple_of3A_664 = tpu.assume_multiple %add3A_663, 16 : i32
      %get3A_665 = arith.constant 3 : index
      %get3A_666 = arith.index_cast %multiple_of3A_664 : i32 to index
      %get3A_667 = arith.constant 0 : index
      %get3A_668 = vector.load %arg8[%get3A_665, %get3A_666, %get3A_667] : memref<8x320x512xf32, #tpu.memory_space<vmem>>, vector<1x16x512xf32>
      %get3A_669 = vector.shape_cast %get3A_668 : vector<1x16x512xf32> to vector<16x512xf32>
      %mul3A_670 = arith.mulf %mul3A_148, %get3A_669 : vector<16x512xf32>
      %sub3A_671 = arith.subf %mul3A_670, %mul3A_151 : vector<16x512xf32>
      %exp3A_672 = math.exp %sub3A_671 : vector<16x512xf32>
      %add3A_673 = arith.addf %add3A_654, %exp3A_672 : vector<16x512xf32>
      %get3A_674 = arith.constant 3 : index
      %get3A_675 = arith.index_cast %multiple_of3A_664 : i32 to index
      %get3A_676 = arith.constant 0 : index
      %get3A_677 = vector.load %arg9[%get3A_674, %get3A_675, %get3A_676] : memref<8x320x512xf32, #tpu.memory_space<vmem>>, vector<1x16x512xf32>
      %get3A_678 = vector.shape_cast %get3A_677 : vector<1x16x512xf32> to vector<16x512xf32>
      %mul3A_679 = arith.mulf %exp3A_672, %get3A_678 : vector<16x512xf32>
      %add3A_680 = arith.addf %add3A_661, %mul3A_679 : vector<16x512xf32>
      %add3A_681 = arith.constant 24 : i32
      %add3A_682 = arith.addi %add3A_681, %multiple_of3A_142 : i32
      %multiple_of3A_683 = tpu.assume_multiple %add3A_682, 16 : i32
      %get3A_684 = arith.constant 4 : index
      %get3A_685 = arith.index_cast %multiple_of3A_683 : i32 to index
      %get3A_686 = arith.constant 0 : index
      %get3A_687 = vector.load %arg8[%get3A_684, %get3A_685, %get3A_686] : memref<8x320x512xf32, #tpu.memory_space<vmem>>, vector<1x16x512xf32>
      %get3A_688 = vector.shape_cast %get3A_687 : vector<1x16x512xf32> to vector<16x512xf32>
      %mul3A_689 = arith.mulf %mul3A_148, %get3A_688 : vector<16x512xf32>
      %sub3A_690 = arith.subf %mul3A_689, %mul3A_151 : vector<16x512xf32>
      %exp3A_691 = math.exp %sub3A_690 : vector<16x512xf32>
      %add3A_692 = arith.addf %add3A_673, %exp3A_691 : vector<16x512xf32>
      %get3A_693 = arith.constant 4 : index
      %get3A_694 = arith.index_cast %multiple_of3A_683 : i32 to index
      %get3A_695 = arith.constant 0 : index
      %get3A_696 = vector.load %arg9[%get3A_693, %get3A_694, %get3A_695] : memref<8x320x512xf32, #tpu.memory_space<vmem>>, vector<1x16x512xf32>
      %get3A_697 = vector.shape_cast %get3A_696 : vector<1x16x512xf32> to vector<16x512xf32>
      %mul3A_698 = arith.mulf %exp3A_691, %get3A_697 : vector<16x512xf32>
      %add3A_699 = arith.addf %add3A_680, %mul3A_698 : vector<16x512xf32>
      %add3A_700 = arith.constant 24 : i32
      %add3A_701 = arith.addi %add3A_700, %multiple_of3A_142 : i32
      %multiple_of3A_702 = tpu.assume_multiple %add3A_701, 16 : i32
      %get3A_703 = arith.constant 5 : index
      %get3A_704 = arith.index_cast %multiple_of3A_702 : i32 to index
      %get3A_705 = arith.constant 0 : index
      %get3A_706 = vector.load %arg8[%get3A_703, %get3A_704, %get3A_705] : memref<8x320x512xf32, #tpu.memory_space<vmem>>, vector<1x16x512xf32>
      %get3A_707 = vector.shape_cast %get3A_706 : vector<1x16x512xf32> to vector<16x512xf32>
      %mul3A_708 = arith.mulf %mul3A_148, %get3A_707 : vector<16x512xf32>
      %sub3A_709 = arith.subf %mul3A_708, %mul3A_151 : vector<16x512xf32>
      %exp3A_710 = math.exp %sub3A_709 : vector<16x512xf32>
      %add3A_711 = arith.addf %add3A_692, %exp3A_710 : vector<16x512xf32>
      %get3A_712 = arith.constant 5 : index
      %get3A_713 = arith.index_cast %multiple_of3A_702 : i32 to index
      %get3A_714 = arith.constant 0 : index
      %get3A_715 = vector.load %arg9[%get3A_712, %get3A_713, %get3A_714] : memref<8x320x512xf32, #tpu.memory_space<vmem>>, vector<1x16x512xf32>
      %get3A_716 = vector.shape_cast %get3A_715 : vector<1x16x512xf32> to vector<16x512xf32>
      %mul3A_717 = arith.mulf %exp3A_710, %get3A_716 : vector<16x512xf32>
      %add3A_718 = arith.addf %add3A_699, %mul3A_717 : vector<16x512xf32>
      %add3A_719 = arith.constant 24 : i32
      %add3A_720 = arith.addi %add3A_719, %multiple_of3A_142 : i32
      %multiple_of3A_721 = tpu.assume_multiple %add3A_720, 16 : i32
      %get3A_722 = arith.constant 6 : index
      %get3A_723 = arith.index_cast %multiple_of3A_721 : i32 to index
      %get3A_724 = arith.constant 0 : index
      %get3A_725 = vector.load %arg8[%get3A_722, %get3A_723, %get3A_724] : memref<8x320x512xf32, #tpu.memory_space<vmem>>, vector<1x16x512xf32>
      %get3A_726 = vector.shape_cast %get3A_725 : vector<1x16x512xf32> to vector<16x512xf32>
      %mul3A_727 = arith.mulf %mul3A_148, %get3A_726 : vector<16x512xf32>
      %sub3A_728 = arith.subf %mul3A_727, %mul3A_151 : vector<16x512xf32>
      %exp3A_729 = math.exp %sub3A_728 : vector<16x512xf32>
      %add3A_730 = arith.addf %add3A_711, %exp3A_729 : vector<16x512xf32>
      %get3A_731 = arith.constant 6 : index
      %get3A_732 = arith.index_cast %multiple_of3A_721 : i32 to index
      %get3A_733 = arith.constant 0 : index
      %get3A_734 = vector.load %arg9[%get3A_731, %get3A_732, %get3A_733] : memref<8x320x512xf32, #tpu.memory_space<vmem>>, vector<1x16x512xf32>
      %get3A_735 = vector.shape_cast %get3A_734 : vector<1x16x512xf32> to vector<16x512xf32>
      %mul3A_736 = arith.mulf %exp3A_729, %get3A_735 : vector<16x512xf32>
      %add3A_737 = arith.addf %add3A_718, %mul3A_736 : vector<16x512xf32>
      %add3A_738 = arith.constant 24 : i32
      %add3A_739 = arith.addi %add3A_738, %multiple_of3A_142 : i32
      %multiple_of3A_740 = tpu.assume_multiple %add3A_739, 16 : i32
      %get3A_741 = arith.constant 7 : index
      %get3A_742 = arith.index_cast %multiple_of3A_740 : i32 to index
      %get3A_743 = arith.constant 0 : index
      %get3A_744 = vector.load %arg8[%get3A_741, %get3A_742, %get3A_743] : memref<8x320x512xf32, #tpu.memory_space<vmem>>, vector<1x16x512xf32>
      %get3A_745 = vector.shape_cast %get3A_744 : vector<1x16x512xf32> to vector<16x512xf32>
      %mul3A_746 = arith.mulf %mul3A_148, %get3A_745 : vector<16x512xf32>
      %sub3A_747 = arith.subf %mul3A_746, %mul3A_151 : vector<16x512xf32>
      %exp3A_748 = math.exp %sub3A_747 : vector<16x512xf32>
      %add3A_749 = arith.addf %add3A_730, %exp3A_748 : vector<16x512xf32>
      %get3A_750 = arith.constant 7 : index
      %get3A_751 = arith.index_cast %multiple_of3A_740 : i32 to index
      %get3A_752 = arith.constant 0 : index
      %get3A_753 = vector.load %arg9[%get3A_750, %get3A_751, %get3A_752] : memref<8x320x512xf32, #tpu.memory_space<vmem>>, vector<1x16x512xf32>
      %get3A_754 = vector.shape_cast %get3A_753 : vector<1x16x512xf32> to vector<16x512xf32>
      %mul3A_755 = arith.mulf %exp3A_748, %get3A_754 : vector<16x512xf32>
      %add3A_756 = arith.addf %add3A_737, %mul3A_755 : vector<16x512xf32>
      %add3A_757 = arith.constant 32 : i32
      %add3A_758 = arith.addi %add3A_757, %multiple_of3A_142 : i32
      %multiple_of3A_759 = tpu.assume_multiple %add3A_758, 16 : i32
      %get3A_760 = arith.constant 0 : index
      %get3A_761 = arith.index_cast %multiple_of3A_759 : i32 to index
      %get3A_762 = arith.constant 0 : index
      %get3A_763 = vector.load %arg8[%get3A_760, %get3A_761, %get3A_762] : memref<8x320x512xf32, #tpu.memory_space<vmem>>, vector<1x16x512xf32>
      %get3A_764 = vector.shape_cast %get3A_763 : vector<1x16x512xf32> to vector<16x512xf32>
      %mul3A_765 = arith.mulf %mul3A_148, %get3A_764 : vector<16x512xf32>
      %sub3A_766 = arith.subf %mul3A_765, %mul3A_151 : vector<16x512xf32>
      %exp3A_767 = math.exp %sub3A_766 : vector<16x512xf32>
      %add3A_768 = arith.addf %add3A_749, %exp3A_767 : vector<16x512xf32>
      %get3A_769 = arith.constant 0 : index
      %get3A_770 = arith.index_cast %multiple_of3A_759 : i32 to index
      %get3A_771 = arith.constant 0 : index
      %get3A_772 = vector.load %arg9[%get3A_769, %get3A_770, %get3A_771] : memref<8x320x512xf32, #tpu.memory_space<vmem>>, vector<1x16x512xf32>
      %get3A_773 = vector.shape_cast %get3A_772 : vector<1x16x512xf32> to vector<16x512xf32>
      %mul3A_774 = arith.mulf %exp3A_767, %get3A_773 : vector<16x512xf32>
      %add3A_775 = arith.addf %add3A_756, %mul3A_774 : vector<16x512xf32>
      %add3A_776 = arith.constant 32 : i32
      %add3A_777 = arith.addi %add3A_776, %multiple_of3A_142 : i32
      %multiple_of3A_778 = tpu.assume_multiple %add3A_777, 16 : i32
      %get3A_779 = arith.constant 1 : index
      %get3A_780 = arith.index_cast %multiple_of3A_778 : i32 to index
      %get3A_781 = arith.constant 0 : index
      %get3A_782 = vector.load %arg8[%get3A_779, %get3A_780, %get3A_781] : memref<8x320x512xf32, #tpu.memory_space<vmem>>, vector<1x16x512xf32>
      %get3A_783 = vector.shape_cast %get3A_782 : vector<1x16x512xf32> to vector<16x512xf32>
      %mul3A_784 = arith.mulf %mul3A_148, %get3A_783 : vector<16x512xf32>
      %sub3A_785 = arith.subf %mul3A_784, %mul3A_151 : vector<16x512xf32>
      %exp3A_786 = math.exp %sub3A_785 : vector<16x512xf32>
      %add3A_787 = arith.addf %add3A_768, %exp3A_786 : vector<16x512xf32>
      %get3A_788 = arith.constant 1 : index
      %get3A_789 = arith.index_cast %multiple_of3A_778 : i32 to index
      %get3A_790 = arith.constant 0 : index
      %get3A_791 = vector.load %arg9[%get3A_788, %get3A_789, %get3A_790] : memref<8x320x512xf32, #tpu.memory_space<vmem>>, vector<1x16x512xf32>
      %get3A_792 = vector.shape_cast %get3A_791 : vector<1x16x512xf32> to vector<16x512xf32>
      %mul3A_793 = arith.mulf %exp3A_786, %get3A_792 : vector<16x512xf32>
      %add3A_794 = arith.addf %add3A_775, %mul3A_793 : vector<16x512xf32>
      %add3A_795 = arith.constant 32 : i32
      %add3A_796 = arith.addi %add3A_795, %multiple_of3A_142 : i32
      %multiple_of3A_797 = tpu.assume_multiple %add3A_796, 16 : i32
      %get3A_798 = arith.constant 2 : index
      %get3A_799 = arith.index_cast %multiple_of3A_797 : i32 to index
      %get3A_800 = arith.constant 0 : index
      %get3A_801 = vector.load %arg8[%get3A_798, %get3A_799, %get3A_800] : memref<8x320x512xf32, #tpu.memory_space<vmem>>, vector<1x16x512xf32>
      %get3A_802 = vector.shape_cast %get3A_801 : vector<1x16x512xf32> to vector<16x512xf32>
      %mul3A_803 = arith.mulf %mul3A_148, %get3A_802 : vector<16x512xf32>
      %sub3A_804 = arith.subf %mul3A_803, %mul3A_151 : vector<16x512xf32>
      %exp3A_805 = math.exp %sub3A_804 : vector<16x512xf32>
      %add3A_806 = arith.addf %add3A_787, %exp3A_805 : vector<16x512xf32>
      %get3A_807 = arith.constant 2 : index
      %get3A_808 = arith.index_cast %multiple_of3A_797 : i32 to index
      %get3A_809 = arith.constant 0 : index
      %get3A_810 = vector.load %arg9[%get3A_807, %get3A_808, %get3A_809] : memref<8x320x512xf32, #tpu.memory_space<vmem>>, vector<1x16x512xf32>
      %get3A_811 = vector.shape_cast %get3A_810 : vector<1x16x512xf32> to vector<16x512xf32>
      %mul3A_812 = arith.mulf %exp3A_805, %get3A_811 : vector<16x512xf32>
      %add3A_813 = arith.addf %add3A_794, %mul3A_812 : vector<16x512xf32>
      %add3A_814 = arith.constant 32 : i32
      %add3A_815 = arith.addi %add3A_814, %multiple_of3A_142 : i32
      %multiple_of3A_816 = tpu.assume_multiple %add3A_815, 16 : i32
      %get3A_817 = arith.constant 3 : index
      %get3A_818 = arith.index_cast %multiple_of3A_816 : i32 to index
      %get3A_819 = arith.constant 0 : index
      %get3A_820 = vector.load %arg8[%get3A_817, %get3A_818, %get3A_819] : memref<8x320x512xf32, #tpu.memory_space<vmem>>, vector<1x16x512xf32>
      %get3A_821 = vector.shape_cast %get3A_820 : vector<1x16x512xf32> to vector<16x512xf32>
      %mul3A_822 = arith.mulf %mul3A_148, %get3A_821 : vector<16x512xf32>
      %sub3A_823 = arith.subf %mul3A_822, %mul3A_151 : vector<16x512xf32>
      %exp3A_824 = math.exp %sub3A_823 : vector<16x512xf32>
      %add3A_825 = arith.addf %add3A_806, %exp3A_824 : vector<16x512xf32>
      %get3A_826 = arith.constant 3 : index
      %get3A_827 = arith.index_cast %multiple_of3A_816 : i32 to index
      %get3A_828 = arith.constant 0 : index
      %get3A_829 = vector.load %arg9[%get3A_826, %get3A_827, %get3A_828] : memref<8x320x512xf32, #tpu.memory_space<vmem>>, vector<1x16x512xf32>
      %get3A_830 = vector.shape_cast %get3A_829 : vector<1x16x512xf32> to vector<16x512xf32>
      %mul3A_831 = arith.mulf %exp3A_824, %get3A_830 : vector<16x512xf32>
      %add3A_832 = arith.addf %add3A_813, %mul3A_831 : vector<16x512xf32>
      %add3A_833 = arith.constant 32 : i32
      %add3A_834 = arith.addi %add3A_833, %multiple_of3A_142 : i32
      %multiple_of3A_835 = tpu.assume_multiple %add3A_834, 16 : i32
      %get3A_836 = arith.constant 4 : index
      %get3A_837 = arith.index_cast %multiple_of3A_835 : i32 to index
      %get3A_838 = arith.constant 0 : index
      %get3A_839 = vector.load %arg8[%get3A_836, %get3A_837, %get3A_838] : memref<8x320x512xf32, #tpu.memory_space<vmem>>, vector<1x16x512xf32>
      %get3A_840 = vector.shape_cast %get3A_839 : vector<1x16x512xf32> to vector<16x512xf32>
      %mul3A_841 = arith.mulf %mul3A_148, %get3A_840 : vector<16x512xf32>
      %sub3A_842 = arith.subf %mul3A_841, %mul3A_151 : vector<16x512xf32>
      %exp3A_843 = math.exp %sub3A_842 : vector<16x512xf32>
      %add3A_844 = arith.addf %add3A_825, %exp3A_843 : vector<16x512xf32>
      %get3A_845 = arith.constant 4 : index
      %get3A_846 = arith.index_cast %multiple_of3A_835 : i32 to index
      %get3A_847 = arith.constant 0 : index
      %get3A_848 = vector.load %arg9[%get3A_845, %get3A_846, %get3A_847] : memref<8x320x512xf32, #tpu.memory_space<vmem>>, vector<1x16x512xf32>
      %get3A_849 = vector.shape_cast %get3A_848 : vector<1x16x512xf32> to vector<16x512xf32>
      %mul3A_850 = arith.mulf %exp3A_843, %get3A_849 : vector<16x512xf32>
      %add3A_851 = arith.addf %add3A_832, %mul3A_850 : vector<16x512xf32>
      %add3A_852 = arith.constant 32 : i32
      %add3A_853 = arith.addi %add3A_852, %multiple_of3A_142 : i32
      %multiple_of3A_854 = tpu.assume_multiple %add3A_853, 16 : i32
      %get3A_855 = arith.constant 5 : index
      %get3A_856 = arith.index_cast %multiple_of3A_854 : i32 to index
      %get3A_857 = arith.constant 0 : index
      %get3A_858 = vector.load %arg8[%get3A_855, %get3A_856, %get3A_857] : memref<8x320x512xf32, #tpu.memory_space<vmem>>, vector<1x16x512xf32>
      %get3A_859 = vector.shape_cast %get3A_858 : vector<1x16x512xf32> to vector<16x512xf32>
      %mul3A_860 = arith.mulf %mul3A_148, %get3A_859 : vector<16x512xf32>
      %sub3A_861 = arith.subf %mul3A_860, %mul3A_151 : vector<16x512xf32>
      %exp3A_862 = math.exp %sub3A_861 : vector<16x512xf32>
      %add3A_863 = arith.addf %add3A_844, %exp3A_862 : vector<16x512xf32>
      %get3A_864 = arith.constant 5 : index
      %get3A_865 = arith.index_cast %multiple_of3A_854 : i32 to index
      %get3A_866 = arith.constant 0 : index
      %get3A_867 = vector.load %arg9[%get3A_864, %get3A_865, %get3A_866] : memref<8x320x512xf32, #tpu.memory_space<vmem>>, vector<1x16x512xf32>
      %get3A_868 = vector.shape_cast %get3A_867 : vector<1x16x512xf32> to vector<16x512xf32>
      %mul3A_869 = arith.mulf %exp3A_862, %get3A_868 : vector<16x512xf32>
      %add3A_870 = arith.addf %add3A_851, %mul3A_869 : vector<16x512xf32>
      %add3A_871 = arith.constant 32 : i32
      %add3A_872 = arith.addi %add3A_871, %multiple_of3A_142 : i32
      %multiple_of3A_873 = tpu.assume_multiple %add3A_872, 16 : i32
      %get3A_874 = arith.constant 6 : index
      %get3A_875 = arith.index_cast %multiple_of3A_873 : i32 to index
      %get3A_876 = arith.constant 0 : index
      %get3A_877 = vector.load %arg8[%get3A_874, %get3A_875, %get3A_876] : memref<8x320x512xf32, #tpu.memory_space<vmem>>, vector<1x16x512xf32>
      %get3A_878 = vector.shape_cast %get3A_877 : vector<1x16x512xf32> to vector<16x512xf32>
      %mul3A_879 = arith.mulf %mul3A_148, %get3A_878 : vector<16x512xf32>
      %sub3A_880 = arith.subf %mul3A_879, %mul3A_151 : vector<16x512xf32>
      %exp3A_881 = math.exp %sub3A_880 : vector<16x512xf32>
      %add3A_882 = arith.addf %add3A_863, %exp3A_881 : vector<16x512xf32>
      %get3A_883 = arith.constant 6 : index
      %get3A_884 = arith.index_cast %multiple_of3A_873 : i32 to index
      %get3A_885 = arith.constant 0 : index
      %get3A_886 = vector.load %arg9[%get3A_883, %get3A_884, %get3A_885] : memref<8x320x512xf32, #tpu.memory_space<vmem>>, vector<1x16x512xf32>
      %get3A_887 = vector.shape_cast %get3A_886 : vector<1x16x512xf32> to vector<16x512xf32>
      %mul3A_888 = arith.mulf %exp3A_881, %get3A_887 : vector<16x512xf32>
      %add3A_889 = arith.addf %add3A_870, %mul3A_888 : vector<16x512xf32>
      %add3A_890 = arith.constant 32 : i32
      %add3A_891 = arith.addi %add3A_890, %multiple_of3A_142 : i32
      %multiple_of3A_892 = tpu.assume_multiple %add3A_891, 16 : i32
      %get3A_893 = arith.constant 7 : index
      %get3A_894 = arith.index_cast %multiple_of3A_892 : i32 to index
      %get3A_895 = arith.constant 0 : index
      %get3A_896 = vector.load %arg8[%get3A_893, %get3A_894, %get3A_895] : memref<8x320x512xf32, #tpu.memory_space<vmem>>, vector<1x16x512xf32>
      %get3A_897 = vector.shape_cast %get3A_896 : vector<1x16x512xf32> to vector<16x512xf32>
      %mul3A_898 = arith.mulf %mul3A_148, %get3A_897 : vector<16x512xf32>
      %sub3A_899 = arith.subf %mul3A_898, %mul3A_151 : vector<16x512xf32>
      %exp3A_900 = math.exp %sub3A_899 : vector<16x512xf32>
      %add3A_901 = arith.addf %add3A_882, %exp3A_900 : vector<16x512xf32>
      %get3A_902 = arith.constant 7 : index
      %get3A_903 = arith.index_cast %multiple_of3A_892 : i32 to index
      %get3A_904 = arith.constant 0 : index
      %get3A_905 = vector.load %arg9[%get3A_902, %get3A_903, %get3A_904] : memref<8x320x512xf32, #tpu.memory_space<vmem>>, vector<1x16x512xf32>
      %get3A_906 = vector.shape_cast %get3A_905 : vector<1x16x512xf32> to vector<16x512xf32>
      %mul3A_907 = arith.mulf %exp3A_900, %get3A_906 : vector<16x512xf32>
      %add3A_908 = arith.addf %add3A_889, %mul3A_907 : vector<16x512xf32>
      %add3A_909 = arith.constant 40 : i32
      %add3A_910 = arith.addi %add3A_909, %multiple_of3A_142 : i32
      %multiple_of3A_911 = tpu.assume_multiple %add3A_910, 16 : i32
      %get3A_912 = arith.constant 0 : index
      %get3A_913 = arith.index_cast %multiple_of3A_911 : i32 to index
      %get3A_914 = arith.constant 0 : index
      %get3A_915 = vector.load %arg8[%get3A_912, %get3A_913, %get3A_914] : memref<8x320x512xf32, #tpu.memory_space<vmem>>, vector<1x16x512xf32>
      %get3A_916 = vector.shape_cast %get3A_915 : vector<1x16x512xf32> to vector<16x512xf32>
      %mul3A_917 = arith.mulf %mul3A_148, %get3A_916 : vector<16x512xf32>
      %sub3A_918 = arith.subf %mul3A_917, %mul3A_151 : vector<16x512xf32>
      %exp3A_919 = math.exp %sub3A_918 : vector<16x512xf32>
      %add3A_920 = arith.addf %add3A_901, %exp3A_919 : vector<16x512xf32>
      %get3A_921 = arith.constant 0 : index
      %get3A_922 = arith.index_cast %multiple_of3A_911 : i32 to index
      %get3A_923 = arith.constant 0 : index
      %get3A_924 = vector.load %arg9[%get3A_921, %get3A_922, %get3A_923] : memref<8x320x512xf32, #tpu.memory_space<vmem>>, vector<1x16x512xf32>
      %get3A_925 = vector.shape_cast %get3A_924 : vector<1x16x512xf32> to vector<16x512xf32>
      %mul3A_926 = arith.mulf %exp3A_919, %get3A_925 : vector<16x512xf32>
      %add3A_927 = arith.addf %add3A_908, %mul3A_926 : vector<16x512xf32>
      %add3A_928 = arith.constant 40 : i32
      %add3A_929 = arith.addi %add3A_928, %multiple_of3A_142 : i32
      %multiple_of3A_930 = tpu.assume_multiple %add3A_929, 16 : i32
      %get3A_931 = arith.constant 1 : index
      %get3A_932 = arith.index_cast %multiple_of3A_930 : i32 to index
      %get3A_933 = arith.constant 0 : index
      %get3A_934 = vector.load %arg8[%get3A_931, %get3A_932, %get3A_933] : memref<8x320x512xf32, #tpu.memory_space<vmem>>, vector<1x16x512xf32>
      %get3A_935 = vector.shape_cast %get3A_934 : vector<1x16x512xf32> to vector<16x512xf32>
      %mul3A_936 = arith.mulf %mul3A_148, %get3A_935 : vector<16x512xf32>
      %sub3A_937 = arith.subf %mul3A_936, %mul3A_151 : vector<16x512xf32>
      %exp3A_938 = math.exp %sub3A_937 : vector<16x512xf32>
      %add3A_939 = arith.addf %add3A_920, %exp3A_938 : vector<16x512xf32>
      %get3A_940 = arith.constant 1 : index
      %get3A_941 = arith.index_cast %multiple_of3A_930 : i32 to index
      %get3A_942 = arith.constant 0 : index
      %get3A_943 = vector.load %arg9[%get3A_940, %get3A_941, %get3A_942] : memref<8x320x512xf32, #tpu.memory_space<vmem>>, vector<1x16x512xf32>
      %get3A_944 = vector.shape_cast %get3A_943 : vector<1x16x512xf32> to vector<16x512xf32>
      %mul3A_945 = arith.mulf %exp3A_938, %get3A_944 : vector<16x512xf32>
      %add3A_946 = arith.addf %add3A_927, %mul3A_945 : vector<16x512xf32>
      %add3A_947 = arith.constant 40 : i32
      %add3A_948 = arith.addi %add3A_947, %multiple_of3A_142 : i32
      %multiple_of3A_949 = tpu.assume_multiple %add3A_948, 16 : i32
      %get3A_950 = arith.constant 2 : index
      %get3A_951 = arith.index_cast %multiple_of3A_949 : i32 to index
      %get3A_952 = arith.constant 0 : index
      %get3A_953 = vector.load %arg8[%get3A_950, %get3A_951, %get3A_952] : memref<8x320x512xf32, #tpu.memory_space<vmem>>, vector<1x16x512xf32>
      %get3A_954 = vector.shape_cast %get3A_953 : vector<1x16x512xf32> to vector<16x512xf32>
      %mul3A_955 = arith.mulf %mul3A_148, %get3A_954 : vector<16x512xf32>
      %sub3A_956 = arith.subf %mul3A_955, %mul3A_151 : vector<16x512xf32>
      %exp3A_957 = math.exp %sub3A_956 : vector<16x512xf32>
      %add3A_958 = arith.addf %add3A_939, %exp3A_957 : vector<16x512xf32>
      %get3A_959 = arith.constant 2 : index
      %get3A_960 = arith.index_cast %multiple_of3A_949 : i32 to index
      %get3A_961 = arith.constant 0 : index
      %get3A_962 = vector.load %arg9[%get3A_959, %get3A_960, %get3A_961] : memref<8x320x512xf32, #tpu.memory_space<vmem>>, vector<1x16x512xf32>
      %get3A_963 = vector.shape_cast %get3A_962 : vector<1x16x512xf32> to vector<16x512xf32>
      %mul3A_964 = arith.mulf %exp3A_957, %get3A_963 : vector<16x512xf32>
      %add3A_965 = arith.addf %add3A_946, %mul3A_964 : vector<16x512xf32>
      %add3A_966 = arith.constant 40 : i32
      %add3A_967 = arith.addi %add3A_966, %multiple_of3A_142 : i32
      %multiple_of3A_968 = tpu.assume_multiple %add3A_967, 16 : i32
      %get3A_969 = arith.constant 3 : index
      %get3A_970 = arith.index_cast %multiple_of3A_968 : i32 to index
      %get3A_971 = arith.constant 0 : index
      %get3A_972 = vector.load %arg8[%get3A_969, %get3A_970, %get3A_971] : memref<8x320x512xf32, #tpu.memory_space<vmem>>, vector<1x16x512xf32>
      %get3A_973 = vector.shape_cast %get3A_972 : vector<1x16x512xf32> to vector<16x512xf32>
      %mul3A_974 = arith.mulf %mul3A_148, %get3A_973 : vector<16x512xf32>
      %sub3A_975 = arith.subf %mul3A_974, %mul3A_151 : vector<16x512xf32>
      %exp3A_976 = math.exp %sub3A_975 : vector<16x512xf32>
      %add3A_977 = arith.addf %add3A_958, %exp3A_976 : vector<16x512xf32>
      %get3A_978 = arith.constant 3 : index
      %get3A_979 = arith.index_cast %multiple_of3A_968 : i32 to index
      %get3A_980 = arith.constant 0 : index
      %get3A_981 = vector.load %arg9[%get3A_978, %get3A_979, %get3A_980] : memref<8x320x512xf32, #tpu.memory_space<vmem>>, vector<1x16x512xf32>
      %get3A_982 = vector.shape_cast %get3A_981 : vector<1x16x512xf32> to vector<16x512xf32>
      %mul3A_983 = arith.mulf %exp3A_976, %get3A_982 : vector<16x512xf32>
      %add3A_984 = arith.addf %add3A_965, %mul3A_983 : vector<16x512xf32>
      %add3A_985 = arith.constant 40 : i32
      %add3A_986 = arith.addi %add3A_985, %multiple_of3A_142 : i32
      %multiple_of3A_987 = tpu.assume_multiple %add3A_986, 16 : i32
      %get3A_988 = arith.constant 4 : index
      %get3A_989 = arith.index_cast %multiple_of3A_987 : i32 to index
      %get3A_990 = arith.constant 0 : index
      %get3A_991 = vector.load %arg8[%get3A_988, %get3A_989, %get3A_990] : memref<8x320x512xf32, #tpu.memory_space<vmem>>, vector<1x16x512xf32>
      %get3A_992 = vector.shape_cast %get3A_991 : vector<1x16x512xf32> to vector<16x512xf32>
      %mul3A_993 = arith.mulf %mul3A_148, %get3A_992 : vector<16x512xf32>
      %sub3A_994 = arith.subf %mul3A_993, %mul3A_151 : vector<16x512xf32>
      %exp3A_995 = math.exp %sub3A_994 : vector<16x512xf32>
      %add3A_996 = arith.addf %add3A_977, %exp3A_995 : vector<16x512xf32>
      %get3A_997 = arith.constant 4 : index
      %get3A_998 = arith.index_cast %multiple_of3A_987 : i32 to index
      %get3A_999 = arith.constant 0 : index
      %get3A_1000 = vector.load %arg9[%get3A_997, %get3A_998, %get3A_999] : memref<8x320x512xf32, #tpu.memory_space<vmem>>, vector<1x16x512xf32>
      %get3A_1001 = vector.shape_cast %get3A_1000 : vector<1x16x512xf32> to vector<16x512xf32>
      %mul3A_1002 = arith.mulf %exp3A_995, %get3A_1001 : vector<16x512xf32>
      %add3A_1003 = arith.addf %add3A_984, %mul3A_1002 : vector<16x512xf32>
      %add3A_1004 = arith.constant 40 : i32
      %add3A_1005 = arith.addi %add3A_1004, %multiple_of3A_142 : i32
      %multiple_of3A_1006 = tpu.assume_multiple %add3A_1005, 16 : i32
      %get3A_1007 = arith.constant 5 : index
      %get3A_1008 = arith.index_cast %multiple_of3A_1006 : i32 to index
      %get3A_1009 = arith.constant 0 : index
      %get3A_1010 = vector.load %arg8[%get3A_1007, %get3A_1008, %get3A_1009] : memref<8x320x512xf32, #tpu.memory_space<vmem>>, vector<1x16x512xf32>
      %get3A_1011 = vector.shape_cast %get3A_1010 : vector<1x16x512xf32> to vector<16x512xf32>
      %mul3A_1012 = arith.mulf %mul3A_148, %get3A_1011 : vector<16x512xf32>
      %sub3A_1013 = arith.subf %mul3A_1012, %mul3A_151 : vector<16x512xf32>
      %exp3A_1014 = math.exp %sub3A_1013 : vector<16x512xf32>
      %add3A_1015 = arith.addf %add3A_996, %exp3A_1014 : vector<16x512xf32>
      %get3A_1016 = arith.constant 5 : index
      %get3A_1017 = arith.index_cast %multiple_of3A_1006 : i32 to index
      %get3A_1018 = arith.constant 0 : index
      %get3A_1019 = vector.load %arg9[%get3A_1016, %get3A_1017, %get3A_1018] : memref<8x320x512xf32, #tpu.memory_space<vmem>>, vector<1x16x512xf32>
      %get3A_1020 = vector.shape_cast %get3A_1019 : vector<1x16x512xf32> to vector<16x512xf32>
      %mul3A_1021 = arith.mulf %exp3A_1014, %get3A_1020 : vector<16x512xf32>
      %add3A_1022 = arith.addf %add3A_1003, %mul3A_1021 : vector<16x512xf32>
      %add3A_1023 = arith.constant 40 : i32
      %add3A_1024 = arith.addi %add3A_1023, %multiple_of3A_142 : i32
      %multiple_of3A_1025 = tpu.assume_multiple %add3A_1024, 16 : i32
      %get3A_1026 = arith.constant 6 : index
      %get3A_1027 = arith.index_cast %multiple_of3A_1025 : i32 to index
      %get3A_1028 = arith.constant 0 : index
      %get3A_1029 = vector.load %arg8[%get3A_1026, %get3A_1027, %get3A_1028] : memref<8x320x512xf32, #tpu.memory_space<vmem>>, vector<1x16x512xf32>
      %get3A_1030 = vector.shape_cast %get3A_1029 : vector<1x16x512xf32> to vector<16x512xf32>
      %mul3A_1031 = arith.mulf %mul3A_148, %get3A_1030 : vector<16x512xf32>
      %sub3A_1032 = arith.subf %mul3A_1031, %mul3A_151 : vector<16x512xf32>
      %exp3A_1033 = math.exp %sub3A_1032 : vector<16x512xf32>
      %add3A_1034 = arith.addf %add3A_1015, %exp3A_1033 : vector<16x512xf32>
      %get3A_1035 = arith.constant 6 : index
      %get3A_1036 = arith.index_cast %multiple_of3A_1025 : i32 to index
      %get3A_1037 = arith.constant 0 : index
      %get3A_1038 = vector.load %arg9[%get3A_1035, %get3A_1036, %get3A_1037] : memref<8x320x512xf32, #tpu.memory_space<vmem>>, vector<1x16x512xf32>
      %get3A_1039 = vector.shape_cast %get3A_1038 : vector<1x16x512xf32> to vector<16x512xf32>
      %mul3A_1040 = arith.mulf %exp3A_1033, %get3A_1039 : vector<16x512xf32>
      %add3A_1041 = arith.addf %add3A_1022, %mul3A_1040 : vector<16x512xf32>
      %add3A_1042 = arith.constant 40 : i32
      %add3A_1043 = arith.addi %add3A_1042, %multiple_of3A_142 : i32
      %multiple_of3A_1044 = tpu.assume_multiple %add3A_1043, 16 : i32
      %get3A_1045 = arith.constant 7 : index
      %get3A_1046 = arith.index_cast %multiple_of3A_1044 : i32 to index
      %get3A_1047 = arith.constant 0 : index
      %get3A_1048 = vector.load %arg8[%get3A_1045, %get3A_1046, %get3A_1047] : memref<8x320x512xf32, #tpu.memory_space<vmem>>, vector<1x16x512xf32>
      %get3A_1049 = vector.shape_cast %get3A_1048 : vector<1x16x512xf32> to vector<16x512xf32>
      %mul3A_1050 = arith.mulf %mul3A_148, %get3A_1049 : vector<16x512xf32>
      %sub3A_1051 = arith.subf %mul3A_1050, %mul3A_151 : vector<16x512xf32>
      %exp3A_1052 = math.exp %sub3A_1051 : vector<16x512xf32>
      %add3A_1053 = arith.addf %add3A_1034, %exp3A_1052 : vector<16x512xf32>
      %get3A_1054 = arith.constant 7 : index
      %get3A_1055 = arith.index_cast %multiple_of3A_1044 : i32 to index
      %get3A_1056 = arith.constant 0 : index
      %get3A_1057 = vector.load %arg9[%get3A_1054, %get3A_1055, %get3A_1056] : memref<8x320x512xf32, #tpu.memory_space<vmem>>, vector<1x16x512xf32>
      %get3A_1058 = vector.shape_cast %get3A_1057 : vector<1x16x512xf32> to vector<16x512xf32>
      %mul3A_1059 = arith.mulf %exp3A_1052, %get3A_1058 : vector<16x512xf32>
      %add3A_1060 = arith.addf %add3A_1041, %mul3A_1059 : vector<16x512xf32>
      %add3A_1061 = arith.constant 48 : i32
      %add3A_1062 = arith.addi %add3A_1061, %multiple_of3A_142 : i32
      %multiple_of3A_1063 = tpu.assume_multiple %add3A_1062, 16 : i32
      %get3A_1064 = arith.constant 0 : index
      %get3A_1065 = arith.index_cast %multiple_of3A_1063 : i32 to index
      %get3A_1066 = arith.constant 0 : index
      %get3A_1067 = vector.load %arg8[%get3A_1064, %get3A_1065, %get3A_1066] : memref<8x320x512xf32, #tpu.memory_space<vmem>>, vector<1x16x512xf32>
      %get3A_1068 = vector.shape_cast %get3A_1067 : vector<1x16x512xf32> to vector<16x512xf32>
      %mul3A_1069 = arith.mulf %mul3A_148, %get3A_1068 : vector<16x512xf32>
      %sub3A_1070 = arith.subf %mul3A_1069, %mul3A_151 : vector<16x512xf32>
      %exp3A_1071 = math.exp %sub3A_1070 : vector<16x512xf32>
      %add3A_1072 = arith.addf %add3A_1053, %exp3A_1071 : vector<16x512xf32>
      %get3A_1073 = arith.constant 0 : index
      %get3A_1074 = arith.index_cast %multiple_of3A_1063 : i32 to index
      %get3A_1075 = arith.constant 0 : index
      %get3A_1076 = vector.load %arg9[%get3A_1073, %get3A_1074, %get3A_1075] : memref<8x320x512xf32, #tpu.memory_space<vmem>>, vector<1x16x512xf32>
      %get3A_1077 = vector.shape_cast %get3A_1076 : vector<1x16x512xf32> to vector<16x512xf32>
      %mul3A_1078 = arith.mulf %exp3A_1071, %get3A_1077 : vector<16x512xf32>
      %add3A_1079 = arith.addf %add3A_1060, %mul3A_1078 : vector<16x512xf32>
      %add3A_1080 = arith.constant 48 : i32
      %add3A_1081 = arith.addi %add3A_1080, %multiple_of3A_142 : i32
      %multiple_of3A_1082 = tpu.assume_multiple %add3A_1081, 16 : i32
      %get3A_1083 = arith.constant 1 : index
      %get3A_1084 = arith.index_cast %multiple_of3A_1082 : i32 to index
      %get3A_1085 = arith.constant 0 : index
      %get3A_1086 = vector.load %arg8[%get3A_1083, %get3A_1084, %get3A_1085] : memref<8x320x512xf32, #tpu.memory_space<vmem>>, vector<1x16x512xf32>
      %get3A_1087 = vector.shape_cast %get3A_1086 : vector<1x16x512xf32> to vector<16x512xf32>
      %mul3A_1088 = arith.mulf %mul3A_148, %get3A_1087 : vector<16x512xf32>
      %sub3A_1089 = arith.subf %mul3A_1088, %mul3A_151 : vector<16x512xf32>
      %exp3A_1090 = math.exp %sub3A_1089 : vector<16x512xf32>
      %add3A_1091 = arith.addf %add3A_1072, %exp3A_1090 : vector<16x512xf32>
      %get3A_1092 = arith.constant 1 : index
      %get3A_1093 = arith.index_cast %multiple_of3A_1082 : i32 to index
      %get3A_1094 = arith.constant 0 : index
      %get3A_1095 = vector.load %arg9[%get3A_1092, %get3A_1093, %get3A_1094] : memref<8x320x512xf32, #tpu.memory_space<vmem>>, vector<1x16x512xf32>
      %get3A_1096 = vector.shape_cast %get3A_1095 : vector<1x16x512xf32> to vector<16x512xf32>
      %mul3A_1097 = arith.mulf %exp3A_1090, %get3A_1096 : vector<16x512xf32>
      %add3A_1098 = arith.addf %add3A_1079, %mul3A_1097 : vector<16x512xf32>
      %add3A_1099 = arith.constant 48 : i32
      %add3A_1100 = arith.addi %add3A_1099, %multiple_of3A_142 : i32
      %multiple_of3A_1101 = tpu.assume_multiple %add3A_1100, 16 : i32
      %get3A_1102 = arith.constant 2 : index
      %get3A_1103 = arith.index_cast %multiple_of3A_1101 : i32 to index
      %get3A_1104 = arith.constant 0 : index
      %get3A_1105 = vector.load %arg8[%get3A_1102, %get3A_1103, %get3A_1104] : memref<8x320x512xf32, #tpu.memory_space<vmem>>, vector<1x16x512xf32>
      %get3A_1106 = vector.shape_cast %get3A_1105 : vector<1x16x512xf32> to vector<16x512xf32>
      %mul3A_1107 = arith.mulf %mul3A_148, %get3A_1106 : vector<16x512xf32>
      %sub3A_1108 = arith.subf %mul3A_1107, %mul3A_151 : vector<16x512xf32>
      %exp3A_1109 = math.exp %sub3A_1108 : vector<16x512xf32>
      %add3A_1110 = arith.addf %add3A_1091, %exp3A_1109 : vector<16x512xf32>
      %get3A_1111 = arith.constant 2 : index
      %get3A_1112 = arith.index_cast %multiple_of3A_1101 : i32 to index
      %get3A_1113 = arith.constant 0 : index
      %get3A_1114 = vector.load %arg9[%get3A_1111, %get3A_1112, %get3A_1113] : memref<8x320x512xf32, #tpu.memory_space<vmem>>, vector<1x16x512xf32>
      %get3A_1115 = vector.shape_cast %get3A_1114 : vector<1x16x512xf32> to vector<16x512xf32>
      %mul3A_1116 = arith.mulf %exp3A_1109, %get3A_1115 : vector<16x512xf32>
      %add3A_1117 = arith.addf %add3A_1098, %mul3A_1116 : vector<16x512xf32>
      %add3A_1118 = arith.constant 48 : i32
      %add3A_1119 = arith.addi %add3A_1118, %multiple_of3A_142 : i32
      %multiple_of3A_1120 = tpu.assume_multiple %add3A_1119, 16 : i32
      %get3A_1121 = arith.constant 3 : index
      %get3A_1122 = arith.index_cast %multiple_of3A_1120 : i32 to index
      %get3A_1123 = arith.constant 0 : index
      %get3A_1124 = vector.load %arg8[%get3A_1121, %get3A_1122, %get3A_1123] : memref<8x320x512xf32, #tpu.memory_space<vmem>>, vector<1x16x512xf32>
      %get3A_1125 = vector.shape_cast %get3A_1124 : vector<1x16x512xf32> to vector<16x512xf32>
      %mul3A_1126 = arith.mulf %mul3A_148, %get3A_1125 : vector<16x512xf32>
      %sub3A_1127 = arith.subf %mul3A_1126, %mul3A_151 : vector<16x512xf32>
      %exp3A_1128 = math.exp %sub3A_1127 : vector<16x512xf32>
      %add3A_1129 = arith.addf %add3A_1110, %exp3A_1128 : vector<16x512xf32>
      %get3A_1130 = arith.constant 3 : index
      %get3A_1131 = arith.index_cast %multiple_of3A_1120 : i32 to index
      %get3A_1132 = arith.constant 0 : index
      %get3A_1133 = vector.load %arg9[%get3A_1130, %get3A_1131, %get3A_1132] : memref<8x320x512xf32, #tpu.memory_space<vmem>>, vector<1x16x512xf32>
      %get3A_1134 = vector.shape_cast %get3A_1133 : vector<1x16x512xf32> to vector<16x512xf32>
      %mul3A_1135 = arith.mulf %exp3A_1128, %get3A_1134 : vector<16x512xf32>
      %add3A_1136 = arith.addf %add3A_1117, %mul3A_1135 : vector<16x512xf32>
      %add3A_1137 = arith.constant 48 : i32
      %add3A_1138 = arith.addi %add3A_1137, %multiple_of3A_142 : i32
      %multiple_of3A_1139 = tpu.assume_multiple %add3A_1138, 16 : i32
      %get3A_1140 = arith.constant 4 : index
      %get3A_1141 = arith.index_cast %multiple_of3A_1139 : i32 to index
      %get3A_1142 = arith.constant 0 : index
      %get3A_1143 = vector.load %arg8[%get3A_1140, %get3A_1141, %get3A_1142] : memref<8x320x512xf32, #tpu.memory_space<vmem>>, vector<1x16x512xf32>
      %get3A_1144 = vector.shape_cast %get3A_1143 : vector<1x16x512xf32> to vector<16x512xf32>
      %mul3A_1145 = arith.mulf %mul3A_148, %get3A_1144 : vector<16x512xf32>
      %sub3A_1146 = arith.subf %mul3A_1145, %mul3A_151 : vector<16x512xf32>
      %exp3A_1147 = math.exp %sub3A_1146 : vector<16x512xf32>
      %add3A_1148 = arith.addf %add3A_1129, %exp3A_1147 : vector<16x512xf32>
      %get3A_1149 = arith.constant 4 : index
      %get3A_1150 = arith.index_cast %multiple_of3A_1139 : i32 to index
      %get3A_1151 = arith.constant 0 : index
      %get3A_1152 = vector.load %arg9[%get3A_1149, %get3A_1150, %get3A_1151] : memref<8x320x512xf32, #tpu.memory_space<vmem>>, vector<1x16x512xf32>
      %get3A_1153 = vector.shape_cast %get3A_1152 : vector<1x16x512xf32> to vector<16x512xf32>
      %mul3A_1154 = arith.mulf %exp3A_1147, %get3A_1153 : vector<16x512xf32>
      %add3A_1155 = arith.addf %add3A_1136, %mul3A_1154 : vector<16x512xf32>
      %add3A_1156 = arith.constant 48 : i32
      %add3A_1157 = arith.addi %add3A_1156, %multiple_of3A_142 : i32
      %multiple_of3A_1158 = tpu.assume_multiple %add3A_1157, 16 : i32
      %get3A_1159 = arith.constant 5 : index
      %get3A_1160 = arith.index_cast %multiple_of3A_1158 : i32 to index
      %get3A_1161 = arith.constant 0 : index
      %get3A_1162 = vector.load %arg8[%get3A_1159, %get3A_1160, %get3A_1161] : memref<8x320x512xf32, #tpu.memory_space<vmem>>, vector<1x16x512xf32>
      %get3A_1163 = vector.shape_cast %get3A_1162 : vector<1x16x512xf32> to vector<16x512xf32>
      %mul3A_1164 = arith.mulf %mul3A_148, %get3A_1163 : vector<16x512xf32>
      %sub3A_1165 = arith.subf %mul3A_1164, %mul3A_151 : vector<16x512xf32>
      %exp3A_1166 = math.exp %sub3A_1165 : vector<16x512xf32>
      %add3A_1167 = arith.addf %add3A_1148, %exp3A_1166 : vector<16x512xf32>
      %get3A_1168 = arith.constant 5 : index
      %get3A_1169 = arith.index_cast %multiple_of3A_1158 : i32 to index
      %get3A_1170 = arith.constant 0 : index
      %get3A_1171 = vector.load %arg9[%get3A_1168, %get3A_1169, %get3A_1170] : memref<8x320x512xf32, #tpu.memory_space<vmem>>, vector<1x16x512xf32>
      %get3A_1172 = vector.shape_cast %get3A_1171 : vector<1x16x512xf32> to vector<16x512xf32>
      %mul3A_1173 = arith.mulf %exp3A_1166, %get3A_1172 : vector<16x512xf32>
      %add3A_1174 = arith.addf %add3A_1155, %mul3A_1173 : vector<16x512xf32>
      %add3A_1175 = arith.constant 48 : i32
      %add3A_1176 = arith.addi %add3A_1175, %multiple_of3A_142 : i32
      %multiple_of3A_1177 = tpu.assume_multiple %add3A_1176, 16 : i32
      %get3A_1178 = arith.constant 6 : index
      %get3A_1179 = arith.index_cast %multiple_of3A_1177 : i32 to index
      %get3A_1180 = arith.constant 0 : index
      %get3A_1181 = vector.load %arg8[%get3A_1178, %get3A_1179, %get3A_1180] : memref<8x320x512xf32, #tpu.memory_space<vmem>>, vector<1x16x512xf32>
      %get3A_1182 = vector.shape_cast %get3A_1181 : vector<1x16x512xf32> to vector<16x512xf32>
      %mul3A_1183 = arith.mulf %mul3A_148, %get3A_1182 : vector<16x512xf32>
      %sub3A_1184 = arith.subf %mul3A_1183, %mul3A_151 : vector<16x512xf32>
      %exp3A_1185 = math.exp %sub3A_1184 : vector<16x512xf32>
      %add3A_1186 = arith.addf %add3A_1167, %exp3A_1185 : vector<16x512xf32>
      %get3A_1187 = arith.constant 6 : index
      %get3A_1188 = arith.index_cast %multiple_of3A_1177 : i32 to index
      %get3A_1189 = arith.constant 0 : index
      %get3A_1190 = vector.load %arg9[%get3A_1187, %get3A_1188, %get3A_1189] : memref<8x320x512xf32, #tpu.memory_space<vmem>>, vector<1x16x512xf32>
      %get3A_1191 = vector.shape_cast %get3A_1190 : vector<1x16x512xf32> to vector<16x512xf32>
      %mul3A_1192 = arith.mulf %exp3A_1185, %get3A_1191 : vector<16x512xf32>
      %add3A_1193 = arith.addf %add3A_1174, %mul3A_1192 : vector<16x512xf32>
      %add3A_1194 = arith.constant 48 : i32
      %add3A_1195 = arith.addi %add3A_1194, %multiple_of3A_142 : i32
      %multiple_of3A_1196 = tpu.assume_multiple %add3A_1195, 16 : i32
      %get3A_1197 = arith.constant 7 : index
      %get3A_1198 = arith.index_cast %multiple_of3A_1196 : i32 to index
      %get3A_1199 = arith.constant 0 : index
      %get3A_1200 = vector.load %arg8[%get3A_1197, %get3A_1198, %get3A_1199] : memref<8x320x512xf32, #tpu.memory_space<vmem>>, vector<1x16x512xf32>
      %get3A_1201 = vector.shape_cast %get3A_1200 : vector<1x16x512xf32> to vector<16x512xf32>
      %mul3A_1202 = arith.mulf %mul3A_148, %get3A_1201 : vector<16x512xf32>
      %sub3A_1203 = arith.subf %mul3A_1202, %mul3A_151 : vector<16x512xf32>
      %exp3A_1204 = math.exp %sub3A_1203 : vector<16x512xf32>
      %add3A_1205 = arith.addf %add3A_1186, %exp3A_1204 : vector<16x512xf32>
      %get3A_1206 = arith.constant 7 : index
      %get3A_1207 = arith.index_cast %multiple_of3A_1196 : i32 to index
      %get3A_1208 = arith.constant 0 : index
      %get3A_1209 = vector.load %arg9[%get3A_1206, %get3A_1207, %get3A_1208] : memref<8x320x512xf32, #tpu.memory_space<vmem>>, vector<1x16x512xf32>
      %get3A_1210 = vector.shape_cast %get3A_1209 : vector<1x16x512xf32> to vector<16x512xf32>
      %mul3A_1211 = arith.mulf %exp3A_1204, %get3A_1210 : vector<16x512xf32>
      %add3A_1212 = arith.addf %add3A_1193, %mul3A_1211 : vector<16x512xf32>
      %add3A_1213 = arith.constant 56 : i32
      %add3A_1214 = arith.addi %add3A_1213, %multiple_of3A_142 : i32
      %multiple_of3A_1215 = tpu.assume_multiple %add3A_1214, 16 : i32
      %get3A_1216 = arith.constant 0 : index
      %get3A_1217 = arith.index_cast %multiple_of3A_1215 : i32 to index
      %get3A_1218 = arith.constant 0 : index
      %get3A_1219 = vector.load %arg8[%get3A_1216, %get3A_1217, %get3A_1218] : memref<8x320x512xf32, #tpu.memory_space<vmem>>, vector<1x16x512xf32>
      %get3A_1220 = vector.shape_cast %get3A_1219 : vector<1x16x512xf32> to vector<16x512xf32>
      %mul3A_1221 = arith.mulf %mul3A_148, %get3A_1220 : vector<16x512xf32>
      %sub3A_1222 = arith.subf %mul3A_1221, %mul3A_151 : vector<16x512xf32>
      %exp3A_1223 = math.exp %sub3A_1222 : vector<16x512xf32>
      %add3A_1224 = arith.addf %add3A_1205, %exp3A_1223 : vector<16x512xf32>
      %get3A_1225 = arith.constant 0 : index
      %get3A_1226 = arith.index_cast %multiple_of3A_1215 : i32 to index
      %get3A_1227 = arith.constant 0 : index
      %get3A_1228 = vector.load %arg9[%get3A_1225, %get3A_1226, %get3A_1227] : memref<8x320x512xf32, #tpu.memory_space<vmem>>, vector<1x16x512xf32>
      %get3A_1229 = vector.shape_cast %get3A_1228 : vector<1x16x512xf32> to vector<16x512xf32>
      %mul3A_1230 = arith.mulf %exp3A_1223, %get3A_1229 : vector<16x512xf32>
      %add3A_1231 = arith.addf %add3A_1212, %mul3A_1230 : vector<16x512xf32>
      %add3A_1232 = arith.constant 56 : i32
      %add3A_1233 = arith.addi %add3A_1232, %multiple_of3A_142 : i32
      %multiple_of3A_1234 = tpu.assume_multiple %add3A_1233, 16 : i32
      %get3A_1235 = arith.constant 1 : index
      %get3A_1236 = arith.index_cast %multiple_of3A_1234 : i32 to index
      %get3A_1237 = arith.constant 0 : index
      %get3A_1238 = vector.load %arg8[%get3A_1235, %get3A_1236, %get3A_1237] : memref<8x320x512xf32, #tpu.memory_space<vmem>>, vector<1x16x512xf32>
      %get3A_1239 = vector.shape_cast %get3A_1238 : vector<1x16x512xf32> to vector<16x512xf32>
      %mul3A_1240 = arith.mulf %mul3A_148, %get3A_1239 : vector<16x512xf32>
      %sub3A_1241 = arith.subf %mul3A_1240, %mul3A_151 : vector<16x512xf32>
      %exp3A_1242 = math.exp %sub3A_1241 : vector<16x512xf32>
      %add3A_1243 = arith.addf %add3A_1224, %exp3A_1242 : vector<16x512xf32>
      %get3A_1244 = arith.constant 1 : index
      %get3A_1245 = arith.index_cast %multiple_of3A_1234 : i32 to index
      %get3A_1246 = arith.constant 0 : index
      %get3A_1247 = vector.load %arg9[%get3A_1244, %get3A_1245, %get3A_1246] : memref<8x320x512xf32, #tpu.memory_space<vmem>>, vector<1x16x512xf32>
      %get3A_1248 = vector.shape_cast %get3A_1247 : vector<1x16x512xf32> to vector<16x512xf32>
      %mul3A_1249 = arith.mulf %exp3A_1242, %get3A_1248 : vector<16x512xf32>
      %add3A_1250 = arith.addf %add3A_1231, %mul3A_1249 : vector<16x512xf32>
      %add3A_1251 = arith.constant 56 : i32
      %add3A_1252 = arith.addi %add3A_1251, %multiple_of3A_142 : i32
      %multiple_of3A_1253 = tpu.assume_multiple %add3A_1252, 16 : i32
      %get3A_1254 = arith.constant 2 : index
      %get3A_1255 = arith.index_cast %multiple_of3A_1253 : i32 to index
      %get3A_1256 = arith.constant 0 : index
      %get3A_1257 = vector.load %arg8[%get3A_1254, %get3A_1255, %get3A_1256] : memref<8x320x512xf32, #tpu.memory_space<vmem>>, vector<1x16x512xf32>
      %get3A_1258 = vector.shape_cast %get3A_1257 : vector<1x16x512xf32> to vector<16x512xf32>
      %mul3A_1259 = arith.mulf %mul3A_148, %get3A_1258 : vector<16x512xf32>
      %sub3A_1260 = arith.subf %mul3A_1259, %mul3A_151 : vector<16x512xf32>
      %exp3A_1261 = math.exp %sub3A_1260 : vector<16x512xf32>
      %add3A_1262 = arith.addf %add3A_1243, %exp3A_1261 : vector<16x512xf32>
      %get3A_1263 = arith.constant 2 : index
      %get3A_1264 = arith.index_cast %multiple_of3A_1253 : i32 to index
      %get3A_1265 = arith.constant 0 : index
      %get3A_1266 = vector.load %arg9[%get3A_1263, %get3A_1264, %get3A_1265] : memref<8x320x512xf32, #tpu.memory_space<vmem>>, vector<1x16x512xf32>
      %get3A_1267 = vector.shape_cast %get3A_1266 : vector<1x16x512xf32> to vector<16x512xf32>
      %mul3A_1268 = arith.mulf %exp3A_1261, %get3A_1267 : vector<16x512xf32>
      %add3A_1269 = arith.addf %add3A_1250, %mul3A_1268 : vector<16x512xf32>
      %add3A_1270 = arith.constant 56 : i32
      %add3A_1271 = arith.addi %add3A_1270, %multiple_of3A_142 : i32
      %multiple_of3A_1272 = tpu.assume_multiple %add3A_1271, 16 : i32
      %get3A_1273 = arith.constant 3 : index
      %get3A_1274 = arith.index_cast %multiple_of3A_1272 : i32 to index
      %get3A_1275 = arith.constant 0 : index
      %get3A_1276 = vector.load %arg8[%get3A_1273, %get3A_1274, %get3A_1275] : memref<8x320x512xf32, #tpu.memory_space<vmem>>, vector<1x16x512xf32>
      %get3A_1277 = vector.shape_cast %get3A_1276 : vector<1x16x512xf32> to vector<16x512xf32>
      %mul3A_1278 = arith.mulf %mul3A_148, %get3A_1277 : vector<16x512xf32>
      %sub3A_1279 = arith.subf %mul3A_1278, %mul3A_151 : vector<16x512xf32>
      %exp3A_1280 = math.exp %sub3A_1279 : vector<16x512xf32>
      %add3A_1281 = arith.addf %add3A_1262, %exp3A_1280 : vector<16x512xf32>
      %get3A_1282 = arith.constant 3 : index
      %get3A_1283 = arith.index_cast %multiple_of3A_1272 : i32 to index
      %get3A_1284 = arith.constant 0 : index
      %get3A_1285 = vector.load %arg9[%get3A_1282, %get3A_1283, %get3A_1284] : memref<8x320x512xf32, #tpu.memory_space<vmem>>, vector<1x16x512xf32>
      %get3A_1286 = vector.shape_cast %get3A_1285 : vector<1x16x512xf32> to vector<16x512xf32>
      %mul3A_1287 = arith.mulf %exp3A_1280, %get3A_1286 : vector<16x512xf32>
      %add3A_1288 = arith.addf %add3A_1269, %mul3A_1287 : vector<16x512xf32>
      %add3A_1289 = arith.constant 56 : i32
      %add3A_1290 = arith.addi %add3A_1289, %multiple_of3A_142 : i32
      %multiple_of3A_1291 = tpu.assume_multiple %add3A_1290, 16 : i32
      %get3A_1292 = arith.constant 4 : index
      %get3A_1293 = arith.index_cast %multiple_of3A_1291 : i32 to index
      %get3A_1294 = arith.constant 0 : index
      %get3A_1295 = vector.load %arg8[%get3A_1292, %get3A_1293, %get3A_1294] : memref<8x320x512xf32, #tpu.memory_space<vmem>>, vector<1x16x512xf32>
      %get3A_1296 = vector.shape_cast %get3A_1295 : vector<1x16x512xf32> to vector<16x512xf32>
      %mul3A_1297 = arith.mulf %mul3A_148, %get3A_1296 : vector<16x512xf32>
      %sub3A_1298 = arith.subf %mul3A_1297, %mul3A_151 : vector<16x512xf32>
      %exp3A_1299 = math.exp %sub3A_1298 : vector<16x512xf32>
      %add3A_1300 = arith.addf %add3A_1281, %exp3A_1299 : vector<16x512xf32>
      %get3A_1301 = arith.constant 4 : index
      %get3A_1302 = arith.index_cast %multiple_of3A_1291 : i32 to index
      %get3A_1303 = arith.constant 0 : index
      %get3A_1304 = vector.load %arg9[%get3A_1301, %get3A_1302, %get3A_1303] : memref<8x320x512xf32, #tpu.memory_space<vmem>>, vector<1x16x512xf32>
      %get3A_1305 = vector.shape_cast %get3A_1304 : vector<1x16x512xf32> to vector<16x512xf32>
      %mul3A_1306 = arith.mulf %exp3A_1299, %get3A_1305 : vector<16x512xf32>
      %add3A_1307 = arith.addf %add3A_1288, %mul3A_1306 : vector<16x512xf32>
      %add3A_1308 = arith.constant 56 : i32
      %add3A_1309 = arith.addi %add3A_1308, %multiple_of3A_142 : i32
      %multiple_of3A_1310 = tpu.assume_multiple %add3A_1309, 16 : i32
      %get3A_1311 = arith.constant 5 : index
      %get3A_1312 = arith.index_cast %multiple_of3A_1310 : i32 to index
      %get3A_1313 = arith.constant 0 : index
      %get3A_1314 = vector.load %arg8[%get3A_1311, %get3A_1312, %get3A_1313] : memref<8x320x512xf32, #tpu.memory_space<vmem>>, vector<1x16x512xf32>
      %get3A_1315 = vector.shape_cast %get3A_1314 : vector<1x16x512xf32> to vector<16x512xf32>
      %mul3A_1316 = arith.mulf %mul3A_148, %get3A_1315 : vector<16x512xf32>
      %sub3A_1317 = arith.subf %mul3A_1316, %mul3A_151 : vector<16x512xf32>
      %exp3A_1318 = math.exp %sub3A_1317 : vector<16x512xf32>
      %add3A_1319 = arith.addf %add3A_1300, %exp3A_1318 : vector<16x512xf32>
      %get3A_1320 = arith.constant 5 : index
      %get3A_1321 = arith.index_cast %multiple_of3A_1310 : i32 to index
      %get3A_1322 = arith.constant 0 : index
      %get3A_1323 = vector.load %arg9[%get3A_1320, %get3A_1321, %get3A_1322] : memref<8x320x512xf32, #tpu.memory_space<vmem>>, vector<1x16x512xf32>
      %get3A_1324 = vector.shape_cast %get3A_1323 : vector<1x16x512xf32> to vector<16x512xf32>
      %mul3A_1325 = arith.mulf %exp3A_1318, %get3A_1324 : vector<16x512xf32>
      %add3A_1326 = arith.addf %add3A_1307, %mul3A_1325 : vector<16x512xf32>
      %add3A_1327 = arith.constant 56 : i32
      %add3A_1328 = arith.addi %add3A_1327, %multiple_of3A_142 : i32
      %multiple_of3A_1329 = tpu.assume_multiple %add3A_1328, 16 : i32
      %get3A_1330 = arith.constant 6 : index
      %get3A_1331 = arith.index_cast %multiple_of3A_1329 : i32 to index
      %get3A_1332 = arith.constant 0 : index
      %get3A_1333 = vector.load %arg8[%get3A_1330, %get3A_1331, %get3A_1332] : memref<8x320x512xf32, #tpu.memory_space<vmem>>, vector<1x16x512xf32>
      %get3A_1334 = vector.shape_cast %get3A_1333 : vector<1x16x512xf32> to vector<16x512xf32>
      %mul3A_1335 = arith.mulf %mul3A_148, %get3A_1334 : vector<16x512xf32>
      %sub3A_1336 = arith.subf %mul3A_1335, %mul3A_151 : vector<16x512xf32>
      %exp3A_1337 = math.exp %sub3A_1336 : vector<16x512xf32>
      %add3A_1338 = arith.addf %add3A_1319, %exp3A_1337 : vector<16x512xf32>
      %get3A_1339 = arith.constant 6 : index
      %get3A_1340 = arith.index_cast %multiple_of3A_1329 : i32 to index
      %get3A_1341 = arith.constant 0 : index
      %get3A_1342 = vector.load %arg9[%get3A_1339, %get3A_1340, %get3A_1341] : memref<8x320x512xf32, #tpu.memory_space<vmem>>, vector<1x16x512xf32>
      %get3A_1343 = vector.shape_cast %get3A_1342 : vector<1x16x512xf32> to vector<16x512xf32>
      %mul3A_1344 = arith.mulf %exp3A_1337, %get3A_1343 : vector<16x512xf32>
      %add3A_1345 = arith.addf %add3A_1326, %mul3A_1344 : vector<16x512xf32>
      %add3A_1346 = arith.constant 56 : i32
      %add3A_1347 = arith.addi %add3A_1346, %multiple_of3A_142 : i32
      %multiple_of3A_1348 = tpu.assume_multiple %add3A_1347, 16 : i32
      %get3A_1349 = arith.constant 7 : index
      %get3A_1350 = arith.index_cast %multiple_of3A_1348 : i32 to index
      %get3A_1351 = arith.constant 0 : index
      %get3A_1352 = vector.load %arg8[%get3A_1349, %get3A_1350, %get3A_1351] : memref<8x320x512xf32, #tpu.memory_space<vmem>>, vector<1x16x512xf32>
      %get3A_1353 = vector.shape_cast %get3A_1352 : vector<1x16x512xf32> to vector<16x512xf32>
      %mul3A_1354 = arith.mulf %mul3A_148, %get3A_1353 : vector<16x512xf32>
      %sub3A_1355 = arith.subf %mul3A_1354, %mul3A_151 : vector<16x512xf32>
      %exp3A_1356 = math.exp %sub3A_1355 : vector<16x512xf32>
      %add3A_1357 = arith.addf %add3A_1338, %exp3A_1356 : vector<16x512xf32>
      %get3A_1358 = arith.constant 7 : index
      %get3A_1359 = arith.index_cast %multiple_of3A_1348 : i32 to index
      %get3A_1360 = arith.constant 0 : index
      %get3A_1361 = vector.load %arg9[%get3A_1358, %get3A_1359, %get3A_1360] : memref<8x320x512xf32, #tpu.memory_space<vmem>>, vector<1x16x512xf32>
      %get3A_1362 = vector.shape_cast %get3A_1361 : vector<1x16x512xf32> to vector<16x512xf32>
      %mul3A_1363 = arith.mulf %exp3A_1356, %get3A_1362 : vector<16x512xf32>
      %add3A_1364 = arith.addf %add3A_1345, %mul3A_1363 : vector<16x512xf32>
      %add3A_1365 = arith.constant 64 : i32
      %add3A_1366 = arith.addi %add3A_1365, %multiple_of3A_142 : i32
      %multiple_of3A_1367 = tpu.assume_multiple %add3A_1366, 16 : i32
      %get3A_1368 = arith.constant 0 : index
      %get3A_1369 = arith.index_cast %multiple_of3A_1367 : i32 to index
      %get3A_1370 = arith.constant 0 : index
      %get3A_1371 = vector.load %arg8[%get3A_1368, %get3A_1369, %get3A_1370] : memref<8x320x512xf32, #tpu.memory_space<vmem>>, vector<1x16x512xf32>
      %get3A_1372 = vector.shape_cast %get3A_1371 : vector<1x16x512xf32> to vector<16x512xf32>
      %mul3A_1373 = arith.mulf %mul3A_148, %get3A_1372 : vector<16x512xf32>
      %sub3A_1374 = arith.subf %mul3A_1373, %mul3A_151 : vector<16x512xf32>
      %exp3A_1375 = math.exp %sub3A_1374 : vector<16x512xf32>
      %add3A_1376 = arith.addf %add3A_1357, %exp3A_1375 : vector<16x512xf32>
      %get3A_1377 = arith.constant 0 : index
      %get3A_1378 = arith.index_cast %multiple_of3A_1367 : i32 to index
      %get3A_1379 = arith.constant 0 : index
      %get3A_1380 = vector.load %arg9[%get3A_1377, %get3A_1378, %get3A_1379] : memref<8x320x512xf32, #tpu.memory_space<vmem>>, vector<1x16x512xf32>
      %get3A_1381 = vector.shape_cast %get3A_1380 : vector<1x16x512xf32> to vector<16x512xf32>
      %mul3A_1382 = arith.mulf %exp3A_1375, %get3A_1381 : vector<16x512xf32>
      %add3A_1383 = arith.addf %add3A_1364, %mul3A_1382 : vector<16x512xf32>
      %div3A = arith.divf %add3A_1383, %add3A_1376 : vector<16x512xf32>
      %swap3A_1384 = arith.index_cast %multiple_of3A_142 : i32 to index
      %swap3A_1385 = arith.constant 0 : index
      %swap3A_1386 = vector.load %arg10[%swap3A_1384, %swap3A_1385] : memref<256x512xf32, #tpu.memory_space<vmem>>, vector<16x512xf32>
      tpu.vector_store %arg10[%swap3A_1384, %swap3A_1385], %div3A {strides = array<i32>} : memref<256x512xf32, #tpu.memory_space<vmem>>, vector<16x512xf32>,
    }
    %scan3A_127 = arith.constant 16 : i32
    %get3A_128 = arith.constant 0 : index
    %get3A_129 = arith.constant 0 : index
    %get3A_130 = vector.load %arg10[%get3A_128, %get3A_129] : memref<256x512xf32, #tpu.memory_space<vmem>>, vector<256x512xf32>
    %convert_element_type3A_131 = arith.truncf %get3A_130 : vector<256x512xf32> to vector<256x512xbf16>
    %get3A_132 = arith.constant 0 : index
    %get3A_133 = arith.constant 0 : index
    %get3A_134 = vector.load %arg4[%get3A_132, %get3A_133] : memref<512x768xbf16, #tpu.memory_space<vmem>>, vector<512x768xbf16>
    %dot_general3A = arith.constant dense<0.000000e+00> : vector<256x768xf32>
    %dot_general3A_135 = tpu.matmul %convert_element_type3A_131, %get3A_134, %dot_general3A {dimension_numbers = #tpu.dot_dimension_numbers<[1], [0], [0], [1], [0, 0, 1, 1], [], []>, transpose_lhs_hint = false} : vector<256x512xbf16>, vector<512x768xbf16>, vector<256x768xf32> -> vector<256x768xf32>
    %swap3A_136 = arith.constant 0 : index
    %swap3A_137 = arith.constant 0 : index
    %swap3A_138 = vector.load %arg5[%swap3A_136, %swap3A_137] : memref<256x768xf32, #tpu.memory_space<vmem>>, vector<256x768xf32>
    tpu.vector_store %arg5[%swap3A_136, %swap3A_137], %dot_general3A_135 {strides = array<i32>} : memref<256x768xf32, #tpu.memory_space<vmem>>, vector<256x768xf32>,
    return
  }
  func.func @transform_0(%arg0: i32) -> (i32, i32) {
    %c0_i32 = arith.constant 0 : i32
    %c0_i32_0 = arith.constant 0 : i32
    return %arg0, %c0_i32 : i32, i32
  }
  func.func @transform_1(%arg0: i32) -> (i32, i32) {
    %c0_i32 = arith.constant 0 : i32
    %c0_i32_0 = arith.constant 0 : i32
    %c0_i32_1 = arith.constant 0 : i32
    return %c0_i32, %c0_i32_0 : i32, i32
  }
  func.func @transform_2(%arg0: i32) -> (i32, i32) {
    %c0_i32 = arith.constant 0 : i32
    %c0_i32_0 = arith.constant 0 : i32
    %c0_i32_1 = arith.constant 0 : i32
    return %c0_i32, %c0_i32_0 : i32, i32
  }
  func.func @transform_3(%arg0: i32) -> (i32, i32) {
    %c0_i32 = arith.constant 0 : i32
    %c0_i32_0 = arith.constant 0 : i32
    %c0_i32_1 = arith.constant 0 : i32
    return %c0_i32, %c0_i32_0 : i32, i32
  }
  func.func @transform_4(%arg0: i32) -> (i32, i32) {
    %c0_i32 = arith.constant 0 : i32
    %c0_i32_0 = arith.constant 0 : i32
    return %arg0, %c0_i32 : i32, i32
  }
}

module attributes {stable_mosaic.version = 14 : i64} {
  func.func @_combine_kernel(%arg0: i32, %arg1: memref<256x256xf32, #tpu.memory_space<vmem>>, %arg2: memref<256x768xbf16, #tpu.memory_space<vmem>>, %arg3: memref<256x768xf32, #tpu.memory_space<vmem>>, %arg4: memref<256x768xf32, #tpu.memory_space<vmem>>) attributes {dimension_semantics = [#tpu.dimension_semantics<arbitrary>], iteration_bounds = array<i64: 8>, scalar_prefetch = 0 : i64, scratch_operands = 0 : i64, tpu.core_type = #tpu.core_type<tc>, window_params = [{transform_indices = @transform_0, window_bounds = array<i64: 256, 256>}, {pipeline_mode = #tpu.pipeline_mode<synchronous>, transform_indices = @transform_1, window_bounds = array<i64: 256, 768>}, {transform_indices = @transform_2, window_bounds = array<i64: 256, 768>}, {transform_indices = @transform_3, window_bounds = array<i64: 256, 768>}]} {
    %get3A = arith.constant 0 : index
    %get3A_0 = arith.constant 0 : index
    %get3A_1 = vector.load %arg3[%get3A, %get3A_0] : memref<256x768xf32, #tpu.memory_space<vmem>>, vector<256x768xf32>
    %get3A_2 = arith.constant 0 : index
    %get3A_3 = arith.constant 0 : index
    %get3A_4 = vector.load %arg1[%get3A_2, %get3A_3] : memref<256x256xf32, #tpu.memory_space<vmem>>, vector<256x256xf32>
    %convert_element_type3A = arith.truncf %get3A_4 : vector<256x256xf32> to vector<256x256xbf16>
    %get3A_5 = arith.constant 0 : index
    %get3A_6 = arith.constant 0 : index
    %get3A_7 = vector.load %arg2[%get3A_5, %get3A_6] : memref<256x768xbf16, #tpu.memory_space<vmem>>, vector<256x768xbf16>
    %dot_general3A = arith.constant dense<0.000000e+00> : vector<256x768xf32>
    %dot_general3A_8 = tpu.matmul %convert_element_type3A, %get3A_7, %dot_general3A {dimension_numbers = #tpu.dot_dimension_numbers<[1], [0], [0], [1], [0, 0, 1, 1], [], []>, transpose_lhs_hint = false} : vector<256x256xbf16>, vector<256x768xbf16>, vector<256x768xf32> -> vector<256x768xf32>
    %add3A = arith.addf %get3A_1, %dot_general3A_8 : vector<256x768xf32>
    %swap3A = arith.constant 0 : index
    %swap3A_9 = arith.constant 0 : index
    %swap3A_10 = vector.load %arg4[%swap3A, %swap3A_9] : memref<256x768xf32, #tpu.memory_space<vmem>>, vector<256x768xf32>
    tpu.vector_store %arg4[%swap3A, %swap3A_9], %add3A {strides = array<i32>} : memref<256x768xf32, #tpu.memory_space<vmem>>, vector<256x768xf32>,
    return
  }
  func.func @transform_0(%arg0: i32) -> (i32, i32) {
    %c0_i32 = arith.constant 0 : i32
    %c0_i32_0 = arith.constant 0 : i32
    return %arg0, %c0_i32 : i32, i32
  }
  func.func @transform_1(%arg0: i32) -> (i32, i32) {
    %c0_i32 = arith.constant 0 : i32
    %c0_i32_0 = arith.constant 0 : i32
    %c0_i32_1 = arith.constant 0 : i32
    return %c0_i32, %c0_i32_0 : i32, i32
  }
  func.func @transform_2(%arg0: i32) -> (i32, i32) {
    %c0_i32 = arith.constant 0 : i32
    %c0_i32_0 = arith.constant 0 : i32
    return %arg0, %c0_i32 : i32, i32
  }
  func.func @transform_3(%arg0: i32) -> (i32, i32) {
    %c0_i32 = arith.constant 0 : i32
    %c0_i32_0 = arith.constant 0 : i32
    return %arg0, %c0_i32 : i32, i32
  }
}

</mosaic_0001>

<sc_bundles>
// kernel: kernel.7.cloned.1.call-start
scs
__scs_entry_jumppad:
0x0: {  	(pc) =	sbr.rel $0x88, $3  }
0x1: {  	(tag) =	ssettag $0x0;
	lr =	simm.s32 $0x1  }
0x2: {  	[smem:$0x3F9C] =	sst lr;
	_ =	strace $0xD0000000  }
0x3: {  	_ = 	snop  }
0x4: {  	_ = 	snop  }
0x5: {  	_ = 	snop  }
0x6: {  	_ = 	snop  }
0x7: {  	_ = 	snop  }
__scs_overlays_trampoline_lowered:
0x8: {  	[smem:$0x3FAB] =	sst s0  }
0x9: {  	[smem:$0x3FAC] =	sst s1  }
0xa: {  	[smem:$0x3FAD] =	sst s2  }
0xb: {  	[smem:$0x3FAE] =	sst s3  }
0xc: {  	[smem:$0x3FAF] =	sst s4  }
0xd: {  	[smem:$0x3FB0] =	sst s5  }
0xe: {  	[smem:$0x3FB1] =	sst s6  }
0xf: {  	[smem:$0x3FB2] =	sst s7  }
0x10: {  	[smem:$0x3FB3] =	sst s8  }
0x11: {  	[smem:$0x3FB4] =	sst s9;
	s0 =	simm.s32 @!p0 $0x0  }
0x12: {  	s1 =	sld [smem:$0x3F9A];
	s0 =	simm.s32 @p0 $0x1  }
0x13: {  	[smem:$0x3FB5] =	sst s0;
	s0 =	simm.s32 @!p1 $0x0  }
0x14: {  	s2 =	sld [smem:$0x3F99];
	s0 =	simm.s32 @p1 $0x1  }
0x15: {  	[smem:$0x3FB6] =	sst s0;
	s0 =	simm.s32 @!p2 $0x0  }
0x16: {  	s3 =	sld [smem:$0x3FDB];
	s0 =	simm.s32 @p2 $0x1  }
0x17: {  	s4 =	simm.s32 $0x1BF5;
	[smem:$0x3FB8] =	sst s0  }
0x18: {  	s0 =	sld [smem:$0x3F9B];
	_ =	swait.ge [sflag:s4], $0x0  }
0x19: {  	s7 =	sld [smem:$0x3F9C]  }
0x1a: {  	s8 =	sadd.s32 $0xFFFFE003, lr  }
0x1b: {  	s9 =	sadd.s32 $0xFFFFFEF7, lr;
	s5 =	simm.s32 $0xFFFFFFFF;
	p2 =	slt.u32 s8, $0xFFFFF086  }
0x1c: {  	p1 =	slt.u32 s9, $0xF7A;
	s5 =	simm.s32 @!p2 $0x0  }
0x1d: {  	s5 =	simm.s32 @p1 $0x1;
	p0 =	seq.s32 s7, s2  }
0x1e: {  	s7 =	smul.u32 @!p0 $0xF7A, s2;
	p2 =	seq.s32 @!p0 s5, $0x0  }
0x1f: {  	s9 =	smul.u32 $0xF7A, s1;
	s8 =	simm.s32 @!p0 $0x1BF5;
	p2 =	por !p2, p0  }
0x20: {  	[sflag:s8] =	ssyncset.s32 @!p0 $0xFFFFF086;
	s6 =	sadd.s32 @!p0 s3, s7;
	s7 =	simm.s32 @!p0 $0x108  }
0x21: {  	s3 =	sadd.s32 s3, s9;
	s6 =	sadd.s32 @!p0 $0x88, s6;
	s7 =	simm.s32 @p2 $0x1082  }
0x22: {  	[simem:s7], [sflag:s8] =	dma.local @!p0 [hbm:s6], $0xF7A  }
0x23: {  	s9 =	sor.u32 $0xD0000000, s2;
	s6 =	simm.s32 $0x108;
	_ =	swait.ge @!p0 [sflag:s8], $0x0  }
0x24: {  	s3 =	sadd.s32 $0x88, s3;
	s6 =	simm.s32 @!p1 $0x1082;
	[sflag:s4] =	ssyncset.s32 $0xFFFFF086  }
0x25: {  	[simem:s6], [sflag:s4] =	dma.local [hbm:s3], $0xF7A  }
0x26: {  	[smem:$0x3F9C] =	sst s1;
	(tag) =	ssettag s2;
	_ =	strace s9  }
0x27: {  	s1 =	sld [smem:$0x3FAC]  }
0x28: {  	s2 =	sld [smem:$0x3FAD]  }
0x29: {  	s4 =	sld [smem:$0x3FAF]  }
0x2a: {  	p0 =	seq.s32 s5, $0x0;
	s5 =	sld [smem:$0x3FB0]  }
0x2b: {  	s6 =	sld [smem:$0x3FB1]  }
0x2c: {  	s7 =	sld [smem:$0x3FB2]  }
0x2d: {  	s3 =	simm.s32 $0x108;
	s8 =	sld [smem:$0x3FB3]  }
0x2e: {  	s3 =	simm.s32 @!p0 $0x1082;
	s9 =	sld [smem:$0x3FB4]  }
0x2f: {  	lr =	sadd.s32 s0, s3;
	s0 =	sld [smem:$0x3FAB]  }
0x30: {  	s3 =	sld [smem:$0x3FAE]  }
0x31: {  	[smem:$0x3FB7] =	sst s10  }
0x32: {  	s10 =	sld [smem:$0x3FB5];
	_ =	sdelay $0x3  }
0x33: {  	p0 =	seq.s32 s10, $0x1;
	s10 =	sld [smem:$0x3FB7];
	_ =	sdelay $0x3  }
0x34: {  	[smem:$0x3FB7] =	sst s10  }
0x35: {  	s10 =	sld [smem:$0x3FB6];
	_ =	sdelay $0x3  }
0x36: {  	p1 =	seq.s32 s10, $0x1;
	s10 =	sld [smem:$0x3FB7];
	_ =	sdelay $0x3  }
0x37: {  	[smem:$0x3FB7] =	sst s10  }
0x38: {  	s10 =	sld [smem:$0x3FB8]  }
0x39: {  	_ = 	snop;
	(pc) =	sbr.ind lr, $3  }
0x3a: {  	_ = 	snop  }
0x3b: {  	_ = 	snop  }
0x3c: {  	p2 =	seq.s32 s10, $0x1;
	s10 =	sld [smem:$0x3FB7]  }
0x3d: {  	_ =	shalt  }
0x3e: {  	_ =	shalt  }
0x3f: {  	_ =	shalt  }
0x40: {  	_ =	shalt  }
0x41: {  	_ =	shalt  }
0x42: {  	_ =	shalt  }
0x43: {  	_ =	shalt  }
0x44: {  	_ =	shalt  }
0x45: {  	_ =	shalt  }
0x46: {  	_ =	shalt  }
0x47: {  	_ =	shalt  }
0x48: {  	_ =	shalt  }
0x49: {  	_ =	shalt  }
0x4a: {  	_ =	shalt  }
0x4b: {  	_ =	shalt  }
0x4c: {  	_ =	shalt  }
0x4d: {  	_ =	shalt  }
0x4e: {  	_ =	shalt  }
0x4f: {  	_ =	shalt  }
0x50: {  	_ =	shalt  }
0x51: {  	_ =	shalt  }
0x52: {  	_ =	shalt  }
0x53: {  	_ =	shalt  }
0x54: {  	_ =	shalt  }
0x55: {  	_ =	shalt  }
0x56: {  	_ =	shalt  }
0x57: {  	_ =	shalt  }
0x58: {  	_ =	shalt  }
0x59: {  	_ =	shalt  }
0x5a: {  	_ =	shalt  }
0x5b: {  	_ =	shalt  }
0x5c: {  	_ =	shalt  }
0x5d: {  	_ =	shalt  }
0x5e: {  	_ =	shalt  }
0x5f: {  	_ =	shalt  }
0x60: {  	_ =	shalt  }
0x61: {  	_ =	shalt  }
0x62: {  	_ =	shalt  }
0x63: {  	_ =	shalt  }
0x64: {  	_ =	shalt  }
0x65: {  	_ =	shalt  }
0x66: {  	_ =	shalt  }
0x67: {  	_ =	shalt  }
0x68: {  	_ =	shalt  }
0x69: {  	_ =	shalt  }
0x6a: {  	_ =	shalt  }
0x6b: {  	_ =	shalt  }
0x6c: {  	_ =	shalt  }
0x6d: {  	_ =	shalt  }
0x6e: {  	_ =	shalt  }
0x6f: {  	_ =	shalt  }
0x70: {  	_ =	shalt  }
0x71: {  	_ =	shalt  }
0x72: {  	_ =	shalt  }
0x73: {  	_ =	shalt  }
0x74: {  	_ =	shalt  }
0x75: {  	_ =	shalt  }
0x76: {  	_ =	shalt  }
0x77: {  	_ =	shalt  }
0x78: {  	_ =	shalt  }
0x79: {  	_ =	shalt  }
0x7a: {  	_ =	shalt  }
0x7b: {  	_ =	shalt  }
0x7c: {  	_ =	shalt  }
0x7d: {  	_ =	shalt  }
0x7e: {  	_ =	shalt  }
0x7f: {  	_ =	shalt  }
0x80: {  	_ =	shalt  }
0x81: {  	_ =	shalt  }
0x82: {  	_ =	shalt  }
0x83: {  	_ =	shalt  }
0x84: {  	_ =	shalt  }
0x85: {  	_ =	shalt  }
0x86: {  	_ =	shalt  }
0x87: {  	_ =	shalt  }
.Lfunc_end0:
.L_simem_size_0:
called_computation_lowered:
.L_overlay_start_0:
0x88: {  	s2 =	sld [smem:$0x3FD9]  }
0x89: {  	s3 =	sld [smem:$0x3FFE];
	_ =	sdelay $0x1  }
0x8a: {  	s1 =	srdreg.scid  }
0x8b: {  	s0 =	sand.u32 $0x1, s1  }
0x8c: {  	s17 =	sshll.u32 s0, $0xA;
	s2 =	sadd.s32 s3, s2  }
0x8d: {  	s2 =	sadd.s32 s2, s17  }
0x8e: {  	[smem:$0x3FC3] =	sst s2  }
0x8f: {  	_ = 	snop  }
0x90: {  	s2 =	sld [smem:$0x3FD0];
	(tm) =	ssettm $0x1  }
0x91: {  	s18 =	sld [smem:$0x3FFB];
	_ =	sdelay $0x3  }
0x92: {  	_ =	strace s18  }
0x93: {  	s3 =	sld [smem:$0x3FFC];
	_ =	sdelay $0x3  }
0x94: {  	_ =	strace s3  }
0x95: {  	s3 =	sld [smem:$0x3FFD];
	_ =	sdelay $0x3  }
0x96: {  	_ =	strace s3  }
0x97: {  	_ =	strace $0x8FFFFFFF  }
0x98: {  	s19 =	sld [smem:$0x3FDB];
	_ =	sdelay $0x1  }
0x99: {  	s4 =	simm.s32 $_scs_section_size  }
0x9a: {  	s5 =	simm.s32 $_size__tile_overlayer_lowered;
	s6 =	simm.s32 $_tile_overlayer_lowered  }
0x9b: {  	s22 =	simm.s32 $0x1BFF;
	s21 =	sshll.u32 s6, $0x1;
	s3 =	sadd.s32 s4, s19  }
0x9c: {  	s7 =	simm.s32 $0x0;
	s20 =	sshll.u32 s5, $0x1;
	s5 =	sadd.s32 s21, s3  }
0x9d: {  	[timem:s7], [sflag:s22] =	dma.local [hbm:s5], s20  }
0x9e: {  	_ =	swait.ge [sflag:s22], s20  }
0x9f: {  	s4 =	ssub.s32 $0x0, s20;
	[sflag:s22] =	ssyncset.done $0x0  }
0xa0: {  	[sflag:s22] =	ssyncadd.s32 s4;
	_ =	sdelay $0x1  }
0xa1: {  	s23 =	simm.s32 $0x1B8B  }
0xa2: {  	_ =	swait.ge [sflag:s23], $0x1  }
0xa3: {  	[sflag:s23] =	ssyncset.done $0x0  }
0xa4: {  	s25 =	simm.s32 $0x1B8E;
	s24 =	sld [smem:$0x3FFE];
	[sflag:s23] =	ssyncadd.s32 $0xFFFFFFFF  }
0xa5: {  	s26 =	simm.s32 $execute0_lowered;
	[smem:$0x3FD2] =	sst s25  }
0xa6: {  	s5 =	sshll.u32 s26, $0x1;
	_ =	strace $0x80000046;
	[dreg:$0x1] =	wrdreg $0xFFFFFFFF  }
0xa7: {  	s28 =	simm.s32 $_size_execute0_lowered;
	s3 =	sadd.s32 s3, s5;
	[dreg:$0x0] =	wrdreg $0x0  }
0xa8: {  	s5 =	sshll.u32 s28, $0x1;
	[dreg:$0x2] =	wrdreg s3  }
0xa9: {  	[dreg:$0x3] =	wrdreg s5  }
0xaa: {  	[dreg:$0x4] =	wrdreg $0xC0  }
0xab: {  	_ =	task [dreg:s7], $0x5FFFF  }
0xac: {  	[dreg:$0x1] =	wrdreg $0xFFFFFFFF  }
0xad: {  	[dreg:$0x0] =	wrdreg $0x60  }
0xae: {  	[dreg:$0x2] =	wrdreg s2  }
0xaf: {  	[dreg:$0x3] =	wrdreg s24  }
0xb0: {  	[dreg:$0x4] =	wrdreg $0x9  }
0xb1: {  	_ =	task.clear_ibuf [dreg:s7], $0x5FFFF;
	_ =	strace $0x90000046  }
0xb2: {  	s29 =	simm.s32 $0x9;
	_ =	strace $0x80000048  }
0xb3: {  	_ =	swait.ge [sflag:s29], $0x1  }
0xb4: {  	[sflag:s29] =	ssyncadd.s32 $0xFFFFFFFF  }
0xb5: {  	_ =	strace $0x90000048  }
0xb6: {  	_ =	sfence  }
0xb7: {  	s30 =	sld [smem:$0x0];
	_ =	sdelay $0x2  }
0xb8: {  	s31 =	sshll.u32 s1, $0xD;
	s1 =	sshrl.u32 s1, $0x2  }
0xb9: {  	s3 =	sand.u32 $0x4000, s31;
	s1 =	sadd.s32 s1, s30  }
0xba: {  	s0 =	sor.u32 s3, s0;
	s1 =	sshll.u32 s1, $0x11  }
0xbb: {  	s0 =	sor.u32 s1, s0  }
0xbc: {  	s0 =	sadd.s32 $0x8F2B, s0  }
0xbd: {  	[sflag:s0] =	ssyncadd.remote.s32 $0x1  }
0xbe: {  	_ =	sfence.sel $0xFFFF  }
0xbf: {  	[dreg:$0x0] =	wrdreg $0xFFFFFFFF;
	(pc) =	sbr.abs _section_cstart, $3  }
0xc0: {  	[dreg:$0x1] =	wrdreg $0xFFFFFFFF  }
0xc1: {  	_ =	task.clear_ibuf [dreg:s7], $0x2FFFF;
	_ =	strace $0x9FFFFFFF  }
0xc2: {  	(tm) =	ssettm $0x7FFFFFFF  }
0xc3: {  	_ =	shalt  }
tec
execute0_lowered:
.L_overlay_start_1:
0x0: {  	(tag) =	ssettag $0x1  }
0x1: {  	s0 =	rddreg [dreg:$0x0]  }
0x2: {  	s2 =	rddreg [dreg:$0x1];
	s1 =	simm.s32 $0x0  }
0x3: {  	s3 =	srdreg.scid;
	s9 =	stileid.u32;
	s13 =	simm.s32 $0x2  }
0x4: {  	s14 =	simm.s32 $0x3;
	s15 =	simm.s32 $0x1;
	s16 =	simm.s32 $0x4  }
0x5: {  	s19 =	simm.s32 $0x0;
	[smem:$0x7FF] =	sst s1;
	s3 =	sand.u32 $0x1, s3  }
0x6: {  	s10 =	sadd.s32 $0x1C00, s2;
	s11 =	sadd.s32 $0x11C00, s2;
	_ =	strace $0x80000047  }
0x7: {  	s4 =	sshll.u32 s3, $0x4;
	s6 =	ssub.s32 $0x2, s3;
	[dreg:$0x3] =	wrdreg s10  }
0x8: {  	s3 =	sshll.u32 s3, $0xA;
	[dreg:$0x4] =	wrdreg s11;
	s4 =	sor.u32 s9, s4  }
0x9: {  	s8 =	sshrl.u32 s6, $0x1;
	s9 =	sshll.u32 s9, $0x6;
	s7 =	sshll.u32 s4, $0xE  }
0xa: {  	s5 =	sshll.u32 s4, $0xB;
	s6 =	ssub.s32 s6, s8;
	s7 =	sadd.s32 $0xFFFFC000, s7  }
0xb: {  	s31 =	sor.u32 s3, s9;
	p0 =	sne.s32 s4, $0x0;
	s30 =	sshrl.u32 s7, $0x3  }
0xc: {  	s2 =	sadd.s32 s5, s2;
	s5 =	sadd.s32 s0, s5;
	s7 =	sadd.s32 s10, s30  }
0xd: {  	s9 =	smax.u32 s6, $0x1;
	s0 =	sadd.s32 s11, s30;
	[dreg:$0x5] =	wrdreg s7  }
0xe: {  	v0 =	vimm.f32 $0.0e+00;
	s8 =	sadd.s32 $0x21C00, s2;
	s10 =	ssub.s32 $0x3C, s31;
	[dreg:$0x6] =	wrdreg s0  }
.LBB2_1:
.Ltmp0:
0xf: {  	(pc) =	sbr.rel @!p0 .LBB2_2-.Ltmp0, $2  }
0x10: {  	_ =	sdelay $0x2  }
0x11: {  	[tilespmem:s1], [sflag:$0x1] =	stream.linear.gather [hbm4b:s5+s1], $0x4000, $0x38;
	[tilespmem:$0x14000] =	vst v63  }
0x12: {  	s0 =	rddreg [dreg:$0x5];
	s2 =	simm.s32 $0x4000  }
0x13: {  	[tilespmem:s2], [sflag:$0x2] =	stream.linear.gather [hbm4b:s0+s1], $0x8000, $0x38;
	[tilespmem:$0x14000] =	vst v63  }
0x14: {  	s30 =	rddreg [dreg:$0x6];
	s31 =	simm.s32 $0xC000  }
0x15: {  	[tilespmem:s31], [sflag:$0x3] =	stream.linear.gather [hbm4b:s30+s1], $0x8000, $0x38;
	[tilespmem:$0x14000] =	vst v63  }
0x16: {  	_ =	swait.ge [sflag:s13], $0x8000  }
.Ltmp1:
0x17: {  	[sflag:s13] =	ssyncset.done $0x0;
	(pc) =	sbr.rel .LBB2_6-.Ltmp1, $4  }
0x18: {  	[sflag:s13] =	ssyncadd.s32 $0xFFFF8000  }
0x19: {  	_ =	swait.ge [sflag:s14], $0x8000  }
0x1a: {  	[sflag:s14] =	ssyncset.done $0x0  }
0x1b: {  	[sflag:s14] =	ssyncadd.s32 $0xFFFF8000  }
.LBB2_2:
0x1c: {  	s0 =	simm.s32 $0x0;
	s2 =	rddreg [dreg:$0x3];
	s3 =	simm.s32 $0x8000  }
0x1d: {  	[tilespmem:s3], [sflag:$0x2] =	stream.linear.gather [hbm4b:s2+s0], $0x4000, $0x38;
	[tilespmem:$0x14000] =	vst v63  }
0x1e: {  	s28 =	rddreg [dreg:$0x4];
	s29 =	simm.s32 $0x10000  }
0x1f: {  	[tilespmem:s29], [sflag:$0x3] =	stream.linear.gather [hbm4b:s28+s0], $0x4000, $0x38;
	[tilespmem:$0x14000] =	vst v63  }
0x20: {  	s30 =	sand.u32 $0x3800, s0;
	s0 =	sand.u32 $0x380, s0  }
0x21: {  	s0 =	sor.u32 s0, s30  }
0x22: {  	[tilespmem:s0+$0xC470] =	vst v0  }
0x23: {  	[tilespmem:s0+$0x4000] =	vst v0  }
0x24: {  	[tilespmem:s0+$0xC000] =	vst v0  }
0x25: {  	[tilespmem:s0+$0x4010] =	vst v0  }
0x26: {  	[tilespmem:s0+$0xC010] =	vst v0  }
0x27: {  	[tilespmem:s0+$0x4020] =	vst v0  }
0x28: {  	[tilespmem:s0+$0xC020] =	vst v0  }
0x29: {  	[tilespmem:s0+$0x4030] =	vst v0  }
0x2a: {  	[tilespmem:s0+$0xC030] =	vst v0  }
0x2b: {  	[tilespmem:s0+$0x4040] =	vst v0  }
0x2c: {  	[tilespmem:s0+$0xC040] =	vst v0  }
0x2d: {  	[tilespmem:s0+$0x4050] =	vst v0  }
0x2e: {  	[tilespmem:s0+$0xC050] =	vst v0  }
0x2f: {  	[tilespmem:s0+$0x4060] =	vst v0  }
0x30: {  	[tilespmem:s0+$0xC060] =	vst v0  }
0x31: {  	[tilespmem:s0+$0x4070] =	vst v0  }
0x32: {  	[tilespmem:s0+$0xC070] =	vst v0  }
0x33: {  	[tilespmem:s0+$0x4400] =	vst v0  }
0x34: {  	[tilespmem:s0+$0xC400] =	vst v0  }
0x35: {  	[tilespmem:s0+$0x4410] =	vst v0  }
0x36: {  	[tilespmem:s0+$0xC410] =	vst v0  }
0x37: {  	[tilespmem:s0+$0x4420] =	vst v0  }
0x38: {  	[tilespmem:s0+$0xC420] =	vst v0  }
0x39: {  	[tilespmem:s0+$0x4430] =	vst v0  }
0x3a: {  	[tilespmem:s0+$0xC430] =	vst v0  }
0x3b: {  	[tilespmem:s0+$0x4440] =	vst v0  }
0x3c: {  	[tilespmem:s0+$0xC440] =	vst v0  }
0x3d: {  	[tilespmem:s0+$0x4450] =	vst v0  }
0x3e: {  	[tilespmem:s0+$0xC450] =	vst v0  }
0x3f: {  	s31 =	simm.s32 $0x100;
	s2 =	simm.s32 $0x80;
	[tilespmem:s0+$0x4460] =	vst v0  }
0x40: {  	s4 =	sand.u32 $0x3800, s31;
	s3 =	simm.s32 $0x200;
	s6 =	sand.u32 $0x380, s2;
	[tilespmem:s0+$0xC460] =	vst v0  }
.LBB2_3:
0x41: {  	p1 =	sne.s32 s3, $0x3F00;
	[tilespmem:s0+$0x4470] =	vst v0;
	s0 =	sor.u32 s6, s4  }
0x42: {  	[tilespmem:s0+$0xC470] =	vst v0  }
0x43: {  	[tilespmem:s0+$0x4000] =	vst v0  }
0x44: {  	[tilespmem:s0+$0xC000] =	vst v0  }
0x45: {  	[tilespmem:s0+$0x4010] =	vst v0  }
0x46: {  	[tilespmem:s0+$0xC010] =	vst v0  }
0x47: {  	[tilespmem:s0+$0x4020] =	vst v0  }
0x48: {  	[tilespmem:s0+$0xC020] =	vst v0  }
0x49: {  	[tilespmem:s0+$0x4030] =	vst v0  }
0x4a: {  	[tilespmem:s0+$0xC030] =	vst v0  }
0x4b: {  	[tilespmem:s0+$0x4040] =	vst v0  }
0x4c: {  	[tilespmem:s0+$0xC040] =	vst v0  }
0x4d: {  	[tilespmem:s0+$0x4050] =	vst v0  }
0x4e: {  	[tilespmem:s0+$0xC050] =	vst v0  }
0x4f: {  	[tilespmem:s0+$0x4060] =	vst v0  }
0x50: {  	[tilespmem:s0+$0xC060] =	vst v0  }
0x51: {  	[tilespmem:s0+$0x4070] =	vst v0  }
0x52: {  	[tilespmem:s0+$0xC070] =	vst v0  }
0x53: {  	[tilespmem:s0+$0x4400] =	vst v0  }
0x54: {  	[tilespmem:s0+$0xC400] =	vst v0  }
0x55: {  	[tilespmem:s0+$0x4410] =	vst v0  }
0x56: {  	[tilespmem:s0+$0xC410] =	vst v0  }
0x57: {  	[tilespmem:s0+$0x4420] =	vst v0  }
0x58: {  	[tilespmem:s0+$0xC420] =	vst v0  }
0x59: {  	[tilespmem:s0+$0x4430] =	vst v0  }
0x5a: {  	[tilespmem:s0+$0xC430] =	vst v0  }
0x5b: {  	[tilespmem:s0+$0x4440] =	vst v0  }
.Ltmp2:
0x5c: {  	[tilespmem:s0+$0xC440] =	vst v0;
	(pc) =	sbr.rel @p1 .LBB2_3-.Ltmp2, $4  }
0x5d: {  	[tilespmem:s0+$0x4450] =	vst v0  }
0x5e: {  	[tilespmem:s0+$0xC450] =	vst v0  }
0x5f: {  	s2 =	sadd.s32 $0x80, s2;
	[tilespmem:s0+$0x4460] =	vst v0  }
0x60: {  	s4 =	sand.u32 $0x3800, s3;
	s3 =	sadd.s32 $0x100, s3;
	s6 =	sand.u32 $0x380, s2;
	[tilespmem:s0+$0xC460] =	vst v0  }
0x61: {  	s2 =	sor.u32 s6, s4;
	[tilespmem:s0+$0x4470] =	vst v0  }
0x62: {  	[tilespmem:s2+$0xC470] =	vst v0  }
0x63: {  	[tilespmem:s2+$0x4000] =	vst v0  }
0x64: {  	[tilespmem:s2+$0xC000] =	vst v0  }
0x65: {  	[tilespmem:s2+$0x4010] =	vst v0  }
0x66: {  	[tilespmem:s2+$0xC010] =	vst v0  }
0x67: {  	[tilespmem:s2+$0x4020] =	vst v0  }
0x68: {  	[tilespmem:s2+$0xC020] =	vst v0  }
0x69: {  	[tilespmem:s2+$0x4030] =	vst v0  }
0x6a: {  	[tilespmem:s2+$0xC030] =	vst v0  }
0x6b: {  	[tilespmem:s2+$0x4040] =	vst v0  }
0x6c: {  	[tilespmem:s2+$0xC040] =	vst v0  }
0x6d: {  	[tilespmem:s2+$0x4050] =	vst v0  }
0x6e: {  	[tilespmem:s2+$0xC050] =	vst v0  }
0x6f: {  	[tilespmem:s2+$0x4060] =	vst v0  }
0x70: {  	[tilespmem:s2+$0xC060] =	vst v0  }
0x71: {  	[tilespmem:s2+$0x4070] =	vst v0  }
0x72: {  	[tilespmem:s2+$0xC070] =	vst v0  }
0x73: {  	[tilespmem:s2+$0x4400] =	vst v0  }
0x74: {  	[tilespmem:s2+$0xC400] =	vst v0  }
0x75: {  	[tilespmem:s2+$0x4410] =	vst v0  }
0x76: {  	[tilespmem:s2+$0xC410] =	vst v0  }
0x77: {  	[tilespmem:s2+$0x4420] =	vst v0  }
0x78: {  	[tilespmem:s2+$0xC420] =	vst v0  }
0x79: {  	[tilespmem:s2+$0x4430] =	vst v0  }
0x7a: {  	[tilespmem:s2+$0xC430] =	vst v0  }
0x7b: {  	[tilespmem:s2+$0x4440] =	vst v0  }
0x7c: {  	[tilespmem:s2+$0xC440] =	vst v0  }
0x7d: {  	[tilespmem:s2+$0x4450] =	vst v0  }
0x7e: {  	[tilespmem:s2+$0xC450] =	vst v0  }
0x7f: {  	[tilespmem:s2+$0x4460] =	vst v0  }
0x80: {  	[tilespmem:s2+$0xC460] =	vst v0  }
0x81: {  	[tilespmem:s2+$0x4470] =	vst v0  }
0x82: {  	_ =	swait.ge [sflag:s13], $0x4000  }
0x83: {  	[sflag:s13] =	ssyncset.done $0x0  }
0x84: {  	[sflag:s13] =	ssyncadd.s32 $0xFFFFC000  }
0x85: {  	_ =	swait.ge [sflag:s14], $0x4000  }
0x86: {  	[sflag:s14] =	ssyncset.done $0x0  }
0x87: {  	[sflag:s14] =	ssyncadd.s32 $0xFFFFC000  }
.LBB2_6:
0x88: {  	_ =	swait.ge [sflag:s15], $0x4000  }
0x89: {  	s20 =	simm.s32 $0x0;
	[sflag:s15] =	ssyncset.done $0x0  }
0x8a: {  	s21 =	simm.s32 $0x0;
	s22 =	simm.s32 $0x0;
	[sflag:s15] =	ssyncadd.s32 $0xFFFFC000  }
.LBB2_7:
0x8b: {  	s0 =	sshll.u32 s21, $0x2;
	s2 =	sand.u32 $0x7, s20  }
0x8c: {  	s0 =	sand.u32 $0xFFFFF000, s0;
	s2 =	sshll.u32 s2, $0x6  }
0x8d: {  	s0 =	sor.u32 s2, s0  }
0x8e: {  	s0 =	sshrl.u32 s0, $0x2  }
0x8f: {  	s0 =	sadd.s32 $0x4200, s0  }
0x90: {  	v1 =	vmov s0;
	_ =	sdelay $0x3  }
0x91: {  	s4 =	simm.s32 $0x0  }
0x92: {  	v3 =	vld.idx.msk [tilespmem:v1+s4+$0xFFFFFE00 ss:$0x1], $0xffff  }
0x93: {  	v9 =	vld.idx.msk [tilespmem:v1+s4+$0xFFFFFE80 ss:$0x1], $0xffff  }
0x94: {  	v7 =	vld.idx.msk [tilespmem:v1+s4+$0xFFFFFF00 ss:$0x1], $0xffff  }
0x95: {  	v6 =	vld.idx.msk [tilespmem:v1+s4+$0xFFFFFF80 ss:$0x1], $0xffff  }
0x96: {  	v4 =	vld.idx.msk [tilespmem:v1+s4+$0x0 ss:$0x1], $0xffff  }
0x97: {  	s3 =	sshll.u32 s22, $0x7;
	v2 =	vld.idx.msk [tilespmem:v1+s4+$0x80 ss:$0x1], $0xffff  }
0x98: {  	s31 =	sshll.u32 s22, $0x4;
	v5 =	vimm.f32 $0.0e+00;
	s23 =	sand.u32 $0x400, s3;
	s3 =	simm.s32 $0x4000;
	v8 =	vand.u32 $0x7FFFFFFF, v3;
	v3 =	vld.idx.msk [tilespmem:v1+s4+$0x100 ss:$0x1], $0xffff  }
0x99: {  	s2 =	sand.u32 $0x70, s31;
	s0 =	simm.s32 $0x800;
	v9 =	vand.u32 $0x7FFFFFFF, v9;
	v8 =	vmax.f32 v5, v8;
	v5 =	vld.idx.msk [tilespmem:v1+s4+$0x180 ss:$0x1], $0xffff  }
.LBB2_8:
0x9a: {  	p1 =	seq.s32 s3, $0x1E000;
	v10 =	vld.idx.msk [tilespmem:v1+s0+$0xFFFFFE00 ss:$0x1], $0xffff;
	v8 =	vmax.f32 v8, v9;
	v7 =	vand.u32 $0x7FFFFFFF, v7  }
0x9b: {  	v6 =	vand.u32 $0x7FFFFFFF, v6;
	v9 =	vld.idx.msk [tilespmem:v1+s0+$0xFFFFFE80 ss:$0x1], $0xffff;
	v8 =	vmax.f32 v8, v7  }
0x9c: {  	v4 =	vand.u32 $0x7FFFFFFF, v4;
	v7 =	vld.idx.msk [tilespmem:v1+s0+$0xFFFFFF00 ss:$0x1], $0xffff;
	v8 =	vmax.f32 v8, v6  }
.Ltmp3:
0x9d: {  	v2 =	vand.u32 $0x7FFFFFFF, v2;
	v6 =	vld.idx.msk [tilespmem:v1+s0+$0xFFFFFF80 ss:$0x1], $0xffff;
	v8 =	vmax.f32 v8, v4;
	(pc) =	sbr.rel @!p1 .LBB2_8-.Ltmp3, $4  }
0x9e: {  	v3 =	vand.u32 $0x7FFFFFFF, v3;
	v4 =	vld.idx.msk [tilespmem:v1+s0+$0x0 ss:$0x1], $0xffff;
	v8 =	vmax.f32 v8, v2  }
0x9f: {  	v5 =	vand.u32 $0x7FFFFFFF, v5;
	v2 =	vld.idx.msk [tilespmem:v1+s0+$0x80 ss:$0x1], $0xffff;
	v8 =	vmax.f32 v8, v3  }
0xa0: {  	v10 =	vand.u32 $0x7FFFFFFF, v10;
	v3 =	vld.idx.msk [tilespmem:v1+s0+$0x100 ss:$0x1], $0xffff;
	v5 =	vmax.f32 v8, v5  }
0xa1: {  	v9 =	vand.u32 $0x7FFFFFFF, v9;
	v8 =	vmax.f32 v5, v10;
	v5 =	vld.idx.msk [tilespmem:v1+s0+$0x180 ss:$0x1], $0xffff;
	s0 =	sshra.s32 s3, $0x2;
	s3 =	sadd.s32 $0x2000, s3  }
0xa2: {  	_ =	sdelay $0x2  }
0xa3: {  	v8 =	vmax.f32 v8, v9;
	v7 =	vand.u32 $0x7FFFFFFF, v7  }
0xa4: {  	v57 =	vld.idx.msk [tilespmem:v1+s0+$0xFFFFFE00 ss:$0x1], $0xffff;
	v6 =	vand.u32 $0x7FFFFFFF, v6;
	v7 =	vmax.f32 v8, v7  }
0xa5: {  	v58 =	vld.idx.msk [tilespmem:v1+s0+$0xFFFFFE80 ss:$0x1], $0xffff;
	v4 =	vand.u32 $0x7FFFFFFF, v4;
	v6 =	vmax.f32 v7, v6  }
0xa6: {  	v59 =	vld.idx.msk [tilespmem:v1+s0+$0xFFFFFF00 ss:$0x1], $0xffff;
	v2 =	vand.u32 $0x7FFFFFFF, v2;
	v4 =	vmax.f32 v6, v4  }
0xa7: {  	v60 =	vld.idx.msk [tilespmem:v1+s0+$0xFFFFFF80 ss:$0x1], $0xffff;
	v3 =	vand.u32 $0x7FFFFFFF, v3;
	v2 =	vmax.f32 v4, v2  }
0xa8: {  	v61 =	vld.idx.msk [tilespmem:v1+s0+$0x0 ss:$0x1], $0xffff;
	v2 =	vmax.f32 v2, v3;
	v3 =	vand.u32 $0x7FFFFFFF, v5  }
0xa9: {  	v62 =	vld.idx.msk [tilespmem:v1+s0+$0x80 ss:$0x1], $0xffff;
	v9 =	vand.u32 $0x7FFFFFFF, v57;
	v2 =	vmax.f32 v2, v3  }
0xaa: {  	v8 =	vand.u32 $0x7FFFFFFF, v58;
	v3 =	vld.idx.msk [tilespmem:v1+s0+$0x100 ss:$0x1], $0xffff;
	v2 =	vmax.f32 v2, v9  }
0xab: {  	v7 =	vand.u32 $0x7FFFFFFF, v59;
	v1 =	vld.idx.msk [tilespmem:v1+s0+$0x180 ss:$0x1], $0xffff;
	v2 =	vmax.f32 v2, v8  }
0xac: {  	v6 =	vand.u32 $0x7FFFFFFF, v60;
	v2 =	vmax.f32 v2, v7  }
0xad: {  	v4 =	vand.u32 $0x7FFFFFFF, v61;
	v2 =	vmax.f32 v2, v6  }
0xae: {  	v63 =	vand.u32 $0x7FFFFFFF, v62;
	v2 =	vmax.f32 v2, v4  }
0xaf: {  	v3 =	vand.u32 $0x7FFFFFFF, v3;
	v2 =	vmax.f32 v2, v63  }
0xb0: {  	v1 =	vand.u32 $0x7FFFFFFF, v1;
	v2 =	vmax.f32 v2, v3  }
0xb1: {  	s24 =	sor.u32 s23, s2;
	v1 =	vmax.f32 v2, v1;
	v2 =	vmov s2  }
0xb2: {  	s25 =	smov.u32 s10;
	s26 =	simm.s32 $0x0;
	s0 =	simm.s32 $0x0  }
.LBB2_10:
0xb3: {  	s2 =	sand.u32 $0x3800, s0;
	s3 =	sand.u32 $0x200, s26  }
0xb4: {  	s4 =	sor.u32 s2, s23;
	s6 =	sor.u32 s3, s24  }
0xb5: {  	s28 =	sadd.s32 s3, s4;
	s11 =	sor.u32 s2, s6  }
0xb6: {  	v3 =	vld.idx.msk [tilespmem:v2+s28+$0x0 ss:$0x1], $0xffff;
	s29 =	sor.u32 $0x80, s11  }
0xb7: {  	v4 =	vld [tilespmem:s29+$0x0]  }
0xb8: {  	s30 =	sor.u32 $0x100, s11  }
0xb9: {  	s31 =	sor.u32 $0x180, s11;
	v5 =	vld [tilespmem:s30+$0x0]  }
0xba: {  	s2 =	sor.u32 $0x4080, s11;
	v6 =	vld [tilespmem:s31+$0x0]  }
0xbb: {  	v11 =	vld [tilespmem:s2+$0x0];
	v10 =	vmul.f32 $1.250000000e-01, v3  }
0xbc: {  	s4 =	sor.u32 $0x4100, s11;
	v7 =	vmul.f32 $1.250000000e-01, v4  }
0xbd: {  	s6 =	sor.u32 $0x4180, s11;
	v14 =	vld [tilespmem:s4+$0x0];
	v3 =	vand.u32 $0x7FFFFFFF, v10  }
0xbe: {  	v34 =	vld [tilespmem:s6+$0x0];
	v5 =	vmul.f32 $1.250000000e-01, v5;
	v9 =	vmul.f32 v3, v1;
	v3 =	vand.u32 $0x7FFFFFFF, v7  }
0xbf: {  	v8 =	vmul.f32 v3, v1;
	v3 =	vmul.f32 $1.250000000e-01, v6  }
0xc0: {  	v11 =	vmul.f32 v11, v10;
	v30 =	vand.u32 $0x7FFFFFFF, v5  }
0xc1: {  	s12 =	sadd.s32 $0x400, s0;
	s2 =	sadd.s32 $0x200, s26;
	v6 =	vmul.f32 v30, v1;
	v29 =	vsub.f32 $0.0e+00, v9;
	v13 =	vand.u32 $0x7FFFFFFF, v3  }
0xc2: {  	s7 =	sand.u32 $0x7800, s12;
	s17 =	sand.u32 $0x200, s2;
	v16 =	vmul.f32 v14, v10;
	v12 =	vsub.f32 $0.0e+00, v8;
	v4 =	vmul.f32 v13, v1  }
0xc3: {  	s3 =	sor.u32 s7, s17;
	v37 =	vmul.f32 v34, v10;
	v31 =	vsub.f32 $0.0e+00, v6;
	v15 =	vmul.f32 $1.442695020e+00, v29  }
0xc4: {  	s3 =	sor.u32 s24, s3;
	v36 =	vmul.f32 v14, v7;
	v12 =	vmul.f32 $1.442695020e+00, v12;
	v32 =	vsub.f32 $0.0e+00, v4  }
0xc5: {  	v39 =	vld [tilespmem:s3+$0x4000];
	v11 =	vsub.f32 v11, v9;
	v33 =	vmul.f32 $1.442695020e+00, v31;
	(erf) = vpow2.f32 v15  }
0xc6: {  	(erf) = vpow2.f32 v12;
	v15 =	vmul.f32 $1.442695020e+00, v32  }
0xc7: {  	v35 =	vsub.f32 v16, v9;
	v11 =	vmul.f32 $1.442695020e+00, v11;
	(erf) = vpow2.f32 v33  }
0xc8: {  	s4 =	sadd.s32 $0x3, s25;
	v40 =	vmul.f32 v34, v7;
	(erf) = vpow2.f32 v15  }
0xc9: {  	p1 =	sgt.s32 s4, $0x0;
	v12 =	vmul.f32 $1.442695020e+00, v35;
	(erf) = vpow2.f32 v11;
	v11 =	vsub.f32 v36, v8  }
0xca: {  	s6 =	sadd.s32 $0x2, s25;
	s4 =	simm.s32 @!p1 $0x0;
	s17 =	sor.u32 $0xC080, s11;
	v38 =	vsub.f32 v37, v9;
	v19 =	vmul.f32 v39, v10;
	v13 =	vmul.f32 v34, v5  }
0xcb: {  	p1 =	sgt.s32 s6, $0x0;
	s4 =	scvt.s32.f32 s4;
	v17 =	vld [tilespmem:s17+$0x0];
	s17 =	sadd.s32 $0x1, s25;
	(erf) = vpow2.f32 v12;
	v11 =	vmul.f32 $1.442695020e+00, v11  }
0xcc: {  	s18 =	sor.u32 $0xC100, s11;
	s6 =	simm.s32 @!p1 $0x0;
	p1 =	sgt.s32 s17, $0x0;
	v47 =	vmul.f32 v39, v7;
	v42 =	vsub.f32 v40, v8;
	v12 =	vmul.f32 $1.442695020e+00, v38  }
0xcd: {  	s6 =	scvt.s32.f32 s6;
	s4 =	ssub.f32 $0.0e+00, s4;
	s17 =	simm.s32 @!p1 $0x0;
	v48 =	vmul.f32 v39, v5;
	v44 =	vsub.f32 v13, v6;
	(erf) = vpow2.f32 v11  }
0xce: {  	v21 =	vld [tilespmem:s18+$0x0];
	s18 =	sadd.s32 $0x500, s0;
	s7 =	sadd.s32 $0x280, s26;
	s17 =	scvt.s32.f32 s17;
	v46 =	vsub.f32 v19, v9;
	v41 =	vpop (erf);
	v11 =	vmul.f32 $1.442695020e+00, v42;
	(erf) = vpow2.f32 v12  }
0xcf: {  	v16 =	vmul.f32 s4, v41;
	s4 =	ssub.f32 $0.0e+00, s6;
	v12 =	vmul.f32 $1.442695020e+00, v44;
	s6 =	sand.u32 $0x7800, s18;
	s18 =	sand.u32 $0x280, s7  }
0xd0: {  	v18 =	vpop (erf);
	(erf) = vpow2.f32 v11;
	v11 =	vmul.f32 $1.442695020e+00, v46;
	s6 =	sor.u32 s6, s18  }
0xd1: {  	v14 =	vmul.f32 v39, v3;
	v43 =	vpop (erf);
	s18 =	ssub.f32 $0.0e+00, s17;
	(erf) = vpow2.f32 v12;
	v12 =	vsub.f32 v47, v8;
	s6 =	sor.u32 s24, s6  }
0xd2: {  	v50 =	vsub.f32 v48, v6;
	s7 =	sor.u32 $0xC180, s11;
	v18 =	vmul.f32 s4, v18;
	v45 =	vpop (erf);
	(erf) = vpow2.f32 v11;
	v51 =	vld [tilespmem:s6+$0x4000]  }
0xd3: {  	v22 =	vld [tilespmem:s7+$0x0];
	s7 =	sadd.s32 $0x300, s26;
	s4 =	sadd.s32 $0x600, s0;
	v15 =	vmul.f32 s18, v43;
	v20 =	vpop (erf);
	v12 =	vmul.f32 $1.442695020e+00, v12  }
0xd4: {  	v58 =	vld [tilespmem:s3+$0xC000];
	v55 =	vsub.f32 v14, v4;
	v11 =	vmul.f32 $1.442695020e+00, v50;
	s3 =	sand.u32 $0x7800, s4;
	s4 =	sand.u32 $0x300, s7;
	v17 =	vmul.f32 v20, v17;
	v49 =	vpop (erf)  }
0xd5: {  	s3 =	sor.u32 s3, s4;
	v16 =	vadd.f32 v20, v16;
	v23 =	vmul.f32 v49, v21;
	(erf) = vpow2.f32 v12  }
0xd6: {  	s4 =	sor.u32 s24, s3;
	v17 =	vadd.f32 $0.0e+00, v17;
	(erf) = vpow2.f32 v11;
	v11 =	vmul.f32 $1.442695020e+00, v55  }
0xd7: {  	p1 =	sgt.s32 s25, $0x0;
	s3 =	smov.u32 s25;
	v25 =	vld [tilespmem:s4+$0x4000];
	v16 =	vadd.f32 v49, v16;
	v52 =	vpop (erf);
	v59 =	vmul.f32 v51, v10;
	v63 =	vmul.f32 v51, v7  }
0xd8: {  	s3 =	simm.s32 @!p1 $0x0;
	v29 =	vmul.f32 v51, v5;
	v19 =	vmul.f32 v51, v3;
	v17 =	vadd.f32 v23, v17;
	v53 =	vpop (erf)  }
0xd9: {  	s3 =	scvt.s32.f32 s3;
	v18 =	vadd.f32 v52, v18;
	v20 =	vmul.f32 v52, v21;
	v16 =	vadd.f32 v53, v16  }
0xda: {  	(erf) = vpow2.f32 v11;
	v62 =	vsub.f32 v59, v9;
	v11 =	vsub.f32 v63, v8  }
0xdb: {  	s3 =	ssub.f32 $0.0e+00, s3;
	v54 =	vmul.f32 v53, v22;
	v57 =	vpop (erf);
	v31 =	vsub.f32 v29, v6;
	v35 =	vsub.f32 v19, v4  }
0xdc: {  	v56 =	vadd.f32 $0.0e+00, v20;
	v60 =	vmul.f32 v57, v22;
	v36 =	vmul.f32 v25, v10  }
0xdd: {  	v18 =	vadd.f32 v57, v18;
	v38 =	vmul.f32 v25, v7;
	v13 =	vmul.f32 s3, v45  }
0xde: {  	v53 =	vld [tilespmem:s11+$0x4800];
	v24 =	vpop (erf);
	v42 =	vmul.f32 v25, v5;
	v25 =	vmul.f32 v25, v3;
	v12 =	vadd.f32 v54, v17  }
0xdf: {  	s17 =	sadd.s32 $0x700, s0;
	s18 =	sadd.s32 $0x380, s26;
	v61 =	vmul.f32 v24, v22;
	v15 =	vadd.f32 v24, v15;
	v22 =	vmul.f32 $1.442695020e+00, v62  }
0xe0: {  	s7 =	sand.u32 $0x7800, s17;
	s17 =	sand.u32 $0x380, s18;
	v28 =	vpop (erf);
	v11 =	vmul.f32 $1.442695020e+00, v11;
	v17 =	vmul.f32 $1.442695020e+00, v31;
	v14 =	vadd.f32 v60, v56  }
0xe1: {  	v37 =	vld [tilespmem:s6+$0xC000];
	s18 =	sor.u32 s7, s17;
	v30 =	vmul.f32 v28, v58;
	v16 =	vadd.f32 v28, v16;
	(erf) = vpow2.f32 v22  }
0xe2: {  	s6 =	sadd.s32 $0x900, s0;
	s7 =	sadd.s32 $0x480, s26;
	v55 =	vld [tilespmem:s4+$0xC000];
	s3 =	sor.u32 s24, s18;
	v40 =	vsub.f32 v38, v8;
	v44 =	vsub.f32 v42, v6;
	(erf) = vpow2.f32 v11  }
0xe3: {  	s4 =	sand.u32 $0x7800, s6;
	s6 =	sand.u32 $0x280, s7;
	v41 =	vld [tilespmem:s3+$0x4000];
	v20 =	vadd.f32 $0.0e+00, v61;
	v11 =	vmul.f32 $1.442695020e+00, v35;
	v59 =	vmul.f32 v53, v10  }
0xe4: {  	s4 =	sor.u32 s4, s6;
	v12 =	vadd.f32 v30, v12;
	v32 =	vpop (erf);
	v61 =	vmul.f32 v53, v7;
	v30 =	vmul.f32 v53, v5  }
0xe5: {  	s4 =	sor.u32 s24, s4;
	v45 =	vsub.f32 v25, v4;
	v31 =	vmul.f32 v53, v3;
	v22 =	vmul.f32 v32, v58;
	v33 =	vpop (erf)  }
0xe6: {  	v28 =	vld [tilespmem:s4+$0x4000];
	v18 =	vadd.f32 v32, v18;
	(erf) = vpow2.f32 v17;
	v34 =	vmul.f32 v33, v58  }
0xe7: {  	v17 =	vsub.f32 v36, v9;
	(erf) = vpow2.f32 v11;
	v11 =	vmul.f32 $1.442695020e+00, v40  }
0xe8: {  	v15 =	vadd.f32 v33, v15;
	v47 =	vmul.f32 v41, v10;
	v48 =	vmul.f32 v41, v7  }
0xe9: {  	v54 =	vmul.f32 v41, v5;
	v63 =	vsub.f32 v59, v9;
	v27 =	vsub.f32 v61, v8  }
0xea: {  	v33 =	vsub.f32 v30, v6;
	v35 =	vsub.f32 v31, v4;
	v17 =	vmul.f32 $1.442695020e+00, v17  }
0xeb: {  	v14 =	vadd.f32 v22, v14;
	v39 =	vpop (erf);
	v22 =	vmul.f32 v41, v3;
	v36 =	vmul.f32 v28, v10  }
0xec: {  	v38 =	vmul.f32 v28, v7;
	v20 =	vadd.f32 v34, v20;
	v21 =	vmul.f32 v39, v58  }
0xed: {  	v13 =	vadd.f32 v39, v13;
	v50 =	vsub.f32 v47, v9;
	(erf) = vpow2.f32 v17  }
0xee: {  	v52 =	vsub.f32 v48, v8;
	v17 =	vmul.f32 $1.442695020e+00, v44;
	v44 =	vmul.f32 v28, v5  }
0xef: {  	v57 =	vsub.f32 v54, v6;
	(erf) = vpow2.f32 v11;
	v11 =	vmul.f32 $1.442695020e+00, v45  }
0xf0: {  	v58 =	vsub.f32 v22, v4;
	(erf) = vpow2.f32 v17;
	v17 =	vmul.f32 $1.442695020e+00, v50  }
0xf1: {  	s17 =	sadd.s32 $0xA00, s0;
	s18 =	sadd.s32 $0x500, s26;
	v40 =	vsub.f32 v36, v9;
	v43 =	vpop (erf);
	(erf) = vpow2.f32 v11;
	v11 =	vmul.f32 $1.442695020e+00, v52  }
0xf2: {  	s6 =	sand.u32 $0x7800, s17;
	s7 =	sand.u32 $0x300, s18;
	v42 =	vsub.f32 v38, v8;
	v26 =	vmul.f32 v43, v37;
	v46 =	vpop (erf);
	(erf) = vpow2.f32 v17  }
0xf3: {  	s7 =	sor.u32 s6, s7;
	v21 =	vadd.f32 $0.0e+00, v21;
	v17 =	vmul.f32 $1.442695020e+00, v57;
	v23 =	vmul.f32 v46, v37  }
0xf4: {  	s6 =	sor.u32 s24, s7;
	v47 =	vsub.f32 v44, v6;
	v49 =	vpop (erf);
	(erf) = vpow2.f32 v11;
	v11 =	vmul.f32 $1.442695020e+00, v58  }
0xf5: {  	v16 =	vadd.f32 v43, v16;
	v43 =	vld [tilespmem:s6+$0x4000];
	v51 =	vmul.f32 v49, v37;
	v56 =	vpop (erf);
	(erf) = vpow2.f32 v17  }
0xf6: {  	v18 =	vadd.f32 v46, v18;
	v17 =	vmul.f32 $1.442695020e+00, v63;
	v19 =	vmul.f32 v56, v37  }
0xf7: {  	v12 =	vadd.f32 v26, v12;
	(erf) = vpow2.f32 v11;
	v11 =	vmul.f32 $1.442695020e+00, v27  }
0xf8: {  	v15 =	vadd.f32 v49, v15;
	(erf) = vpow2.f32 v17;
	v17 =	vmul.f32 $1.442695020e+00, v33  }
0xf9: {  	v14 =	vadd.f32 v23, v14;
	(erf) = vpow2.f32 v11;
	v11 =	vmul.f32 $1.442695020e+00, v35  }
0xfa: {  	v19 =	vadd.f32 v19, v21;
	v21 =	vmul.f32 v28, v3;
	v50 =	vmul.f32 v43, v10  }
0xfb: {  	v20 =	vadd.f32 v51, v20;
	v60 =	vpop (erf);
	v51 =	vmul.f32 v43, v7;
	v57 =	vmul.f32 v43, v5  }
0xfc: {  	v13 =	vadd.f32 v56, v13;
	v25 =	vmul.f32 v43, v3;
	v62 =	vmul.f32 v60, v55  }
0xfd: {  	s17 =	sadd.s32 $0xB00, s0;
	s18 =	sadd.s32 $0x580, s26;
	v16 =	vadd.f32 v60, v16;
	v29 =	vpop (erf);
	(erf) = vpow2.f32 v17;
	v17 =	vmul.f32 $1.442695020e+00, v40  }
0xfe: {  	s7 =	sand.u32 $0x380, s18;
	v37 =	vld [tilespmem:s3+$0xC000];
	s3 =	sand.u32 $0x7800, s17;
	v18 =	vadd.f32 v29, v18;
	v22 =	vmul.f32 v29, v55;
	(erf) = vpow2.f32 v11  }
0xff: {  	s3 =	sor.u32 s3, s7;
	v32 =	vpop (erf);
	v11 =	vmul.f32 $1.442695020e+00, v42;
	v48 =	vsub.f32 v21, v4;
	v53 =	vsub.f32 v50, v9  }
0x100: {  	s18 =	sadd.s32 $0x600, s26;
	s17 =	sadd.s32 $0xC00, s0;
	s3 =	sor.u32 s24, s3;
	v60 =	vsub.f32 v57, v6;
	v12 =	vadd.f32 v62, v12;
	v34 =	vmul.f32 v32, v55;
	v39 =	vpop (erf)  }
0x101: {  	s7 =	sand.u32 $0x7800, s17;
	s17 =	sand.u32 $0x200, s18;
	v56 =	vld [tilespmem:s3+$0x4000];
	v15 =	vadd.f32 v32, v15;
	v62 =	vsub.f32 v25, v4;
	v41 =	vmul.f32 v39, v55  }
0x102: {  	s7 =	sor.u32 s7, s17;
	v14 =	vadd.f32 v22, v14;
	v45 =	vpop (erf);
	(erf) = vpow2.f32 v17;
	v17 =	vmul.f32 $1.442695020e+00, v47  }
0x103: {  	s17 =	sor.u32 s24, s7;
	v13 =	vadd.f32 v39, v13;
	v46 =	vmul.f32 v45, v37;
	(erf) = vpow2.f32 v11;
	v49 =	vpop (erf)  }
0x104: {  	v33 =	vld [tilespmem:s17+$0x4000];
	v55 =	vsub.f32 v51, v8;
	v11 =	vmul.f32 $1.442695020e+00, v48;
	v21 =	vmul.f32 v49, v37  }
0x105: {  	v20 =	vadd.f32 v34, v20;
	v52 =	vpop (erf);
	(erf) = vpow2.f32 v17;
	v17 =	vmul.f32 $1.442695020e+00, v53  }
0x106: {  	v16 =	vadd.f32 v45, v16;
	v63 =	vmul.f32 v56, v10;
	v29 =	vmul.f32 v56, v7  }
0x107: {  	v19 =	vadd.f32 v41, v19;
	v35 =	vmul.f32 v56, v5;
	v23 =	vmul.f32 v56, v3  }
0x108: {  	v18 =	vadd.f32 v49, v18;
	v54 =	vmul.f32 v52, v37;
	(erf) = vpow2.f32 v11  }
0x109: {  	s18 =	sadd.s32 $0x680, s26;
	s7 =	sadd.s32 $0xD00, s0;
	v12 =	vadd.f32 v46, v12;
	v11 =	vmul.f32 $1.442695020e+00, v55;
	v40 =	vmul.f32 v33, v10  }
0x10a: {  	s18 =	sand.u32 $0x280, s18;
	s7 =	sand.u32 $0x7800, s7;
	v15 =	vadd.f32 v52, v15;
	v59 =	vpop (erf);
	v42 =	vmul.f32 v33, v7;
	v48 =	vmul.f32 v33, v5  }
0x10b: {  	v58 =	vld [tilespmem:s11+$0xC800];
	s7 =	sor.u32 s7, s18;
	v14 =	vadd.f32 v21, v14;
	(erf) = vpow2.f32 v17;
	v13 =	vadd.f32 v59, v13  }
0x10c: {  	s18 =	sor.u32 s24, s7;
	v61 =	vmul.f32 v59, v37;
	v31 =	vsub.f32 v63, v9;
	v32 =	vsub.f32 v29, v8  }
0x10d: {  	v47 =	vld [tilespmem:s18+$0x4000];
	v17 =	vmul.f32 $1.442695020e+00, v60;
	v37 =	vsub.f32 v35, v6;
	v39 =	vsub.f32 v23, v4  }
0x10e: {  	v28 =	vpop (erf);
	v21 =	vmul.f32 v33, v3;
	v20 =	vadd.f32 v54, v20;
	(erf) = vpow2.f32 v11  }
0x10f: {  	v11 =	vmul.f32 $1.442695020e+00, v62;
	v16 =	vadd.f32 v28, v16;
	v44 =	vsub.f32 v40, v9  }
0x110: {  	v30 =	vmul.f32 v28, v58;
	v46 =	vsub.f32 v42, v8;
	v51 =	vsub.f32 v48, v6  }
0x111: {  	v34 =	vpop (erf);
	v19 =	vadd.f32 v61, v19;
	(erf) = vpow2.f32 v17;
	v17 =	vmul.f32 $1.442695020e+00, v31  }
0x112: {  	v18 =	vadd.f32 v34, v18;
	v22 =	vmul.f32 v34, v58;
	v53 =	vmul.f32 v47, v10  }
0x113: {  	s7 =	sadd.s32 $0x700, s26;
	v41 =	vld [tilespmem:s4+$0xC000];
	s4 =	sadd.s32 $0xE00, s0;
	v52 =	vsub.f32 v21, v4;
	v55 =	vmul.f32 v47, v7;
	v62 =	vmul.f32 v47, v5  }
0x114: {  	s7 =	sand.u32 $0x300, s7;
	s4 =	sand.u32 $0x7800, s4;
	v36 =	vpop (erf);
	v25 =	vmul.f32 v47, v3;
	(erf) = vpow2.f32 v11;
	v12 =	vadd.f32 v30, v12  }
0x115: {  	s4 =	sor.u32 s4, s7;
	v11 =	vmul.f32 $1.442695020e+00, v32;
	v38 =	vmul.f32 v36, v58;
	v15 =	vadd.f32 v36, v15  }
0x116: {  	s4 =	sor.u32 s24, s4;
	v43 =	vpop (erf);
	(erf) = vpow2.f32 v17;
	v14 =	vadd.f32 v22, v14;
	v17 =	vmul.f32 $1.442695020e+00, v37  }
0x117: {  	v61 =	vld [tilespmem:s4+$0x4000];
	v45 =	vmul.f32 v43, v58;
	v13 =	vadd.f32 v43, v13;
	v58 =	vsub.f32 v53, v9  }
0x118: {  	v63 =	vld [tilespmem:s6+$0xC000];
	s6 =	sadd.s32 $0xF00, s0;
	s7 =	sadd.s32 $0x780, s26;
	v60 =	vsub.f32 v55, v8;
	v34 =	vsub.f32 v62, v6;
	(erf) = vpow2.f32 v11  }
0x119: {  	s6 =	sand.u32 $0x7800, s6;
	s7 =	sand.u32 $0x380, s7;
	v35 =	vsub.f32 v25, v4;
	v11 =	vmul.f32 $1.442695020e+00, v39;
	v49 =	vpop (erf);
	(erf) = vpow2.f32 v17  }
0x11a: {  	s6 =	sor.u32 s6, s7;
	v20 =	vadd.f32 v38, v20;
	v17 =	vmul.f32 $1.442695020e+00, v44;
	v50 =	vmul.f32 v49, v41  }
0x11b: {  	s6 =	sor.u32 s24, s6;
	v19 =	vadd.f32 v45, v19;
	v27 =	vpop (erf);
	(erf) = vpow2.f32 v11;
	v11 =	vmul.f32 $1.442695020e+00, v46  }
0x11c: {  	v42 =	vld [tilespmem:s6+$0x4000];
	v16 =	vadd.f32 v49, v16;
	v56 =	vmul.f32 v27, v41;
	v36 =	vmul.f32 v61, v10  }
0x11d: {  	v18 =	vadd.f32 v27, v18;
	v38 =	vmul.f32 v61, v7;
	v43 =	vmul.f32 v61, v5  }
0x11e: {  	v55 =	vld [tilespmem:s11+$0x5000];
	v54 =	vpop (erf);
	v24 =	vmul.f32 v61, v3;
	(erf) = vpow2.f32 v17;
	v12 =	vadd.f32 v50, v12  }
0x11f: {  	v17 =	vmul.f32 $1.442695020e+00, v51;
	v59 =	vmul.f32 v54, v41;
	v15 =	vadd.f32 v54, v15  }
0x120: {  	v57 =	vpop (erf);
	(erf) = vpow2.f32 v11;
	v11 =	vmul.f32 $1.442695020e+00, v52;
	v14 =	vadd.f32 v56, v14  }
0x121: {  	v23 =	vmul.f32 v57, v41;
	v13 =	vadd.f32 v57, v13;
	v49 =	vmul.f32 v42, v10  }
0x122: {  	v40 =	vsub.f32 v36, v9;
	v30 =	vmul.f32 v42, v7;
	v56 =	vmul.f32 v42, v5  }
0x123: {  	v41 =	vsub.f32 v38, v8;
	v25 =	vmul.f32 v42, v3;
	v62 =	vmul.f32 v55, v10  }
0x124: {  	v46 =	vsub.f32 v43, v6;
	v38 =	vmul.f32 v55, v7;
	v22 =	vmul.f32 v55, v3  }
0x125: {  	v28 =	vpop (erf);
	v48 =	vsub.f32 v24, v4;
	(erf) = vpow2.f32 v17;
	v17 =	vmul.f32 $1.442695020e+00, v58  }
0x126: {  	v20 =	vadd.f32 v59, v20;
	v33 =	vpop (erf);
	v39 =	vmul.f32 v28, v63;
	v16 =	vadd.f32 v28, v16  }
0x127: {  	(erf) = vpow2.f32 v11;
	v19 =	vadd.f32 v23, v19;
	v18 =	vadd.f32 v33, v18  }
0x128: {  	v11 =	vmul.f32 $1.442695020e+00, v60;
	v52 =	vsub.f32 v49, v9;
	v54 =	vsub.f32 v30, v8  }
0x129: {  	v50 =	vld [tilespmem:s3+$0xC000];
	v21 =	vmul.f32 v33, v63;
	v59 =	vsub.f32 v56, v6;
	v61 =	vsub.f32 v25, v4  }
0x12a: {  	v37 =	vpop (erf);
	(erf) = vpow2.f32 v17;
	v17 =	vmul.f32 $1.442695020e+00, v34;
	v12 =	vadd.f32 v39, v12  }
0x12b: {  	v47 =	vmul.f32 v37, v63;
	v15 =	vadd.f32 v37, v15;
	v39 =	vsub.f32 v62, v9  }
0x12c: {  	s7 =	sadd.s32 $0x880, s26;
	s3 =	sadd.s32 $0x1100, s0;
	v29 =	vpop (erf);
	(erf) = vpow2.f32 v11;
	v11 =	vmul.f32 $1.442695020e+00, v35;
	v14 =	vadd.f32 v21, v14  }
0x12d: {  	s7 =	sand.u32 $0x280, s7;
	s3 =	sand.u32 $0x7800, s3;
	v44 =	vpop (erf);
	v53 =	vmul.f32 v29, v63;
	v13 =	vadd.f32 v29, v13;
	(erf) = vpow2.f32 v17  }
0x12e: {  	s3 =	sor.u32 s3, s7;
	v17 =	vmul.f32 $1.442695020e+00, v40;
	v20 =	vadd.f32 v47, v20;
	v58 =	vmul.f32 v44, v50  }
0x12f: {  	s3 =	sor.u32 s24, s3;
	v45 =	vpop (erf);
	v16 =	vadd.f32 v44, v16;
	v40 =	vsub.f32 v38, v8;
	(erf) = vpow2.f32 v11  }
0x130: {  	v32 =	vld [tilespmem:s3+$0x4000];
	v11 =	vmul.f32 $1.442695020e+00, v41;
	v19 =	vadd.f32 v53, v19;
	v60 =	vmul.f32 v45, v50  }
0x131: {  	v18 =	vadd.f32 v45, v18;
	v41 =	vmul.f32 v55, v5;
	v45 =	vsub.f32 v22, v4  }
0x132: {  	v51 =	vpop (erf);
	(erf) = vpow2.f32 v17;
	v17 =	vmul.f32 $1.442695020e+00, v46;
	v12 =	vadd.f32 v58, v12  }
0x133: {  	v26 =	vpop (erf);
	v33 =	vmul.f32 v51, v50;
	v15 =	vadd.f32 v51, v15;
	(erf) = vpow2.f32 v11  }
0x134: {  	v37 =	vld [tilespmem:s17+$0xC000];
	v11 =	vmul.f32 $1.442695020e+00, v48;
	v23 =	vmul.f32 v26, v50;
	v14 =	vadd.f32 v60, v14  }
0x135: {  	v43 =	vsub.f32 v41, v6;
	v44 =	vmul.f32 v32, v10;
	v46 =	vmul.f32 v32, v7  }
0x136: {  	v36 =	vmul.f32 v32, v5;
	v32 =	vmul.f32 v32, v3;
	v13 =	vadd.f32 v26, v13  }
0x137: {  	v57 =	vpop (erf);
	(erf) = vpow2.f32 v17;
	v17 =	vmul.f32 $1.442695020e+00, v52;
	v20 =	vadd.f32 v33, v20  }
0x138: {  	v31 =	vpop (erf);
	(erf) = vpow2.f32 v11;
	v11 =	vmul.f32 $1.442695020e+00, v54;
	v25 =	vsub.f32 v44, v9  }
0x139: {  	v22 =	vsub.f32 v46, v8;
	v54 =	vmul.f32 v57, v37;
	v56 =	vmul.f32 v31, v37  }
0x13a: {  	v63 =	vpop (erf);
	v48 =	vsub.f32 v36, v6;
	(erf) = vpow2.f32 v17;
	v17 =	vmul.f32 $1.442695020e+00, v59  }
0x13b: {  	v50 =	vsub.f32 v32, v4;
	v58 =	vmul.f32 v63, v37;
	(erf) = vpow2.f32 v11  }
0x13c: {  	v52 =	vld [tilespmem:s18+$0xC000];
	v55 =	vadd.f32 v23, v19;
	v11 =	vmul.f32 $1.442695020e+00, v61;
	v47 =	vmul.f32 $1.442695020e+00, v25  }
0x13d: {  	v57 =	vadd.f32 v57, v16;
	v34 =	vpop (erf);
	v49 =	vmul.f32 $1.442695020e+00, v22;
	v51 =	vmul.f32 $1.442695020e+00, v48  }
0x13e: {  	v18 =	vadd.f32 v31, v18;
	v53 =	vmul.f32 $1.442695020e+00, v50;
	v59 =	vmul.f32 v34, v37  }
0x13f: {  	v15 =	vadd.f32 v63, v15;
	v28 =	vpop (erf);
	(erf) = vpow2.f32 v17;
	v17 =	vmul.f32 $1.442695020e+00, v39  }
0x140: {  	v12 =	vadd.f32 v54, v12;
	v42 =	vpop (erf);
	(erf) = vpow2.f32 v11;
	v11 =	vmul.f32 $1.442695020e+00, v40  }
0x141: {  	v14 =	vadd.f32 v56, v14;
	v30 =	vpop (erf);
	v62 =	vmul.f32 v28, v52;
	v37 =	vmul.f32 v42, v52  }
0x142: {  	v13 =	vadd.f32 v34, v13;
	(erf) = vpow2.f32 v17;
	v35 =	vpop (erf);
	v17 =	vmul.f32 $1.442695020e+00, v43  }
0x143: {  	v60 =	vld [tilespmem:s4+$0xC000];
	v16 =	vadd.f32 v58, v20;
	(erf) = vpow2.f32 v11;
	v38 =	vpop (erf);
	v11 =	vmul.f32 $1.442695020e+00, v45  }
0x144: {  	v18 =	vadd.f32 v42, v18;
	v40 =	vmul.f32 v30, v52;
	v39 =	vpop (erf);
	(erf) = vpow2.f32 v17  }
0x145: {  	v15 =	vadd.f32 v30, v15;
	v12 =	vadd.f32 v62, v12;
	v36 =	vpop (erf);
	(erf) = vpow2.f32 v11  }
0x146: {  	v14 =	vadd.f32 v37, v14;
	v42 =	vmul.f32 v35, v52;
	v24 =	vpop (erf);
	(erf) = vpow2.f32 v47  }
0x147: {  	v13 =	vadd.f32 v35, v13;
	v17 =	vadd.f32 v59, v55;
	v32 =	vpop (erf);
	(erf) = vpow2.f32 v49  }
0x148: {  	v43 =	vld [tilespmem:s6+$0xC000];
	v16 =	vadd.f32 v40, v16;
	v45 =	vmul.f32 v38, v60;
	v26 =	vpop (erf);
	(erf) = vpow2.f32 v51  }
0x149: {  	v11 =	vadd.f32 v28, v57;
	v18 =	vadd.f32 v39, v18;
	v23 =	vpop (erf);
	(erf) = vpow2.f32 v53  }
0x14a: {  	v17 =	vadd.f32 v42, v17;
	v47 =	vmul.f32 v39, v60;
	v12 =	vadd.f32 v45, v12;
	v21 =	vpop (erf)  }
0x14b: {  	v50 =	vmul.f32 v36, v60;
	v15 =	vadd.f32 v36, v15;
	v11 =	vadd.f32 v38, v11;
	v61 =	vpop (erf)  }
0x14c: {  	v48 =	vld [tilespmem:s11+$0xD000];
	v13 =	vadd.f32 v24, v13;
	v14 =	vadd.f32 v47, v14;
	v63 =	vpop (erf)  }
0x14d: {  	v16 =	vadd.f32 v50, v16;
	v55 =	vmul.f32 v32, v43;
	v53 =	vmul.f32 v24, v60;
	v33 =	vpop (erf)  }
0x14e: {  	s17 =	sadd.s32 $0x1200, s0;
	s18 =	sadd.s32 $0x900, s26;
	v56 =	vmul.f32 v26, v43;
	v11 =	vadd.f32 v32, v11;
	v18 =	vadd.f32 v26, v18;
	v41 =	vpop (erf)  }
0x14f: {  	s4 =	sand.u32 $0x7800, s17;
	s6 =	sand.u32 $0x300, s18;
	v12 =	vadd.f32 v55, v12;
	v57 =	vmul.f32 v23, v43;
	v15 =	vadd.f32 v23, v15;
	v44 =	vpop (erf)  }
0x150: {  	s17 =	sadd.s32 $0x1300, s0;
	s18 =	sadd.s32 $0x980, s26;
	s4 =	sor.u32 s4, s6;
	v51 =	vld [tilespmem:s3+$0xC000];
	v17 =	vadd.f32 v53, v17;
	v14 =	vadd.f32 v56, v14;
	v58 =	vmul.f32 v21, v43;
	v46 =	vpop (erf)  }
0x151: {  	s6 =	sand.u32 $0x380, s18;
	s7 =	sor.u32 s24, s4;
	s4 =	sand.u32 $0x7800, s17;
	v13 =	vadd.f32 v21, v13;
	v16 =	vadd.f32 v57, v16;
	v60 =	vmul.f32 v61, v48;
	v49 =	vpop (erf)  }
0x152: {  	s4 =	sor.u32 s4, s6;
	v11 =	vadd.f32 v61, v11;
	v17 =	vadd.f32 v58, v17;
	v61 =	vmul.f32 v63, v48;
	v52 =	vpop (erf)  }
0x153: {  	s4 =	sor.u32 s24, s4;
	v18 =	vadd.f32 v63, v18;
	v12 =	vadd.f32 v60, v12;
	v31 =	vmul.f32 v33, v48;
	v54 =	vld [tilespmem:s7+$0x4000]  }
0x154: {  	v15 =	vadd.f32 v33, v15;
	v14 =	vadd.f32 v61, v14;
	v32 =	vmul.f32 v41, v48;
	v34 =	vld [tilespmem:s4+$0x4000]  }
0x155: {  	s6 =	sadd.s32 $0x1400, s0;
	v13 =	vadd.f32 v41, v13;
	v16 =	vadd.f32 v31, v16;
	v36 =	vmul.f32 v44, v51;
	v41 =	vld [tilespmem:s7+$0xC000];
	s7 =	sadd.s32 $0xA00, s26  }
0x156: {  	s3 =	sand.u32 $0x7800, s6;
	v11 =	vadd.f32 v44, v11;
	v17 =	vadd.f32 v32, v17;
	v39 =	vmul.f32 v46, v51;
	s6 =	sand.u32 $0x200, s7  }
0x157: {  	s18 =	sadd.s32 $0xA80, s26;
	s17 =	sadd.s32 $0x1500, s0;
	v18 =	vadd.f32 v46, v18;
	v12 =	vadd.f32 v36, v12;
	v43 =	vmul.f32 v49, v51;
	s3 =	sor.u32 s3, s6  }
0x158: {  	v15 =	vadd.f32 v49, v15;
	v44 =	vmul.f32 v52, v51;
	s7 =	sand.u32 $0x280, s18;
	s6 =	sand.u32 $0x7800, s17;
	s3 =	sor.u32 s24, s3;
	v59 =	vmul.f32 v54, v10  }
0x159: {  	v14 =	vadd.f32 v39, v14;
	s7 =	sor.u32 s6, s7;
	v49 =	vld [tilespmem:s3+$0x4000];
	v62 =	vmul.f32 v54, v7;
	v63 =	vmul.f32 v54, v5  }
0x15a: {  	v13 =	vadd.f32 v52, v13;
	v56 =	vld [tilespmem:s4+$0xC000];
	s18 =	sadd.s32 $0xB00, s26;
	s17 =	sadd.s32 $0x1600, s0;
	s4 =	sor.u32 s24, s7;
	v22 =	vmul.f32 v54, v3;
	v42 =	vmul.f32 v34, v10  }
0x15b: {  	s6 =	sand.u32 $0x7800, s17;
	s7 =	sand.u32 $0x300, s18;
	v45 =	vmul.f32 v34, v7;
	v60 =	vld [tilespmem:s4+$0x4000];
	v20 =	vsub.f32 v59, v9;
	v19 =	vsub.f32 v62, v8  }
0x15c: {  	v47 =	vmul.f32 v34, v5;
	v21 =	vmul.f32 v34, v3;
	s6 =	sor.u32 s6, s7;
	v23 =	vsub.f32 v42, v9  }
0x15d: {  	v16 =	vadd.f32 v43, v16;
	s6 =	sor.u32 s24, s6;
	v20 =	vmul.f32 $1.442695020e+00, v20;
	v19 =	vmul.f32 $1.442695020e+00, v19  }
0x15e: {  	v17 =	vadd.f32 v44, v17;
	v38 =	vld [tilespmem:s6+$0x4000];
	v23 =	vmul.f32 $1.442695020e+00, v23;
	v55 =	vmul.f32 v49, v10  }
0x15f: {  	v33 =	vsub.f32 v63, v6;
	v57 =	vmul.f32 v49, v7;
	v61 =	vmul.f32 v49, v5  }
0x160: {  	v40 =	vsub.f32 v22, v4;
	v63 =	vmul.f32 v49, v3;
	v32 =	vmul.f32 v60, v10  }
0x161: {  	v50 =	vsub.f32 v47, v6;
	v43 =	vmul.f32 v60, v3;
	(erf) = vpow2.f32 v20  }
0x162: {  	v54 =	vsub.f32 v21, v4;
	v20 =	vmul.f32 $1.442695020e+00, v33;
	(erf) = vpow2.f32 v19  }
0x163: {  	v33 =	vmul.f32 v60, v7;
	v19 =	vsub.f32 v45, v8;
	v45 =	vmul.f32 v38, v10  }
0x164: {  	v59 =	vsub.f32 v57, v8;
	(erf) = vpow2.f32 v20;
	v20 =	vmul.f32 $1.442695020e+00, v40  }
0x165: {  	v29 =	vsub.f32 v61, v6;
	v57 =	vmul.f32 v38, v5;
	v61 =	vmul.f32 v38, v3  }
0x166: {  	s17 =	sadd.s32 $0x1700, s0;
	s18 =	sadd.s32 $0xB80, s26;
	v30 =	vsub.f32 v63, v4;
	v19 =	vmul.f32 $1.442695020e+00, v19;
	(erf) = vpow2.f32 v20  }
0x167: {  	v39 =	vld [tilespmem:s3+$0xC000];
	s3 =	sand.u32 $0x7800, s17;
	s7 =	sand.u32 $0x380, s18;
	v35 =	vsub.f32 v32, v9;
	v20 =	vmul.f32 $1.442695020e+00, v50;
	(erf) = vpow2.f32 v23  }
0x168: {  	s3 =	sor.u32 s3, s7;
	v24 =	vsub.f32 v57, v6;
	(erf) = vpow2.f32 v19;
	v19 =	vmul.f32 $1.442695020e+00, v54  }
0x169: {  	s3 =	sor.u32 s24, s3;
	v37 =	vsub.f32 v33, v8;
	v40 =	vmul.f32 v60, v5;
	(erf) = vpow2.f32 v20  }
0x16a: {  	v24 =	vmul.f32 $1.442695020e+00, v24;
	v20 =	vsub.f32 v55, v9;
	v55 =	vld [tilespmem:s3+$0x4000];
	(erf) = vpow2.f32 v19;
	v46 =	vpop (erf)  }
0x16b: {  	v42 =	vsub.f32 v40, v6;
	v19 =	vmul.f32 $1.442695020e+00, v59;
	v48 =	vmul.f32 v46, v41;
	v51 =	vpop (erf)  }
0x16c: {  	v20 =	vmul.f32 $1.442695020e+00, v20;
	v11 =	vadd.f32 v46, v11;
	v18 =	vadd.f32 v51, v18  }
0x16d: {  	v23 =	vmul.f32 v51, v41;
	v52 =	vpop (erf);
	v51 =	vmul.f32 v38, v7;
	v12 =	vadd.f32 v48, v12  }
0x16e: {  	v53 =	vmul.f32 v52, v41;
	v15 =	vadd.f32 v52, v15;
	v48 =	vsub.f32 v45, v9  }
0x16f: {  	v33 =	vmul.f32 v55, v7;
	v38 =	vmul.f32 v55, v5;
	v14 =	vadd.f32 v23, v14  }
0x170: {  	v58 =	vpop (erf);
	(erf) = vpow2.f32 v20;
	v20 =	vmul.f32 $1.442695020e+00, v29;
	v54 =	vsub.f32 v51, v8  }
0x171: {  	v29 =	vmul.f32 v55, v10;
	v16 =	vadd.f32 v53, v16;
	v22 =	vmul.f32 v58, v41  }
0x172: {  	v13 =	vadd.f32 v58, v13;
	v62 =	vpop (erf);
	(erf) = vpow2.f32 v19;
	v19 =	vmul.f32 $1.442695020e+00, v30  }
0x173: {  	v28 =	vmul.f32 v62, v56;
	v11 =	vadd.f32 v62, v11;
	v31 =	vpop (erf);
	(erf) = vpow2.f32 v20  }
0x174: {  	v20 =	vmul.f32 $1.442695020e+00, v35;
	v17 =	vadd.f32 v22, v17;
	v22 =	vmul.f32 v31, v56  }
0x175: {  	v18 =	vadd.f32 v31, v18;
	v34 =	vpop (erf);
	(erf) = vpow2.f32 v19;
	v19 =	vmul.f32 $1.442695020e+00, v37;
	v37 =	vld [tilespmem:s11+$0x5800]  }
0x176: {  	v31 =	vsub.f32 v29, v9;
	v12 =	vadd.f32 v28, v12;
	v36 =	vmul.f32 v34, v56  }
0x177: {  	v15 =	vadd.f32 v34, v15;
	(erf) = vpow2.f32 v20;
	v20 =	vmul.f32 $1.442695020e+00, v42  }
0x178: {  	v41 =	vpop (erf);
	v14 =	vadd.f32 v22, v14;
	(erf) = vpow2.f32 v19;
	v19 =	vsub.f32 v43, v4  }
0x179: {  	v21 =	vmul.f32 v41, v56;
	v13 =	vadd.f32 v41, v13;
	v16 =	vadd.f32 v36, v16  }
0x17a: {  	v36 =	vsub.f32 v33, v8;
	v19 =	vmul.f32 $1.442695020e+00, v19;
	v43 =	vmul.f32 v37, v10;
	v44 =	vpop (erf)  }
0x17b: {  	v17 =	vadd.f32 v21, v17;
	v45 =	vmul.f32 v37, v7;
	v21 =	vmul.f32 v44, v39  }
0x17c: {  	v11 =	vadd.f32 v44, v11;
	v46 =	vpop (erf);
	(erf) = vpow2.f32 v20;
	v20 =	vmul.f32 $1.442695020e+00, v48  }
0x17d: {  	v49 =	vld [tilespmem:s4+$0xC000];
	v48 =	vsub.f32 v43, v9;
	v47 =	vmul.f32 v46, v39;
	v18 =	vadd.f32 v46, v18  }
0x17e: {  	v50 =	vpop (erf);
	(erf) = vpow2.f32 v19;
	v19 =	vsub.f32 v61, v4;
	v12 =	vadd.f32 v21, v12  }
0x17f: {  	s17 =	sadd.s32 $0x1900, s0;
	s18 =	sadd.s32 $0xC80, s26;
	v15 =	vadd.f32 v50, v15;
	v23 =	vmul.f32 v50, v39;
	v52 =	vpop (erf);
	(erf) = vpow2.f32 v20  }
0x180: {  	s4 =	sand.u32 $0x7800, s17;
	v63 =	vld [tilespmem:s6+$0xC000];
	s6 =	sand.u32 $0x280, s18;
	v20 =	vmul.f32 $1.442695020e+00, v54;
	v14 =	vadd.f32 v47, v14;
	v53 =	vmul.f32 v52, v39  }
0x181: {  	s4 =	sor.u32 s4, s6;
	v13 =	vadd.f32 v52, v13;
	v56 =	vpop (erf);
	v19 =	vmul.f32 $1.442695020e+00, v19;
	v39 =	vmul.f32 v55, v3  }
0x182: {  	s7 =	sor.u32 s24, s4;
	v52 =	vmul.f32 v37, v5;
	v16 =	vadd.f32 v23, v16;
	v58 =	vmul.f32 v56, v49  }
0x183: {  	v50 =	vld [tilespmem:s7+$0x4000];
	v59 =	vpop (erf);
	v11 =	vadd.f32 v56, v11;
	(erf) = vpow2.f32 v20;
	v20 =	vmul.f32 $1.442695020e+00, v31  }
0x184: {  	v17 =	vadd.f32 v53, v17;
	v60 =	vmul.f32 v59, v49;
	v18 =	vadd.f32 v59, v18  }
0x185: {  	(erf) = vpow2.f32 v24;
	v42 =	vsub.f32 v39, v4;
	v24 =	vmul.f32 v37, v3  }
0x186: {  	v54 =	vsub.f32 v52, v6;
	v12 =	vadd.f32 v58, v12;
	(erf) = vpow2.f32 v19  }
0x187: {  	v19 =	vmul.f32 $1.442695020e+00, v36;
	v14 =	vadd.f32 v60, v14;
	(erf) = vpow2.f32 v20  }
0x188: {  	v20 =	vsub.f32 v38, v6;
	v57 =	vmul.f32 v50, v10;
	v61 =	vmul.f32 v50, v7  }
0x189: {  	v56 =	vsub.f32 v24, v4;
	v28 =	vmul.f32 v50, v5;
	v62 =	vpop (erf);
	(erf) = vpow2.f32 v19  }
0x18a: {  	v20 =	vmul.f32 $1.442695020e+00, v20;
	v19 =	vmul.f32 $1.442695020e+00, v42;
	v60 =	vsub.f32 v57, v9  }
0x18b: {  	s17 =	sadd.s32 $0x1A00, s0;
	s18 =	sadd.s32 $0xD00, s26;
	v31 =	vsub.f32 v28, v6;
	v30 =	vmul.f32 v62, v49;
	v15 =	vadd.f32 v62, v15;
	v32 =	vpop (erf)  }
0x18c: {  	s6 =	sand.u32 $0x300, s18;
	s4 =	sand.u32 $0x7800, s17;
	v13 =	vadd.f32 v32, v13;
	v21 =	vmul.f32 v32, v49;
	v34 =	vpop (erf);
	(erf) = vpow2.f32 v20  }
0x18d: {  	s4 =	sor.u32 s4, s6;
	s6 =	sadd.s32 $0x1B00, s0;
	v38 =	vld [tilespmem:s7+$0xC000];
	s7 =	sadd.s32 $0xD80, s26;
	v49 =	vsub.f32 v45, v8;
	v20 =	vmul.f32 $1.442695020e+00, v48;
	v16 =	vadd.f32 v30, v16  }
0x18e: {  	s4 =	sor.u32 s24, s4;
	v47 =	vld [tilespmem:s3+$0xC000];
	s3 =	sand.u32 $0x7800, s6;
	s6 =	sand.u32 $0x380, s7;
	v35 =	vmul.f32 v34, v63;
	v11 =	vadd.f32 v34, v11;
	v40 =	vpop (erf);
	(erf) = vpow2.f32 v19  }
0x18f: {  	s3 =	sor.u32 s3, s6;
	v32 =	vld [tilespmem:s4+$0x4000];
	v17 =	vadd.f32 v21, v17;
	v19 =	vmul.f32 $1.442695020e+00, v49;
	v21 =	vmul.f32 v50, v3  }
0x190: {  	s3 =	sor.u32 s24, s3;
	v12 =	vadd.f32 v35, v12;
	v41 =	vmul.f32 v40, v63;
	v44 =	vpop (erf);
	(erf) = vpow2.f32 v20  }
0x191: {  	v48 =	vld [tilespmem:s3+$0x4000];
	v18 =	vadd.f32 v40, v18;
	v20 =	vmul.f32 $1.442695020e+00, v54;
	v46 =	vmul.f32 v44, v63  }
0x192: {  	v15 =	vadd.f32 v44, v15;
	v51 =	vpop (erf);
	(erf) = vpow2.f32 v19;
	v19 =	vmul.f32 $1.442695020e+00, v56  }
0x193: {  	v36 =	vsub.f32 v21, v4;
	v22 =	vmul.f32 v51, v63;
	v53 =	vpop (erf);
	(erf) = vpow2.f32 v20  }
0x194: {  	s18 =	sadd.s32 $0xE00, s26;
	s17 =	sadd.s32 $0x1C00, s0;
	v14 =	vadd.f32 v41, v14;
	v20 =	vmul.f32 $1.442695020e+00, v60;
	v39 =	vmul.f32 v32, v10  }
0x195: {  	s7 =	sand.u32 $0x200, s18;
	s6 =	sand.u32 $0x7800, s17;
	v13 =	vadd.f32 v51, v13;
	v44 =	vmul.f32 v32, v7;
	v51 =	vmul.f32 v32, v3  }
0x196: {  	s7 =	sor.u32 s6, s7;
	v57 =	vmul.f32 v48, v7;
	v16 =	vadd.f32 v46, v16;
	v55 =	vmul.f32 v53, v47  }
0x197: {  	v56 =	vld [tilespmem:s4+$0xC000];
	s4 =	sor.u32 s24, s7;
	v11 =	vadd.f32 v53, v11;
	v46 =	vmul.f32 v32, v5;
	v17 =	vadd.f32 v22, v17  }
0x198: {  	v60 =	vld [tilespmem:s4+$0x4000];
	v58 =	vpop (erf);
	(erf) = vpow2.f32 v19;
	v19 =	vsub.f32 v61, v8;
	v43 =	vsub.f32 v39, v9  }
0x199: {  	v54 =	vsub.f32 v51, v4;
	v61 =	vmul.f32 v48, v5;
	v12 =	vadd.f32 v55, v12  }
0x19a: {  	v59 =	vmul.f32 v58, v47;
	v18 =	vadd.f32 v58, v18;
	v55 =	vmul.f32 v48, v10  }
0x19b: {  	v63 =	vld [tilespmem:s11+$0xD800];
	v49 =	vsub.f32 v46, v6;
	v62 =	vpop (erf);
	(erf) = vpow2.f32 v20;
	v19 =	vmul.f32 $1.442695020e+00, v19  }
0x19c: {  	v20 =	vmul.f32 $1.442695020e+00, v31;
	v23 =	vmul.f32 $1.442695020e+00, v43;
	v14 =	vadd.f32 v59, v14  }
0x19d: {  	v15 =	vadd.f32 v62, v15;
	v22 =	vmul.f32 v62, v47;
	v32 =	vmul.f32 v60, v10;
	v29 =	vpop (erf)  }
0x19e: {  	v59 =	vsub.f32 v57, v8;
	v43 =	vmul.f32 v60, v3;
	v30 =	vmul.f32 v29, v47  }
0x19f: {  	v16 =	vadd.f32 v22, v16;
	v13 =	vadd.f32 v29, v13;
	v33 =	vpop (erf);
	(erf) = vpow2.f32 v19  }
0x1a0: {  	v19 =	vsub.f32 v44, v8;
	v29 =	vsub.f32 v61, v6;
	v22 =	vmul.f32 v33, v63  }
0x1a1: {  	v11 =	vadd.f32 v33, v11;
	v34 =	vpop (erf);
	(erf) = vpow2.f32 v20;
	v20 =	vmul.f32 $1.442695020e+00, v36  }
0x1a2: {  	v33 =	vmul.f32 v60, v7;
	v17 =	vadd.f32 v30, v17;
	v35 =	vmul.f32 v34, v63  }
0x1a3: {  	v18 =	vadd.f32 v34, v18;
	v37 =	vpop (erf);
	v19 =	vmul.f32 $1.442695020e+00, v19;
	v12 =	vadd.f32 v22, v12  }
0x1a4: {  	s18 =	sadd.s32 $0xE80, s26;
	s17 =	sadd.s32 $0x1D00, s0;
	v40 =	vmul.f32 v37, v63;
	v15 =	vadd.f32 v37, v15;
	(erf) = vpow2.f32 v20  }
0x1a5: {  	s6 =	sand.u32 $0x7800, s17;
	s7 =	sand.u32 $0x280, s18;
	v20 =	vmul.f32 $1.442695020e+00, v49;
	v37 =	vsub.f32 v33, v8;
	v14 =	vadd.f32 v35, v14;
	v41 =	vpop (erf)  }
0x1a6: {  	s17 =	sadd.s32 $0xF00, s26;
	s6 =	sor.u32 s6, s7;
	s7 =	sadd.s32 $0x1E00, s0;
	(erf) = vpow2.f32 v23;
	v35 =	vsub.f32 v32, v9;
	v42 =	vmul.f32 v41, v63  }
0x1a7: {  	s18 =	sand.u32 $0x300, s17;
	v39 =	vld [tilespmem:s3+$0xC000];
	s3 =	sand.u32 $0x7800, s7;
	v16 =	vadd.f32 v40, v16;
	v13 =	vadd.f32 v41, v13;
	(erf) = vpow2.f32 v19  }
0x1a8: {  	s3 =	sor.u32 s3, s18;
	v19 =	vmul.f32 $1.442695020e+00, v54;
	(erf) = vpow2.f32 v20;
	v20 =	vsub.f32 v55, v9  }
0x1a9: {  	s3 =	sor.u32 s24, s3;
	v63 =	vmul.f32 v48, v3;
	v40 =	vmul.f32 v60, v5;
	v45 =	vpop (erf);
	v17 =	vadd.f32 v42, v17  }
0x1aa: {  	v55 =	vld [tilespmem:s3+$0x4000];
	v47 =	vmul.f32 v45, v38;
	v11 =	vadd.f32 v45, v11;
	v20 =	vmul.f32 $1.442695020e+00, v20  }
0x1ab: {  	v30 =	vsub.f32 v63, v4;
	v50 =	vpop (erf);
	(erf) = vpow2.f32 v19;
	v19 =	vmul.f32 $1.442695020e+00, v59  }
0x1ac: {  	v42 =	vsub.f32 v40, v6;
	v21 =	vmul.f32 v50, v38;
	v52 =	vpop (erf);
	(erf) = vpow2.f32 v20  }
0x1ad: {  	v12 =	vadd.f32 v47, v12;
	v20 =	vmul.f32 $1.442695020e+00, v29;
	v53 =	vmul.f32 v52, v38  }
0x1ae: {  	v18 =	vadd.f32 v50, v18;
	(erf) = vpow2.f32 v19;
	v19 =	vmul.f32 $1.442695020e+00, v30  }
0x1af: {  	v15 =	vadd.f32 v52, v15;
	v29 =	vmul.f32 v55, v10;
	v33 =	vmul.f32 v55, v7  }
0x1b0: {  	v14 =	vadd.f32 v21, v14;
	v58 =	vpop (erf);
	(erf) = vpow2.f32 v20;
	v20 =	vmul.f32 $1.442695020e+00, v35  }
0x1b1: {  	s6 =	sor.u32 s24, s6;
	v16 =	vadd.f32 v53, v16;
	v22 =	vmul.f32 v58, v38;
	v62 =	vpop (erf);
	(erf) = vpow2.f32 v19  }
0x1b2: {  	v13 =	vadd.f32 v58, v13;
	v38 =	vld [tilespmem:s6+$0x4000];
	v19 =	vmul.f32 $1.442695020e+00, v37;
	v28 =	vmul.f32 v62, v56;
	v31 =	vpop (erf)  }
0x1b3: {  	v11 =	vadd.f32 v62, v11;
	v17 =	vadd.f32 v22, v17;
	v22 =	vmul.f32 v31, v56  }
0x1b4: {  	v18 =	vadd.f32 v31, v18;
	v34 =	vpop (erf);
	(erf) = vpow2.f32 v20;
	v20 =	vmul.f32 $1.442695020e+00, v42  }
0x1b5: {  	v31 =	vsub.f32 v29, v9;
	v12 =	vadd.f32 v28, v12;
	v36 =	vmul.f32 v34, v56  }
0x1b6: {  	s7 =	sadd.s32 $0xF80, s26;
	v63 =	vld [tilespmem:s6+$0xC000];
	s6 =	sadd.s32 $0x1F00, s0;
	v15 =	vadd.f32 v34, v15;
	v14 =	vadd.f32 v22, v14;
	v41 =	vpop (erf);
	(erf) = vpow2.f32 v19  }
0x1b7: {  	v49 =	vld [tilespmem:s4+$0xC000];
	s4 =	sand.u32 $0x7800, s6;
	s6 =	sand.u32 $0x380, s7;
	v16 =	vadd.f32 v36, v16;
	v45 =	vmul.f32 v38, v10;
	v51 =	vmul.f32 v38, v7  }
0x1b8: {  	s4 =	sor.u32 s4, s6;
	v19 =	vsub.f32 v43, v4;
	v57 =	vmul.f32 v38, v5;
	v61 =	vmul.f32 v38, v3  }
0x1b9: {  	s4 =	sor.u32 s24, s4;
	v36 =	vsub.f32 v33, v8;
	v38 =	vmul.f32 v55, v5;
	v21 =	vmul.f32 v41, v56;
	v44 =	vpop (erf)  }
0x1ba: {  	v37 =	vld [tilespmem:s4+$0x4000];
	v13 =	vadd.f32 v41, v13;
	v11 =	vadd.f32 v44, v11;
	v46 =	vpop (erf);
	(erf) = vpow2.f32 v20  }
0x1bb: {  	v48 =	vsub.f32 v45, v9;
	v19 =	vmul.f32 $1.442695020e+00, v19;
	v54 =	vsub.f32 v51, v8  }
0x1bc: {  	v24 =	vsub.f32 v57, v6;
	v17 =	vadd.f32 v21, v17;
	v21 =	vmul.f32 v44, v39  }
0x1bd: {  	v47 =	vmul.f32 v46, v39;
	v18 =	vadd.f32 v46, v18;
	v50 =	vpop (erf);
	v20 =	vmul.f32 $1.442695020e+00, v48  }
0x1be: {  	v15 =	vadd.f32 v50, v15;
	v23 =	vmul.f32 v50, v39;
	(erf) = vpow2.f32 v19  }
0x1bf: {  	v52 =	vpop (erf);
	v24 =	vmul.f32 $1.442695020e+00, v24;
	v19 =	vsub.f32 v61, v4;
	v43 =	vmul.f32 v37, v10  }
0x1c0: {  	v45 =	vmul.f32 v37, v7;
	v12 =	vadd.f32 v21, v12;
	v53 =	vmul.f32 v52, v39  }
0x1c1: {  	v50 =	vld [tilespmem:s11+$0x6000];
	v13 =	vadd.f32 v52, v13;
	v39 =	vmul.f32 v55, v3;
	v52 =	vmul.f32 v37, v5  }
0x1c2: {  	v14 =	vadd.f32 v47, v14;
	(erf) = vpow2.f32 v20;
	v20 =	vmul.f32 $1.442695020e+00, v54  }
0x1c3: {  	v16 =	vadd.f32 v23, v16;
	v56 =	vpop (erf);
	v19 =	vmul.f32 $1.442695020e+00, v19;
	v48 =	vsub.f32 v43, v9  }
0x1c4: {  	v17 =	vadd.f32 v53, v17;
	v58 =	vmul.f32 v56, v49;
	(erf) = vpow2.f32 v20  }
0x1c5: {  	v11 =	vadd.f32 v56, v11;
	v20 =	vmul.f32 $1.442695020e+00, v31;
	(erf) = vpow2.f32 v24  }
0x1c6: {  	v42 =	vsub.f32 v39, v4;
	v24 =	vmul.f32 v37, v3;
	v57 =	vmul.f32 v50, v10  }
0x1c7: {  	v54 =	vsub.f32 v52, v6;
	v59 =	vpop (erf);
	v61 =	vmul.f32 v50, v7;
	v28 =	vmul.f32 v50, v5  }
0x1c8: {  	v12 =	vadd.f32 v58, v12;
	v60 =	vmul.f32 v59, v49;
	(erf) = vpow2.f32 v19  }
0x1c9: {  	v18 =	vadd.f32 v59, v18;
	v62 =	vpop (erf);
	(erf) = vpow2.f32 v20;
	v20 =	vsub.f32 v38, v6  }
0x1ca: {  	v19 =	vmul.f32 $1.442695020e+00, v36;
	v56 =	vsub.f32 v24, v4;
	v31 =	vsub.f32 v28, v6  }
0x1cb: {  	v14 =	vadd.f32 v60, v14;
	v30 =	vmul.f32 v62, v49;
	v15 =	vadd.f32 v62, v15  }
0x1cc: {  	v60 =	vsub.f32 v57, v9;
	v32 =	vpop (erf);
	(erf) = vpow2.f32 v19;
	v20 =	vmul.f32 $1.442695020e+00, v20  }
0x1cd: {  	v19 =	vmul.f32 $1.442695020e+00, v42;
	v16 =	vadd.f32 v30, v16;
	v21 =	vmul.f32 v32, v49;
	v34 =	vpop (erf)  }
0x1ce: {  	v13 =	vadd.f32 v32, v13;
	v49 =	vsub.f32 v45, v8;
	v35 =	vmul.f32 v34, v63  }
0x1cf: {  	v17 =	vadd.f32 v21, v17;
	v21 =	vmul.f32 v50, v3;
	v40 =	vpop (erf);
	(erf) = vpow2.f32 v20  }
0x1d0: {  	s17 =	sadd.s32 $0x2100, s0;
	s18 =	sadd.s32 $0x1080, s26;
	v11 =	vadd.f32 v34, v11;
	v20 =	vmul.f32 $1.442695020e+00, v48;
	v41 =	vmul.f32 v40, v63  }
0x1d1: {  	s6 =	sand.u32 $0x280, s18;
	v47 =	vld [tilespmem:s3+$0xC000];
	s3 =	sand.u32 $0x7800, s17;
	v12 =	vadd.f32 v35, v12;
	v44 =	vpop (erf);
	(erf) = vpow2.f32 v19;
	v19 =	vmul.f32 $1.442695020e+00, v49  }
0x1d2: {  	s3 =	sor.u32 s3, s6;
	v18 =	vadd.f32 v40, v18;
	v46 =	vmul.f32 v44, v63;
	v51 =	vpop (erf);
	(erf) = vpow2.f32 v20  }
0x1d3: {  	v36 =	vsub.f32 v21, v4;
	v20 =	vmul.f32 $1.442695020e+00, v54;
	v22 =	vmul.f32 v51, v63;
	v63 =	vld [tilespmem:s4+$0xC000];
	s4 =	sor.u32 s24, s3  }
0x1d4: {  	v15 =	vadd.f32 v44, v15;
	(erf) = vpow2.f32 v19;
	v19 =	vmul.f32 $1.442695020e+00, v56;
	v32 =	vld [tilespmem:s4+$0x4000]  }
0x1d5: {  	s7 =	sadd.s32 $0x1100, s26;
	s6 =	sadd.s32 $0x2200, s0;
	v14 =	vadd.f32 v41, v14;
	v13 =	vadd.f32 v51, v13;
	v53 =	vpop (erf);
	(erf) = vpow2.f32 v20  }
0x1d6: {  	s3 =	sand.u32 $0x7800, s6;
	s6 =	sand.u32 $0x300, s7;
	v16 =	vadd.f32 v46, v16;
	v58 =	vpop (erf);
	(erf) = vpow2.f32 v19;
	v19 =	vsub.f32 v61, v8  }
0x1d7: {  	v55 =	vmul.f32 v53, v47;
	v11 =	vadd.f32 v53, v11;
	v20 =	vmul.f32 $1.442695020e+00, v60;
	s3 =	sor.u32 s3, s6  }
0x1d8: {  	s18 =	sadd.s32 $0x1180, s26;
	s17 =	sadd.s32 $0x2300, s0;
	v17 =	vadd.f32 v22, v17;
	s3 =	sor.u32 s24, s3;
	v59 =	vmul.f32 v58, v47;
	v19 =	vmul.f32 $1.442695020e+00, v19  }
0x1d9: {  	s7 =	sand.u32 $0x380, s18;
	s6 =	sand.u32 $0x7800, s17;
	v12 =	vadd.f32 v55, v12;
	v48 =	vld [tilespmem:s3+$0x4000];
	v39 =	vmul.f32 v32, v10;
	v44 =	vmul.f32 v32, v7  }
0x1da: {  	s7 =	sor.u32 s6, s7;
	v18 =	vadd.f32 v58, v18;
	v62 =	vpop (erf);
	v46 =	vmul.f32 v32, v5;
	v51 =	vmul.f32 v32, v3  }
0x1db: {  	v56 =	vld [tilespmem:s4+$0xC000];
	s4 =	sor.u32 s24, s7;
	v14 =	vadd.f32 v59, v14;
	v22 =	vmul.f32 v62, v47;
	v29 =	vpop (erf);
	(erf) = vpow2.f32 v20  }
0x1dc: {  	v60 =	vld [tilespmem:s4+$0x4000];
	v15 =	vadd.f32 v62, v15;
	v20 =	vmul.f32 $1.442695020e+00, v31;
	v30 =	vmul.f32 v29, v47  }
0x1dd: {  	v13 =	vadd.f32 v29, v13;
	(erf) = vpow2.f32 v19;
	v43 =	vsub.f32 v39, v9  }
0x1de: {  	v19 =	vsub.f32 v44, v8;
	v49 =	vsub.f32 v46, v6;
	v55 =	vmul.f32 v48, v10  }
0x1df: {  	v33 =	vpop (erf);
	v54 =	vsub.f32 v51, v4;
	v57 =	vmul.f32 v48, v7;
	v61 =	vmul.f32 v48, v5  }
0x1e0: {  	v16 =	vadd.f32 v22, v16;
	v22 =	vmul.f32 v33, v63;
	(erf) = vpow2.f32 v20  }
0x1e1: {  	v11 =	vadd.f32 v33, v11;
	v34 =	vpop (erf);
	v20 =	vmul.f32 $1.442695020e+00, v36;
	v32 =	vmul.f32 v60, v10  }
0x1e2: {  	v33 =	vmul.f32 v60, v7;
	v17 =	vadd.f32 v30, v17;
	v35 =	vmul.f32 v34, v63  }
0x1e3: {  	v18 =	vadd.f32 v34, v18;
	v23 =	vmul.f32 $1.442695020e+00, v43;
	v19 =	vmul.f32 $1.442695020e+00, v19  }
0x1e4: {  	v37 =	vpop (erf);
	v59 =	vsub.f32 v57, v8;
	v29 =	vsub.f32 v61, v6;
	v43 =	vmul.f32 v60, v3  }
0x1e5: {  	s18 =	sadd.s32 $0x1200, s26;
	s17 =	sadd.s32 $0x2400, s0;
	v12 =	vadd.f32 v22, v12;
	v40 =	vmul.f32 v37, v63;
	v15 =	vadd.f32 v37, v15  }
0x1e6: {  	s6 =	sand.u32 $0x7800, s17;
	s7 =	sand.u32 $0x200, s18;
	v41 =	vpop (erf);
	(erf) = vpow2.f32 v20;
	v20 =	vmul.f32 $1.442695020e+00, v49;
	v37 =	vsub.f32 v33, v8  }
0x1e7: {  	v38 =	vld [tilespmem:s11+$0xE000];
	s17 =	sadd.s32 $0x1280, s26;
	s6 =	sor.u32 s6, s7;
	s7 =	sadd.s32 $0x2500, s0;
	v14 =	vadd.f32 v35, v14;
	v42 =	vmul.f32 v41, v63;
	v13 =	vadd.f32 v41, v13  }
0x1e8: {  	s18 =	sand.u32 $0x280, s17;
	v39 =	vld [tilespmem:s3+$0xC000];
	s3 =	sand.u32 $0x7800, s7;
	(erf) = vpow2.f32 v23;
	v63 =	vmul.f32 v48, v3;
	v35 =	vsub.f32 v32, v9  }
0x1e9: {  	s3 =	sor.u32 s3, s18;
	v16 =	vadd.f32 v40, v16;
	(erf) = vpow2.f32 v19;
	v19 =	vmul.f32 $1.442695020e+00, v54  }
0x1ea: {  	s3 =	sor.u32 s24, s3;
	v40 =	vmul.f32 v60, v5;
	(erf) = vpow2.f32 v20;
	v20 =	vsub.f32 v55, v9  }
0x1eb: {  	v17 =	vadd.f32 v42, v17;
	v30 =	vsub.f32 v63, v4;
	v55 =	vld [tilespmem:s3+$0x4000];
	v45 =	vpop (erf);
	(erf) = vpow2.f32 v19  }
0x1ec: {  	v42 =	vsub.f32 v40, v6;
	v20 =	vmul.f32 $1.442695020e+00, v20;
	v19 =	vmul.f32 $1.442695020e+00, v59;
	v50 =	vpop (erf)  }
0x1ed: {  	v47 =	vmul.f32 v45, v38;
	v11 =	vadd.f32 v45, v11;
	v21 =	vmul.f32 v50, v38  }
0x1ee: {  	v18 =	vadd.f32 v50, v18;
	v52 =	vpop (erf);
	(erf) = vpow2.f32 v20;
	v20 =	vmul.f32 $1.442695020e+00, v29  }
0x1ef: {  	v12 =	vadd.f32 v47, v12;
	v53 =	vmul.f32 v52, v38;
	v15 =	vadd.f32 v52, v15  }
0x1f0: {  	v29 =	vmul.f32 v55, v10;
	v33 =	vmul.f32 v55, v7;
	v14 =	vadd.f32 v21, v14  }
0x1f1: {  	v58 =	vpop (erf);
	(erf) = vpow2.f32 v19;
	v19 =	vmul.f32 $1.442695020e+00, v30;
	v16 =	vadd.f32 v53, v16  }
0x1f2: {  	v22 =	vmul.f32 v58, v38;
	v13 =	vadd.f32 v58, v13;
	v62 =	vpop (erf);
	(erf) = vpow2.f32 v20  }
0x1f3: {  	s6 =	sor.u32 s24, s6;
	v20 =	vmul.f32 $1.442695020e+00, v35;
	v28 =	vmul.f32 v62, v56;
	v11 =	vadd.f32 v62, v11  }
0x1f4: {  	v38 =	vld [tilespmem:s6+$0x4000];
	v31 =	vpop (erf);
	(erf) = vpow2.f32 v19;
	v19 =	vmul.f32 $1.442695020e+00, v37;
	v17 =	vadd.f32 v22, v17  }
0x1f5: {  	v18 =	vadd.f32 v31, v18;
	v22 =	vmul.f32 v31, v56;
	v34 =	vpop (erf);
	(erf) = vpow2.f32 v20  }
0x1f6: {  	v20 =	vmul.f32 $1.442695020e+00, v42;
	v31 =	vsub.f32 v29, v9;
	v12 =	vadd.f32 v28, v12  }
0x1f7: {  	s7 =	sadd.s32 $0x1300, s26;
	v63 =	vld [tilespmem:s6+$0xC000];
	s6 =	sadd.s32 $0x2600, s0;
	v36 =	vmul.f32 v34, v56;
	v15 =	vadd.f32 v34, v15;
	v14 =	vadd.f32 v22, v14;
	v41 =	vpop (erf)  }
0x1f8: {  	v49 =	vld [tilespmem:s4+$0xC000];
	s4 =	sand.u32 $0x7800, s6;
	s6 =	sand.u32 $0x300, s7;
	(erf) = vpow2.f32 v19;
	v19 =	vsub.f32 v43, v4;
	v21 =	vmul.f32 v41, v56  }
0x1f9: {  	s4 =	sor.u32 s4, s6;
	v16 =	vadd.f32 v36, v16;
	v45 =	vmul.f32 v38, v10;
	v51 =	vmul.f32 v38, v7  }
0x1fa: {  	s4 =	sor.u32 s24, s4;
	v13 =	vadd.f32 v41, v13;
	v57 =	vmul.f32 v38, v5;
	v61 =	vmul.f32 v38, v3  }
0x1fb: {  	v37 =	vld [tilespmem:s4+$0x4000];
	v36 =	vsub.f32 v33, v8;
	v38 =	vmul.f32 v55, v5;
	v44 =	vpop (erf);
	(erf) = vpow2.f32 v20  }
0x1fc: {  	v17 =	vadd.f32 v21, v17;
	v11 =	vadd.f32 v44, v11;
	v21 =	vmul.f32 v44, v39  }
0x1fd: {  	v19 =	vmul.f32 $1.442695020e+00, v19;
	v48 =	vsub.f32 v45, v9;
	v54 =	vsub.f32 v51, v8;
	v46 =	vpop (erf)  }
0x1fe: {  	v24 =	vsub.f32 v57, v6;
	v47 =	vmul.f32 v46, v39;
	v12 =	vadd.f32 v21, v12  }
0x1ff: {  	v18 =	vadd.f32 v46, v18;
	v50 =	vpop (erf);
	v20 =	vmul.f32 $1.442695020e+00, v48;
	(erf) = vpow2.f32 v19  }
0x200: {  	s17 =	sadd.s32 $0x2700, s0;
	s18 =	sadd.s32 $0x1380, s26;
	v24 =	vmul.f32 $1.442695020e+00, v24;
	v19 =	vsub.f32 v61, v4;
	v43 =	vmul.f32 v37, v10  }
0x201: {  	s7 =	sand.u32 $0x380, s18;
	s6 =	sand.u32 $0x7800, s17;
	v45 =	vmul.f32 v37, v7;
	v15 =	vadd.f32 v50, v15;
	v23 =	vmul.f32 v50, v39;
	v52 =	vpop (erf)  }
0x202: {  	s6 =	sor.u32 s6, s7;
	v14 =	vadd.f32 v47, v14;
	v53 =	vmul.f32 v52, v39;
	(erf) = vpow2.f32 v20  }
0x203: {  	s7 =	sor.u32 s24, s6;
	v13 =	vadd.f32 v52, v13;
	v20 =	vmul.f32 $1.442695020e+00, v54;
	v19 =	vmul.f32 $1.442695020e+00, v19  }
0x204: {  	v50 =	vld [tilespmem:s7+$0x4000];
	v56 =	vpop (erf);
	v39 =	vmul.f32 v55, v3;
	v48 =	vsub.f32 v43, v9;
	v52 =	vmul.f32 v37, v5  }
0x205: {  	v16 =	vadd.f32 v23, v16;
	v58 =	vmul.f32 v56, v49;
	v11 =	vadd.f32 v56, v11  }
0x206: {  	v17 =	vadd.f32 v53, v17;
	v59 =	vpop (erf);
	(erf) = vpow2.f32 v20;
	v20 =	vmul.f32 $1.442695020e+00, v31  }
0x207: {  	v42 =	vsub.f32 v39, v4;
	v60 =	vmul.f32 v59, v49;
	(erf) = vpow2.f32 v24  }
0x208: {  	v54 =	vsub.f32 v52, v6;
	v24 =	vmul.f32 v37, v3;
	(erf) = vpow2.f32 v19  }
0x209: {  	v12 =	vadd.f32 v58, v12;
	v19 =	vmul.f32 $1.442695020e+00, v36;
	v57 =	vmul.f32 v50, v10  }
0x20a: {  	v18 =	vadd.f32 v59, v18;
	v61 =	vmul.f32 v50, v7;
	v28 =	vmul.f32 v50, v5  }
0x20b: {  	v62 =	vpop (erf);
	v14 =	vadd.f32 v60, v14;
	(erf) = vpow2.f32 v20;
	v20 =	vsub.f32 v38, v6  }
0x20c: {  	v30 =	vmul.f32 v62, v49;
	v15 =	vadd.f32 v62, v15;
	v56 =	vsub.f32 v24, v4  }
0x20d: {  	v60 =	vsub.f32 v57, v9;
	v31 =	vsub.f32 v28, v6;
	v20 =	vmul.f32 $1.442695020e+00, v20  }
0x20e: {  	v16 =	vadd.f32 v30, v16;
	v32 =	vpop (erf);
	(erf) = vpow2.f32 v19;
	v19 =	vmul.f32 $1.442695020e+00, v42  }
0x20f: {  	v21 =	vmul.f32 v32, v49;
	v49 =	vsub.f32 v45, v8;
	v34 =	vpop (erf);
	(erf) = vpow2.f32 v20  }
0x210: {  	v13 =	vadd.f32 v32, v13;
	v20 =	vmul.f32 $1.442695020e+00, v48;
	v35 =	vmul.f32 v34, v63  }
0x211: {  	v32 =	vld [tilespmem:s11+$0x6800];
	v17 =	vadd.f32 v21, v17;
	(erf) = vpow2.f32 v19;
	v19 =	vmul.f32 $1.442695020e+00, v49  }
0x212: {  	v11 =	vadd.f32 v34, v11;
	v21 =	vmul.f32 v50, v3;
	v40 =	vpop (erf);
	(erf) = vpow2.f32 v20  }
0x213: {  	v20 =	vmul.f32 $1.442695020e+00, v54;
	v12 =	vadd.f32 v35, v12;
	v41 =	vmul.f32 v40, v63  }
0x214: {  	v47 =	vld [tilespmem:s3+$0xC000];
	v18 =	vadd.f32 v40, v18;
	v44 =	vpop (erf);
	(erf) = vpow2.f32 v19;
	v19 =	vmul.f32 $1.442695020e+00, v56  }
0x215: {  	v36 =	vsub.f32 v21, v4;
	v46 =	vmul.f32 v44, v63;
	v15 =	vadd.f32 v44, v15  }
0x216: {  	v51 =	vpop (erf);
	v39 =	vmul.f32 v32, v10;
	v44 =	vmul.f32 v32, v7;
	v14 =	vadd.f32 v41, v14  }
0x217: {  	v13 =	vadd.f32 v51, v13;
	v22 =	vmul.f32 v51, v63;
	v53 =	vpop (erf);
	(erf) = vpow2.f32 v20  }
0x218: {  	v20 =	vmul.f32 $1.442695020e+00, v60;
	v51 =	vmul.f32 v32, v3;
	v16 =	vadd.f32 v46, v16  }
0x219: {  	v55 =	vmul.f32 v53, v47;
	v11 =	vadd.f32 v53, v11;
	v43 =	vsub.f32 v39, v9  }
0x21a: {  	s18 =	sadd.s32 $0x1480, s26;
	s17 =	sadd.s32 $0x2900, s0;
	v17 =	vadd.f32 v22, v17;
	v58 =	vpop (erf);
	(erf) = vpow2.f32 v19;
	v19 =	vsub.f32 v61, v8  }
0x21b: {  	s3 =	sand.u32 $0x7800, s17;
	v63 =	vld [tilespmem:s4+$0xC000];
	s4 =	sand.u32 $0x280, s18;
	v46 =	vmul.f32 v32, v5;
	v54 =	vsub.f32 v51, v4;
	v12 =	vadd.f32 v55, v12  }
0x21c: {  	s6 =	sadd.s32 $0x2A00, s0;
	v38 =	vld [tilespmem:s7+$0xC000];
	s7 =	sadd.s32 $0x1500, s26;
	s3 =	sor.u32 s3, s4;
	v59 =	vmul.f32 v58, v47;
	v18 =	vadd.f32 v58, v18;
	v23 =	vmul.f32 $1.442695020e+00, v43;
	v62 =	vpop (erf)  }
0x21d: {  	s4 =	sand.u32 $0x7800, s6;
	s6 =	sand.u32 $0x300, s7;
	s3 =	sor.u32 s24, s3;
	v49 =	vsub.f32 v46, v6;
	v19 =	vmul.f32 $1.442695020e+00, v19;
	v22 =	vmul.f32 v62, v47  }
0x21e: {  	s4 =	sor.u32 s4, s6;
	v48 =	vld [tilespmem:s3+$0x4000];
	v14 =	vadd.f32 v59, v14;
	v29 =	vpop (erf);
	(erf) = vpow2.f32 v20;
	v20 =	vmul.f32 $1.442695020e+00, v31  }
0x21f: {  	s4 =	sor.u32 s24, s4;
	v15 =	vadd.f32 v62, v15;
	v30 =	vmul.f32 v29, v47;
	v33 =	vpop (erf);
	(erf) = vpow2.f32 v19  }
0x220: {  	v60 =	vld [tilespmem:s4+$0x4000];
	v19 =	vsub.f32 v44, v8;
	v16 =	vadd.f32 v22, v16;
	v22 =	vmul.f32 v33, v63  }
0x221: {  	v13 =	vadd.f32 v29, v13;
	v34 =	vpop (erf);
	(erf) = vpow2.f32 v20;
	v20 =	vmul.f32 $1.442695020e+00, v36  }
0x222: {  	v11 =	vadd.f32 v33, v11;
	v35 =	vmul.f32 v34, v63;
	v19 =	vmul.f32 $1.442695020e+00, v19  }
0x223: {  	v17 =	vadd.f32 v30, v17;
	v55 =	vmul.f32 v48, v10;
	v57 =	vmul.f32 v48, v7  }
0x224: {  	v18 =	vadd.f32 v34, v18;
	v61 =	vmul.f32 v48, v5;
	(erf) = vpow2.f32 v20  }
0x225: {  	v12 =	vadd.f32 v22, v12;
	v20 =	vmul.f32 $1.442695020e+00, v49;
	v32 =	vmul.f32 v60, v10  }
0x226: {  	v37 =	vpop (erf);
	v33 =	vmul.f32 v60, v7;
	v43 =	vmul.f32 v60, v3;
	v14 =	vadd.f32 v35, v14  }
0x227: {  	v40 =	vmul.f32 v37, v63;
	v15 =	vadd.f32 v37, v15;
	(erf) = vpow2.f32 v23  }
0x228: {  	s17 =	sadd.s32 $0x2B00, s0;
	s18 =	sadd.s32 $0x1580, s26;
	v59 =	vsub.f32 v57, v8;
	v29 =	vsub.f32 v61, v6;
	v41 =	vpop (erf);
	(erf) = vpow2.f32 v19  }
0x229: {  	s7 =	sand.u32 $0x380, s18;
	s6 =	sand.u32 $0x7800, s17;
	v19 =	vmul.f32 $1.442695020e+00, v54;
	v35 =	vsub.f32 v32, v9;
	v42 =	vmul.f32 v41, v63  }
0x22a: {  	s17 =	sadd.s32 $0x1600, s26;
	s6 =	sor.u32 s6, s7;
	s7 =	sadd.s32 $0x2C00, s0;
	v37 =	vsub.f32 v33, v8;
	v16 =	vadd.f32 v40, v16;
	v63 =	vmul.f32 v48, v3  }
0x22b: {  	v39 =	vld [tilespmem:s3+$0xC000];
	s18 =	sand.u32 $0x200, s17;
	s3 =	sand.u32 $0x7800, s7;
	v13 =	vadd.f32 v41, v13;
	v40 =	vmul.f32 v60, v5;
	v17 =	vadd.f32 v42, v17  }
0x22c: {  	s3 =	sor.u32 s3, s18;
	v45 =	vpop (erf);
	(erf) = vpow2.f32 v20;
	v20 =	vsub.f32 v55, v9;
	v30 =	vsub.f32 v63, v4  }
0x22d: {  	s3 =	sor.u32 s24, s3;
	v42 =	vsub.f32 v40, v6;
	v47 =	vmul.f32 v45, v38;
	v50 =	vpop (erf);
	(erf) = vpow2.f32 v19  }
0x22e: {  	v55 =	vld [tilespmem:s3+$0x4000];
	v11 =	vadd.f32 v45, v11;
	v19 =	vmul.f32 $1.442695020e+00, v59;
	v20 =	vmul.f32 $1.442695020e+00, v20  }
0x22f: {  	v56 =	vld [tilespmem:s11+$0xE800];
	v18 =	vadd.f32 v50, v18;
	v21 =	vmul.f32 v50, v38;
	v52 =	vpop (erf);
	v12 =	vadd.f32 v47, v12  }
0x230: {  	v53 =	vmul.f32 v52, v38;
	v15 =	vadd.f32 v52, v15;
	v58 =	vpop (erf);
	(erf) = vpow2.f32 v20  }
0x231: {  	v14 =	vadd.f32 v21, v14;
	v20 =	vmul.f32 $1.442695020e+00, v29;
	v22 =	vmul.f32 v58, v38  }
0x232: {  	v16 =	vadd.f32 v53, v16;
	(erf) = vpow2.f32 v19;
	v19 =	vmul.f32 $1.442695020e+00, v30  }
0x233: {  	s6 =	sor.u32 s24, s6;
	v13 =	vadd.f32 v58, v13;
	v62 =	vpop (erf);
	v29 =	vmul.f32 v55, v10;
	v33 =	vmul.f32 v55, v7  }
0x234: {  	v38 =	vld [tilespmem:s6+$0x4000];
	v28 =	vmul.f32 v62, v56;
	v11 =	vadd.f32 v62, v11;
	v31 =	vpop (erf);
	(erf) = vpow2.f32 v20  }
0x235: {  	v20 =	vmul.f32 $1.442695020e+00, v35;
	v17 =	vadd.f32 v22, v17;
	v22 =	vmul.f32 v31, v56  }
0x236: {  	v18 =	vadd.f32 v31, v18;
	(erf) = vpow2.f32 v19;
	v19 =	vmul.f32 $1.442695020e+00, v37  }
0x237: {  	s7 =	sadd.s32 $0x1680, s26;
	v63 =	vld [tilespmem:s6+$0xC000];
	s6 =	sadd.s32 $0x2D00, s0;
	v31 =	vsub.f32 v29, v9;
	v12 =	vadd.f32 v28, v12;
	v34 =	vpop (erf);
	(erf) = vpow2.f32 v20  }
0x238: {  	v49 =	vld [tilespmem:s4+$0xC000];
	s4 =	sand.u32 $0x7800, s6;
	s6 =	sand.u32 $0x280, s7;
	v14 =	vadd.f32 v22, v14;
	v20 =	vmul.f32 $1.442695020e+00, v42;
	v36 =	vmul.f32 v34, v56  }
0x239: {  	s4 =	sor.u32 s4, s6;
	v15 =	vadd.f32 v34, v15;
	v41 =	vpop (erf);
	(erf) = vpow2.f32 v19;
	v45 =	vmul.f32 v38, v10  }
0x23a: {  	s4 =	sor.u32 s24, s4;
	v19 =	vsub.f32 v43, v4;
	v51 =	vmul.f32 v38, v7;
	v57 =	vmul.f32 v38, v5  }
0x23b: {  	v37 =	vld [tilespmem:s4+$0x4000];
	v61 =	vmul.f32 v38, v3;
	v38 =	vmul.f32 v55, v5;
	v13 =	vadd.f32 v41, v13  }
0x23c: {  	v21 =	vmul.f32 v41, v56;
	v16 =	vadd.f32 v36, v16;
	v48 =	vsub.f32 v45, v9  }
0x23d: {  	v19 =	vmul.f32 $1.442695020e+00, v19;
	v54 =	vsub.f32 v51, v8;
	v24 =	vsub.f32 v57, v6;
	v44 =	vpop (erf)  }
0x23e: {  	v17 =	vadd.f32 v21, v17;
	v21 =	vmul.f32 v44, v39;
	v46 =	vpop (erf);
	(erf) = vpow2.f32 v20  }
0x23f: {  	v36 =	vsub.f32 v33, v8;
	v20 =	vmul.f32 $1.442695020e+00, v48;
	v24 =	vmul.f32 $1.442695020e+00, v24  }
0x240: {  	v11 =	vadd.f32 v44, v11;
	v43 =	vmul.f32 v37, v10;
	v45 =	vmul.f32 v37, v7  }
0x241: {  	v47 =	vmul.f32 v46, v39;
	v18 =	vadd.f32 v46, v18;
	v50 =	vpop (erf);
	(erf) = vpow2.f32 v19  }
0x242: {  	v19 =	vsub.f32 v61, v4;
	v12 =	vadd.f32 v21, v12;
	v23 =	vmul.f32 v50, v39  }
0x243: {  	v15 =	vadd.f32 v50, v15;
	v52 =	vpop (erf);
	(erf) = vpow2.f32 v20;
	v20 =	vmul.f32 $1.442695020e+00, v54  }
0x244: {  	s17 =	sadd.s32 $0x2E00, s0;
	s18 =	sadd.s32 $0x1700, s26;
	v48 =	vsub.f32 v43, v9;
	v14 =	vadd.f32 v47, v14;
	v53 =	vmul.f32 v52, v39  }
0x245: {  	s7 =	sand.u32 $0x300, s18;
	s6 =	sand.u32 $0x7800, s17;
	v13 =	vadd.f32 v52, v13;
	v19 =	vmul.f32 $1.442695020e+00, v19;
	v39 =	vmul.f32 v55, v3  }
0x246: {  	s6 =	sor.u32 s6, s7;
	v52 =	vmul.f32 v37, v5;
	v16 =	vadd.f32 v23, v16;
	v56 =	vpop (erf);
	(erf) = vpow2.f32 v20  }
0x247: {  	v47 =	vld [tilespmem:s3+$0xC000];
	s3 =	sor.u32 s24, s6;
	v20 =	vmul.f32 $1.442695020e+00, v31;
	v17 =	vadd.f32 v53, v17;
	v58 =	vmul.f32 v56, v49  }
0x248: {  	v50 =	vld [tilespmem:s3+$0x4000];
	v11 =	vadd.f32 v56, v11;
	(erf) = vpow2.f32 v24;
	v24 =	vmul.f32 v37, v3  }
0x249: {  	v42 =	vsub.f32 v39, v4;
	(erf) = vpow2.f32 v19;
	v19 =	vmul.f32 $1.442695020e+00, v36  }
0x24a: {  	v59 =	vpop (erf);
	v54 =	vsub.f32 v52, v6;
	(erf) = vpow2.f32 v20;
	v20 =	vsub.f32 v38, v6  }
0x24b: {  	v60 =	vmul.f32 v59, v49;
	v18 =	vadd.f32 v59, v18;
	v62 =	vpop (erf);
	(erf) = vpow2.f32 v19  }
0x24c: {  	v12 =	vadd.f32 v58, v12;
	v20 =	vmul.f32 $1.442695020e+00, v20;
	v19 =	vmul.f32 $1.442695020e+00, v42  }
0x24d: {  	v56 =	vsub.f32 v24, v4;
	v57 =	vmul.f32 v50, v10;
	v61 =	vmul.f32 v50, v7  }
0x24e: {  	v14 =	vadd.f32 v60, v14;
	v28 =	vmul.f32 v50, v5;
	v30 =	vmul.f32 v62, v49;
	v32 =	vpop (erf)  }
0x24f: {  	v15 =	vadd.f32 v62, v15;
	v13 =	vadd.f32 v32, v13;
	v21 =	vmul.f32 v32, v49  }
0x250: {  	v34 =	vpop (erf);
	(erf) = vpow2.f32 v20;
	v49 =	vsub.f32 v45, v8;
	v60 =	vsub.f32 v57, v9  }
0x251: {  	v20 =	vmul.f32 $1.442695020e+00, v48;
	v31 =	vsub.f32 v28, v6;
	v16 =	vadd.f32 v30, v16  }
0x252: {  	v35 =	vmul.f32 v34, v63;
	v11 =	vadd.f32 v34, v11;
	v40 =	vpop (erf);
	(erf) = vpow2.f32 v19  }
0x253: {  	v17 =	vadd.f32 v21, v17;
	v19 =	vmul.f32 $1.442695020e+00, v49;
	v21 =	vmul.f32 v50, v3  }
0x254: {  	v48 =	vld [tilespmem:s11+$0x7000];
	v12 =	vadd.f32 v35, v12;
	v41 =	vmul.f32 v40, v63;
	v44 =	vpop (erf);
	(erf) = vpow2.f32 v20  }
0x255: {  	s18 =	sadd.s32 $0x1780, s26;
	s17 =	sadd.s32 $0x2F00, s0;
	v18 =	vadd.f32 v40, v18;
	v20 =	vmul.f32 $1.442695020e+00, v54;
	v46 =	vmul.f32 v44, v63  }
0x256: {  	s7 =	sand.u32 $0x380, s18;
	s6 =	sand.u32 $0x7800, s17;
	v15 =	vadd.f32 v44, v15;
	v51 =	vpop (erf);
	(erf) = vpow2.f32 v19;
	v19 =	vmul.f32 $1.442695020e+00, v56  }
0x257: {  	s18 =	sadd.s32 $0x1880, s26;
	s17 =	sadd.s32 $0x3100, s0;
	s7 =	sor.u32 s6, s7;
	v38 =	vld [tilespmem:s3+$0xC000];
	v36 =	vsub.f32 v21, v4;
	v14 =	vadd.f32 v41, v14;
	v22 =	vmul.f32 v51, v63  }
0x258: {  	s6 =	sand.u32 $0x280, s18;
	s3 =	sand.u32 $0x7800, s17;
	v13 =	vadd.f32 v51, v13;
	v53 =	vpop (erf);
	(erf) = vpow2.f32 v20;
	v63 =	vld [tilespmem:s4+$0xC000];
	v20 =	vmul.f32 $1.442695020e+00, v60;
	s4 =	sor.u32 s24, s7  }
0x259: {  	s3 =	sor.u32 s3, s6;
	v57 =	vmul.f32 v48, v7;
	v16 =	vadd.f32 v46, v16;
	v55 =	vmul.f32 v53, v47;
	v32 =	vld [tilespmem:s4+$0x4000]  }
0x25a: {  	s3 =	sor.u32 s24, s3;
	v11 =	vadd.f32 v53, v11;
	v17 =	vadd.f32 v22, v17;
	v58 =	vpop (erf);
	(erf) = vpow2.f32 v19  }
0x25b: {  	v60 =	vld [tilespmem:s3+$0x4000];
	v19 =	vsub.f32 v61, v8;
	v61 =	vmul.f32 v48, v5;
	v59 =	vmul.f32 v58, v47  }
0x25c: {  	v12 =	vadd.f32 v55, v12;
	v55 =	vmul.f32 v48, v10;
	v62 =	vpop (erf);
	(erf) = vpow2.f32 v20  }
0x25d: {  	v18 =	vadd.f32 v58, v18;
	v19 =	vmul.f32 $1.442695020e+00, v19;
	v20 =	vmul.f32 $1.442695020e+00, v31  }
0x25e: {  	v14 =	vadd.f32 v59, v14;
	v22 =	vmul.f32 v62, v47;
	v39 =	vmul.f32 v32, v10  }
0x25f: {  	v15 =	vadd.f32 v62, v15;
	v44 =	vmul.f32 v32, v7;
	v46 =	vmul.f32 v32, v5  }
0x260: {  	v59 =	vsub.f32 v57, v8;
	v29 =	vpop (erf);
	v51 =	vmul.f32 v32, v3;
	v32 =	vmul.f32 v60, v10  }
0x261: {  	v30 =	vmul.f32 v29, v47;
	v16 =	vadd.f32 v22, v16;
	v13 =	vadd.f32 v29, v13;
	v33 =	vpop (erf)  }
0x262: {  	(erf) = vpow2.f32 v19;
	v29 =	vsub.f32 v61, v6;
	v11 =	vadd.f32 v33, v11  }
0x263: {  	v22 =	vmul.f32 v33, v63;
	v34 =	vpop (erf);
	(erf) = vpow2.f32 v20;
	v43 =	vsub.f32 v39, v9  }
0x264: {  	v20 =	vmul.f32 $1.442695020e+00, v36;
	v19 =	vsub.f32 v44, v8;
	v49 =	vsub.f32 v46, v6  }
0x265: {  	v54 =	vsub.f32 v51, v4;
	v33 =	vmul.f32 v60, v7;
	v17 =	vadd.f32 v30, v17;
	v37 =	vpop (erf)  }
0x266: {  	v35 =	vmul.f32 v34, v63;
	v18 =	vadd.f32 v34, v18;
	v40 =	vmul.f32 v37, v63  }
0x267: {  	v12 =	vadd.f32 v22, v12;
	(erf) = vpow2.f32 v20;
	v23 =	vmul.f32 $1.442695020e+00, v43  }
0x268: {  	v15 =	vadd.f32 v37, v15;
	v19 =	vmul.f32 $1.442695020e+00, v19;
	v20 =	vmul.f32 $1.442695020e+00, v49  }
0x269: {  	v37 =	vsub.f32 v33, v8;
	v43 =	vmul.f32 v60, v3;
	v14 =	vadd.f32 v35, v14;
	v41 =	vpop (erf)  }
0x26a: {  	s18 =	sadd.s32 $0x1980, s26;
	s17 =	sadd.s32 $0x3300, s0;
	v35 =	vsub.f32 v32, v9;
	v42 =	vmul.f32 v41, v63;
	(erf) = vpow2.f32 v23  }
0x26b: {  	s18 =	sand.u32 $0x380, s18;
	s17 =	sand.u32 $0x7800, s17;
	v16 =	vadd.f32 v40, v16;
	v63 =	vmul.f32 v48, v3;
	v40 =	vmul.f32 v60, v5  }
0x26c: {  	v49 =	vld [tilespmem:s3+$0xC000];
	s3 =	sor.u32 s17, s18;
	v13 =	vadd.f32 v41, v13;
	(erf) = vpow2.f32 v19;
	v19 =	vmul.f32 $1.442695020e+00, v54  }
0x26d: {  	s3 =	sor.u32 s24, s3;
	v45 =	vpop (erf);
	v17 =	vadd.f32 v42, v17;
	(erf) = vpow2.f32 v20;
	v20 =	vsub.f32 v55, v9  }
0x26e: {  	v47 =	vmul.f32 v45, v38;
	v11 =	vadd.f32 v45, v11;
	v30 =	vsub.f32 v63, v4;
	v55 =	vld [tilespmem:s3+$0x4000]  }
0x26f: {  	v42 =	vsub.f32 v40, v6;
	v50 =	vpop (erf);
	(erf) = vpow2.f32 v19;
	v20 =	vmul.f32 $1.442695020e+00, v20  }
0x270: {  	v12 =	vadd.f32 v47, v12;
	v19 =	vmul.f32 $1.442695020e+00, v59;
	v21 =	vmul.f32 v50, v38;
	v52 =	vpop (erf)  }
0x271: {  	v18 =	vadd.f32 v50, v18;
	v53 =	vmul.f32 v52, v38;
	(erf) = vpow2.f32 v20  }
0x272: {  	s6 =	sadd.s32 $0x3200, s0;
	s7 =	sadd.s32 $0x1900, s26;
	v56 =	vld [tilespmem:s4+$0xC000];
	v15 =	vadd.f32 v52, v15;
	v20 =	vmul.f32 $1.442695020e+00, v29;
	(erf) = vpow2.f32 v19  }
0x273: {  	s4 =	sand.u32 $0x7800, s6;
	s6 =	sand.u32 $0x300, s7;
	v14 =	vadd.f32 v21, v14;
	v58 =	vpop (erf);
	v19 =	vmul.f32 $1.442695020e+00, v30;
	v32 =	vmul.f32 v55, v7  }
0x274: {  	s4 =	sor.u32 s4, s6;
	v16 =	vadd.f32 v53, v16;
	v22 =	vmul.f32 v58, v38;
	(erf) = vpow2.f32 v20  }
0x275: {  	s4 =	sor.u32 s24, s4;
	v13 =	vadd.f32 v58, v13;
	v20 =	vmul.f32 $1.442695020e+00, v35;
	v62 =	vpop (erf);
	(erf) = vpow2.f32 v19  }
0x276: {  	v38 =	vld [tilespmem:s4+$0x4000];
	v19 =	vmul.f32 $1.442695020e+00, v37;
	v35 =	vsub.f32 v32, v8;
	v37 =	vmul.f32 v55, v5  }
0x277: {  	v17 =	vadd.f32 v22, v17;
	v28 =	vmul.f32 v62, v56;
	v11 =	vadd.f32 v62, v11;
	v31 =	vpop (erf)  }
0x278: {  	v18 =	vadd.f32 v31, v18;
	v22 =	vmul.f32 v31, v56;
	v34 =	vpop (erf);
	(erf) = vpow2.f32 v20  }
0x279: {  	v20 =	vmul.f32 $1.442695020e+00, v42;
	v12 =	vadd.f32 v28, v12;
	v36 =	vmul.f32 v34, v56  }
0x27a: {  	v15 =	vadd.f32 v34, v15;
	v28 =	vmul.f32 v55, v10;
	v41 =	vpop (erf);
	(erf) = vpow2.f32 v19  }
0x27b: {  	v39 =	vld [tilespmem:s11+$0xF000];
	v14 =	vadd.f32 v22, v14;
	v45 =	vmul.f32 v38, v10;
	v51 =	vmul.f32 v38, v7  }
0x27c: {  	v19 =	vsub.f32 v43, v4;
	v57 =	vmul.f32 v38, v5;
	v61 =	vmul.f32 v38, v3  }
0x27d: {  	s7 =	sadd.s32 $0x1A00, s26;
	s6 =	sadd.s32 $0x3400, s0;
	v38 =	vmul.f32 v55, v3;
	v16 =	vadd.f32 v36, v16;
	v13 =	vadd.f32 v41, v13  }
0x27e: {  	v63 =	vld [tilespmem:s4+$0xC000];
	s4 =	sand.u32 $0x7800, s6;
	s6 =	sand.u32 $0x200, s7;
	v21 =	vmul.f32 v41, v56;
	v30 =	vsub.f32 v28, v9;
	v48 =	vsub.f32 v45, v9  }
0x27f: {  	s4 =	sor.u32 s4, s6;
	v44 =	vpop (erf);
	v19 =	vmul.f32 $1.442695020e+00, v19;
	v54 =	vsub.f32 v51, v8;
	v24 =	vsub.f32 v57, v6  }
0x280: {  	s4 =	sor.u32 s24, s4;
	v41 =	vsub.f32 v38, v4;
	v17 =	vadd.f32 v21, v17;
	v21 =	vmul.f32 v44, v39;
	v46 =	vpop (erf)  }
0x281: {  	v36 =	vld [tilespmem:s4+$0x4000];
	v11 =	vadd.f32 v44, v11;
	(erf) = vpow2.f32 v20;
	v47 =	vmul.f32 v46, v39  }
0x282: {  	v18 =	vadd.f32 v46, v18;
	v50 =	vpop (erf);
	v20 =	vmul.f32 $1.442695020e+00, v48;
	(erf) = vpow2.f32 v19  }
0x283: {  	v24 =	vmul.f32 $1.442695020e+00, v24;
	v19 =	vsub.f32 v61, v4;
	v12 =	vadd.f32 v21, v12;
	v52 =	vpop (erf)  }
0x284: {  	v15 =	vadd.f32 v50, v15;
	v23 =	vmul.f32 v50, v39;
	v53 =	vmul.f32 v52, v39  }
0x285: {  	v14 =	vadd.f32 v47, v14;
	(erf) = vpow2.f32 v20;
	v20 =	vmul.f32 $1.442695020e+00, v54  }
0x286: {  	v13 =	vadd.f32 v52, v13;
	v19 =	vmul.f32 $1.442695020e+00, v19;
	v42 =	vmul.f32 v36, v10  }
0x287: {  	v44 =	vmul.f32 v36, v7;
	v51 =	vmul.f32 v36, v5;
	v16 =	vadd.f32 v23, v16;
	v56 =	vpop (erf)  }
0x288: {  	v17 =	vadd.f32 v53, v17;
	v58 =	vmul.f32 v56, v49;
	(erf) = vpow2.f32 v20  }
0x289: {  	v11 =	vadd.f32 v56, v11;
	v47 =	vsub.f32 v42, v9;
	(erf) = vpow2.f32 v24  }
0x28a: {  	v20 =	vmul.f32 $1.442695020e+00, v30;
	v48 =	vsub.f32 v44, v8;
	v53 =	vsub.f32 v51, v6;
	v59 =	vpop (erf)  }
0x28b: {  	s17 =	sadd.s32 $0x3500, s0;
	s18 =	sadd.s32 $0x1A80, s26;
	v24 =	vmul.f32 v36, v3;
	v60 =	vmul.f32 v59, v49;
	v12 =	vadd.f32 v58, v12  }
0x28c: {  	s7 =	sand.u32 $0x280, s18;
	s6 =	sand.u32 $0x7800, s17;
	v18 =	vadd.f32 v59, v18;
	(erf) = vpow2.f32 v19;
	v19 =	vmul.f32 $1.442695020e+00, v35  }
0x28d: {  	s18 =	sadd.s32 $0x1B00, s26;
	s17 =	sadd.s32 $0x3600, s0;
	s6 =	sor.u32 s6, s7;
	v55 =	vsub.f32 v24, v4;
	v62 =	vpop (erf);
	(erf) = vpow2.f32 v20;
	v20 =	vsub.f32 v37, v6  }
0x28e: {  	s7 =	sand.u32 $0x300, s18;
	v46 =	vld [tilespmem:s3+$0xC000];
	s3 =	sor.u32 s24, s6;
	s6 =	sand.u32 $0x7800, s17;
	v14 =	vadd.f32 v60, v14;
	v29 =	vmul.f32 v62, v49;
	v31 =	vpop (erf);
	(erf) = vpow2.f32 v19  }
0x28f: {  	s7 =	sor.u32 s6, s7;
	v15 =	vadd.f32 v62, v15;
	v19 =	vmul.f32 $1.442695020e+00, v41;
	v62 =	vld [tilespmem:s4+$0xC000];
	v20 =	vmul.f32 $1.442695020e+00, v20;
	v33 =	vpop (erf)  }
0x290: {  	s4 =	sor.u32 s24, s7;
	v13 =	vadd.f32 v31, v13;
	v21 =	vmul.f32 v31, v49;
	v49 =	vld [tilespmem:s3+$0x4000];
	v34 =	vmul.f32 v33, v63  }
0x291: {  	v31 =	vld [tilespmem:s4+$0x4000];
	v16 =	vadd.f32 v29, v16;
	v39 =	vpop (erf);
	(erf) = vpow2.f32 v20;
	v20 =	vmul.f32 $1.442695020e+00, v47  }
0x292: {  	v17 =	vadd.f32 v21, v17;
	v40 =	vmul.f32 v39, v63;
	v43 =	vpop (erf);
	(erf) = vpow2.f32 v19  }
0x293: {  	v11 =	vadd.f32 v33, v11;
	v19 =	vmul.f32 $1.442695020e+00, v48;
	v45 =	vmul.f32 v43, v63  }
0x294: {  	s18 =	sadd.s32 $0x1B80, s26;
	s17 =	sadd.s32 $0x3700, s0;
	v12 =	vadd.f32 v34, v12;
	(erf) = vpow2.f32 v20;
	v20 =	vmul.f32 $1.442695020e+00, v53  }
0x295: {  	s6 =	sand.u32 $0x380, s18;
	v37 =	vld [tilespmem:s3+$0xC000];
	s3 =	sand.u32 $0x7800, s17;
	v18 =	vadd.f32 v39, v18;
	v56 =	vmul.f32 v49, v10;
	v60 =	vmul.f32 v49, v7  }
0x296: {  	s3 =	sor.u32 s3, s6;
	v15 =	vadd.f32 v43, v15;
	v50 =	vpop (erf);
	v21 =	vmul.f32 v49, v3;
	v38 =	vmul.f32 v31, v10  }
0x297: {  	s3 =	sor.u32 s24, s3;
	v43 =	vmul.f32 v31, v7;
	v14 =	vadd.f32 v40, v14;
	v22 =	vmul.f32 v50, v63  }
0x298: {  	v47 =	vld [tilespmem:s3+$0x4000];
	v13 =	vadd.f32 v50, v13;
	(erf) = vpow2.f32 v19;
	v19 =	vmul.f32 $1.442695020e+00, v55  }
0x299: {  	v63 =	vmul.f32 v49, v5;
	v50 =	vmul.f32 v31, v3;
	v16 =	vadd.f32 v45, v16  }
0x29a: {  	v52 =	vpop (erf);
	(erf) = vpow2.f32 v20;
	v59 =	vsub.f32 v56, v9;
	v35 =	vsub.f32 v21, v4  }
0x29b: {  	v42 =	vsub.f32 v38, v9;
	v45 =	vmul.f32 v31, v5;
	v54 =	vmul.f32 v52, v46  }
0x29c: {  	v17 =	vadd.f32 v22, v17;
	v11 =	vadd.f32 v52, v11;
	v57 =	vpop (erf);
	(erf) = vpow2.f32 v19  }
0x29d: {  	v19 =	vsub.f32 v60, v8;
	v30 =	vsub.f32 v63, v6;
	v56 =	vmul.f32 v47, v7  }
0x29e: {  	v53 =	vsub.f32 v50, v4;
	v60 =	vmul.f32 v47, v5;
	v58 =	vmul.f32 v57, v46  }
0x29f: {  	v18 =	vadd.f32 v57, v18;
	v20 =	vmul.f32 $1.442695020e+00, v59;
	v23 =	vmul.f32 $1.442695020e+00, v42  }
0x2a0: {  	v48 =	vsub.f32 v45, v6;
	v59 =	vld [tilespmem:s11+$0x7800];
	v12 =	vadd.f32 v54, v12;
	v19 =	vmul.f32 $1.442695020e+00, v19  }
0x2a1: {  	v54 =	vmul.f32 v47, v10;
	v14 =	vadd.f32 v58, v14;
	v58 =	vsub.f32 v56, v8;
	v61 =	vpop (erf)  }
0x2a2: {  	v15 =	vadd.f32 v61, v15;
	v22 =	vmul.f32 v61, v46;
	v28 =	vpop (erf);
	(erf) = vpow2.f32 v20  }
0x2a3: {  	v20 =	vmul.f32 $1.442695020e+00, v30;
	v29 =	vmul.f32 v28, v46;
	v13 =	vadd.f32 v28, v13  }
0x2a4: {  	(erf) = vpow2.f32 v19;
	v19 =	vsub.f32 v43, v8;
	v28 =	vsub.f32 v60, v6  }
0x2a5: {  	v32 =	vpop (erf);
	v31 =	vmul.f32 v59, v10;
	v42 =	vmul.f32 v59, v3;
	v16 =	vadd.f32 v22, v16  }
0x2a6: {  	v11 =	vadd.f32 v32, v11;
	v22 =	vmul.f32 v32, v62;
	(erf) = vpow2.f32 v20  }
0x2a7: {  	v33 =	vpop (erf);
	v20 =	vmul.f32 $1.442695020e+00, v35;
	v32 =	vmul.f32 v59, v7;
	v17 =	vadd.f32 v29, v17  }
0x2a8: {  	v34 =	vmul.f32 v33, v62;
	v18 =	vadd.f32 v33, v18;
	v36 =	vpop (erf);
	v19 =	vmul.f32 $1.442695020e+00, v19  }
0x2a9: {  	v12 =	vadd.f32 v22, v12;
	v39 =	vmul.f32 v36, v62;
	v15 =	vadd.f32 v36, v15  }
0x2aa: {  	s18 =	sadd.s32 $0x1D00, s26;
	s7 =	sadd.s32 $0x1C80, s26;
	s6 =	sadd.s32 $0x3900, s0;
	v40 =	vpop (erf);
	(erf) = vpow2.f32 v20;
	v20 =	vmul.f32 $1.442695020e+00, v48;
	v36 =	vsub.f32 v32, v8  }
0x2ab: {  	s17 =	sadd.s32 $0x3A00, s0;
	v55 =	vld [tilespmem:s4+$0xC000];
	s4 =	sand.u32 $0x7800, s6;
	s6 =	sand.u32 $0x280, s7;
	v14 =	vadd.f32 v34, v14;
	v41 =	vmul.f32 v40, v62;
	v13 =	vadd.f32 v40, v13  }
0x2ac: {  	s4 =	sor.u32 s4, s6;
	v38 =	vld [tilespmem:s3+$0xC000];
	s3 =	sand.u32 $0x7800, s17;
	s6 =	sand.u32 $0x300, s18;
	(erf) = vpow2.f32 v23;
	v62 =	vmul.f32 v47, v3;
	v34 =	vsub.f32 v31, v9  }
0x2ad: {  	s3 =	sor.u32 s3, s6;
	v16 =	vadd.f32 v39, v16;
	(erf) = vpow2.f32 v19;
	v19 =	vmul.f32 $1.442695020e+00, v53  }
0x2ae: {  	s3 =	sor.u32 s24, s3;
	v39 =	vmul.f32 v59, v5;
	(erf) = vpow2.f32 v20;
	v20 =	vsub.f32 v54, v9  }
0x2af: {  	v17 =	vadd.f32 v41, v17;
	v29 =	vsub.f32 v62, v4;
	v54 =	vld [tilespmem:s3+$0x4000];
	v44 =	vpop (erf);
	(erf) = vpow2.f32 v19  }
0x2b0: {  	v41 =	vsub.f32 v39, v6;
	v20 =	vmul.f32 $1.442695020e+00, v20;
	v19 =	vmul.f32 $1.442695020e+00, v58;
	v49 =	vpop (erf)  }
0x2b1: {  	v46 =	vmul.f32 v44, v37;
	v11 =	vadd.f32 v44, v11;
	v21 =	vmul.f32 v49, v37;
	v51 =	vpop (erf)  }
0x2b2: {  	v18 =	vadd.f32 v49, v18;
	(erf) = vpow2.f32 v20;
	v52 =	vmul.f32 v51, v37  }
0x2b3: {  	v20 =	vmul.f32 $1.442695020e+00, v28;
	v12 =	vadd.f32 v46, v12;
	v15 =	vadd.f32 v51, v15  }
0x2b4: {  	v31 =	vmul.f32 v54, v7;
	v14 =	vadd.f32 v21, v14;
	v57 =	vpop (erf);
	v16 =	vadd.f32 v52, v16  }
0x2b5: {  	v22 =	vmul.f32 v57, v37;
	v13 =	vadd.f32 v57, v13;
	v61 =	vpop (erf);
	(erf) = vpow2.f32 v19  }
0x2b6: {  	v19 =	vmul.f32 $1.442695020e+00, v29;
	v63 =	vmul.f32 v61, v55;
	v11 =	vadd.f32 v61, v11  }
0x2b7: {  	s4 =	sor.u32 s24, s4;
	v30 =	vpop (erf);
	(erf) = vpow2.f32 v20;
	v20 =	vmul.f32 $1.442695020e+00, v34;
	v34 =	vsub.f32 v31, v8  }
0x2b8: {  	v37 =	vld [tilespmem:s4+$0x4000];
	v17 =	vadd.f32 v22, v17;
	v22 =	vmul.f32 v30, v55;
	v33 =	vpop (erf);
	(erf) = vpow2.f32 v19  }
0x2b9: {  	v18 =	vadd.f32 v30, v18;
	v19 =	vmul.f32 $1.442695020e+00, v36;
	v36 =	vmul.f32 v54, v5  }
0x2ba: {  	v12 =	vadd.f32 v63, v12;
	v35 =	vmul.f32 v33, v55;
	(erf) = vpow2.f32 v20  }
0x2bb: {  	v15 =	vadd.f32 v33, v15;
	v20 =	vmul.f32 $1.442695020e+00, v41;
	v63 =	vmul.f32 v54, v10  }
0x2bc: {  	s7 =	sadd.s32 $0x1D80, s26;
	s6 =	sadd.s32 $0x3B00, s0;
	v14 =	vadd.f32 v22, v14;
	v40 =	vpop (erf);
	(erf) = vpow2.f32 v19;
	v19 =	vsub.f32 v42, v4  }
0x2bd: {  	v62 =	vld [tilespmem:s4+$0xC000];
	s4 =	sand.u32 $0x7800, s6;
	s6 =	sand.u32 $0x380, s7;
	v16 =	vadd.f32 v35, v16;
	v21 =	vmul.f32 v40, v55;
	v44 =	vmul.f32 v37, v10  }
0x2be: {  	s4 =	sor.u32 s4, s6;
	v13 =	vadd.f32 v40, v13;
	v50 =	vmul.f32 v37, v7;
	v56 =	vmul.f32 v37, v5  }
0x2bf: {  	s4 =	sor.u32 s24, s4;
	v60 =	vmul.f32 v37, v3;
	v29 =	vsub.f32 v63, v9;
	v37 =	vmul.f32 v54, v3;
	v43 =	vpop (erf)  }
0x2c0: {  	v35 =	vld [tilespmem:s4+$0x4000];
	v19 =	vmul.f32 $1.442695020e+00, v19;
	v17 =	vadd.f32 v21, v17;
	v11 =	vadd.f32 v43, v11  }
0x2c1: {  	v21 =	vmul.f32 v43, v38;
	v47 =	vsub.f32 v44, v9;
	v24 =	vsub.f32 v56, v6  }
0x2c2: {  	v53 =	vsub.f32 v50, v8;
	v40 =	vsub.f32 v37, v4;
	v45 =	vpop (erf);
	(erf) = vpow2.f32 v20  }
0x2c3: {  	v12 =	vadd.f32 v21, v12;
	v20 =	vmul.f32 $1.442695020e+00, v47;
	v24 =	vmul.f32 $1.442695020e+00, v24  }
0x2c4: {  	v46 =	vmul.f32 v45, v38;
	v18 =	vadd.f32 v45, v18;
	v49 =	vpop (erf);
	(erf) = vpow2.f32 v19  }
0x2c5: {  	v48 =	vld [tilespmem:s11+$0xF800];
	v19 =	vsub.f32 v60, v4;
	v41 =	vmul.f32 v35, v10;
	v43 =	vmul.f32 v35, v7  }
0x2c6: {  	v50 =	vmul.f32 v35, v5;
	v15 =	vadd.f32 v49, v15;
	v23 =	vmul.f32 v49, v38  }
0x2c7: {  	v51 =	vpop (erf);
	(erf) = vpow2.f32 v20;
	v20 =	vmul.f32 $1.442695020e+00, v53;
	v14 =	vadd.f32 v46, v14  }
0x2c8: {  	v52 =	vmul.f32 v51, v38;
	v13 =	vadd.f32 v51, v13;
	v55 =	vpop (erf);
	v19 =	vmul.f32 $1.442695020e+00, v19  }
0x2c9: {  	v46 =	vsub.f32 v41, v9;
	v47 =	vsub.f32 v43, v8;
	v58 =	vpop (erf);
	(erf) = vpow2.f32 v20  }
0x2ca: {  	v16 =	vadd.f32 v23, v16;
	v57 =	vmul.f32 v55, v48;
	v11 =	vadd.f32 v55, v11  }
0x2cb: {  	v20 =	vmul.f32 $1.442695020e+00, v29;
	v17 =	vadd.f32 v52, v17;
	(erf) = vpow2.f32 v24  }
0x2cc: {  	v59 =	vmul.f32 v58, v48;
	v18 =	vadd.f32 v58, v18;
	(erf) = vpow2.f32 v19  }
0x2cd: {  	v24 =	vmul.f32 v35, v3;
	v52 =	vsub.f32 v50, v6;
	v12 =	vadd.f32 v57, v12  }
0x2ce: {  	s17 =	sadd.s32 $0x3C00, s0;
	s18 =	sadd.s32 $0x1E00, s26;
	v19 =	vmul.f32 $1.442695020e+00, v34;
	v61 =	vpop (erf);
	(erf) = vpow2.f32 v20;
	v20 =	vsub.f32 v36, v6  }
0x2cf: {  	s7 =	sand.u32 $0x200, s18;
	s6 =	sand.u32 $0x7800, s17;
	v14 =	vadd.f32 v59, v14;
	v54 =	vsub.f32 v24, v4;
	v28 =	vmul.f32 v61, v48  }
0x2d0: {  	s18 =	sadd.s32 $0x1E80, s26;
	s17 =	sadd.s32 $0x3D00, s0;
	s6 =	sor.u32 s6, s7;
	v45 =	vld [tilespmem:s3+$0xC000];
	v15 =	vadd.f32 v61, v15;
	v30 =	vpop (erf);
	(erf) = vpow2.f32 v19;
	v20 =	vmul.f32 $1.442695020e+00, v20  }
0x2d1: {  	s7 =	sand.u32 $0x280, s18;
	s3 =	sor.u32 s24, s6;
	v60 =	vld [tilespmem:s4+$0xC000];
	s6 =	sand.u32 $0x7800, s17;
	v19 =	vmul.f32 $1.442695020e+00, v40;
	v13 =	vadd.f32 v30, v13;
	v21 =	vmul.f32 v30, v48;
	v32 =	vpop (erf)  }
0x2d2: {  	s18 =	sadd.s32 $0x1F00, s26;
	s17 =	sadd.s32 $0x3E00, s0;
	s4 =	sor.u32 s6, s7;
	v48 =	vld [tilespmem:s3+$0x4000];
	v16 =	vadd.f32 v28, v16;
	v33 =	vmul.f32 v32, v62;
	v38 =	vpop (erf);
	(erf) = vpow2.f32 v20  }
0x2d3: {  	v37 =	vld [tilespmem:s3+$0xC000];
	s6 =	sand.u32 $0x7800, s17;
	s7 =	sand.u32 $0x300, s18;
	s4 =	sor.u32 s24, s4;
	v11 =	vadd.f32 v32, v11;
	v20 =	vmul.f32 $1.442695020e+00, v46;
	v39 =	vmul.f32 v38, v62  }
0x2d4: {  	v30 =	vld [tilespmem:s4+$0x4000];
	s3 =	sor.u32 s6, s7;
	v17 =	vadd.f32 v21, v17;
	v42 =	vpop (erf);
	(erf) = vpow2.f32 v19;
	v19 =	vmul.f32 $1.442695020e+00, v47  }
0x2d5: {  	s6 =	sor.u32 s24, s3;
	v12 =	vadd.f32 v33, v12;
	v44 =	vmul.f32 v42, v62;
	v49 =	vpop (erf);
	(erf) = vpow2.f32 v20  }
0x2d6: {  	v43 =	vld [tilespmem:s6+$0x4000];
	v18 =	vadd.f32 v38, v18;
	v20 =	vmul.f32 $1.442695020e+00, v52;
	v22 =	vmul.f32 v49, v62  }
0x2d7: {  	v15 =	vadd.f32 v42, v15;
	v55 =	vmul.f32 v48, v10;
	v61 =	vmul.f32 v48, v7  }
0x2d8: {  	v14 =	vadd.f32 v39, v14;
	v28 =	vmul.f32 v48, v5;
	v21 =	vmul.f32 v48, v3  }
0x2d9: {  	v13 =	vadd.f32 v49, v13;
	v38 =	vmul.f32 v30, v10;
	v42 =	vmul.f32 v30, v7  }
0x2da: {  	v16 =	vadd.f32 v44, v16;
	v51 =	vpop (erf);
	(erf) = vpow2.f32 v19;
	v17 =	vadd.f32 v22, v17  }
0x2db: {  	v19 =	vmul.f32 $1.442695020e+00, v54;
	v58 =	vsub.f32 v55, v9;
	v49 =	vmul.f32 v43, v10  }
0x2dc: {  	v25 =	vsub.f32 v28, v6;
	v54 =	vmul.f32 v43, v7;
	v55 =	vmul.f32 v43, v5  }
0x2dd: {  	v21 =	vsub.f32 v21, v4;
	v53 =	vmul.f32 v51, v45;
	v56 =	vpop (erf);
	(erf) = vpow2.f32 v20  }
0x2de: {  	s17 =	sadd.s32 $0x3F00, s0;
	s18 =	sadd.s32 $0x1F80, s26;
	v11 =	vadd.f32 v51, v11;
	v57 =	vmul.f32 v56, v45;
	v20 =	vmul.f32 $1.442695020e+00, v58  }
0x2df: {  	s7 =	sand.u32 $0x380, s18;
	s3 =	sand.u32 $0x7800, s17;
	v18 =	vadd.f32 v56, v18;
	v34 =	vmul.f32 $1.442695020e+00, v25;
	v21 =	vmul.f32 $1.442695020e+00, v21  }
0x2e0: {  	s3 =	sor.u32 s3, s7;
	v52 =	vsub.f32 v49, v9;
	v58 =	vmul.f32 v43, v3;
	v12 =	vadd.f32 v53, v12  }
0x2e1: {  	s3 =	sor.u32 s24, s3;
	v59 =	vpop (erf);
	(erf) = vpow2.f32 v19;
	v14 =	vadd.f32 v57, v14;
	v19 =	vsub.f32 v61, v8  }
0x2e2: {  	v53 =	vld [tilespmem:s3+$0x4000];
	v57 =	vsub.f32 v54, v8;
	v62 =	vmul.f32 v59, v45;
	v63 =	vpop (erf);
	(erf) = vpow2.f32 v20  }
0x2e3: {  	v15 =	vadd.f32 v59, v15;
	v20 =	vmul.f32 v30, v3;
	v29 =	vmul.f32 v63, v45  }
0x2e4: {  	v13 =	vadd.f32 v63, v13;
	v31 =	vpop (erf);
	v19 =	vmul.f32 $1.442695020e+00, v19;
	v45 =	vmul.f32 v30, v5  }
0x2e5: {  	v16 =	vadd.f32 v62, v16;
	v32 =	vmul.f32 v31, v60;
	v11 =	vadd.f32 v31, v11  }
0x2e6: {  	v20 =	vsub.f32 v20, v4;
	v17 =	vadd.f32 v29, v17;
	(erf) = vpow2.f32 v19  }
0x2e7: {  	v19 =	vsub.f32 v38, v9;
	v61 =	vmul.f32 v53, v10;
	v62 =	vmul.f32 v53, v7  }
0x2e8: {  	s18 =	sadd.s32 $0x2080, s26;
	s17 =	sadd.s32 $0x4100, s0;
	v63 =	vld [tilespmem:s11+$0x8000];
	v47 =	vsub.f32 v45, v6;
	(erf) = vpow2.f32 v34;
	v20 =	vmul.f32 $1.442695020e+00, v20  }
0x2e9: {  	s7 =	sand.u32 $0x280, s18;
	v30 =	vld [tilespmem:s4+$0xC000];
	s4 =	sand.u32 $0x7800, s17;
	v33 =	vpop (erf);
	v12 =	vadd.f32 v32, v12;
	v32 =	vmul.f32 v53, v5;
	v34 =	vmul.f32 v53, v3  }
0x2ea: {  	s4 =	sor.u32 s4, s7;
	v35 =	vmul.f32 v33, v60;
	v18 =	vadd.f32 v33, v18;
	(erf) = vpow2.f32 v21  }
0x2eb: {  	s4 =	sor.u32 s24, s4;
	v36 =	vpop (erf);
	v19 =	vmul.f32 $1.442695020e+00, v19;
	v21 =	vsub.f32 v42, v8;
	v29 =	vsub.f32 v61, v9  }
0x2ec: {  	v43 =	vld [tilespmem:s4+$0x4000];
	v31 =	vsub.f32 v62, v8;
	v39 =	vmul.f32 v36, v60;
	v15 =	vadd.f32 v36, v15  }
0x2ed: {  	v10 =	vmul.f32 v63, v10;
	v38 =	vsub.f32 v34, v4;
	v42 =	vmul.f32 v63, v7  }
0x2ee: {  	v14 =	vadd.f32 v35, v14;
	(erf) = vpow2.f32 v19;
	v21 =	vmul.f32 $1.442695020e+00, v21  }
0x2ef: {  	v19 =	vmul.f32 $1.442695020e+00, v47;
	v33 =	vmul.f32 $1.442695020e+00, v29;
	v40 =	vpop (erf);
	v16 =	vadd.f32 v39, v16  }
0x2f0: {  	v9 =	vsub.f32 v10, v9;
	v41 =	vmul.f32 v40, v60;
	v13 =	vadd.f32 v40, v13  }
0x2f1: {  	v44 =	vpop (erf);
	(erf) = vpow2.f32 v21;
	v60 =	vsub.f32 v55, v6;
	v7 =	vmul.f32 v43, v7  }
0x2f2: {  	v21 =	vsub.f32 v32, v6;
	v55 =	vmul.f32 v43, v5;
	v46 =	vmul.f32 v44, v37  }
0x2f3: {  	v11 =	vadd.f32 v44, v11;
	(erf) = vpow2.f32 v19;
	v19 =	vmul.f32 $1.442695020e+00, v52  }
0x2f4: {  	v9 =	vmul.f32 $1.442695020e+00, v9;
	v17 =	vadd.f32 v41, v17;
	v7 =	vsub.f32 v7, v8  }
0x2f5: {  	v41 =	vmul.f32 $1.442695020e+00, v38;
	v12 =	vadd.f32 v46, v12;
	v48 =	vpop (erf);
	v46 =	vmul.f32 v63, v5  }
0x2f6: {  	s18 =	sadd.s32 $0x2100, s26;
	s17 =	sadd.s32 $0x4200, s0;
	v18 =	vadd.f32 v48, v18;
	v22 =	vmul.f32 v48, v37;
	v50 =	vpop (erf);
	v7 =	vmul.f32 $1.442695020e+00, v7  }
0x2f7: {  	s18 =	sand.u32 $0x300, s18;
	s7 =	sand.u32 $0x7800, s17;
	v48 =	vsub.f32 v42, v8;
	v51 =	vmul.f32 v50, v37;
	v56 =	vpop (erf);
	(erf) = vpow2.f32 v20  }
0x2f8: {  	v44 =	vld [tilespmem:s6+$0xC000];
	s6 =	sor.u32 s7, s18;
	v8 =	vsub.f32 v55, v6;
	v20 =	vmul.f32 $1.442695020e+00, v57;
	v59 =	vmul.f32 v56, v37  }
0x2f9: {  	s6 =	sor.u32 s24, s6;
	v14 =	vadd.f32 v22, v14;
	(erf) = vpow2.f32 v19;
	v19 =	vmul.f32 $1.442695020e+00, v60  }
0x2fa: {  	v52 =	vld [tilespmem:s6+$0x4000];
	v22 =	vsub.f32 v58, v4;
	v37 =	vmul.f32 $1.442695020e+00, v21;
	v58 =	vmul.f32 v43, v3  }
0x2fb: {  	v16 =	vadd.f32 v51, v16;
	(erf) = vpow2.f32 v20;
	v51 =	vmul.f32 v63, v3  }
0x2fc: {  	v15 =	vadd.f32 v50, v15;
	v63 =	vmul.f32 $1.442695020e+00, v8;
	v28 =	vmul.f32 $1.442695020e+00, v22  }
0x2fd: {  	s17 =	sadd.s32 $0x4300, s0;
	s18 =	sadd.s32 $0x2180, s26;
	v13 =	vadd.f32 v56, v13;
	v35 =	vpop (erf);
	(erf) = vpow2.f32 v19;
	v19 =	vmul.f32 $1.442695020e+00, v31  }
0x2fe: {  	s0 =	sand.u32 $0x7800, s17;
	s7 =	sand.u32 $0x380, s18;
	v17 =	vadd.f32 v59, v17;
	v39 =	vmul.f32 v35, v30;
	(erf) = vpow2.f32 v28  }
0x2ff: {  	s0 =	sor.u32 s0, s7;
	v11 =	vadd.f32 v35, v11;
	v5 =	vmul.f32 v52, v5;
	(erf) = vpow2.f32 v33  }
0x300: {  	s0 =	sor.u32 s24, s0;
	v60 =	vsub.f32 v58, v4;
	v61 =	vmul.f32 v52, v3;
	v36 =	vpop (erf);
	(erf) = vpow2.f32 v19  }
0x301: {  	v56 =	vld [tilespmem:s0+$0x4000];
	v20 =	vsub.f32 v51, v4;
	v40 =	vmul.f32 v36, v30;
	(erf) = vpow2.f32 v37  }
0x302: {  	v27 =	vmul.f32 $1.442695020e+00, v60;
	v19 =	vsub.f32 v46, v6;
	(erf) = vpow2.f32 v41  }
0x303: {  	v12 =	vadd.f32 v39, v12;
	v45 =	vpop (erf);
	(erf) = vpow2.f32 v9;
	v9 =	vmul.f32 $1.442695020e+00, v48  }
0x304: {  	v18 =	vadd.f32 v36, v18;
	v49 =	vmul.f32 v45, v30;
	v47 =	vpop (erf);
	v19 =	vmul.f32 $1.442695020e+00, v19  }
0x305: {  	v5 =	vsub.f32 v5, v6;
	v57 =	vmul.f32 $1.442695020e+00, v20;
	v53 =	vpop (erf);
	(erf) = vpow2.f32 v9  }
0x306: {  	v28 =	vsub.f32 v61, v4;
	v3 =	vmul.f32 v56, v3;
	v59 =	vpop (erf);
	(erf) = vpow2.f32 v19  }
0x307: {  	v15 =	vadd.f32 v45, v15;
	v5 =	vmul.f32 $1.442695020e+00, v5;
	v62 =	vpop (erf);
	(erf) = vpow2.f32 v57  }
0x308: {  	v31 =	vmul.f32 $1.442695020e+00, v28;
	v3 =	vsub.f32 v3, v4;
	v26 =	vpop (erf);
	(erf) = vpow2.f32 v7  }
0x309: {  	v10 =	vadd.f32 v40, v14;
	v50 =	vmul.f32 v47, v30;
	v29 =	vpop (erf);
	(erf) = vpow2.f32 v63  }
0x30a: {  	v16 =	vadd.f32 v49, v16;
	v3 =	vmul.f32 $1.442695020e+00, v3;
	v30 =	vpop (erf);
	(erf) = vpow2.f32 v27  }
0x30b: {  	v13 =	vadd.f32 v47, v13;
	v54 =	vmul.f32 v53, v44;
	v34 =	vpop (erf);
	(erf) = vpow2.f32 v5  }
0x30c: {  	v32 =	vadd.f32 v53, v11;
	v17 =	vadd.f32 v50, v17;
	v36 =	vpop (erf);
	(erf) = vpow2.f32 v31  }
0x30d: {  	v33 =	vmul.f32 v59, v44;
	v18 =	vadd.f32 v59, v18;
	v9 =	vadd.f32 v54, v12;
	v37 =	vpop (erf)  }
0x30e: {  	v38 =	vmul.f32 v62, v44;
	v13 =	vadd.f32 v26, v13;
	v39 =	vpop (erf);
	(erf) = vpow2.f32 v3  }
0x30f: {  	v15 =	vadd.f32 v62, v15;
	v10 =	vadd.f32 v33, v10;
	v3 =	vpop (erf)  }
0x310: {  	v35 =	vld [tilespmem:s3+$0xC000];
	v11 =	vadd.f32 v38, v16;
	v13 =	vadd.f32 v36, v13;
	v40 =	vpop (erf)  }
0x311: {  	v6 =	vmul.f32 v26, v44;
	v4 =	vadd.f32 v29, v32;
	v15 =	vadd.f32 v34, v15;
	v41 =	vpop (erf)  }
0x312: {  	v18 =	vadd.f32 v30, v18;
	v13 =	vadd.f32 v40, v13;
	v42 =	vpop (erf)  }
0x313: {  	v6 =	vadd.f32 v6, v17;
	v15 =	vadd.f32 v3, v15;
	v43 =	vpop (erf)  }
0x314: {  	v18 =	vadd.f32 v39, v18;
	v13 =	vadd.f32 v43, v13;
	v44 =	vpop (erf)  }
0x315: {  	v45 =	vld [tilespmem:s11+$0x10000];
	v19 =	vmul.f32 v29, v35;
	v4 =	vadd.f32 v37, v4;
	v15 =	vadd.f32 v42, v15;
	v46 =	vpop (erf)  }
0x316: {  	v7 =	vmul.f32 v30, v35;
	v18 =	vadd.f32 v41, v18;
	v13 =	vadd.f32 v46, v13  }
0x317: {  	v47 =	vld [tilespmem:s4+$0xC000];
	v9 =	vadd.f32 v19, v9;
	(erf) = vrcp.f32 v4;
	v15 =	vadd.f32 v44, v15;
	v48 =	vpop (erf)  }
0x318: {  	v12 =	vmul.f32 v36, v35;
	(erf) = vrcp.f32 v18;
	v13 =	vadd.f32 v48, v13  }
0x319: {  	v49 =	vld [tilespmem:s6+$0xC000];
	v5 =	vmul.f32 v34, v35;
	v7 =	vadd.f32 v7, v10;
	(erf) = vrcp.f32 v15  }
0x31a: {  	v6 =	vadd.f32 v12, v6;
	v50 =	vmul.f32 v40, v45;
	(erf) = vrcp.f32 v13  }
0x31b: {  	v52 =	vld [tilespmem:s0+$0xC000];
	v5 =	vadd.f32 v5, v11;
	v51 =	vmul.f32 v39, v45;
	v3 =	vmul.f32 v3, v45  }
0x31c: {  	v8 =	vmul.f32 v37, v45;
	v6 =	vadd.f32 v50, v6;
	v53 =	vmul.f32 v43, v47  }
0x31d: {  	v7 =	vadd.f32 v51, v7;
	v3 =	vadd.f32 v3, v5;
	v54 =	vmul.f32 v42, v47  }
0x31e: {  	v55 =	vmul.f32 v41, v47;
	v6 =	vadd.f32 v53, v6;
	v56 =	vmul.f32 v46, v49  }
0x31f: {  	v8 =	vadd.f32 v8, v9;
	v3 =	vadd.f32 v54, v3;
	v57 =	vmul.f32 v44, v49  }
0x320: {  	v7 =	vadd.f32 v55, v7;
	v6 =	vadd.f32 v56, v6;
	v4 =	vmul.f32 v48, v52;
	v58 =	vpop (erf)  }
0x321: {  	p1 =	sne.s32 s26, $0x1E00;
	v3 =	vadd.f32 v57, v3;
	v60 =	vmul.f32 v58, v8;
	v59 =	vpop (erf)  }
.Ltmp4:
0x322: {  	v4 =	vadd.f32 v4, v6;
	v62 =	vmul.f32 v59, v7;
	v61 =	vpop (erf);
	(pc) =	sbr.rel @p1 .LBB2_10-.Ltmp4, $4  }
0x323: {  	[tilespmem:v2+s28+$0x0 ss:$0x1] =	vst.idx.msk $0xffff, v60;
	v3 =	vmul.f32 v61, v3;
	v63 =	vpop (erf)  }
0x324: {  	[tilespmem:s29+$0x0] =	vst v62;
	v4 =	vmul.f32 v63, v4  }
0x325: {  	[tilespmem:s30+$0x0] =	vst v3  }
0x326: {  	s25 =	sadd.s32 $0xFFFFFFFC, s25;
	s26 =	smov.u32 s2;
	s0 =	smov.u32 s12;
	[tilespmem:s31+$0x0] =	vst v4  }
0x327: {  	s22 =	sadd.s32 $0x1, s22  }
0x328: {  	p1 =	sne.s32 s22, $0x10  }
.Ltmp5:
0x329: {  	_ = 	snop;
	(pc) =	sbr.rel @p1 .LBB2_7-.Ltmp5, $2  }
0x32a: {  	_ =	sdelay $0x2  }
0x32b: {  	s21 =	sadd.s32 $0x80, s21;
	s20 =	sadd.s32 $0x1, s20  }
0x32c: {  	s19 =	sadd.s32 $0x1, s19  }
0x32d: {  	p1 =	sne.s32 s19, s9  }
.Ltmp6:
0x32e: {  	_ = 	snop;
	(pc) =	sbr.rel @p1 .LBB2_1-.Ltmp6, $4  }
0x32f: {  	[hbm4b:s8+s1] =	stream.linear.scatter [tilespmem:s1], [sflag:$0x4], $0x4000, $0x38;
	[tilespmem:$0x14000] =	vst v63  }
0x330: {  	_ =	swait.ge [sflag:s16], $0x4000  }
0x331: {  	[sflag:s16] =	ssyncset.done $0x0  }
0x332: {  	[sflag:s16] =	ssyncadd.s32 $0xFFFFC000  }
0x333: {  	_ =	sfence.sel $0x180000  }
0x334: {  	[bflag:$0x0] =	sbarrier.arrive $0xFFFF  }
0x335: {  	_ =	strace $0x90000047  }
0x336: {  	s0 =	stileid.u32;
	[bflag:$0x2] =	sbarrier.arrive $0xFFFF  }
0x337: {  	p0 =	sne.s32 s0, $0x0;
	s0 =	rddreg [dreg:$0x2]  }
0x338: {  	s0 =	sadd.s32 @!p0 $0x100000, s0  }
0x339: {  	[sflag:s0] =	ssyncadd.tile.s32 @!p0 $0x1;
	_ =	shalt  }
.Lfunc_end2:
_tile_overlayer_lowered:
.L_overlay_start_2:
0x33a: {  	(tag) =	ssettag $0x2  }
0x33b: {  	s0 =	rddreg [dreg:$0x0];
	s2 =	stileid.u32  }
0x33c: {  	s1 =	rddreg [dreg:$0x1];
	p0 =	sne.s32 s2, $0x0  }
0x33d: {  	s3 =	rddreg [dreg:$0x2];
	[bflag:$0x3] =	sbarrier.arrive $0xFFFF;
	s2 =	simm.s32 @!p0 $0x1C04  }
0x33e: {  	[timem:s3], [sflag:s2] =	dma.local @!p0 [hbm:s0], s1  }
0x33f: {  	s0 =	simm.s32 @!p0 $0x4  }
0x340: {  	_ =	swait.ge @!p0 [sflag:s0], s1  }
0x341: {  	s1 =	ssub.s32 @!p0 $0x0, s1;
	[sflag:s0] =	ssyncset.done @!p0 $0x0  }
0x342: {  	[sflag:s0] =	ssyncadd.s32 @!p0 s1  }
0x343: {  	[bflag:$0x3] =	sbarrier.arrive $0xFFFF  }
0x344: {  	_ =	shalt  }

</sc_bundles>
